<compile_context>
chip_gen: v7x
topology: tpu7x:2x2x1
jax: 0.10.2.dev20260603
libtpu: 0.0.44.dev20260713+nightly
codegen_flags: <defaults>
</compile_context>

<pallas_src>
import functools

import jax
import jax.numpy as jnp
from jax import lax
from jax.experimental import pallas as pl
from jax.experimental.pallas import tpu as pltpu
from jax.experimental.pallas import tpu_sc as plsc

_N = 10000
_E = 320000
_F = 128
_S = 4
_H = 32

_NC = 2
_NS = 16
_NW = _NC * _NS
_CB = 128
_NCH = _E // _CB
_CPW = _NCH // _NW
_DB = 3
_HPW = 39
_XTRA = _NCH - _CPW * _NW
_AW = _N * 8

_ST = 1000
_NST = _N // _ST
_TT = 2000
_NTT = _N // _TT


def _sc_body(ei3_hbm, ea3_hbm, zero_hbm, out_hbm, idx_v, ea_v, val_v,
             tb_v, tt_v, acc_sh, sem, sem2):
    cid = lax.axis_index("c")
    sid = lax.axis_index("s")
    wid = sid * _NC + cid

    @pl.when(sid < _NST)
    def _zero():
        pltpu.sync_copy(zero_hbm.at[pl.ds(sid * _ST, _ST)],
                        acc_sh.at[pl.ds(sid * _ST, _ST)])

    lane = lax.iota(jnp.int32, 16)
    ones16 = jnp.full((16,), 1.0, jnp.float32)
    col4 = jnp.full((16,), 4, jnp.int32)
    for b in range(_DB):
        pltpu.sync_copy(zero_hbm.at[pl.ds(0, _CB)], val_v.at[b])
        for g in range(8):
            plsc.store_scatter(val_v.at[b], [lane + 16 * g, col4], ones16)

    plsc.subcore_barrier()

    pltpu.sync_copy(ei3_hbm.at[pl.ds(wid * _CPW, _CPW), pl.ds(0, 1)],
                    idx_v.at[pl.ds(0, _CPW)])
    pltpu.sync_copy(ea3_hbm.at[pl.ds(wid * _CPW, _HPW)],
                    ea_v.at[pl.ds(0, _HPW)])
    cp_stage = pltpu.async_copy(
        ea3_hbm.at[pl.ds(wid * _CPW + _HPW, _CPW - _HPW)],
        ea_v.at[pl.ds(_HPW, _CPW - _HPW)], sem2)

    def build(j, b):
        for g in range(8):
            e_idx = lane + 16 * g
            for s in range(_S):
                v = ea_v[j, s, pl.ds(16 * g, 16)]
                plsc.store_scatter(
                    val_v.at[b], [e_idx, jnp.full((16,), s, jnp.int32)], v)

    def do_chunk(j):
        build(j, 0)
        pltpu.sync_copy(val_v.at[0], acc_sh.at[idx_v.at[j, 0]], add=True)

    def group(jj, carry):
        j0 = jj * _DB
        cps = []
        for b in range(_DB):
            build(j0 + b, b)
            cps.append(pltpu.async_copy(
                val_v.at[b], acc_sh.at[idx_v.at[j0 + b, 0]], sem, add=True))
        for cp in cps:
            cp.wait()
        return carry

    lax.fori_loop(0, _HPW // _DB, group, 0)
    cp_stage.wait()
    lax.fori_loop(_HPW // _DB, _CPW // _DB, group, 0)

    @pl.when(wid < _XTRA)
    def _extra():
        pltpu.sync_copy(ei3_hbm.at[pl.ds(_NW * _CPW + wid, 1), pl.ds(0, 1)],
                        idx_v.at[pl.ds(0, 1)])
        pltpu.sync_copy(ea3_hbm.at[pl.ds(_NW * _CPW + wid, 1)],
                        ea_v.at[pl.ds(0, 1)])
        do_chunk(0)

    plsc.subcore_barrier()

    @pl.when(sid < _NTT)
    def _writeout():
        pltpu.sync_copy(acc_sh.at[pl.ds(sid * _TT, _TT)], tb_v)

        def tbody(k, carry):
            n_idx = lane + k * 16
            for col in range(8):
                v = plsc.load_gather(tb_v, [n_idx, jnp.full((16,), col,
                                                            jnp.int32)])
                tt_v[col, pl.ds(k * 16, 16)] = v
            return carry

        lax.fori_loop(0, _TT // 16, tbody, 0)
        pltpu.sync_copy(tt_v, out_hbm.at[cid, :, pl.ds(sid * _TT, _TT)])


def _make_sc_kernel():
    mesh = plsc.VectorSubcoreMesh(core_axis_name="c", subcore_axis_name="s")
    return functools.partial(
        pl.kernel,
        mesh=mesh,
        compiler_params=pltpu.CompilerParams(use_tc_tiling_on_sc=False,
                                             needs_layout_passes=False),
        out_type=jax.ShapeDtypeStruct((_NC, 8, _N), jnp.float32),
        scratch_types=[
            pltpu.VMEM((_CPW + 1, 1, _CB), jnp.int32),
            pltpu.VMEM((_CPW + 1, _S, _CB), jnp.float32),
            pltpu.VMEM((_DB, _CB, 8), jnp.float32),
            pltpu.VMEM((_TT, 8), jnp.float32),
            pltpu.VMEM((8, _TT), jnp.float32),
            pltpu.VMEM_SHARED((_N, 8), jnp.float32),
            pltpu.SemaphoreType.DMA,
            pltpu.SemaphoreType.DMA,
        ],
    )(_sc_body)


def _tc_body(ct_ref, x_ref, m2_ref, cb_ref, dw_ref, db_ref, out_ref):
    c = ct_ref[0] + ct_ref[1]
    row = lax.broadcasted_iota(jnp.int32, c.shape, 0)
    c = jnp.where(row == 5, 1.0, c)
    a8 = lax.dot_general(
        c, x_ref[...], (((1,), (0,)), ((), ())),
        preferred_element_type=jnp.float32)
    pooled = jnp.float32(_N) * cb_ref[0:1, :]
    for s in range(6):
        pooled = pooled + jnp.dot(
            a8[s:s + 1, :], m2_ref[s * _F:(s + 1) * _F, :],
            preferred_element_type=jnp.float32)
    y = jnp.dot(pooled, dw_ref[...],
                preferred_element_type=jnp.float32) + db_ref[0:1, :]
    out_ref[...] = jnp.broadcast_to(y, out_ref.shape)


def kernel(x, edge_index, edge_attr, K, b_k, root_kernel, conv_bias,
           dense_w, dense_b):
    ei3 = edge_index.reshape(2, _NCH, _CB).transpose(1, 0, 2)
    ea3 = edge_attr.T.reshape(_S, _NCH, _CB).transpose(1, 0, 2)
    zeros_n8 = jnp.zeros((_N, 8), jnp.float32)

    ct = _make_sc_kernel()(ei3, ea3, zeros_n8)

    k3 = K.reshape(_S, _F, _H)
    m = jnp.concatenate(
        [k3, b_k.reshape(1, _F, _H), root_kernel[None],
         jnp.zeros((2, _F, _H), jnp.float32)], axis=0)
    m2 = m.reshape(8 * _F, _H)
    cb8 = jnp.zeros((8, _H), jnp.float32).at[0].set(conv_bias)
    dwp = jnp.zeros((_H, _F), jnp.float32).at[:, :3].set(dense_w)
    dbp = jnp.zeros((8, _F), jnp.float32).at[0, :3].set(dense_b)

    out = pl.pallas_call(
        _tc_body,
        out_shape=jax.ShapeDtypeStruct((8, _F), jnp.float32),
    )(ct, x, m2, cb8, dwp, dbp)
    return out[0, :3]

# --- scband reference (transcript-rebuilt; emitter-appended) ---
"""Pipeline reference for scband-gnn-model-6476810682410 (READ-ONLY COPY).

The authoritative reference and input builder live on the scoring server;
editing this copy changes nothing except your own understanding.
"""

import jax, jax.numpy as jnp
import numpy as np

N_NODES = 10000
N_EDGES = 320000
D_FEAT = 128
D_EDGE = 4
N_HIDDEN = 32


def setup_inputs(seed: int = 0) -> dict:
    key = jax.random.key(seed)
    ks = jax.random.split(key, 9)
    x = jax.random.normal(ks[0], (N_NODES, D_FEAT), dtype=jnp.float32)
    edge_index = jax.random.randint(ks[1], (2, N_EDGES), 0, N_NODES, dtype=jnp.int32)
    edge_attr = jax.random.uniform(ks[2], (N_EDGES, D_EDGE), dtype=jnp.float32)
    # ECCConv edge kernel network (single Dense: d_edge -> d_feat*n_hidden)
    K = jax.random.normal(ks[3], (D_EDGE, D_FEAT * N_HIDDEN), dtype=jnp.float32) * 0.05
    b_k = jnp.zeros((D_FEAT * N_HIDDEN,), dtype=jnp.float32)
    # root weight and bias
    root_kernel = jax.random.normal(ks[4], (D_FEAT, N_HIDDEN), dtype=jnp.float32) * 0.05
    conv_bias = jnp.zeros((N_HIDDEN,), dtype=jnp.float32)
    # final Dense(3)
    dense_w = jax.random.normal(ks[5], (N_HIDDEN, 3), dtype=jnp.float32) * 0.1
    dense_b = jnp.zeros((3,), dtype=jnp.float32)
    return {"x": x, "edge_index": edge_index, "edge_attr": edge_attr,
            "K": K, "b_k": b_k, "root_kernel": root_kernel,
            "conv_bias": conv_bias, "dense_w": dense_w, "dense_b": dense_b}


def reference(x, edge_index, edge_attr, K, b_k, root_kernel, conv_bias, dense_w, dense_b):
    # --- ECCConv (edge-conditioned convolution) ---
    src = edge_index[0]
    dst = edge_index[1]
    xs = jnp.take(x, src, axis=0)                      # [E, F] gather
    K3 = K.reshape(D_EDGE, D_FEAT, N_HIDDEN)           # [S, F, H]
    bK = b_k.reshape(D_FEAT, N_HIDDEN)                 # [F, H]
    # message_e = x_src @ reshape(edge_attr @ K + b_k, [F, H])
    # computed without materializing the [E, F*H] per-edge weight matrix:
    t = jnp.einsum('ef,sfh->esh', xs, K3)              # [E, S, H]
    msg = jnp.einsum('es,esh->eh', edge_attr, t) + xs @ bK  # [E, H]
    agg = jax.ops.segment_sum(msg, dst, num_segments=x.shape[0])  # scatter-add [N, H]
    out = agg + x @ root_kernel + conv_bias            # root weight + bias, no activation
    # --- Dropout(0.3): identity at inference ---
    # --- GlobalSumPool (single mode: sum over nodes) ---
    pooled = jnp.sum(out, axis=0)                      # [H]
    # --- Dense(3) ---
    y = pooled @ dense_w + dense_b                     # [3]
    return y


if False:  # reference __main__ guard neutralized (emitter)
    inp = setup_inputs()
    out = reference(**inp)
    print(out.shape, out.dtype)

if __name__ == "__main__":
    import jax
    _d = setup_inputs()
    print(jax.jit(kernel)(*tuple(_d.values())))

</pallas_src>

<mosaic_0001>
#map = affine_map<(d0, d1) -> (0, 0, 0)>
#map1 = affine_map<(d0, d1) -> (0, 0)>
module attributes {stable_mosaic.version = 14 : i64} {
  func.func @_sc_body(%arg0: i32, %arg1: i32, %arg2: memref<2500x2x128xi32, #tpu.memory_space<hbm>>, %arg3: memref<2500x4x128xf32, #tpu.memory_space<hbm>>, %arg4: memref<10000x8xf32, #tpu.memory_space<hbm>>, %arg5: memref<2x8x10000xf32, #tpu.memory_space<hbm>>, %arg6: memref<79x1x128xi32, #tpu.memory_space<vmem>>, %arg7: memref<79x4x128xf32, #tpu.memory_space<vmem>>, %arg8: memref<3x128x8xf32, #tpu.memory_space<vmem>>, %arg9: memref<2000x8xf32, #tpu.memory_space<vmem>>, %arg10: memref<8x2000xf32, #tpu.memory_space<vmem>>, %arg11: memref<10000x8xf32, #tpu.memory_space<vmem_shared>>, %arg12: memref<!tpu.dma_semaphore, #tpu.memory_space<semaphore_mem>>, %arg13: memref<!tpu.dma_semaphore, #tpu.memory_space<semaphore_mem>>) attributes {dimension_semantics = [#tpu.dimension_semantics<core_parallel>, #tpu.dimension_semantics<subcore_parallel>], iteration_bounds = array<i64: 2, 16>, scalar_prefetch = 0 : i64, scratch_operands = 8 : i64, tpu.core_type = #tpu.core_type<sc_vector_subcore>, window_params = [{transform_indices = #map}, {transform_indices = #map}, {transform_indices = #map1}, {transform_indices = #map}]} {
    %mul3A = arith.constant 2 : i32
    %mul3A_0 = arith.muli %arg1, %mul3A : i32
    %add3A = arith.addi %mul3A_0, %arg0 : i32
    %lt3A = arith.constant 10 : i32
    %lt3A_1 = arith.cmpi slt, %arg1, %lt3A : i32
    %convert_element_type3A = arith.extui %lt3A_1 : i1 to i32
    %cond3A = arith.constant 0 : i32
    %cond3A_2 = arith.cmpi ne, %convert_element_type3A, %cond3A : i32
    scf.if %cond3A_2 {
      %mul3A_255 = arith.constant 1000 : i32
      %mul3A_256 = arith.muli %arg1, %mul3A_255 : i32
      %mul3A_257 = arith.constant 1000 : i32
      %mul3A_258 = arith.muli %arg1, %mul3A_257 : i32
      "tpu.region"() ({
        %run_scoped3A_259 = tpu.sem_alloc : memref<!tpu.dma_semaphore, #tpu.memory_space<semaphore_mem>>
        %dma_start3A_260 = arith.constant 0 : i32
        %dma_start3A_261 = tpu.memref_slice %arg11[%mul3A_258, %dma_start3A_260] : memref<10000x8xf32, #tpu.memory_space<vmem_shared>> -> memref<1000x8xf32, #tpu.memory_space<vmem_shared>>
        %dma_start3A_262 = arith.constant 0 : i32
        %dma_start3A_263 = tpu.memref_slice %arg4[%mul3A_256, %dma_start3A_262] : memref<10000x8xf32, #tpu.memory_space<hbm>> -> memref<1000x8xf32, #tpu.memory_space<hbm>>
        tpu.enqueue_dma source(%dma_start3A_263 : memref<1000x8xf32, #tpu.memory_space<hbm>>) target(%dma_start3A_261 : memref<1000x8xf32, #tpu.memory_space<vmem_shared>>) target_semaphore(%run_scoped3A_259 : memref<!tpu.dma_semaphore, #tpu.memory_space<semaphore_mem>>)
        %dma_wait3A_264 = arith.constant 0 : i32
        %dma_wait3A_265 = tpu.memref_slice %arg11[%mul3A_258, %dma_wait3A_264] : memref<10000x8xf32, #tpu.memory_space<vmem_shared>> -> memref<1000x8xf32, #tpu.memory_space<vmem_shared>>
        %dma_wait3A_266 = arith.constant 0 : i32
        %dma_wait3A_267 = tpu.memref_slice %arg4[%mul3A_256, %dma_wait3A_266] : memref<10000x8xf32, #tpu.memory_space<hbm>> -> memref<1000x8xf32, #tpu.memory_space<hbm>>
        tpu.wait_dma2 semaphore(%run_scoped3A_259 : memref<!tpu.dma_semaphore, #tpu.memory_space<semaphore_mem>>) src(%dma_wait3A_267 : memref<1000x8xf32, #tpu.memory_space<hbm>>) dst(%dma_wait3A_265 : memref<1000x8xf32, #tpu.memory_space<vmem_shared>>)
        tpu.yield
      }) : () -> ()
    } else {
    }
    %iota3A = tpu.iota {dimensions = array<i32: 0>} : vector<16xi32>
    %broadcast_in_dim3A = arith.constant 1.000000e+00 : f32
    %broadcast_in_dim3A_3 = vector.broadcast %broadcast_in_dim3A : f32 to vector<16xf32>
    %broadcast_in_dim3A_4 = arith.constant 4 : i32
    %broadcast_in_dim3A_5 = vector.broadcast %broadcast_in_dim3A_4 : i32 to vector<16xi32>
    %run_scoped3A = arith.constant 0 : i32
    "tpu.region"() ({
      %run_scoped3A_255 = tpu.sem_alloc : memref<!tpu.dma_semaphore, #tpu.memory_space<semaphore_mem>>
      %dma_start3A_256 = arith.constant 0 : i32
      %dma_start3A_257 = arith.constant 0 : i32
      %dma_start3A_258 = tpu.memref_slice %arg8[%run_scoped3A, %dma_start3A_256, %dma_start3A_257] : memref<3x128x8xf32, #tpu.memory_space<vmem>> -> memref<1x128x8xf32, #tpu.memory_space<vmem>>
      %dma_start3A_259 = tpu.memref_squeeze %dma_start3A_258 : memref<1x128x8xf32, #tpu.memory_space<vmem>> -> memref<128x8xf32, #tpu.memory_space<vmem>>
      %dma_start3A_260 = arith.constant 0 : i32
      %dma_start3A_261 = arith.constant 0 : i32
      %dma_start3A_262 = tpu.memref_slice %arg4[%dma_start3A_260, %dma_start3A_261] : memref<10000x8xf32, #tpu.memory_space<hbm>> -> memref<128x8xf32, #tpu.memory_space<hbm>>
      %dma_start3A_263 = arith.constant 0 : i32
      %dma_start3A_264 = arith.constant 0 : i32
      %dma_start3A_265 = tpu.memref_slice %arg8[%run_scoped3A, %dma_start3A_263, %dma_start3A_264] : memref<3x128x8xf32, #tpu.memory_space<vmem>> -> memref<1x128x8xf32, #tpu.memory_space<vmem>>
      %dma_start3A_266 = tpu.memref_squeeze %dma_start3A_265 : memref<1x128x8xf32, #tpu.memory_space<vmem>> -> memref<128x8xf32, #tpu.memory_space<vmem>>
      %dma_start3A_267 = arith.constant 0 : i32
      %dma_start3A_268 = arith.constant 0 : i32
      %dma_start3A_269 = tpu.memref_slice %arg4[%dma_start3A_267, %dma_start3A_268] : memref<10000x8xf32, #tpu.memory_space<hbm>> -> memref<128x8xf32, #tpu.memory_space<hbm>>
      tpu.enqueue_dma source(%dma_start3A_269 : memref<128x8xf32, #tpu.memory_space<hbm>>) target(%dma_start3A_266 : memref<128x8xf32, #tpu.memory_space<vmem>>) target_semaphore(%run_scoped3A_255 : memref<!tpu.dma_semaphore, #tpu.memory_space<semaphore_mem>>)
      %dma_wait3A_270 = arith.constant 0 : i32
      %dma_wait3A_271 = arith.constant 0 : i32
      %dma_wait3A_272 = tpu.memref_slice %arg8[%run_scoped3A, %dma_wait3A_270, %dma_wait3A_271] : memref<3x128x8xf32, #tpu.memory_space<vmem>> -> memref<1x128x8xf32, #tpu.memory_space<vmem>>
      %dma_wait3A_273 = tpu.memref_squeeze %dma_wait3A_272 : memref<1x128x8xf32, #tpu.memory_space<vmem>> -> memref<128x8xf32, #tpu.memory_space<vmem>>
      %dma_wait3A_274 = arith.constant 0 : i32
      %dma_wait3A_275 = arith.constant 0 : i32
      %dma_wait3A_276 = tpu.memref_slice %arg4[%dma_wait3A_274, %dma_wait3A_275] : memref<10000x8xf32, #tpu.memory_space<hbm>> -> memref<128x8xf32, #tpu.memory_space<hbm>>
      %dma_wait3A_277 = arith.constant 0 : i32
      %dma_wait3A_278 = arith.constant 0 : i32
      %dma_wait3A_279 = tpu.memref_slice %arg8[%run_scoped3A, %dma_wait3A_277, %dma_wait3A_278] : memref<3x128x8xf32, #tpu.memory_space<vmem>> -> memref<1x128x8xf32, #tpu.memory_space<vmem>>
      %dma_wait3A_280 = tpu.memref_squeeze %dma_wait3A_279 : memref<1x128x8xf32, #tpu.memory_space<vmem>> -> memref<128x8xf32, #tpu.memory_space<vmem>>
      %dma_wait3A_281 = arith.constant 0 : i32
      %dma_wait3A_282 = arith.constant 0 : i32
      %dma_wait3A_283 = tpu.memref_slice %arg4[%dma_wait3A_281, %dma_wait3A_282] : memref<10000x8xf32, #tpu.memory_space<hbm>> -> memref<128x8xf32, #tpu.memory_space<hbm>>
      tpu.wait_dma2 semaphore(%run_scoped3A_255 : memref<!tpu.dma_semaphore, #tpu.memory_space<semaphore_mem>>) src(%dma_wait3A_283 : memref<128x8xf32, #tpu.memory_space<hbm>>) dst(%dma_wait3A_280 : memref<128x8xf32, #tpu.memory_space<vmem>>)
      tpu.yield
    }) : () -> ()
    %add3A_6 = arith.constant 0 : i32
    %add3A_7 = vector.broadcast %add3A_6 : i32 to vector<16xi32>
    %add3A_8 = arith.addi %iota3A, %add3A_7 : vector<16xi32>
    %scatter3A = arith.constant 0 : i32
    %scatter3A_9 = arith.constant 0 : i32
    %scatter3A_10 = arith.constant 0 : i32
    %scatter3A_11 = tpu.memref_slice %arg8[%scatter3A, %scatter3A_9, %scatter3A_10] : memref<3x128x8xf32, #tpu.memory_space<vmem>> -> memref<1x128x8xf32, #tpu.memory_space<vmem>>
    %scatter3A_12 = tpu.memref_squeeze %scatter3A_11 : memref<1x128x8xf32, #tpu.memory_space<vmem>> -> memref<128x8xf32, #tpu.memory_space<vmem>>
    tpu.vector_store_idx %scatter3A_12[%add3A_8, %broadcast_in_dim3A_5], %broadcast_in_dim3A_3 : memref<128x8xf32, #tpu.memory_space<vmem>>[vector<16xi32>, vector<16xi32>], vector<16xf32>,
    %add3A_13 = arith.constant 16 : i32
    %add3A_14 = vector.broadcast %add3A_13 : i32 to vector<16xi32>
    %add3A_15 = arith.addi %iota3A, %add3A_14 : vector<16xi32>
    %scatter3A_16 = arith.constant 0 : i32
    %scatter3A_17 = arith.constant 0 : i32
    %scatter3A_18 = arith.constant 0 : i32
    %scatter3A_19 = tpu.memref_slice %arg8[%scatter3A_16, %scatter3A_17, %scatter3A_18] : memref<3x128x8xf32, #tpu.memory_space<vmem>> -> memref<1x128x8xf32, #tpu.memory_space<vmem>>
    %scatter3A_20 = tpu.memref_squeeze %scatter3A_19 : memref<1x128x8xf32, #tpu.memory_space<vmem>> -> memref<128x8xf32, #tpu.memory_space<vmem>>
    tpu.vector_store_idx %scatter3A_20[%add3A_15, %broadcast_in_dim3A_5], %broadcast_in_dim3A_3 : memref<128x8xf32, #tpu.memory_space<vmem>>[vector<16xi32>, vector<16xi32>], vector<16xf32>,
    %add3A_21 = arith.constant 32 : i32
    %add3A_22 = vector.broadcast %add3A_21 : i32 to vector<16xi32>
    %add3A_23 = arith.addi %iota3A, %add3A_22 : vector<16xi32>
    %scatter3A_24 = arith.constant 0 : i32
    %scatter3A_25 = arith.constant 0 : i32
    %scatter3A_26 = arith.constant 0 : i32
    %scatter3A_27 = tpu.memref_slice %arg8[%scatter3A_24, %scatter3A_25, %scatter3A_26] : memref<3x128x8xf32, #tpu.memory_space<vmem>> -> memref<1x128x8xf32, #tpu.memory_space<vmem>>
    %scatter3A_28 = tpu.memref_squeeze %scatter3A_27 : memref<1x128x8xf32, #tpu.memory_space<vmem>> -> memref<128x8xf32, #tpu.memory_space<vmem>>
    tpu.vector_store_idx %scatter3A_28[%add3A_23, %broadcast_in_dim3A_5], %broadcast_in_dim3A_3 : memref<128x8xf32, #tpu.memory_space<vmem>>[vector<16xi32>, vector<16xi32>], vector<16xf32>,
    %add3A_29 = arith.constant 48 : i32
    %add3A_30 = vector.broadcast %add3A_29 : i32 to vector<16xi32>
    %add3A_31 = arith.addi %iota3A, %add3A_30 : vector<16xi32>
    %scatter3A_32 = arith.constant 0 : i32
    %scatter3A_33 = arith.constant 0 : i32
    %scatter3A_34 = arith.constant 0 : i32
    %scatter3A_35 = tpu.memref_slice %arg8[%scatter3A_32, %scatter3A_33, %scatter3A_34] : memref<3x128x8xf32, #tpu.memory_space<vmem>> -> memref<1x128x8xf32, #tpu.memory_space<vmem>>
    %scatter3A_36 = tpu.memref_squeeze %scatter3A_35 : memref<1x128x8xf32, #tpu.memory_space<vmem>> -> memref<128x8xf32, #tpu.memory_space<vmem>>
    tpu.vector_store_idx %scatter3A_36[%add3A_31, %broadcast_in_dim3A_5], %broadcast_in_dim3A_3 : memref<128x8xf32, #tpu.memory_space<vmem>>[vector<16xi32>, vector<16xi32>], vector<16xf32>,
    %add3A_37 = arith.constant 64 : i32
    %add3A_38 = vector.broadcast %add3A_37 : i32 to vector<16xi32>
    %add3A_39 = arith.addi %iota3A, %add3A_38 : vector<16xi32>
    %scatter3A_40 = arith.constant 0 : i32
    %scatter3A_41 = arith.constant 0 : i32
    %scatter3A_42 = arith.constant 0 : i32
    %scatter3A_43 = tpu.memref_slice %arg8[%scatter3A_40, %scatter3A_41, %scatter3A_42] : memref<3x128x8xf32, #tpu.memory_space<vmem>> -> memref<1x128x8xf32, #tpu.memory_space<vmem>>
    %scatter3A_44 = tpu.memref_squeeze %scatter3A_43 : memref<1x128x8xf32, #tpu.memory_space<vmem>> -> memref<128x8xf32, #tpu.memory_space<vmem>>
    tpu.vector_store_idx %scatter3A_44[%add3A_39, %broadcast_in_dim3A_5], %broadcast_in_dim3A_3 : memref<128x8xf32, #tpu.memory_space<vmem>>[vector<16xi32>, vector<16xi32>], vector<16xf32>,
    %add3A_45 = arith.constant 80 : i32
    %add3A_46 = vector.broadcast %add3A_45 : i32 to vector<16xi32>
    %add3A_47 = arith.addi %iota3A, %add3A_46 : vector<16xi32>
    %scatter3A_48 = arith.constant 0 : i32
    %scatter3A_49 = arith.constant 0 : i32
    %scatter3A_50 = arith.constant 0 : i32
    %scatter3A_51 = tpu.memref_slice %arg8[%scatter3A_48, %scatter3A_49, %scatter3A_50] : memref<3x128x8xf32, #tpu.memory_space<vmem>> -> memref<1x128x8xf32, #tpu.memory_space<vmem>>
    %scatter3A_52 = tpu.memref_squeeze %scatter3A_51 : memref<1x128x8xf32, #tpu.memory_space<vmem>> -> memref<128x8xf32, #tpu.memory_space<vmem>>
    tpu.vector_store_idx %scatter3A_52[%add3A_47, %broadcast_in_dim3A_5], %broadcast_in_dim3A_3 : memref<128x8xf32, #tpu.memory_space<vmem>>[vector<16xi32>, vector<16xi32>], vector<16xf32>,
    %add3A_53 = arith.constant 96 : i32
    %add3A_54 = vector.broadcast %add3A_53 : i32 to vector<16xi32>
    %add3A_55 = arith.addi %iota3A, %add3A_54 : vector<16xi32>
    %scatter3A_56 = arith.constant 0 : i32
    %scatter3A_57 = arith.constant 0 : i32
    %scatter3A_58 = arith.constant 0 : i32
    %scatter3A_59 = tpu.memref_slice %arg8[%scatter3A_56, %scatter3A_57, %scatter3A_58] : memref<3x128x8xf32, #tpu.memory_space<vmem>> -> memref<1x128x8xf32, #tpu.memory_space<vmem>>
    %scatter3A_60 = tpu.memref_squeeze %scatter3A_59 : memref<1x128x8xf32, #tpu.memory_space<vmem>> -> memref<128x8xf32, #tpu.memory_space<vmem>>
    tpu.vector_store_idx %scatter3A_60[%add3A_55, %broadcast_in_dim3A_5], %broadcast_in_dim3A_3 : memref<128x8xf32, #tpu.memory_space<vmem>>[vector<16xi32>, vector<16xi32>], vector<16xf32>,
    %add3A_61 = arith.constant 112 : i32
    %add3A_62 = vector.broadcast %add3A_61 : i32 to vector<16xi32>
    %add3A_63 = arith.addi %iota3A, %add3A_62 : vector<16xi32>
    %scatter3A_64 = arith.constant 0 : i32
    %scatter3A_65 = arith.constant 0 : i32
    %scatter3A_66 = arith.constant 0 : i32
    %scatter3A_67 = tpu.memref_slice %arg8[%scatter3A_64, %scatter3A_65, %scatter3A_66] : memref<3x128x8xf32, #tpu.memory_space<vmem>> -> memref<1x128x8xf32, #tpu.memory_space<vmem>>
    %scatter3A_68 = tpu.memref_squeeze %scatter3A_67 : memref<1x128x8xf32, #tpu.memory_space<vmem>> -> memref<128x8xf32, #tpu.memory_space<vmem>>
    tpu.vector_store_idx %scatter3A_68[%add3A_63, %broadcast_in_dim3A_5], %broadcast_in_dim3A_3 : memref<128x8xf32, #tpu.memory_space<vmem>>[vector<16xi32>, vector<16xi32>], vector<16xf32>,
    %run_scoped3A_69 = arith.constant 1 : i32
    "tpu.region"() ({
      %run_scoped3A_255 = tpu.sem_alloc : memref<!tpu.dma_semaphore, #tpu.memory_space<semaphore_mem>>
      %dma_start3A_256 = arith.constant 0 : i32
      %dma_start3A_257 = arith.constant 0 : i32
      %dma_start3A_258 = tpu.memref_slice %arg8[%run_scoped3A_69, %dma_start3A_256, %dma_start3A_257] : memref<3x128x8xf32, #tpu.memory_space<vmem>> -> memref<1x128x8xf32, #tpu.memory_space<vmem>>
      %dma_start3A_259 = tpu.memref_squeeze %dma_start3A_258 : memref<1x128x8xf32, #tpu.memory_space<vmem>> -> memref<128x8xf32, #tpu.memory_space<vmem>>
      %dma_start3A_260 = arith.constant 0 : i32
      %dma_start3A_261 = arith.constant 0 : i32
      %dma_start3A_262 = tpu.memref_slice %arg4[%dma_start3A_260, %dma_start3A_261] : memref<10000x8xf32, #tpu.memory_space<hbm>> -> memref<128x8xf32, #tpu.memory_space<hbm>>
      %dma_start3A_263 = arith.constant 0 : i32
      %dma_start3A_264 = arith.constant 0 : i32
      %dma_start3A_265 = tpu.memref_slice %arg8[%run_scoped3A_69, %dma_start3A_263, %dma_start3A_264] : memref<3x128x8xf32, #tpu.memory_space<vmem>> -> memref<1x128x8xf32, #tpu.memory_space<vmem>>
      %dma_start3A_266 = tpu.memref_squeeze %dma_start3A_265 : memref<1x128x8xf32, #tpu.memory_space<vmem>> -> memref<128x8xf32, #tpu.memory_space<vmem>>
      %dma_start3A_267 = arith.constant 0 : i32
      %dma_start3A_268 = arith.constant 0 : i32
      %dma_start3A_269 = tpu.memref_slice %arg4[%dma_start3A_267, %dma_start3A_268] : memref<10000x8xf32, #tpu.memory_space<hbm>> -> memref<128x8xf32, #tpu.memory_space<hbm>>
      tpu.enqueue_dma source(%dma_start3A_269 : memref<128x8xf32, #tpu.memory_space<hbm>>) target(%dma_start3A_266 : memref<128x8xf32, #tpu.memory_space<vmem>>) target_semaphore(%run_scoped3A_255 : memref<!tpu.dma_semaphore, #tpu.memory_space<semaphore_mem>>)
      %dma_wait3A_270 = arith.constant 0 : i32
      %dma_wait3A_271 = arith.constant 0 : i32
      %dma_wait3A_272 = tpu.memref_slice %arg8[%run_scoped3A_69, %dma_wait3A_270, %dma_wait3A_271] : memref<3x128x8xf32, #tpu.memory_space<vmem>> -> memref<1x128x8xf32, #tpu.memory_space<vmem>>
      %dma_wait3A_273 = tpu.memref_squeeze %dma_wait3A_272 : memref<1x128x8xf32, #tpu.memory_space<vmem>> -> memref<128x8xf32, #tpu.memory_space<vmem>>
      %dma_wait3A_274 = arith.constant 0 : i32
      %dma_wait3A_275 = arith.constant 0 : i32
      %dma_wait3A_276 = tpu.memref_slice %arg4[%dma_wait3A_274, %dma_wait3A_275] : memref<10000x8xf32, #tpu.memory_space<hbm>> -> memref<128x8xf32, #tpu.memory_space<hbm>>
      %dma_wait3A_277 = arith.constant 0 : i32
      %dma_wait3A_278 = arith.constant 0 : i32
      %dma_wait3A_279 = tpu.memref_slice %arg8[%run_scoped3A_69, %dma_wait3A_277, %dma_wait3A_278] : memref<3x128x8xf32, #tpu.memory_space<vmem>> -> memref<1x128x8xf32, #tpu.memory_space<vmem>>
      %dma_wait3A_280 = tpu.memref_squeeze %dma_wait3A_279 : memref<1x128x8xf32, #tpu.memory_space<vmem>> -> memref<128x8xf32, #tpu.memory_space<vmem>>
      %dma_wait3A_281 = arith.constant 0 : i32
      %dma_wait3A_282 = arith.constant 0 : i32
      %dma_wait3A_283 = tpu.memref_slice %arg4[%dma_wait3A_281, %dma_wait3A_282] : memref<10000x8xf32, #tpu.memory_space<hbm>> -> memref<128x8xf32, #tpu.memory_space<hbm>>
      tpu.wait_dma2 semaphore(%run_scoped3A_255 : memref<!tpu.dma_semaphore, #tpu.memory_space<semaphore_mem>>) src(%dma_wait3A_283 : memref<128x8xf32, #tpu.memory_space<hbm>>) dst(%dma_wait3A_280 : memref<128x8xf32, #tpu.memory_space<vmem>>)
      tpu.yield
    }) : () -> ()
    %add3A_70 = arith.constant 0 : i32
    %add3A_71 = vector.broadcast %add3A_70 : i32 to vector<16xi32>
    %add3A_72 = arith.addi %iota3A, %add3A_71 : vector<16xi32>
    %scatter3A_73 = arith.constant 1 : i32
    %scatter3A_74 = arith.constant 0 : i32
    %scatter3A_75 = arith.constant 0 : i32
    %scatter3A_76 = tpu.memref_slice %arg8[%scatter3A_73, %scatter3A_74, %scatter3A_75] : memref<3x128x8xf32, #tpu.memory_space<vmem>> -> memref<1x128x8xf32, #tpu.memory_space<vmem>>
    %scatter3A_77 = tpu.memref_squeeze %scatter3A_76 : memref<1x128x8xf32, #tpu.memory_space<vmem>> -> memref<128x8xf32, #tpu.memory_space<vmem>>
    tpu.vector_store_idx %scatter3A_77[%add3A_72, %broadcast_in_dim3A_5], %broadcast_in_dim3A_3 : memref<128x8xf32, #tpu.memory_space<vmem>>[vector<16xi32>, vector<16xi32>], vector<16xf32>,
    %add3A_78 = arith.constant 16 : i32
    %add3A_79 = vector.broadcast %add3A_78 : i32 to vector<16xi32>
    %add3A_80 = arith.addi %iota3A, %add3A_79 : vector<16xi32>
    %scatter3A_81 = arith.constant 1 : i32
    %scatter3A_82 = arith.constant 0 : i32
    %scatter3A_83 = arith.constant 0 : i32
    %scatter3A_84 = tpu.memref_slice %arg8[%scatter3A_81, %scatter3A_82, %scatter3A_83] : memref<3x128x8xf32, #tpu.memory_space<vmem>> -> memref<1x128x8xf32, #tpu.memory_space<vmem>>
    %scatter3A_85 = tpu.memref_squeeze %scatter3A_84 : memref<1x128x8xf32, #tpu.memory_space<vmem>> -> memref<128x8xf32, #tpu.memory_space<vmem>>
    tpu.vector_store_idx %scatter3A_85[%add3A_80, %broadcast_in_dim3A_5], %broadcast_in_dim3A_3 : memref<128x8xf32, #tpu.memory_space<vmem>>[vector<16xi32>, vector<16xi32>], vector<16xf32>,
    %add3A_86 = arith.constant 32 : i32
    %add3A_87 = vector.broadcast %add3A_86 : i32 to vector<16xi32>
    %add3A_88 = arith.addi %iota3A, %add3A_87 : vector<16xi32>
    %scatter3A_89 = arith.constant 1 : i32
    %scatter3A_90 = arith.constant 0 : i32
    %scatter3A_91 = arith.constant 0 : i32
    %scatter3A_92 = tpu.memref_slice %arg8[%scatter3A_89, %scatter3A_90, %scatter3A_91] : memref<3x128x8xf32, #tpu.memory_space<vmem>> -> memref<1x128x8xf32, #tpu.memory_space<vmem>>
    %scatter3A_93 = tpu.memref_squeeze %scatter3A_92 : memref<1x128x8xf32, #tpu.memory_space<vmem>> -> memref<128x8xf32, #tpu.memory_space<vmem>>
    tpu.vector_store_idx %scatter3A_93[%add3A_88, %broadcast_in_dim3A_5], %broadcast_in_dim3A_3 : memref<128x8xf32, #tpu.memory_space<vmem>>[vector<16xi32>, vector<16xi32>], vector<16xf32>,
    %add3A_94 = arith.constant 48 : i32
    %add3A_95 = vector.broadcast %add3A_94 : i32 to vector<16xi32>
    %add3A_96 = arith.addi %iota3A, %add3A_95 : vector<16xi32>
    %scatter3A_97 = arith.constant 1 : i32
    %scatter3A_98 = arith.constant 0 : i32
    %scatter3A_99 = arith.constant 0 : i32
    %scatter3A_100 = tpu.memref_slice %arg8[%scatter3A_97, %scatter3A_98, %scatter3A_99] : memref<3x128x8xf32, #tpu.memory_space<vmem>> -> memref<1x128x8xf32, #tpu.memory_space<vmem>>
    %scatter3A_101 = tpu.memref_squeeze %scatter3A_100 : memref<1x128x8xf32, #tpu.memory_space<vmem>> -> memref<128x8xf32, #tpu.memory_space<vmem>>
    tpu.vector_store_idx %scatter3A_101[%add3A_96, %broadcast_in_dim3A_5], %broadcast_in_dim3A_3 : memref<128x8xf32, #tpu.memory_space<vmem>>[vector<16xi32>, vector<16xi32>], vector<16xf32>,
    %add3A_102 = arith.constant 64 : i32
    %add3A_103 = vector.broadcast %add3A_102 : i32 to vector<16xi32>
    %add3A_104 = arith.addi %iota3A, %add3A_103 : vector<16xi32>
    %scatter3A_105 = arith.constant 1 : i32
    %scatter3A_106 = arith.constant 0 : i32
    %scatter3A_107 = arith.constant 0 : i32
    %scatter3A_108 = tpu.memref_slice %arg8[%scatter3A_105, %scatter3A_106, %scatter3A_107] : memref<3x128x8xf32, #tpu.memory_space<vmem>> -> memref<1x128x8xf32, #tpu.memory_space<vmem>>
    %scatter3A_109 = tpu.memref_squeeze %scatter3A_108 : memref<1x128x8xf32, #tpu.memory_space<vmem>> -> memref<128x8xf32, #tpu.memory_space<vmem>>
    tpu.vector_store_idx %scatter3A_109[%add3A_104, %broadcast_in_dim3A_5], %broadcast_in_dim3A_3 : memref<128x8xf32, #tpu.memory_space<vmem>>[vector<16xi32>, vector<16xi32>], vector<16xf32>,
    %add3A_110 = arith.constant 80 : i32
    %add3A_111 = vector.broadcast %add3A_110 : i32 to vector<16xi32>
    %add3A_112 = arith.addi %iota3A, %add3A_111 : vector<16xi32>
    %scatter3A_113 = arith.constant 1 : i32
    %scatter3A_114 = arith.constant 0 : i32
    %scatter3A_115 = arith.constant 0 : i32
    %scatter3A_116 = tpu.memref_slice %arg8[%scatter3A_113, %scatter3A_114, %scatter3A_115] : memref<3x128x8xf32, #tpu.memory_space<vmem>> -> memref<1x128x8xf32, #tpu.memory_space<vmem>>
    %scatter3A_117 = tpu.memref_squeeze %scatter3A_116 : memref<1x128x8xf32, #tpu.memory_space<vmem>> -> memref<128x8xf32, #tpu.memory_space<vmem>>
    tpu.vector_store_idx %scatter3A_117[%add3A_112, %broadcast_in_dim3A_5], %broadcast_in_dim3A_3 : memref<128x8xf32, #tpu.memory_space<vmem>>[vector<16xi32>, vector<16xi32>], vector<16xf32>,
    %add3A_118 = arith.constant 96 : i32
    %add3A_119 = vector.broadcast %add3A_118 : i32 to vector<16xi32>
    %add3A_120 = arith.addi %iota3A, %add3A_119 : vector<16xi32>
    %scatter3A_121 = arith.constant 1 : i32
    %scatter3A_122 = arith.constant 0 : i32
    %scatter3A_123 = arith.constant 0 : i32
    %scatter3A_124 = tpu.memref_slice %arg8[%scatter3A_121, %scatter3A_122, %scatter3A_123] : memref<3x128x8xf32, #tpu.memory_space<vmem>> -> memref<1x128x8xf32, #tpu.memory_space<vmem>>
    %scatter3A_125 = tpu.memref_squeeze %scatter3A_124 : memref<1x128x8xf32, #tpu.memory_space<vmem>> -> memref<128x8xf32, #tpu.memory_space<vmem>>
    tpu.vector_store_idx %scatter3A_125[%add3A_120, %broadcast_in_dim3A_5], %broadcast_in_dim3A_3 : memref<128x8xf32, #tpu.memory_space<vmem>>[vector<16xi32>, vector<16xi32>], vector<16xf32>,
    %add3A_126 = arith.constant 112 : i32
    %add3A_127 = vector.broadcast %add3A_126 : i32 to vector<16xi32>
    %add3A_128 = arith.addi %iota3A, %add3A_127 : vector<16xi32>
    %scatter3A_129 = arith.constant 1 : i32
    %scatter3A_130 = arith.constant 0 : i32
    %scatter3A_131 = arith.constant 0 : i32
    %scatter3A_132 = tpu.memref_slice %arg8[%scatter3A_129, %scatter3A_130, %scatter3A_131] : memref<3x128x8xf32, #tpu.memory_space<vmem>> -> memref<1x128x8xf32, #tpu.memory_space<vmem>>
    %scatter3A_133 = tpu.memref_squeeze %scatter3A_132 : memref<1x128x8xf32, #tpu.memory_space<vmem>> -> memref<128x8xf32, #tpu.memory_space<vmem>>
    tpu.vector_store_idx %scatter3A_133[%add3A_128, %broadcast_in_dim3A_5], %broadcast_in_dim3A_3 : memref<128x8xf32, #tpu.memory_space<vmem>>[vector<16xi32>, vector<16xi32>], vector<16xf32>,
    %run_scoped3A_134 = arith.constant 2 : i32
    "tpu.region"() ({
      %run_scoped3A_255 = tpu.sem_alloc : memref<!tpu.dma_semaphore, #tpu.memory_space<semaphore_mem>>
      %dma_start3A_256 = arith.constant 0 : i32
      %dma_start3A_257 = arith.constant 0 : i32
      %dma_start3A_258 = tpu.memref_slice %arg8[%run_scoped3A_134, %dma_start3A_256, %dma_start3A_257] : memref<3x128x8xf32, #tpu.memory_space<vmem>> -> memref<1x128x8xf32, #tpu.memory_space<vmem>>
      %dma_start3A_259 = tpu.memref_squeeze %dma_start3A_258 : memref<1x128x8xf32, #tpu.memory_space<vmem>> -> memref<128x8xf32, #tpu.memory_space<vmem>>
      %dma_start3A_260 = arith.constant 0 : i32
      %dma_start3A_261 = arith.constant 0 : i32
      %dma_start3A_262 = tpu.memref_slice %arg4[%dma_start3A_260, %dma_start3A_261] : memref<10000x8xf32, #tpu.memory_space<hbm>> -> memref<128x8xf32, #tpu.memory_space<hbm>>
      %dma_start3A_263 = arith.constant 0 : i32
      %dma_start3A_264 = arith.constant 0 : i32
      %dma_start3A_265 = tpu.memref_slice %arg8[%run_scoped3A_134, %dma_start3A_263, %dma_start3A_264] : memref<3x128x8xf32, #tpu.memory_space<vmem>> -> memref<1x128x8xf32, #tpu.memory_space<vmem>>
      %dma_start3A_266 = tpu.memref_squeeze %dma_start3A_265 : memref<1x128x8xf32, #tpu.memory_space<vmem>> -> memref<128x8xf32, #tpu.memory_space<vmem>>
      %dma_start3A_267 = arith.constant 0 : i32
      %dma_start3A_268 = arith.constant 0 : i32
      %dma_start3A_269 = tpu.memref_slice %arg4[%dma_start3A_267, %dma_start3A_268] : memref<10000x8xf32, #tpu.memory_space<hbm>> -> memref<128x8xf32, #tpu.memory_space<hbm>>
      tpu.enqueue_dma source(%dma_start3A_269 : memref<128x8xf32, #tpu.memory_space<hbm>>) target(%dma_start3A_266 : memref<128x8xf32, #tpu.memory_space<vmem>>) target_semaphore(%run_scoped3A_255 : memref<!tpu.dma_semaphore, #tpu.memory_space<semaphore_mem>>)
      %dma_wait3A_270 = arith.constant 0 : i32
      %dma_wait3A_271 = arith.constant 0 : i32
      %dma_wait3A_272 = tpu.memref_slice %arg8[%run_scoped3A_134, %dma_wait3A_270, %dma_wait3A_271] : memref<3x128x8xf32, #tpu.memory_space<vmem>> -> memref<1x128x8xf32, #tpu.memory_space<vmem>>
      %dma_wait3A_273 = tpu.memref_squeeze %dma_wait3A_272 : memref<1x128x8xf32, #tpu.memory_space<vmem>> -> memref<128x8xf32, #tpu.memory_space<vmem>>
      %dma_wait3A_274 = arith.constant 0 : i32
      %dma_wait3A_275 = arith.constant 0 : i32
      %dma_wait3A_276 = tpu.memref_slice %arg4[%dma_wait3A_274, %dma_wait3A_275] : memref<10000x8xf32, #tpu.memory_space<hbm>> -> memref<128x8xf32, #tpu.memory_space<hbm>>
      %dma_wait3A_277 = arith.constant 0 : i32
      %dma_wait3A_278 = arith.constant 0 : i32
      %dma_wait3A_279 = tpu.memref_slice %arg8[%run_scoped3A_134, %dma_wait3A_277, %dma_wait3A_278] : memref<3x128x8xf32, #tpu.memory_space<vmem>> -> memref<1x128x8xf32, #tpu.memory_space<vmem>>
      %dma_wait3A_280 = tpu.memref_squeeze %dma_wait3A_279 : memref<1x128x8xf32, #tpu.memory_space<vmem>> -> memref<128x8xf32, #tpu.memory_space<vmem>>
      %dma_wait3A_281 = arith.constant 0 : i32
      %dma_wait3A_282 = arith.constant 0 : i32
      %dma_wait3A_283 = tpu.memref_slice %arg4[%dma_wait3A_281, %dma_wait3A_282] : memref<10000x8xf32, #tpu.memory_space<hbm>> -> memref<128x8xf32, #tpu.memory_space<hbm>>
      tpu.wait_dma2 semaphore(%run_scoped3A_255 : memref<!tpu.dma_semaphore, #tpu.memory_space<semaphore_mem>>) src(%dma_wait3A_283 : memref<128x8xf32, #tpu.memory_space<hbm>>) dst(%dma_wait3A_280 : memref<128x8xf32, #tpu.memory_space<vmem>>)
      tpu.yield
    }) : () -> ()
    %add3A_135 = arith.constant 0 : i32
    %add3A_136 = vector.broadcast %add3A_135 : i32 to vector<16xi32>
    %add3A_137 = arith.addi %iota3A, %add3A_136 : vector<16xi32>
    %scatter3A_138 = arith.constant 2 : i32
    %scatter3A_139 = arith.constant 0 : i32
    %scatter3A_140 = arith.constant 0 : i32
    %scatter3A_141 = tpu.memref_slice %arg8[%scatter3A_138, %scatter3A_139, %scatter3A_140] : memref<3x128x8xf32, #tpu.memory_space<vmem>> -> memref<1x128x8xf32, #tpu.memory_space<vmem>>
    %scatter3A_142 = tpu.memref_squeeze %scatter3A_141 : memref<1x128x8xf32, #tpu.memory_space<vmem>> -> memref<128x8xf32, #tpu.memory_space<vmem>>
    tpu.vector_store_idx %scatter3A_142[%add3A_137, %broadcast_in_dim3A_5], %broadcast_in_dim3A_3 : memref<128x8xf32, #tpu.memory_space<vmem>>[vector<16xi32>, vector<16xi32>], vector<16xf32>,
    %add3A_143 = arith.constant 16 : i32
    %add3A_144 = vector.broadcast %add3A_143 : i32 to vector<16xi32>
    %add3A_145 = arith.addi %iota3A, %add3A_144 : vector<16xi32>
    %scatter3A_146 = arith.constant 2 : i32
    %scatter3A_147 = arith.constant 0 : i32
    %scatter3A_148 = arith.constant 0 : i32
    %scatter3A_149 = tpu.memref_slice %arg8[%scatter3A_146, %scatter3A_147, %scatter3A_148] : memref<3x128x8xf32, #tpu.memory_space<vmem>> -> memref<1x128x8xf32, #tpu.memory_space<vmem>>
    %scatter3A_150 = tpu.memref_squeeze %scatter3A_149 : memref<1x128x8xf32, #tpu.memory_space<vmem>> -> memref<128x8xf32, #tpu.memory_space<vmem>>
    tpu.vector_store_idx %scatter3A_150[%add3A_145, %broadcast_in_dim3A_5], %broadcast_in_dim3A_3 : memref<128x8xf32, #tpu.memory_space<vmem>>[vector<16xi32>, vector<16xi32>], vector<16xf32>,
    %add3A_151 = arith.constant 32 : i32
    %add3A_152 = vector.broadcast %add3A_151 : i32 to vector<16xi32>
    %add3A_153 = arith.addi %iota3A, %add3A_152 : vector<16xi32>
    %scatter3A_154 = arith.constant 2 : i32
    %scatter3A_155 = arith.constant 0 : i32
    %scatter3A_156 = arith.constant 0 : i32
    %scatter3A_157 = tpu.memref_slice %arg8[%scatter3A_154, %scatter3A_155, %scatter3A_156] : memref<3x128x8xf32, #tpu.memory_space<vmem>> -> memref<1x128x8xf32, #tpu.memory_space<vmem>>
    %scatter3A_158 = tpu.memref_squeeze %scatter3A_157 : memref<1x128x8xf32, #tpu.memory_space<vmem>> -> memref<128x8xf32, #tpu.memory_space<vmem>>
    tpu.vector_store_idx %scatter3A_158[%add3A_153, %broadcast_in_dim3A_5], %broadcast_in_dim3A_3 : memref<128x8xf32, #tpu.memory_space<vmem>>[vector<16xi32>, vector<16xi32>], vector<16xf32>,
    %add3A_159 = arith.constant 48 : i32
    %add3A_160 = vector.broadcast %add3A_159 : i32 to vector<16xi32>
    %add3A_161 = arith.addi %iota3A, %add3A_160 : vector<16xi32>
    %scatter3A_162 = arith.constant 2 : i32
    %scatter3A_163 = arith.constant 0 : i32
    %scatter3A_164 = arith.constant 0 : i32
    %scatter3A_165 = tpu.memref_slice %arg8[%scatter3A_162, %scatter3A_163, %scatter3A_164] : memref<3x128x8xf32, #tpu.memory_space<vmem>> -> memref<1x128x8xf32, #tpu.memory_space<vmem>>
    %scatter3A_166 = tpu.memref_squeeze %scatter3A_165 : memref<1x128x8xf32, #tpu.memory_space<vmem>> -> memref<128x8xf32, #tpu.memory_space<vmem>>
    tpu.vector_store_idx %scatter3A_166[%add3A_161, %broadcast_in_dim3A_5], %broadcast_in_dim3A_3 : memref<128x8xf32, #tpu.memory_space<vmem>>[vector<16xi32>, vector<16xi32>], vector<16xf32>,
    %add3A_167 = arith.constant 64 : i32
    %add3A_168 = vector.broadcast %add3A_167 : i32 to vector<16xi32>
    %add3A_169 = arith.addi %iota3A, %add3A_168 : vector<16xi32>
    %scatter3A_170 = arith.constant 2 : i32
    %scatter3A_171 = arith.constant 0 : i32
    %scatter3A_172 = arith.constant 0 : i32
    %scatter3A_173 = tpu.memref_slice %arg8[%scatter3A_170, %scatter3A_171, %scatter3A_172] : memref<3x128x8xf32, #tpu.memory_space<vmem>> -> memref<1x128x8xf32, #tpu.memory_space<vmem>>
    %scatter3A_174 = tpu.memref_squeeze %scatter3A_173 : memref<1x128x8xf32, #tpu.memory_space<vmem>> -> memref<128x8xf32, #tpu.memory_space<vmem>>
    tpu.vector_store_idx %scatter3A_174[%add3A_169, %broadcast_in_dim3A_5], %broadcast_in_dim3A_3 : memref<128x8xf32, #tpu.memory_space<vmem>>[vector<16xi32>, vector<16xi32>], vector<16xf32>,
    %add3A_175 = arith.constant 80 : i32
    %add3A_176 = vector.broadcast %add3A_175 : i32 to vector<16xi32>
    %add3A_177 = arith.addi %iota3A, %add3A_176 : vector<16xi32>
    %scatter3A_178 = arith.constant 2 : i32
    %scatter3A_179 = arith.constant 0 : i32
    %scatter3A_180 = arith.constant 0 : i32
    %scatter3A_181 = tpu.memref_slice %arg8[%scatter3A_178, %scatter3A_179, %scatter3A_180] : memref<3x128x8xf32, #tpu.memory_space<vmem>> -> memref<1x128x8xf32, #tpu.memory_space<vmem>>
    %scatter3A_182 = tpu.memref_squeeze %scatter3A_181 : memref<1x128x8xf32, #tpu.memory_space<vmem>> -> memref<128x8xf32, #tpu.memory_space<vmem>>
    tpu.vector_store_idx %scatter3A_182[%add3A_177, %broadcast_in_dim3A_5], %broadcast_in_dim3A_3 : memref<128x8xf32, #tpu.memory_space<vmem>>[vector<16xi32>, vector<16xi32>], vector<16xf32>,
    %add3A_183 = arith.constant 96 : i32
    %add3A_184 = vector.broadcast %add3A_183 : i32 to vector<16xi32>
    %add3A_185 = arith.addi %iota3A, %add3A_184 : vector<16xi32>
    %scatter3A_186 = arith.constant 2 : i32
    %scatter3A_187 = arith.constant 0 : i32
    %scatter3A_188 = arith.constant 0 : i32
    %scatter3A_189 = tpu.memref_slice %arg8[%scatter3A_186, %scatter3A_187, %scatter3A_188] : memref<3x128x8xf32, #tpu.memory_space<vmem>> -> memref<1x128x8xf32, #tpu.memory_space<vmem>>
    %scatter3A_190 = tpu.memref_squeeze %scatter3A_189 : memref<1x128x8xf32, #tpu.memory_space<vmem>> -> memref<128x8xf32, #tpu.memory_space<vmem>>
    tpu.vector_store_idx %scatter3A_190[%add3A_185, %broadcast_in_dim3A_5], %broadcast_in_dim3A_3 : memref<128x8xf32, #tpu.memory_space<vmem>>[vector<16xi32>, vector<16xi32>], vector<16xf32>,
    %add3A_191 = arith.constant 112 : i32
    %add3A_192 = vector.broadcast %add3A_191 : i32 to vector<16xi32>
    %add3A_193 = arith.addi %iota3A, %add3A_192 : vector<16xi32>
    %scatter3A_194 = arith.constant 2 : i32
    %scatter3A_195 = arith.constant 0 : i32
    %scatter3A_196 = arith.constant 0 : i32
    %scatter3A_197 = tpu.memref_slice %arg8[%scatter3A_194, %scatter3A_195, %scatter3A_196] : memref<3x128x8xf32, #tpu.memory_space<vmem>> -> memref<1x128x8xf32, #tpu.memory_space<vmem>>
    %scatter3A_198 = tpu.memref_squeeze %scatter3A_197 : memref<1x128x8xf32, #tpu.memory_space<vmem>> -> memref<128x8xf32, #tpu.memory_space<vmem>>
    tpu.vector_store_idx %scatter3A_198[%add3A_193, %broadcast_in_dim3A_5], %broadcast_in_dim3A_3 : memref<128x8xf32, #tpu.memory_space<vmem>>[vector<16xi32>, vector<16xi32>], vector<16xf32>,
    %barrier3A = arith.constant 0 : index
    tpu.barrier barrier_id(%barrier3A)
    %mul3A_199 = arith.constant 78 : i32
    %mul3A_200 = arith.muli %add3A, %mul3A_199 : i32
    "tpu.region"() ({
      %run_scoped3A_255 = tpu.sem_alloc : memref<!tpu.dma_semaphore, #tpu.memory_space<semaphore_mem>>
      %dma_start3A_256 = arith.constant 0 : i32
      %dma_start3A_257 = arith.constant 0 : i32
      %dma_start3A_258 = arith.constant 0 : i32
      %dma_start3A_259 = tpu.memref_slice %arg6[%dma_start3A_256, %dma_start3A_257, %dma_start3A_258] : memref<79x1x128xi32, #tpu.memory_space<vmem>> -> memref<78x1x128xi32, #tpu.memory_space<vmem>>
      %dma_start3A_260 = arith.constant 0 : i32
      %dma_start3A_261 = arith.constant 0 : i32
      %dma_start3A_262 = tpu.memref_slice %arg2[%mul3A_200, %dma_start3A_260, %dma_start3A_261] : memref<2500x2x128xi32, #tpu.memory_space<hbm>> -> memref<78x1x128xi32, #tpu.memory_space<hbm>>
      %dma_start3A_263 = arith.constant 0 : i32
      %dma_start3A_264 = arith.constant 0 : i32
      %dma_start3A_265 = arith.constant 0 : i32
      %dma_start3A_266 = tpu.memref_slice %arg6[%dma_start3A_263, %dma_start3A_264, %dma_start3A_265] : memref<79x1x128xi32, #tpu.memory_space<vmem>> -> memref<78x1x128xi32, #tpu.memory_space<vmem>>
      %dma_start3A_267 = arith.constant 0 : i32
      %dma_start3A_268 = arith.constant 0 : i32
      %dma_start3A_269 = tpu.memref_slice %arg2[%mul3A_200, %dma_start3A_267, %dma_start3A_268] : memref<2500x2x128xi32, #tpu.memory_space<hbm>> -> memref<78x1x128xi32, #tpu.memory_space<hbm>>
      tpu.enqueue_dma source(%dma_start3A_269 : memref<78x1x128xi32, #tpu.memory_space<hbm>>) target(%dma_start3A_266 : memref<78x1x128xi32, #tpu.memory_space<vmem>>) target_semaphore(%run_scoped3A_255 : memref<!tpu.dma_semaphore, #tpu.memory_space<semaphore_mem>>)
      %dma_wait3A_270 = arith.constant 0 : i32
      %dma_wait3A_271 = arith.constant 0 : i32
      %dma_wait3A_272 = arith.constant 0 : i32
      %dma_wait3A_273 = tpu.memref_slice %arg6[%dma_wait3A_270, %dma_wait3A_271, %dma_wait3A_272] : memref<79x1x128xi32, #tpu.memory_space<vmem>> -> memref<78x1x128xi32, #tpu.memory_space<vmem>>
      %dma_wait3A_274 = arith.constant 0 : i32
      %dma_wait3A_275 = arith.constant 0 : i32
      %dma_wait3A_276 = tpu.memref_slice %arg2[%mul3A_200, %dma_wait3A_274, %dma_wait3A_275] : memref<2500x2x128xi32, #tpu.memory_space<hbm>> -> memref<78x1x128xi32, #tpu.memory_space<hbm>>
      %dma_wait3A_277 = arith.constant 0 : i32
      %dma_wait3A_278 = arith.constant 0 : i32
      %dma_wait3A_279 = arith.constant 0 : i32
      %dma_wait3A_280 = tpu.memref_slice %arg6[%dma_wait3A_277, %dma_wait3A_278, %dma_wait3A_279] : memref<79x1x128xi32, #tpu.memory_space<vmem>> -> memref<78x1x128xi32, #tpu.memory_space<vmem>>
      %dma_wait3A_281 = arith.constant 0 : i32
      %dma_wait3A_282 = arith.constant 0 : i32
      %dma_wait3A_283 = tpu.memref_slice %arg2[%mul3A_200, %dma_wait3A_281, %dma_wait3A_282] : memref<2500x2x128xi32, #tpu.memory_space<hbm>> -> memref<78x1x128xi32, #tpu.memory_space<hbm>>
      tpu.wait_dma2 semaphore(%run_scoped3A_255 : memref<!tpu.dma_semaphore, #tpu.memory_space<semaphore_mem>>) src(%dma_wait3A_283 : memref<78x1x128xi32, #tpu.memory_space<hbm>>) dst(%dma_wait3A_280 : memref<78x1x128xi32, #tpu.memory_space<vmem>>)
      tpu.yield
    }) : () -> ()
    %mul3A_201 = arith.constant 78 : i32
    %mul3A_202 = arith.muli %add3A, %mul3A_201 : i32
    "tpu.region"() ({
      %run_scoped3A_255 = tpu.sem_alloc : memref<!tpu.dma_semaphore, #tpu.memory_space<semaphore_mem>>
      %dma_start3A_256 = arith.constant 0 : i32
      %dma_start3A_257 = arith.constant 0 : i32
      %dma_start3A_258 = arith.constant 0 : i32
      %dma_start3A_259 = tpu.memref_slice %arg7[%dma_start3A_256, %dma_start3A_257, %dma_start3A_258] : memref<79x4x128xf32, #tpu.memory_space<vmem>> -> memref<39x4x128xf32, #tpu.memory_space<vmem>>
      %dma_start3A_260 = arith.constant 0 : i32
      %dma_start3A_261 = arith.constant 0 : i32
      %dma_start3A_262 = tpu.memref_slice %arg3[%mul3A_202, %dma_start3A_260, %dma_start3A_261] : memref<2500x4x128xf32, #tpu.memory_space<hbm>> -> memref<39x4x128xf32, #tpu.memory_space<hbm>>
      %dma_start3A_263 = arith.constant 0 : i32
      %dma_start3A_264 = arith.constant 0 : i32
      %dma_start3A_265 = arith.constant 0 : i32
      %dma_start3A_266 = tpu.memref_slice %arg7[%dma_start3A_263, %dma_start3A_264, %dma_start3A_265] : memref<79x4x128xf32, #tpu.memory_space<vmem>> -> memref<39x4x128xf32, #tpu.memory_space<vmem>>
      %dma_start3A_267 = arith.constant 0 : i32
      %dma_start3A_268 = arith.constant 0 : i32
      %dma_start3A_269 = tpu.memref_slice %arg3[%mul3A_202, %dma_start3A_267, %dma_start3A_268] : memref<2500x4x128xf32, #tpu.memory_space<hbm>> -> memref<39x4x128xf32, #tpu.memory_space<hbm>>
      tpu.enqueue_dma source(%dma_start3A_269 : memref<39x4x128xf32, #tpu.memory_space<hbm>>) target(%dma_start3A_266 : memref<39x4x128xf32, #tpu.memory_space<vmem>>) target_semaphore(%run_scoped3A_255 : memref<!tpu.dma_semaphore, #tpu.memory_space<semaphore_mem>>)
      %dma_wait3A_270 = arith.constant 0 : i32
      %dma_wait3A_271 = arith.constant 0 : i32
      %dma_wait3A_272 = arith.constant 0 : i32
      %dma_wait3A_273 = tpu.memref_slice %arg7[%dma_wait3A_270, %dma_wait3A_271, %dma_wait3A_272] : memref<79x4x128xf32, #tpu.memory_space<vmem>> -> memref<39x4x128xf32, #tpu.memory_space<vmem>>
      %dma_wait3A_274 = arith.constant 0 : i32
      %dma_wait3A_275 = arith.constant 0 : i32
      %dma_wait3A_276 = tpu.memref_slice %arg3[%mul3A_202, %dma_wait3A_274, %dma_wait3A_275] : memref<2500x4x128xf32, #tpu.memory_space<hbm>> -> memref<39x4x128xf32, #tpu.memory_space<hbm>>
      %dma_wait3A_277 = arith.constant 0 : i32
      %dma_wait3A_278 = arith.constant 0 : i32
      %dma_wait3A_279 = arith.constant 0 : i32
      %dma_wait3A_280 = tpu.memref_slice %arg7[%dma_wait3A_277, %dma_wait3A_278, %dma_wait3A_279] : memref<79x4x128xf32, #tpu.memory_space<vmem>> -> memref<39x4x128xf32, #tpu.memory_space<vmem>>
      %dma_wait3A_281 = arith.constant 0 : i32
      %dma_wait3A_282 = arith.constant 0 : i32
      %dma_wait3A_283 = tpu.memref_slice %arg3[%mul3A_202, %dma_wait3A_281, %dma_wait3A_282] : memref<2500x4x128xf32, #tpu.memory_space<hbm>> -> memref<39x4x128xf32, #tpu.memory_space<hbm>>
      tpu.wait_dma2 semaphore(%run_scoped3A_255 : memref<!tpu.dma_semaphore, #tpu.memory_space<semaphore_mem>>) src(%dma_wait3A_283 : memref<39x4x128xf32, #tpu.memory_space<hbm>>) dst(%dma_wait3A_280 : memref<39x4x128xf32, #tpu.memory_space<vmem>>)
      tpu.yield
    }) : () -> ()
    %mul3A_203 = arith.constant 78 : i32
    %mul3A_204 = arith.muli %add3A, %mul3A_203 : i32
    %add3A_205 = arith.constant 39 : i32
    %add3A_206 = arith.addi %mul3A_204, %add3A_205 : i32
    %dma_start3A = arith.constant 39 : i32
    %dma_start3A_207 = arith.constant 0 : i32
    %dma_start3A_208 = arith.constant 0 : i32
    %dma_start3A_209 = tpu.memref_slice %arg7[%dma_start3A, %dma_start3A_207, %dma_start3A_208] : memref<79x4x128xf32, #tpu.memory_space<vmem>> -> memref<39x4x128xf32, #tpu.memory_space<vmem>>
    %dma_start3A_210 = arith.constant 0 : i32
    %dma_start3A_211 = arith.constant 0 : i32
    %dma_start3A_212 = tpu.memref_slice %arg3[%add3A_206, %dma_start3A_210, %dma_start3A_211] : memref<2500x4x128xf32, #tpu.memory_space<hbm>> -> memref<39x4x128xf32, #tpu.memory_space<hbm>>
    %dma_start3A_213 = arith.constant 39 : i32
    %dma_start3A_214 = arith.constant 0 : i32
    %dma_start3A_215 = arith.constant 0 : i32
    %dma_start3A_216 = tpu.memref_slice %arg7[%dma_start3A_213, %dma_start3A_214, %dma_start3A_215] : memref<79x4x128xf32, #tpu.memory_space<vmem>> -> memref<39x4x128xf32, #tpu.memory_space<vmem>>
    %dma_start3A_217 = arith.constant 0 : i32
    %dma_start3A_218 = arith.constant 0 : i32
    %dma_start3A_219 = tpu.memref_slice %arg3[%add3A_206, %dma_start3A_217, %dma_start3A_218] : memref<2500x4x128xf32, #tpu.memory_space<hbm>> -> memref<39x4x128xf32, #tpu.memory_space<hbm>>
    tpu.enqueue_dma source(%dma_start3A_219 : memref<39x4x128xf32, #tpu.memory_space<hbm>>) target(%dma_start3A_216 : memref<39x4x128xf32, #tpu.memory_space<vmem>>) target_semaphore(%arg13 : memref<!tpu.dma_semaphore, #tpu.memory_space<semaphore_mem>>)
    %scan3A = arith.constant 0 : i32
    %scan3A_220 = arith.constant 0 : i32
    %scan3A_221 = arith.constant 13 : i32
    %scan3A_222 = arith.addi %scan3A_220, %scan3A_221 : i32
    %scan3A_223 = arith.constant 1 : i32
    scf.for %scan3A_255 = %scan3A_220 to %scan3A_222 step %scan3A_223  : i32 {
      %mul3A_256 = arith.constant 3 : i32
      %mul3A_257 = arith.muli %scan3A_255, %mul3A_256 : i32
      %add3A_258 = arith.constant 0 : i32
      %add3A_259 = arith.addi %mul3A_257, %add3A_258 : i32
      %add3A_260 = arith.constant 0 : i32
      %add3A_261 = vector.broadcast %add3A_260 : i32 to vector<16xi32>
      %add3A_262 = arith.addi %iota3A, %add3A_261 : vector<16xi32>
      %get3A = arith.constant 0 : i32
      %get3A_263 = arith.index_cast %add3A_259 : i32 to index
      %get3A_264 = arith.index_cast %get3A : i32 to index
      %get3A_265 = arith.constant 0 : index
      %get3A_266 = tpu.vector_load %arg7[%get3A_263, %get3A_264, %get3A_265] {strides = array<i32>} : memref<79x4x128xf32, #tpu.memory_space<vmem>>, vector<16xf32>,
      %broadcast_in_dim3A_267 = arith.constant 0 : i32
      %broadcast_in_dim3A_268 = vector.broadcast %broadcast_in_dim3A_267 : i32 to vector<16xi32>
      %scatter3A_269 = arith.constant 0 : i32
      %scatter3A_270 = arith.constant 0 : i32
      %scatter3A_271 = arith.constant 0 : i32
      %scatter3A_272 = tpu.memref_slice %arg8[%scatter3A_269, %scatter3A_270, %scatter3A_271] : memref<3x128x8xf32, #tpu.memory_space<vmem>> -> memref<1x128x8xf32, #tpu.memory_space<vmem>>
      %scatter3A_273 = tpu.memref_squeeze %scatter3A_272 : memref<1x128x8xf32, #tpu.memory_space<vmem>> -> memref<128x8xf32, #tpu.memory_space<vmem>>
      tpu.vector_store_idx %scatter3A_273[%add3A_262, %broadcast_in_dim3A_268], %get3A_266 : memref<128x8xf32, #tpu.memory_space<vmem>>[vector<16xi32>, vector<16xi32>], vector<16xf32>,
      %get3A_274 = arith.constant 1 : i32
      %get3A_275 = arith.index_cast %add3A_259 : i32 to index
      %get3A_276 = arith.index_cast %get3A_274 : i32 to index
      %get3A_277 = arith.constant 0 : index
      %get3A_278 = tpu.vector_load %arg7[%get3A_275, %get3A_276, %get3A_277] {strides = array<i32>} : memref<79x4x128xf32, #tpu.memory_space<vmem>>, vector<16xf32>,
      %broadcast_in_dim3A_279 = arith.constant 1 : i32
      %broadcast_in_dim3A_280 = vector.broadcast %broadcast_in_dim3A_279 : i32 to vector<16xi32>
      %scatter3A_281 = arith.constant 0 : i32
      %scatter3A_282 = arith.constant 0 : i32
      %scatter3A_283 = arith.constant 0 : i32
      %scatter3A_284 = tpu.memref_slice %arg8[%scatter3A_281, %scatter3A_282, %scatter3A_283] : memref<3x128x8xf32, #tpu.memory_space<vmem>> -> memref<1x128x8xf32, #tpu.memory_space<vmem>>
      %scatter3A_285 = tpu.memref_squeeze %scatter3A_284 : memref<1x128x8xf32, #tpu.memory_space<vmem>> -> memref<128x8xf32, #tpu.memory_space<vmem>>
      tpu.vector_store_idx %scatter3A_285[%add3A_262, %broadcast_in_dim3A_280], %get3A_278 : memref<128x8xf32, #tpu.memory_space<vmem>>[vector<16xi32>, vector<16xi32>], vector<16xf32>,
      %get3A_286 = arith.constant 2 : i32
      %get3A_287 = arith.index_cast %add3A_259 : i32 to index
      %get3A_288 = arith.index_cast %get3A_286 : i32 to index
      %get3A_289 = arith.constant 0 : index
      %get3A_290 = tpu.vector_load %arg7[%get3A_287, %get3A_288, %get3A_289] {strides = array<i32>} : memref<79x4x128xf32, #tpu.memory_space<vmem>>, vector<16xf32>,
      %broadcast_in_dim3A_291 = arith.constant 2 : i32
      %broadcast_in_dim3A_292 = vector.broadcast %broadcast_in_dim3A_291 : i32 to vector<16xi32>
      %scatter3A_293 = arith.constant 0 : i32
      %scatter3A_294 = arith.constant 0 : i32
      %scatter3A_295 = arith.constant 0 : i32
      %scatter3A_296 = tpu.memref_slice %arg8[%scatter3A_293, %scatter3A_294, %scatter3A_295] : memref<3x128x8xf32, #tpu.memory_space<vmem>> -> memref<1x128x8xf32, #tpu.memory_space<vmem>>
      %scatter3A_297 = tpu.memref_squeeze %scatter3A_296 : memref<1x128x8xf32, #tpu.memory_space<vmem>> -> memref<128x8xf32, #tpu.memory_space<vmem>>
      tpu.vector_store_idx %scatter3A_297[%add3A_262, %broadcast_in_dim3A_292], %get3A_290 : memref<128x8xf32, #tpu.memory_space<vmem>>[vector<16xi32>, vector<16xi32>], vector<16xf32>,
      %get3A_298 = arith.constant 3 : i32
      %get3A_299 = arith.index_cast %add3A_259 : i32 to index
      %get3A_300 = arith.index_cast %get3A_298 : i32 to index
      %get3A_301 = arith.constant 0 : index
      %get3A_302 = tpu.vector_load %arg7[%get3A_299, %get3A_300, %get3A_301] {strides = array<i32>} : memref<79x4x128xf32, #tpu.memory_space<vmem>>, vector<16xf32>,
      %broadcast_in_dim3A_303 = arith.constant 3 : i32
      %broadcast_in_dim3A_304 = vector.broadcast %broadcast_in_dim3A_303 : i32 to vector<16xi32>
      %scatter3A_305 = arith.constant 0 : i32
      %scatter3A_306 = arith.constant 0 : i32
      %scatter3A_307 = arith.constant 0 : i32
      %scatter3A_308 = tpu.memref_slice %arg8[%scatter3A_305, %scatter3A_306, %scatter3A_307] : memref<3x128x8xf32, #tpu.memory_space<vmem>> -> memref<1x128x8xf32, #tpu.memory_space<vmem>>
      %scatter3A_309 = tpu.memref_squeeze %scatter3A_308 : memref<1x128x8xf32, #tpu.memory_space<vmem>> -> memref<128x8xf32, #tpu.memory_space<vmem>>
      tpu.vector_store_idx %scatter3A_309[%add3A_262, %broadcast_in_dim3A_304], %get3A_302 : memref<128x8xf32, #tpu.memory_space<vmem>>[vector<16xi32>, vector<16xi32>], vector<16xf32>,
      %add3A_310 = arith.constant 16 : i32
      %add3A_311 = vector.broadcast %add3A_310 : i32 to vector<16xi32>
      %add3A_312 = arith.addi %iota3A, %add3A_311 : vector<16xi32>
      %get3A_313 = arith.constant 0 : i32
      %get3A_314 = arith.index_cast %add3A_259 : i32 to index
      %get3A_315 = arith.index_cast %get3A_313 : i32 to index
      %get3A_316 = arith.constant 16 : index
      %get3A_317 = tpu.vector_load %arg7[%get3A_314, %get3A_315, %get3A_316] {strides = array<i32>} : memref<79x4x128xf32, #tpu.memory_space<vmem>>, vector<16xf32>,
      %broadcast_in_dim3A_318 = arith.constant 0 : i32
      %broadcast_in_dim3A_319 = vector.broadcast %broadcast_in_dim3A_318 : i32 to vector<16xi32>
      %scatter3A_320 = arith.constant 0 : i32
      %scatter3A_321 = arith.constant 0 : i32
      %scatter3A_322 = arith.constant 0 : i32
      %scatter3A_323 = tpu.memref_slice %arg8[%scatter3A_320, %scatter3A_321, %scatter3A_322] : memref<3x128x8xf32, #tpu.memory_space<vmem>> -> memref<1x128x8xf32, #tpu.memory_space<vmem>>
      %scatter3A_324 = tpu.memref_squeeze %scatter3A_323 : memref<1x128x8xf32, #tpu.memory_space<vmem>> -> memref<128x8xf32, #tpu.memory_space<vmem>>
      tpu.vector_store_idx %scatter3A_324[%add3A_312, %broadcast_in_dim3A_319], %get3A_317 : memref<128x8xf32, #tpu.memory_space<vmem>>[vector<16xi32>, vector<16xi32>], vector<16xf32>,
      %get3A_325 = arith.constant 1 : i32
      %get3A_326 = arith.index_cast %add3A_259 : i32 to index
      %get3A_327 = arith.index_cast %get3A_325 : i32 to index
      %get3A_328 = arith.constant 16 : index
      %get3A_329 = tpu.vector_load %arg7[%get3A_326, %get3A_327, %get3A_328] {strides = array<i32>} : memref<79x4x128xf32, #tpu.memory_space<vmem>>, vector<16xf32>,
      %broadcast_in_dim3A_330 = arith.constant 1 : i32
      %broadcast_in_dim3A_331 = vector.broadcast %broadcast_in_dim3A_330 : i32 to vector<16xi32>
      %scatter3A_332 = arith.constant 0 : i32
      %scatter3A_333 = arith.constant 0 : i32
      %scatter3A_334 = arith.constant 0 : i32
      %scatter3A_335 = tpu.memref_slice %arg8[%scatter3A_332, %scatter3A_333, %scatter3A_334] : memref<3x128x8xf32, #tpu.memory_space<vmem>> -> memref<1x128x8xf32, #tpu.memory_space<vmem>>
      %scatter3A_336 = tpu.memref_squeeze %scatter3A_335 : memref<1x128x8xf32, #tpu.memory_space<vmem>> -> memref<128x8xf32, #tpu.memory_space<vmem>>
      tpu.vector_store_idx %scatter3A_336[%add3A_312, %broadcast_in_dim3A_331], %get3A_329 : memref<128x8xf32, #tpu.memory_space<vmem>>[vector<16xi32>, vector<16xi32>], vector<16xf32>,
      %get3A_337 = arith.constant 2 : i32
      %get3A_338 = arith.index_cast %add3A_259 : i32 to index
      %get3A_339 = arith.index_cast %get3A_337 : i32 to index
      %get3A_340 = arith.constant 16 : index
      %get3A_341 = tpu.vector_load %arg7[%get3A_338, %get3A_339, %get3A_340] {strides = array<i32>} : memref<79x4x128xf32, #tpu.memory_space<vmem>>, vector<16xf32>,
      %broadcast_in_dim3A_342 = arith.constant 2 : i32
      %broadcast_in_dim3A_343 = vector.broadcast %broadcast_in_dim3A_342 : i32 to vector<16xi32>
      %scatter3A_344 = arith.constant 0 : i32
      %scatter3A_345 = arith.constant 0 : i32
      %scatter3A_346 = arith.constant 0 : i32
      %scatter3A_347 = tpu.memref_slice %arg8[%scatter3A_344, %scatter3A_345, %scatter3A_346] : memref<3x128x8xf32, #tpu.memory_space<vmem>> -> memref<1x128x8xf32, #tpu.memory_space<vmem>>
      %scatter3A_348 = tpu.memref_squeeze %scatter3A_347 : memref<1x128x8xf32, #tpu.memory_space<vmem>> -> memref<128x8xf32, #tpu.memory_space<vmem>>
      tpu.vector_store_idx %scatter3A_348[%add3A_312, %broadcast_in_dim3A_343], %get3A_341 : memref<128x8xf32, #tpu.memory_space<vmem>>[vector<16xi32>, vector<16xi32>], vector<16xf32>,
      %get3A_349 = arith.constant 3 : i32
      %get3A_350 = arith.index_cast %add3A_259 : i32 to index
      %get3A_351 = arith.index_cast %get3A_349 : i32 to index
      %get3A_352 = arith.constant 16 : index
      %get3A_353 = tpu.vector_load %arg7[%get3A_350, %get3A_351, %get3A_352] {strides = array<i32>} : memref<79x4x128xf32, #tpu.memory_space<vmem>>, vector<16xf32>,
      %broadcast_in_dim3A_354 = arith.constant 3 : i32
      %broadcast_in_dim3A_355 = vector.broadcast %broadcast_in_dim3A_354 : i32 to vector<16xi32>
      %scatter3A_356 = arith.constant 0 : i32
      %scatter3A_357 = arith.constant 0 : i32
      %scatter3A_358 = arith.constant 0 : i32
      %scatter3A_359 = tpu.memref_slice %arg8[%scatter3A_356, %scatter3A_357, %scatter3A_358] : memref<3x128x8xf32, #tpu.memory_space<vmem>> -> memref<1x128x8xf32, #tpu.memory_space<vmem>>
      %scatter3A_360 = tpu.memref_squeeze %scatter3A_359 : memref<1x128x8xf32, #tpu.memory_space<vmem>> -> memref<128x8xf32, #tpu.memory_space<vmem>>
      tpu.vector_store_idx %scatter3A_360[%add3A_312, %broadcast_in_dim3A_355], %get3A_353 : memref<128x8xf32, #tpu.memory_space<vmem>>[vector<16xi32>, vector<16xi32>], vector<16xf32>,
      %add3A_361 = arith.constant 32 : i32
      %add3A_362 = vector.broadcast %add3A_361 : i32 to vector<16xi32>
      %add3A_363 = arith.addi %iota3A, %add3A_362 : vector<16xi32>
      %get3A_364 = arith.constant 0 : i32
      %get3A_365 = arith.index_cast %add3A_259 : i32 to index
      %get3A_366 = arith.index_cast %get3A_364 : i32 to index
      %get3A_367 = arith.constant 32 : index
      %get3A_368 = tpu.vector_load %arg7[%get3A_365, %get3A_366, %get3A_367] {strides = array<i32>} : memref<79x4x128xf32, #tpu.memory_space<vmem>>, vector<16xf32>,
      %broadcast_in_dim3A_369 = arith.constant 0 : i32
      %broadcast_in_dim3A_370 = vector.broadcast %broadcast_in_dim3A_369 : i32 to vector<16xi32>
      %scatter3A_371 = arith.constant 0 : i32
      %scatter3A_372 = arith.constant 0 : i32
      %scatter3A_373 = arith.constant 0 : i32
      %scatter3A_374 = tpu.memref_slice %arg8[%scatter3A_371, %scatter3A_372, %scatter3A_373] : memref<3x128x8xf32, #tpu.memory_space<vmem>> -> memref<1x128x8xf32, #tpu.memory_space<vmem>>
      %scatter3A_375 = tpu.memref_squeeze %scatter3A_374 : memref<1x128x8xf32, #tpu.memory_space<vmem>> -> memref<128x8xf32, #tpu.memory_space<vmem>>
      tpu.vector_store_idx %scatter3A_375[%add3A_363, %broadcast_in_dim3A_370], %get3A_368 : memref<128x8xf32, #tpu.memory_space<vmem>>[vector<16xi32>, vector<16xi32>], vector<16xf32>,
      %get3A_376 = arith.constant 1 : i32
      %get3A_377 = arith.index_cast %add3A_259 : i32 to index
      %get3A_378 = arith.index_cast %get3A_376 : i32 to index
      %get3A_379 = arith.constant 32 : index
      %get3A_380 = tpu.vector_load %arg7[%get3A_377, %get3A_378, %get3A_379] {strides = array<i32>} : memref<79x4x128xf32, #tpu.memory_space<vmem>>, vector<16xf32>,
      %broadcast_in_dim3A_381 = arith.constant 1 : i32
      %broadcast_in_dim3A_382 = vector.broadcast %broadcast_in_dim3A_381 : i32 to vector<16xi32>
      %scatter3A_383 = arith.constant 0 : i32
      %scatter3A_384 = arith.constant 0 : i32
      %scatter3A_385 = arith.constant 0 : i32
      %scatter3A_386 = tpu.memref_slice %arg8[%scatter3A_383, %scatter3A_384, %scatter3A_385] : memref<3x128x8xf32, #tpu.memory_space<vmem>> -> memref<1x128x8xf32, #tpu.memory_space<vmem>>
      %scatter3A_387 = tpu.memref_squeeze %scatter3A_386 : memref<1x128x8xf32, #tpu.memory_space<vmem>> -> memref<128x8xf32, #tpu.memory_space<vmem>>
      tpu.vector_store_idx %scatter3A_387[%add3A_363, %broadcast_in_dim3A_382], %get3A_380 : memref<128x8xf32, #tpu.memory_space<vmem>>[vector<16xi32>, vector<16xi32>], vector<16xf32>,
      %get3A_388 = arith.constant 2 : i32
      %get3A_389 = arith.index_cast %add3A_259 : i32 to index
      %get3A_390 = arith.index_cast %get3A_388 : i32 to index
      %get3A_391 = arith.constant 32 : index
      %get3A_392 = tpu.vector_load %arg7[%get3A_389, %get3A_390, %get3A_391] {strides = array<i32>} : memref<79x4x128xf32, #tpu.memory_space<vmem>>, vector<16xf32>,
      %broadcast_in_dim3A_393 = arith.constant 2 : i32
      %broadcast_in_dim3A_394 = vector.broadcast %broadcast_in_dim3A_393 : i32 to vector<16xi32>
      %scatter3A_395 = arith.constant 0 : i32
      %scatter3A_396 = arith.constant 0 : i32
      %scatter3A_397 = arith.constant 0 : i32
      %scatter3A_398 = tpu.memref_slice %arg8[%scatter3A_395, %scatter3A_396, %scatter3A_397] : memref<3x128x8xf32, #tpu.memory_space<vmem>> -> memref<1x128x8xf32, #tpu.memory_space<vmem>>
      %scatter3A_399 = tpu.memref_squeeze %scatter3A_398 : memref<1x128x8xf32, #tpu.memory_space<vmem>> -> memref<128x8xf32, #tpu.memory_space<vmem>>
      tpu.vector_store_idx %scatter3A_399[%add3A_363, %broadcast_in_dim3A_394], %get3A_392 : memref<128x8xf32, #tpu.memory_space<vmem>>[vector<16xi32>, vector<16xi32>], vector<16xf32>,
      %get3A_400 = arith.constant 3 : i32
      %get3A_401 = arith.index_cast %add3A_259 : i32 to index
      %get3A_402 = arith.index_cast %get3A_400 : i32 to index
      %get3A_403 = arith.constant 32 : index
      %get3A_404 = tpu.vector_load %arg7[%get3A_401, %get3A_402, %get3A_403] {strides = array<i32>} : memref<79x4x128xf32, #tpu.memory_space<vmem>>, vector<16xf32>,
      %broadcast_in_dim3A_405 = arith.constant 3 : i32
      %broadcast_in_dim3A_406 = vector.broadcast %broadcast_in_dim3A_405 : i32 to vector<16xi32>
      %scatter3A_407 = arith.constant 0 : i32
      %scatter3A_408 = arith.constant 0 : i32
      %scatter3A_409 = arith.constant 0 : i32
      %scatter3A_410 = tpu.memref_slice %arg8[%scatter3A_407, %scatter3A_408, %scatter3A_409] : memref<3x128x8xf32, #tpu.memory_space<vmem>> -> memref<1x128x8xf32, #tpu.memory_space<vmem>>
      %scatter3A_411 = tpu.memref_squeeze %scatter3A_410 : memref<1x128x8xf32, #tpu.memory_space<vmem>> -> memref<128x8xf32, #tpu.memory_space<vmem>>
      tpu.vector_store_idx %scatter3A_411[%add3A_363, %broadcast_in_dim3A_406], %get3A_404 : memref<128x8xf32, #tpu.memory_space<vmem>>[vector<16xi32>, vector<16xi32>], vector<16xf32>,
      %add3A_412 = arith.constant 48 : i32
      %add3A_413 = vector.broadcast %add3A_412 : i32 to vector<16xi32>
      %add3A_414 = arith.addi %iota3A, %add3A_413 : vector<16xi32>
      %get3A_415 = arith.constant 0 : i32
      %get3A_416 = arith.index_cast %add3A_259 : i32 to index
      %get3A_417 = arith.index_cast %get3A_415 : i32 to index
      %get3A_418 = arith.constant 48 : index
      %get3A_419 = tpu.vector_load %arg7[%get3A_416, %get3A_417, %get3A_418] {strides = array<i32>} : memref<79x4x128xf32, #tpu.memory_space<vmem>>, vector<16xf32>,
      %broadcast_in_dim3A_420 = arith.constant 0 : i32
      %broadcast_in_dim3A_421 = vector.broadcast %broadcast_in_dim3A_420 : i32 to vector<16xi32>
      %scatter3A_422 = arith.constant 0 : i32
      %scatter3A_423 = arith.constant 0 : i32
      %scatter3A_424 = arith.constant 0 : i32
      %scatter3A_425 = tpu.memref_slice %arg8[%scatter3A_422, %scatter3A_423, %scatter3A_424] : memref<3x128x8xf32, #tpu.memory_space<vmem>> -> memref<1x128x8xf32, #tpu.memory_space<vmem>>
      %scatter3A_426 = tpu.memref_squeeze %scatter3A_425 : memref<1x128x8xf32, #tpu.memory_space<vmem>> -> memref<128x8xf32, #tpu.memory_space<vmem>>
      tpu.vector_store_idx %scatter3A_426[%add3A_414, %broadcast_in_dim3A_421], %get3A_419 : memref<128x8xf32, #tpu.memory_space<vmem>>[vector<16xi32>, vector<16xi32>], vector<16xf32>,
      %get3A_427 = arith.constant 1 : i32
      %get3A_428 = arith.index_cast %add3A_259 : i32 to index
      %get3A_429 = arith.index_cast %get3A_427 : i32 to index
      %get3A_430 = arith.constant 48 : index
      %get3A_431 = tpu.vector_load %arg7[%get3A_428, %get3A_429, %get3A_430] {strides = array<i32>} : memref<79x4x128xf32, #tpu.memory_space<vmem>>, vector<16xf32>,
      %broadcast_in_dim3A_432 = arith.constant 1 : i32
      %broadcast_in_dim3A_433 = vector.broadcast %broadcast_in_dim3A_432 : i32 to vector<16xi32>
      %scatter3A_434 = arith.constant 0 : i32
      %scatter3A_435 = arith.constant 0 : i32
      %scatter3A_436 = arith.constant 0 : i32
      %scatter3A_437 = tpu.memref_slice %arg8[%scatter3A_434, %scatter3A_435, %scatter3A_436] : memref<3x128x8xf32, #tpu.memory_space<vmem>> -> memref<1x128x8xf32, #tpu.memory_space<vmem>>
      %scatter3A_438 = tpu.memref_squeeze %scatter3A_437 : memref<1x128x8xf32, #tpu.memory_space<vmem>> -> memref<128x8xf32, #tpu.memory_space<vmem>>
      tpu.vector_store_idx %scatter3A_438[%add3A_414, %broadcast_in_dim3A_433], %get3A_431 : memref<128x8xf32, #tpu.memory_space<vmem>>[vector<16xi32>, vector<16xi32>], vector<16xf32>,
      %get3A_439 = arith.constant 2 : i32
      %get3A_440 = arith.index_cast %add3A_259 : i32 to index
      %get3A_441 = arith.index_cast %get3A_439 : i32 to index
      %get3A_442 = arith.constant 48 : index
      %get3A_443 = tpu.vector_load %arg7[%get3A_440, %get3A_441, %get3A_442] {strides = array<i32>} : memref<79x4x128xf32, #tpu.memory_space<vmem>>, vector<16xf32>,
      %broadcast_in_dim3A_444 = arith.constant 2 : i32
      %broadcast_in_dim3A_445 = vector.broadcast %broadcast_in_dim3A_444 : i32 to vector<16xi32>
      %scatter3A_446 = arith.constant 0 : i32
      %scatter3A_447 = arith.constant 0 : i32
      %scatter3A_448 = arith.constant 0 : i32
      %scatter3A_449 = tpu.memref_slice %arg8[%scatter3A_446, %scatter3A_447, %scatter3A_448] : memref<3x128x8xf32, #tpu.memory_space<vmem>> -> memref<1x128x8xf32, #tpu.memory_space<vmem>>
      %scatter3A_450 = tpu.memref_squeeze %scatter3A_449 : memref<1x128x8xf32, #tpu.memory_space<vmem>> -> memref<128x8xf32, #tpu.memory_space<vmem>>
      tpu.vector_store_idx %scatter3A_450[%add3A_414, %broadcast_in_dim3A_445], %get3A_443 : memref<128x8xf32, #tpu.memory_space<vmem>>[vector<16xi32>, vector<16xi32>], vector<16xf32>,
      %get3A_451 = arith.constant 3 : i32
      %get3A_452 = arith.index_cast %add3A_259 : i32 to index
      %get3A_453 = arith.index_cast %get3A_451 : i32 to index
      %get3A_454 = arith.constant 48 : index
      %get3A_455 = tpu.vector_load %arg7[%get3A_452, %get3A_453, %get3A_454] {strides = array<i32>} : memref<79x4x128xf32, #tpu.memory_space<vmem>>, vector<16xf32>,
      %broadcast_in_dim3A_456 = arith.constant 3 : i32
      %broadcast_in_dim3A_457 = vector.broadcast %broadcast_in_dim3A_456 : i32 to vector<16xi32>
      %scatter3A_458 = arith.constant 0 : i32
      %scatter3A_459 = arith.constant 0 : i32
      %scatter3A_460 = arith.constant 0 : i32
      %scatter3A_461 = tpu.memref_slice %arg8[%scatter3A_458, %scatter3A_459, %scatter3A_460] : memref<3x128x8xf32, #tpu.memory_space<vmem>> -> memref<1x128x8xf32, #tpu.memory_space<vmem>>
      %scatter3A_462 = tpu.memref_squeeze %scatter3A_461 : memref<1x128x8xf32, #tpu.memory_space<vmem>> -> memref<128x8xf32, #tpu.memory_space<vmem>>
      tpu.vector_store_idx %scatter3A_462[%add3A_414, %broadcast_in_dim3A_457], %get3A_455 : memref<128x8xf32, #tpu.memory_space<vmem>>[vector<16xi32>, vector<16xi32>], vector<16xf32>,
      %add3A_463 = arith.constant 64 : i32
      %add3A_464 = vector.broadcast %add3A_463 : i32 to vector<16xi32>
      %add3A_465 = arith.addi %iota3A, %add3A_464 : vector<16xi32>
      %get3A_466 = arith.constant 0 : i32
      %get3A_467 = arith.index_cast %add3A_259 : i32 to index
      %get3A_468 = arith.index_cast %get3A_466 : i32 to index
      %get3A_469 = arith.constant 64 : index
      %get3A_470 = tpu.vector_load %arg7[%get3A_467, %get3A_468, %get3A_469] {strides = array<i32>} : memref<79x4x128xf32, #tpu.memory_space<vmem>>, vector<16xf32>,
      %broadcast_in_dim3A_471 = arith.constant 0 : i32
      %broadcast_in_dim3A_472 = vector.broadcast %broadcast_in_dim3A_471 : i32 to vector<16xi32>
      %scatter3A_473 = arith.constant 0 : i32
      %scatter3A_474 = arith.constant 0 : i32
      %scatter3A_475 = arith.constant 0 : i32
      %scatter3A_476 = tpu.memref_slice %arg8[%scatter3A_473, %scatter3A_474, %scatter3A_475] : memref<3x128x8xf32, #tpu.memory_space<vmem>> -> memref<1x128x8xf32, #tpu.memory_space<vmem>>
      %scatter3A_477 = tpu.memref_squeeze %scatter3A_476 : memref<1x128x8xf32, #tpu.memory_space<vmem>> -> memref<128x8xf32, #tpu.memory_space<vmem>>
      tpu.vector_store_idx %scatter3A_477[%add3A_465, %broadcast_in_dim3A_472], %get3A_470 : memref<128x8xf32, #tpu.memory_space<vmem>>[vector<16xi32>, vector<16xi32>], vector<16xf32>,
      %get3A_478 = arith.constant 1 : i32
      %get3A_479 = arith.index_cast %add3A_259 : i32 to index
      %get3A_480 = arith.index_cast %get3A_478 : i32 to index
      %get3A_481 = arith.constant 64 : index
      %get3A_482 = tpu.vector_load %arg7[%get3A_479, %get3A_480, %get3A_481] {strides = array<i32>} : memref<79x4x128xf32, #tpu.memory_space<vmem>>, vector<16xf32>,
      %broadcast_in_dim3A_483 = arith.constant 1 : i32
      %broadcast_in_dim3A_484 = vector.broadcast %broadcast_in_dim3A_483 : i32 to vector<16xi32>
      %scatter3A_485 = arith.constant 0 : i32
      %scatter3A_486 = arith.constant 0 : i32
      %scatter3A_487 = arith.constant 0 : i32
      %scatter3A_488 = tpu.memref_slice %arg8[%scatter3A_485, %scatter3A_486, %scatter3A_487] : memref<3x128x8xf32, #tpu.memory_space<vmem>> -> memref<1x128x8xf32, #tpu.memory_space<vmem>>
      %scatter3A_489 = tpu.memref_squeeze %scatter3A_488 : memref<1x128x8xf32, #tpu.memory_space<vmem>> -> memref<128x8xf32, #tpu.memory_space<vmem>>
      tpu.vector_store_idx %scatter3A_489[%add3A_465, %broadcast_in_dim3A_484], %get3A_482 : memref<128x8xf32, #tpu.memory_space<vmem>>[vector<16xi32>, vector<16xi32>], vector<16xf32>,
      %get3A_490 = arith.constant 2 : i32
      %get3A_491 = arith.index_cast %add3A_259 : i32 to index
      %get3A_492 = arith.index_cast %get3A_490 : i32 to index
      %get3A_493 = arith.constant 64 : index
      %get3A_494 = tpu.vector_load %arg7[%get3A_491, %get3A_492, %get3A_493] {strides = array<i32>} : memref<79x4x128xf32, #tpu.memory_space<vmem>>, vector<16xf32>,
      %broadcast_in_dim3A_495 = arith.constant 2 : i32
      %broadcast_in_dim3A_496 = vector.broadcast %broadcast_in_dim3A_495 : i32 to vector<16xi32>
      %scatter3A_497 = arith.constant 0 : i32
      %scatter3A_498 = arith.constant 0 : i32
      %scatter3A_499 = arith.constant 0 : i32
      %scatter3A_500 = tpu.memref_slice %arg8[%scatter3A_497, %scatter3A_498, %scatter3A_499] : memref<3x128x8xf32, #tpu.memory_space<vmem>> -> memref<1x128x8xf32, #tpu.memory_space<vmem>>
      %scatter3A_501 = tpu.memref_squeeze %scatter3A_500 : memref<1x128x8xf32, #tpu.memory_space<vmem>> -> memref<128x8xf32, #tpu.memory_space<vmem>>
      tpu.vector_store_idx %scatter3A_501[%add3A_465, %broadcast_in_dim3A_496], %get3A_494 : memref<128x8xf32, #tpu.memory_space<vmem>>[vector<16xi32>, vector<16xi32>], vector<16xf32>,
      %get3A_502 = arith.constant 3 : i32
      %get3A_503 = arith.index_cast %add3A_259 : i32 to index
      %get3A_504 = arith.index_cast %get3A_502 : i32 to index
      %get3A_505 = arith.constant 64 : index
      %get3A_506 = tpu.vector_load %arg7[%get3A_503, %get3A_504, %get3A_505] {strides = array<i32>} : memref<79x4x128xf32, #tpu.memory_space<vmem>>, vector<16xf32>,
      %broadcast_in_dim3A_507 = arith.constant 3 : i32
      %broadcast_in_dim3A_508 = vector.broadcast %broadcast_in_dim3A_507 : i32 to vector<16xi32>
      %scatter3A_509 = arith.constant 0 : i32
      %scatter3A_510 = arith.constant 0 : i32
      %scatter3A_511 = arith.constant 0 : i32
      %scatter3A_512 = tpu.memref_slice %arg8[%scatter3A_509, %scatter3A_510, %scatter3A_511] : memref<3x128x8xf32, #tpu.memory_space<vmem>> -> memref<1x128x8xf32, #tpu.memory_space<vmem>>
      %scatter3A_513 = tpu.memref_squeeze %scatter3A_512 : memref<1x128x8xf32, #tpu.memory_space<vmem>> -> memref<128x8xf32, #tpu.memory_space<vmem>>
      tpu.vector_store_idx %scatter3A_513[%add3A_465, %broadcast_in_dim3A_508], %get3A_506 : memref<128x8xf32, #tpu.memory_space<vmem>>[vector<16xi32>, vector<16xi32>], vector<16xf32>,
      %add3A_514 = arith.constant 80 : i32
      %add3A_515 = vector.broadcast %add3A_514 : i32 to vector<16xi32>
      %add3A_516 = arith.addi %iota3A, %add3A_515 : vector<16xi32>
      %get3A_517 = arith.constant 0 : i32
      %get3A_518 = arith.index_cast %add3A_259 : i32 to index
      %get3A_519 = arith.index_cast %get3A_517 : i32 to index
      %get3A_520 = arith.constant 80 : index
      %get3A_521 = tpu.vector_load %arg7[%get3A_518, %get3A_519, %get3A_520] {strides = array<i32>} : memref<79x4x128xf32, #tpu.memory_space<vmem>>, vector<16xf32>,
      %broadcast_in_dim3A_522 = arith.constant 0 : i32
      %broadcast_in_dim3A_523 = vector.broadcast %broadcast_in_dim3A_522 : i32 to vector<16xi32>
      %scatter3A_524 = arith.constant 0 : i32
      %scatter3A_525 = arith.constant 0 : i32
      %scatter3A_526 = arith.constant 0 : i32
      %scatter3A_527 = tpu.memref_slice %arg8[%scatter3A_524, %scatter3A_525, %scatter3A_526] : memref<3x128x8xf32, #tpu.memory_space<vmem>> -> memref<1x128x8xf32, #tpu.memory_space<vmem>>
      %scatter3A_528 = tpu.memref_squeeze %scatter3A_527 : memref<1x128x8xf32, #tpu.memory_space<vmem>> -> memref<128x8xf32, #tpu.memory_space<vmem>>
      tpu.vector_store_idx %scatter3A_528[%add3A_516, %broadcast_in_dim3A_523], %get3A_521 : memref<128x8xf32, #tpu.memory_space<vmem>>[vector<16xi32>, vector<16xi32>], vector<16xf32>,
      %get3A_529 = arith.constant 1 : i32
      %get3A_530 = arith.index_cast %add3A_259 : i32 to index
      %get3A_531 = arith.index_cast %get3A_529 : i32 to index
      %get3A_532 = arith.constant 80 : index
      %get3A_533 = tpu.vector_load %arg7[%get3A_530, %get3A_531, %get3A_532] {strides = array<i32>} : memref<79x4x128xf32, #tpu.memory_space<vmem>>, vector<16xf32>,
      %broadcast_in_dim3A_534 = arith.constant 1 : i32
      %broadcast_in_dim3A_535 = vector.broadcast %broadcast_in_dim3A_534 : i32 to vector<16xi32>
      %scatter3A_536 = arith.constant 0 : i32
      %scatter3A_537 = arith.constant 0 : i32
      %scatter3A_538 = arith.constant 0 : i32
      %scatter3A_539 = tpu.memref_slice %arg8[%scatter3A_536, %scatter3A_537, %scatter3A_538] : memref<3x128x8xf32, #tpu.memory_space<vmem>> -> memref<1x128x8xf32, #tpu.memory_space<vmem>>
      %scatter3A_540 = tpu.memref_squeeze %scatter3A_539 : memref<1x128x8xf32, #tpu.memory_space<vmem>> -> memref<128x8xf32, #tpu.memory_space<vmem>>
      tpu.vector_store_idx %scatter3A_540[%add3A_516, %broadcast_in_dim3A_535], %get3A_533 : memref<128x8xf32, #tpu.memory_space<vmem>>[vector<16xi32>, vector<16xi32>], vector<16xf32>,
      %get3A_541 = arith.constant 2 : i32
      %get3A_542 = arith.index_cast %add3A_259 : i32 to index
      %get3A_543 = arith.index_cast %get3A_541 : i32 to index
      %get3A_544 = arith.constant 80 : index
      %get3A_545 = tpu.vector_load %arg7[%get3A_542, %get3A_543, %get3A_544] {strides = array<i32>} : memref<79x4x128xf32, #tpu.memory_space<vmem>>, vector<16xf32>,
      %broadcast_in_dim3A_546 = arith.constant 2 : i32
      %broadcast_in_dim3A_547 = vector.broadcast %broadcast_in_dim3A_546 : i32 to vector<16xi32>
      %scatter3A_548 = arith.constant 0 : i32
      %scatter3A_549 = arith.constant 0 : i32
      %scatter3A_550 = arith.constant 0 : i32
      %scatter3A_551 = tpu.memref_slice %arg8[%scatter3A_548, %scatter3A_549, %scatter3A_550] : memref<3x128x8xf32, #tpu.memory_space<vmem>> -> memref<1x128x8xf32, #tpu.memory_space<vmem>>
      %scatter3A_552 = tpu.memref_squeeze %scatter3A_551 : memref<1x128x8xf32, #tpu.memory_space<vmem>> -> memref<128x8xf32, #tpu.memory_space<vmem>>
      tpu.vector_store_idx %scatter3A_552[%add3A_516, %broadcast_in_dim3A_547], %get3A_545 : memref<128x8xf32, #tpu.memory_space<vmem>>[vector<16xi32>, vector<16xi32>], vector<16xf32>,
      %get3A_553 = arith.constant 3 : i32
      %get3A_554 = arith.index_cast %add3A_259 : i32 to index
      %get3A_555 = arith.index_cast %get3A_553 : i32 to index
      %get3A_556 = arith.constant 80 : index
      %get3A_557 = tpu.vector_load %arg7[%get3A_554, %get3A_555, %get3A_556] {strides = array<i32>} : memref<79x4x128xf32, #tpu.memory_space<vmem>>, vector<16xf32>,
      %broadcast_in_dim3A_558 = arith.constant 3 : i32
      %broadcast_in_dim3A_559 = vector.broadcast %broadcast_in_dim3A_558 : i32 to vector<16xi32>
      %scatter3A_560 = arith.constant 0 : i32
      %scatter3A_561 = arith.constant 0 : i32
      %scatter3A_562 = arith.constant 0 : i32
      %scatter3A_563 = tpu.memref_slice %arg8[%scatter3A_560, %scatter3A_561, %scatter3A_562] : memref<3x128x8xf32, #tpu.memory_space<vmem>> -> memref<1x128x8xf32, #tpu.memory_space<vmem>>
      %scatter3A_564 = tpu.memref_squeeze %scatter3A_563 : memref<1x128x8xf32, #tpu.memory_space<vmem>> -> memref<128x8xf32, #tpu.memory_space<vmem>>
      tpu.vector_store_idx %scatter3A_564[%add3A_516, %broadcast_in_dim3A_559], %get3A_557 : memref<128x8xf32, #tpu.memory_space<vmem>>[vector<16xi32>, vector<16xi32>], vector<16xf32>,
      %add3A_565 = arith.constant 96 : i32
      %add3A_566 = vector.broadcast %add3A_565 : i32 to vector<16xi32>
      %add3A_567 = arith.addi %iota3A, %add3A_566 : vector<16xi32>
      %get3A_568 = arith.constant 0 : i32
      %get3A_569 = arith.index_cast %add3A_259 : i32 to index
      %get3A_570 = arith.index_cast %get3A_568 : i32 to index
      %get3A_571 = arith.constant 96 : index
      %get3A_572 = tpu.vector_load %arg7[%get3A_569, %get3A_570, %get3A_571] {strides = array<i32>} : memref<79x4x128xf32, #tpu.memory_space<vmem>>, vector<16xf32>,
      %broadcast_in_dim3A_573 = arith.constant 0 : i32
      %broadcast_in_dim3A_574 = vector.broadcast %broadcast_in_dim3A_573 : i32 to vector<16xi32>
      %scatter3A_575 = arith.constant 0 : i32
      %scatter3A_576 = arith.constant 0 : i32
      %scatter3A_577 = arith.constant 0 : i32
      %scatter3A_578 = tpu.memref_slice %arg8[%scatter3A_575, %scatter3A_576, %scatter3A_577] : memref<3x128x8xf32, #tpu.memory_space<vmem>> -> memref<1x128x8xf32, #tpu.memory_space<vmem>>
      %scatter3A_579 = tpu.memref_squeeze %scatter3A_578 : memref<1x128x8xf32, #tpu.memory_space<vmem>> -> memref<128x8xf32, #tpu.memory_space<vmem>>
      tpu.vector_store_idx %scatter3A_579[%add3A_567, %broadcast_in_dim3A_574], %get3A_572 : memref<128x8xf32, #tpu.memory_space<vmem>>[vector<16xi32>, vector<16xi32>], vector<16xf32>,
      %get3A_580 = arith.constant 1 : i32
      %get3A_581 = arith.index_cast %add3A_259 : i32 to index
      %get3A_582 = arith.index_cast %get3A_580 : i32 to index
      %get3A_583 = arith.constant 96 : index
      %get3A_584 = tpu.vector_load %arg7[%get3A_581, %get3A_582, %get3A_583] {strides = array<i32>} : memref<79x4x128xf32, #tpu.memory_space<vmem>>, vector<16xf32>,
      %broadcast_in_dim3A_585 = arith.constant 1 : i32
      %broadcast_in_dim3A_586 = vector.broadcast %broadcast_in_dim3A_585 : i32 to vector<16xi32>
      %scatter3A_587 = arith.constant 0 : i32
      %scatter3A_588 = arith.constant 0 : i32
      %scatter3A_589 = arith.constant 0 : i32
      %scatter3A_590 = tpu.memref_slice %arg8[%scatter3A_587, %scatter3A_588, %scatter3A_589] : memref<3x128x8xf32, #tpu.memory_space<vmem>> -> memref<1x128x8xf32, #tpu.memory_space<vmem>>
      %scatter3A_591 = tpu.memref_squeeze %scatter3A_590 : memref<1x128x8xf32, #tpu.memory_space<vmem>> -> memref<128x8xf32, #tpu.memory_space<vmem>>
      tpu.vector_store_idx %scatter3A_591[%add3A_567, %broadcast_in_dim3A_586], %get3A_584 : memref<128x8xf32, #tpu.memory_space<vmem>>[vector<16xi32>, vector<16xi32>], vector<16xf32>,
      %get3A_592 = arith.constant 2 : i32
      %get3A_593 = arith.index_cast %add3A_259 : i32 to index
      %get3A_594 = arith.index_cast %get3A_592 : i32 to index
      %get3A_595 = arith.constant 96 : index
      %get3A_596 = tpu.vector_load %arg7[%get3A_593, %get3A_594, %get3A_595] {strides = array<i32>} : memref<79x4x128xf32, #tpu.memory_space<vmem>>, vector<16xf32>,
      %broadcast_in_dim3A_597 = arith.constant 2 : i32
      %broadcast_in_dim3A_598 = vector.broadcast %broadcast_in_dim3A_597 : i32 to vector<16xi32>
      %scatter3A_599 = arith.constant 0 : i32
      %scatter3A_600 = arith.constant 0 : i32
      %scatter3A_601 = arith.constant 0 : i32
      %scatter3A_602 = tpu.memref_slice %arg8[%scatter3A_599, %scatter3A_600, %scatter3A_601] : memref<3x128x8xf32, #tpu.memory_space<vmem>> -> memref<1x128x8xf32, #tpu.memory_space<vmem>>
      %scatter3A_603 = tpu.memref_squeeze %scatter3A_602 : memref<1x128x8xf32, #tpu.memory_space<vmem>> -> memref<128x8xf32, #tpu.memory_space<vmem>>
      tpu.vector_store_idx %scatter3A_603[%add3A_567, %broadcast_in_dim3A_598], %get3A_596 : memref<128x8xf32, #tpu.memory_space<vmem>>[vector<16xi32>, vector<16xi32>], vector<16xf32>,
      %get3A_604 = arith.constant 3 : i32
      %get3A_605 = arith.index_cast %add3A_259 : i32 to index
      %get3A_606 = arith.index_cast %get3A_604 : i32 to index
      %get3A_607 = arith.constant 96 : index
      %get3A_608 = tpu.vector_load %arg7[%get3A_605, %get3A_606, %get3A_607] {strides = array<i32>} : memref<79x4x128xf32, #tpu.memory_space<vmem>>, vector<16xf32>,
      %broadcast_in_dim3A_609 = arith.constant 3 : i32
      %broadcast_in_dim3A_610 = vector.broadcast %broadcast_in_dim3A_609 : i32 to vector<16xi32>
      %scatter3A_611 = arith.constant 0 : i32
      %scatter3A_612 = arith.constant 0 : i32
      %scatter3A_613 = arith.constant 0 : i32
      %scatter3A_614 = tpu.memref_slice %arg8[%scatter3A_611, %scatter3A_612, %scatter3A_613] : memref<3x128x8xf32, #tpu.memory_space<vmem>> -> memref<1x128x8xf32, #tpu.memory_space<vmem>>
      %scatter3A_615 = tpu.memref_squeeze %scatter3A_614 : memref<1x128x8xf32, #tpu.memory_space<vmem>> -> memref<128x8xf32, #tpu.memory_space<vmem>>
      tpu.vector_store_idx %scatter3A_615[%add3A_567, %broadcast_in_dim3A_610], %get3A_608 : memref<128x8xf32, #tpu.memory_space<vmem>>[vector<16xi32>, vector<16xi32>], vector<16xf32>,
      %add3A_616 = arith.constant 112 : i32
      %add3A_617 = vector.broadcast %add3A_616 : i32 to vector<16xi32>
      %add3A_618 = arith.addi %iota3A, %add3A_617 : vector<16xi32>
      %get3A_619 = arith.constant 0 : i32
      %get3A_620 = arith.index_cast %add3A_259 : i32 to index
      %get3A_621 = arith.index_cast %get3A_619 : i32 to index
      %get3A_622 = arith.constant 112 : index
      %get3A_623 = tpu.vector_load %arg7[%get3A_620, %get3A_621, %get3A_622] {strides = array<i32>} : memref<79x4x128xf32, #tpu.memory_space<vmem>>, vector<16xf32>,
      %broadcast_in_dim3A_624 = arith.constant 0 : i32
      %broadcast_in_dim3A_625 = vector.broadcast %broadcast_in_dim3A_624 : i32 to vector<16xi32>
      %scatter3A_626 = arith.constant 0 : i32
      %scatter3A_627 = arith.constant 0 : i32
      %scatter3A_628 = arith.constant 0 : i32
      %scatter3A_629 = tpu.memref_slice %arg8[%scatter3A_626, %scatter3A_627, %scatter3A_628] : memref<3x128x8xf32, #tpu.memory_space<vmem>> -> memref<1x128x8xf32, #tpu.memory_space<vmem>>
      %scatter3A_630 = tpu.memref_squeeze %scatter3A_629 : memref<1x128x8xf32, #tpu.memory_space<vmem>> -> memref<128x8xf32, #tpu.memory_space<vmem>>
      tpu.vector_store_idx %scatter3A_630[%add3A_618, %broadcast_in_dim3A_625], %get3A_623 : memref<128x8xf32, #tpu.memory_space<vmem>>[vector<16xi32>, vector<16xi32>], vector<16xf32>,
      %get3A_631 = arith.constant 1 : i32
      %get3A_632 = arith.index_cast %add3A_259 : i32 to index
      %get3A_633 = arith.index_cast %get3A_631 : i32 to index
      %get3A_634 = arith.constant 112 : index
      %get3A_635 = tpu.vector_load %arg7[%get3A_632, %get3A_633, %get3A_634] {strides = array<i32>} : memref<79x4x128xf32, #tpu.memory_space<vmem>>, vector<16xf32>,
      %broadcast_in_dim3A_636 = arith.constant 1 : i32
      %broadcast_in_dim3A_637 = vector.broadcast %broadcast_in_dim3A_636 : i32 to vector<16xi32>
      %scatter3A_638 = arith.constant 0 : i32
      %scatter3A_639 = arith.constant 0 : i32
      %scatter3A_640 = arith.constant 0 : i32
      %scatter3A_641 = tpu.memref_slice %arg8[%scatter3A_638, %scatter3A_639, %scatter3A_640] : memref<3x128x8xf32, #tpu.memory_space<vmem>> -> memref<1x128x8xf32, #tpu.memory_space<vmem>>
      %scatter3A_642 = tpu.memref_squeeze %scatter3A_641 : memref<1x128x8xf32, #tpu.memory_space<vmem>> -> memref<128x8xf32, #tpu.memory_space<vmem>>
      tpu.vector_store_idx %scatter3A_642[%add3A_618, %broadcast_in_dim3A_637], %get3A_635 : memref<128x8xf32, #tpu.memory_space<vmem>>[vector<16xi32>, vector<16xi32>], vector<16xf32>,
      %get3A_643 = arith.constant 2 : i32
      %get3A_644 = arith.index_cast %add3A_259 : i32 to index
      %get3A_645 = arith.index_cast %get3A_643 : i32 to index
      %get3A_646 = arith.constant 112 : index
      %get3A_647 = tpu.vector_load %arg7[%get3A_644, %get3A_645, %get3A_646] {strides = array<i32>} : memref<79x4x128xf32, #tpu.memory_space<vmem>>, vector<16xf32>,
      %broadcast_in_dim3A_648 = arith.constant 2 : i32
      %broadcast_in_dim3A_649 = vector.broadcast %broadcast_in_dim3A_648 : i32 to vector<16xi32>
      %scatter3A_650 = arith.constant 0 : i32
      %scatter3A_651 = arith.constant 0 : i32
      %scatter3A_652 = arith.constant 0 : i32
      %scatter3A_653 = tpu.memref_slice %arg8[%scatter3A_650, %scatter3A_651, %scatter3A_652] : memref<3x128x8xf32, #tpu.memory_space<vmem>> -> memref<1x128x8xf32, #tpu.memory_space<vmem>>
      %scatter3A_654 = tpu.memref_squeeze %scatter3A_653 : memref<1x128x8xf32, #tpu.memory_space<vmem>> -> memref<128x8xf32, #tpu.memory_space<vmem>>
      tpu.vector_store_idx %scatter3A_654[%add3A_618, %broadcast_in_dim3A_649], %get3A_647 : memref<128x8xf32, #tpu.memory_space<vmem>>[vector<16xi32>, vector<16xi32>], vector<16xf32>,
      %get3A_655 = arith.constant 3 : i32
      %get3A_656 = arith.index_cast %add3A_259 : i32 to index
      %get3A_657 = arith.index_cast %get3A_655 : i32 to index
      %get3A_658 = arith.constant 112 : index
      %get3A_659 = tpu.vector_load %arg7[%get3A_656, %get3A_657, %get3A_658] {strides = array<i32>} : memref<79x4x128xf32, #tpu.memory_space<vmem>>, vector<16xf32>,
      %broadcast_in_dim3A_660 = arith.constant 3 : i32
      %broadcast_in_dim3A_661 = vector.broadcast %broadcast_in_dim3A_660 : i32 to vector<16xi32>
      %scatter3A_662 = arith.constant 0 : i32
      %scatter3A_663 = arith.constant 0 : i32
      %scatter3A_664 = arith.constant 0 : i32
      %scatter3A_665 = tpu.memref_slice %arg8[%scatter3A_662, %scatter3A_663, %scatter3A_664] : memref<3x128x8xf32, #tpu.memory_space<vmem>> -> memref<1x128x8xf32, #tpu.memory_space<vmem>>
      %scatter3A_666 = tpu.memref_squeeze %scatter3A_665 : memref<1x128x8xf32, #tpu.memory_space<vmem>> -> memref<128x8xf32, #tpu.memory_space<vmem>>
      tpu.vector_store_idx %scatter3A_666[%add3A_618, %broadcast_in_dim3A_661], %get3A_659 : memref<128x8xf32, #tpu.memory_space<vmem>>[vector<16xi32>, vector<16xi32>], vector<16xf32>,
      %add3A_667 = arith.constant 0 : i32
      %add3A_668 = arith.addi %mul3A_257, %add3A_667 : i32
      %dma_start3A_669 = arith.constant 0 : i32
      %dma_start3A_670 = arith.constant 0 : i32
      %dma_start3A_671 = arith.constant 0 : i32
      %dma_start3A_672 = arith.constant 0 : i32
      %dma_start3A_673 = tpu.memref_slice %arg8[%dma_start3A_669, %dma_start3A_671, %dma_start3A_672] : memref<3x128x8xf32, #tpu.memory_space<vmem>> -> memref<1x128x8xf32, #tpu.memory_space<vmem>>
      %dma_start3A_674 = tpu.memref_squeeze %dma_start3A_673 : memref<1x128x8xf32, #tpu.memory_space<vmem>> -> memref<128x8xf32, #tpu.memory_space<vmem>>
      %dma_start3A_675 = arith.constant 0 : i32
      %dma_start3A_676 = tpu.memref_slice %arg6[%add3A_668, %dma_start3A_670, %dma_start3A_675] : memref<79x1x128xi32, #tpu.memory_space<vmem>> -> memref<1x1x128xi32, #tpu.memory_space<vmem>>
      %dma_start3A_677 = tpu.memref_squeeze %dma_start3A_676 : memref<1x1x128xi32, #tpu.memory_space<vmem>> -> memref<128xi32, #tpu.memory_space<vmem>>
      %dma_start3A_678 = arith.constant 0 : i32
      %dma_start3A_679 = arith.constant 0 : i32
      %dma_start3A_680 = tpu.memref_slice %arg11[%dma_start3A_678, %dma_start3A_679] : memref<10000x8xf32, #tpu.memory_space<vmem_shared>> -> memref<10000x8xf32, #tpu.memory_space<vmem_shared>>
      tpu.enqueue_indirect_dma source(%dma_start3A_674 : memref<128x8xf32, #tpu.memory_space<vmem>>) target(%dma_start3A_680 : memref<10000x8xf32, #tpu.memory_space<vmem_shared>>) offsets(%dma_start3A_677 : memref<128xi32, #tpu.memory_space<vmem>>) semaphore(%arg12 : memref<!tpu.dma_semaphore, #tpu.memory_space<semaphore_mem>>) {add = true}
      %add3A_681 = arith.constant 1 : i32
      %add3A_682 = arith.addi %mul3A_257, %add3A_681 : i32
      %add3A_683 = arith.constant 0 : i32
      %add3A_684 = vector.broadcast %add3A_683 : i32 to vector<16xi32>
      %add3A_685 = arith.addi %iota3A, %add3A_684 : vector<16xi32>
      %get3A_686 = arith.constant 0 : i32
      %get3A_687 = arith.index_cast %add3A_682 : i32 to index
      %get3A_688 = arith.index_cast %get3A_686 : i32 to index
      %get3A_689 = arith.constant 0 : index
      %get3A_690 = tpu.vector_load %arg7[%get3A_687, %get3A_688, %get3A_689] {strides = array<i32>} : memref<79x4x128xf32, #tpu.memory_space<vmem>>, vector<16xf32>,
      %broadcast_in_dim3A_691 = arith.constant 0 : i32
      %broadcast_in_dim3A_692 = vector.broadcast %broadcast_in_dim3A_691 : i32 to vector<16xi32>
      %scatter3A_693 = arith.constant 1 : i32
      %scatter3A_694 = arith.constant 0 : i32
      %scatter3A_695 = arith.constant 0 : i32
      %scatter3A_696 = tpu.memref_slice %arg8[%scatter3A_693, %scatter3A_694, %scatter3A_695] : memref<3x128x8xf32, #tpu.memory_space<vmem>> -> memref<1x128x8xf32, #tpu.memory_space<vmem>>
      %scatter3A_697 = tpu.memref_squeeze %scatter3A_696 : memref<1x128x8xf32, #tpu.memory_space<vmem>> -> memref<128x8xf32, #tpu.memory_space<vmem>>
      tpu.vector_store_idx %scatter3A_697[%add3A_685, %broadcast_in_dim3A_692], %get3A_690 : memref<128x8xf32, #tpu.memory_space<vmem>>[vector<16xi32>, vector<16xi32>], vector<16xf32>,
      %get3A_698 = arith.constant 1 : i32
      %get3A_699 = arith.index_cast %add3A_682 : i32 to index
      %get3A_700 = arith.index_cast %get3A_698 : i32 to index
      %get3A_701 = arith.constant 0 : index
      %get3A_702 = tpu.vector_load %arg7[%get3A_699, %get3A_700, %get3A_701] {strides = array<i32>} : memref<79x4x128xf32, #tpu.memory_space<vmem>>, vector<16xf32>,
      %broadcast_in_dim3A_703 = arith.constant 1 : i32
      %broadcast_in_dim3A_704 = vector.broadcast %broadcast_in_dim3A_703 : i32 to vector<16xi32>
      %scatter3A_705 = arith.constant 1 : i32
      %scatter3A_706 = arith.constant 0 : i32
      %scatter3A_707 = arith.constant 0 : i32
      %scatter3A_708 = tpu.memref_slice %arg8[%scatter3A_705, %scatter3A_706, %scatter3A_707] : memref<3x128x8xf32, #tpu.memory_space<vmem>> -> memref<1x128x8xf32, #tpu.memory_space<vmem>>
      %scatter3A_709 = tpu.memref_squeeze %scatter3A_708 : memref<1x128x8xf32, #tpu.memory_space<vmem>> -> memref<128x8xf32, #tpu.memory_space<vmem>>
      tpu.vector_store_idx %scatter3A_709[%add3A_685, %broadcast_in_dim3A_704], %get3A_702 : memref<128x8xf32, #tpu.memory_space<vmem>>[vector<16xi32>, vector<16xi32>], vector<16xf32>,
      %get3A_710 = arith.constant 2 : i32
      %get3A_711 = arith.index_cast %add3A_682 : i32 to index
      %get3A_712 = arith.index_cast %get3A_710 : i32 to index
      %get3A_713 = arith.constant 0 : index
      %get3A_714 = tpu.vector_load %arg7[%get3A_711, %get3A_712, %get3A_713] {strides = array<i32>} : memref<79x4x128xf32, #tpu.memory_space<vmem>>, vector<16xf32>,
      %broadcast_in_dim3A_715 = arith.constant 2 : i32
      %broadcast_in_dim3A_716 = vector.broadcast %broadcast_in_dim3A_715 : i32 to vector<16xi32>
      %scatter3A_717 = arith.constant 1 : i32
      %scatter3A_718 = arith.constant 0 : i32
      %scatter3A_719 = arith.constant 0 : i32
      %scatter3A_720 = tpu.memref_slice %arg8[%scatter3A_717, %scatter3A_718, %scatter3A_719] : memref<3x128x8xf32, #tpu.memory_space<vmem>> -> memref<1x128x8xf32, #tpu.memory_space<vmem>>
      %scatter3A_721 = tpu.memref_squeeze %scatter3A_720 : memref<1x128x8xf32, #tpu.memory_space<vmem>> -> memref<128x8xf32, #tpu.memory_space<vmem>>
      tpu.vector_store_idx %scatter3A_721[%add3A_685, %broadcast_in_dim3A_716], %get3A_714 : memref<128x8xf32, #tpu.memory_space<vmem>>[vector<16xi32>, vector<16xi32>], vector<16xf32>,
      %get3A_722 = arith.constant 3 : i32
      %get3A_723 = arith.index_cast %add3A_682 : i32 to index
      %get3A_724 = arith.index_cast %get3A_722 : i32 to index
      %get3A_725 = arith.constant 0 : index
      %get3A_726 = tpu.vector_load %arg7[%get3A_723, %get3A_724, %get3A_725] {strides = array<i32>} : memref<79x4x128xf32, #tpu.memory_space<vmem>>, vector<16xf32>,
      %broadcast_in_dim3A_727 = arith.constant 3 : i32
      %broadcast_in_dim3A_728 = vector.broadcast %broadcast_in_dim3A_727 : i32 to vector<16xi32>
      %scatter3A_729 = arith.constant 1 : i32
      %scatter3A_730 = arith.constant 0 : i32
      %scatter3A_731 = arith.constant 0 : i32
      %scatter3A_732 = tpu.memref_slice %arg8[%scatter3A_729, %scatter3A_730, %scatter3A_731] : memref<3x128x8xf32, #tpu.memory_space<vmem>> -> memref<1x128x8xf32, #tpu.memory_space<vmem>>
      %scatter3A_733 = tpu.memref_squeeze %scatter3A_732 : memref<1x128x8xf32, #tpu.memory_space<vmem>> -> memref<128x8xf32, #tpu.memory_space<vmem>>
      tpu.vector_store_idx %scatter3A_733[%add3A_685, %broadcast_in_dim3A_728], %get3A_726 : memref<128x8xf32, #tpu.memory_space<vmem>>[vector<16xi32>, vector<16xi32>], vector<16xf32>,
      %add3A_734 = arith.constant 16 : i32
      %add3A_735 = vector.broadcast %add3A_734 : i32 to vector<16xi32>
      %add3A_736 = arith.addi %iota3A, %add3A_735 : vector<16xi32>
      %get3A_737 = arith.constant 0 : i32
      %get3A_738 = arith.index_cast %add3A_682 : i32 to index
      %get3A_739 = arith.index_cast %get3A_737 : i32 to index
      %get3A_740 = arith.constant 16 : index
      %get3A_741 = tpu.vector_load %arg7[%get3A_738, %get3A_739, %get3A_740] {strides = array<i32>} : memref<79x4x128xf32, #tpu.memory_space<vmem>>, vector<16xf32>,
      %broadcast_in_dim3A_742 = arith.constant 0 : i32
      %broadcast_in_dim3A_743 = vector.broadcast %broadcast_in_dim3A_742 : i32 to vector<16xi32>
      %scatter3A_744 = arith.constant 1 : i32
      %scatter3A_745 = arith.constant 0 : i32
      %scatter3A_746 = arith.constant 0 : i32
      %scatter3A_747 = tpu.memref_slice %arg8[%scatter3A_744, %scatter3A_745, %scatter3A_746] : memref<3x128x8xf32, #tpu.memory_space<vmem>> -> memref<1x128x8xf32, #tpu.memory_space<vmem>>
      %scatter3A_748 = tpu.memref_squeeze %scatter3A_747 : memref<1x128x8xf32, #tpu.memory_space<vmem>> -> memref<128x8xf32, #tpu.memory_space<vmem>>
      tpu.vector_store_idx %scatter3A_748[%add3A_736, %broadcast_in_dim3A_743], %get3A_741 : memref<128x8xf32, #tpu.memory_space<vmem>>[vector<16xi32>, vector<16xi32>], vector<16xf32>,
      %get3A_749 = arith.constant 1 : i32
      %get3A_750 = arith.index_cast %add3A_682 : i32 to index
      %get3A_751 = arith.index_cast %get3A_749 : i32 to index
      %get3A_752 = arith.constant 16 : index
      %get3A_753 = tpu.vector_load %arg7[%get3A_750, %get3A_751, %get3A_752] {strides = array<i32>} : memref<79x4x128xf32, #tpu.memory_space<vmem>>, vector<16xf32>,
      %broadcast_in_dim3A_754 = arith.constant 1 : i32
      %broadcast_in_dim3A_755 = vector.broadcast %broadcast_in_dim3A_754 : i32 to vector<16xi32>
      %scatter3A_756 = arith.constant 1 : i32
      %scatter3A_757 = arith.constant 0 : i32
      %scatter3A_758 = arith.constant 0 : i32
      %scatter3A_759 = tpu.memref_slice %arg8[%scatter3A_756, %scatter3A_757, %scatter3A_758] : memref<3x128x8xf32, #tpu.memory_space<vmem>> -> memref<1x128x8xf32, #tpu.memory_space<vmem>>
      %scatter3A_760 = tpu.memref_squeeze %scatter3A_759 : memref<1x128x8xf32, #tpu.memory_space<vmem>> -> memref<128x8xf32, #tpu.memory_space<vmem>>
      tpu.vector_store_idx %scatter3A_760[%add3A_736, %broadcast_in_dim3A_755], %get3A_753 : memref<128x8xf32, #tpu.memory_space<vmem>>[vector<16xi32>, vector<16xi32>], vector<16xf32>,
      %get3A_761 = arith.constant 2 : i32
      %get3A_762 = arith.index_cast %add3A_682 : i32 to index
      %get3A_763 = arith.index_cast %get3A_761 : i32 to index
      %get3A_764 = arith.constant 16 : index
      %get3A_765 = tpu.vector_load %arg7[%get3A_762, %get3A_763, %get3A_764] {strides = array<i32>} : memref<79x4x128xf32, #tpu.memory_space<vmem>>, vector<16xf32>,
      %broadcast_in_dim3A_766 = arith.constant 2 : i32
      %broadcast_in_dim3A_767 = vector.broadcast %broadcast_in_dim3A_766 : i32 to vector<16xi32>
      %scatter3A_768 = arith.constant 1 : i32
      %scatter3A_769 = arith.constant 0 : i32
      %scatter3A_770 = arith.constant 0 : i32
      %scatter3A_771 = tpu.memref_slice %arg8[%scatter3A_768, %scatter3A_769, %scatter3A_770] : memref<3x128x8xf32, #tpu.memory_space<vmem>> -> memref<1x128x8xf32, #tpu.memory_space<vmem>>
      %scatter3A_772 = tpu.memref_squeeze %scatter3A_771 : memref<1x128x8xf32, #tpu.memory_space<vmem>> -> memref<128x8xf32, #tpu.memory_space<vmem>>
      tpu.vector_store_idx %scatter3A_772[%add3A_736, %broadcast_in_dim3A_767], %get3A_765 : memref<128x8xf32, #tpu.memory_space<vmem>>[vector<16xi32>, vector<16xi32>], vector<16xf32>,
      %get3A_773 = arith.constant 3 : i32
      %get3A_774 = arith.index_cast %add3A_682 : i32 to index
      %get3A_775 = arith.index_cast %get3A_773 : i32 to index
      %get3A_776 = arith.constant 16 : index
      %get3A_777 = tpu.vector_load %arg7[%get3A_774, %get3A_775, %get3A_776] {strides = array<i32>} : memref<79x4x128xf32, #tpu.memory_space<vmem>>, vector<16xf32>,
      %broadcast_in_dim3A_778 = arith.constant 3 : i32
      %broadcast_in_dim3A_779 = vector.broadcast %broadcast_in_dim3A_778 : i32 to vector<16xi32>
      %scatter3A_780 = arith.constant 1 : i32
      %scatter3A_781 = arith.constant 0 : i32
      %scatter3A_782 = arith.constant 0 : i32
      %scatter3A_783 = tpu.memref_slice %arg8[%scatter3A_780, %scatter3A_781, %scatter3A_782] : memref<3x128x8xf32, #tpu.memory_space<vmem>> -> memref<1x128x8xf32, #tpu.memory_space<vmem>>
      %scatter3A_784 = tpu.memref_squeeze %scatter3A_783 : memref<1x128x8xf32, #tpu.memory_space<vmem>> -> memref<128x8xf32, #tpu.memory_space<vmem>>
      tpu.vector_store_idx %scatter3A_784[%add3A_736, %broadcast_in_dim3A_779], %get3A_777 : memref<128x8xf32, #tpu.memory_space<vmem>>[vector<16xi32>, vector<16xi32>], vector<16xf32>,
      %add3A_785 = arith.constant 32 : i32
      %add3A_786 = vector.broadcast %add3A_785 : i32 to vector<16xi32>
      %add3A_787 = arith.addi %iota3A, %add3A_786 : vector<16xi32>
      %get3A_788 = arith.constant 0 : i32
      %get3A_789 = arith.index_cast %add3A_682 : i32 to index
      %get3A_790 = arith.index_cast %get3A_788 : i32 to index
      %get3A_791 = arith.constant 32 : index
      %get3A_792 = tpu.vector_load %arg7[%get3A_789, %get3A_790, %get3A_791] {strides = array<i32>} : memref<79x4x128xf32, #tpu.memory_space<vmem>>, vector<16xf32>,
      %broadcast_in_dim3A_793 = arith.constant 0 : i32
      %broadcast_in_dim3A_794 = vector.broadcast %broadcast_in_dim3A_793 : i32 to vector<16xi32>
      %scatter3A_795 = arith.constant 1 : i32
      %scatter3A_796 = arith.constant 0 : i32
      %scatter3A_797 = arith.constant 0 : i32
      %scatter3A_798 = tpu.memref_slice %arg8[%scatter3A_795, %scatter3A_796, %scatter3A_797] : memref<3x128x8xf32, #tpu.memory_space<vmem>> -> memref<1x128x8xf32, #tpu.memory_space<vmem>>
      %scatter3A_799 = tpu.memref_squeeze %scatter3A_798 : memref<1x128x8xf32, #tpu.memory_space<vmem>> -> memref<128x8xf32, #tpu.memory_space<vmem>>
      tpu.vector_store_idx %scatter3A_799[%add3A_787, %broadcast_in_dim3A_794], %get3A_792 : memref<128x8xf32, #tpu.memory_space<vmem>>[vector<16xi32>, vector<16xi32>], vector<16xf32>,
      %get3A_800 = arith.constant 1 : i32
      %get3A_801 = arith.index_cast %add3A_682 : i32 to index
      %get3A_802 = arith.index_cast %get3A_800 : i32 to index
      %get3A_803 = arith.constant 32 : index
      %get3A_804 = tpu.vector_load %arg7[%get3A_801, %get3A_802, %get3A_803] {strides = array<i32>} : memref<79x4x128xf32, #tpu.memory_space<vmem>>, vector<16xf32>,
      %broadcast_in_dim3A_805 = arith.constant 1 : i32
      %broadcast_in_dim3A_806 = vector.broadcast %broadcast_in_dim3A_805 : i32 to vector<16xi32>
      %scatter3A_807 = arith.constant 1 : i32
      %scatter3A_808 = arith.constant 0 : i32
      %scatter3A_809 = arith.constant 0 : i32
      %scatter3A_810 = tpu.memref_slice %arg8[%scatter3A_807, %scatter3A_808, %scatter3A_809] : memref<3x128x8xf32, #tpu.memory_space<vmem>> -> memref<1x128x8xf32, #tpu.memory_space<vmem>>
      %scatter3A_811 = tpu.memref_squeeze %scatter3A_810 : memref<1x128x8xf32, #tpu.memory_space<vmem>> -> memref<128x8xf32, #tpu.memory_space<vmem>>
      tpu.vector_store_idx %scatter3A_811[%add3A_787, %broadcast_in_dim3A_806], %get3A_804 : memref<128x8xf32, #tpu.memory_space<vmem>>[vector<16xi32>, vector<16xi32>], vector<16xf32>,
      %get3A_812 = arith.constant 2 : i32
      %get3A_813 = arith.index_cast %add3A_682 : i32 to index
      %get3A_814 = arith.index_cast %get3A_812 : i32 to index
      %get3A_815 = arith.constant 32 : index
      %get3A_816 = tpu.vector_load %arg7[%get3A_813, %get3A_814, %get3A_815] {strides = array<i32>} : memref<79x4x128xf32, #tpu.memory_space<vmem>>, vector<16xf32>,
      %broadcast_in_dim3A_817 = arith.constant 2 : i32
      %broadcast_in_dim3A_818 = vector.broadcast %broadcast_in_dim3A_817 : i32 to vector<16xi32>
      %scatter3A_819 = arith.constant 1 : i32
      %scatter3A_820 = arith.constant 0 : i32
      %scatter3A_821 = arith.constant 0 : i32
      %scatter3A_822 = tpu.memref_slice %arg8[%scatter3A_819, %scatter3A_820, %scatter3A_821] : memref<3x128x8xf32, #tpu.memory_space<vmem>> -> memref<1x128x8xf32, #tpu.memory_space<vmem>>
      %scatter3A_823 = tpu.memref_squeeze %scatter3A_822 : memref<1x128x8xf32, #tpu.memory_space<vmem>> -> memref<128x8xf32, #tpu.memory_space<vmem>>
      tpu.vector_store_idx %scatter3A_823[%add3A_787, %broadcast_in_dim3A_818], %get3A_816 : memref<128x8xf32, #tpu.memory_space<vmem>>[vector<16xi32>, vector<16xi32>], vector<16xf32>,
      %get3A_824 = arith.constant 3 : i32
      %get3A_825 = arith.index_cast %add3A_682 : i32 to index
      %get3A_826 = arith.index_cast %get3A_824 : i32 to index
      %get3A_827 = arith.constant 32 : index
      %get3A_828 = tpu.vector_load %arg7[%get3A_825, %get3A_826, %get3A_827] {strides = array<i32>} : memref<79x4x128xf32, #tpu.memory_space<vmem>>, vector<16xf32>,
      %broadcast_in_dim3A_829 = arith.constant 3 : i32
      %broadcast_in_dim3A_830 = vector.broadcast %broadcast_in_dim3A_829 : i32 to vector<16xi32>
      %scatter3A_831 = arith.constant 1 : i32
      %scatter3A_832 = arith.constant 0 : i32
      %scatter3A_833 = arith.constant 0 : i32
      %scatter3A_834 = tpu.memref_slice %arg8[%scatter3A_831, %scatter3A_832, %scatter3A_833] : memref<3x128x8xf32, #tpu.memory_space<vmem>> -> memref<1x128x8xf32, #tpu.memory_space<vmem>>
      %scatter3A_835 = tpu.memref_squeeze %scatter3A_834 : memref<1x128x8xf32, #tpu.memory_space<vmem>> -> memref<128x8xf32, #tpu.memory_space<vmem>>
      tpu.vector_store_idx %scatter3A_835[%add3A_787, %broadcast_in_dim3A_830], %get3A_828 : memref<128x8xf32, #tpu.memory_space<vmem>>[vector<16xi32>, vector<16xi32>], vector<16xf32>,
      %add3A_836 = arith.constant 48 : i32
      %add3A_837 = vector.broadcast %add3A_836 : i32 to vector<16xi32>
      %add3A_838 = arith.addi %iota3A, %add3A_837 : vector<16xi32>
      %get3A_839 = arith.constant 0 : i32
      %get3A_840 = arith.index_cast %add3A_682 : i32 to index
      %get3A_841 = arith.index_cast %get3A_839 : i32 to index
      %get3A_842 = arith.constant 48 : index
      %get3A_843 = tpu.vector_load %arg7[%get3A_840, %get3A_841, %get3A_842] {strides = array<i32>} : memref<79x4x128xf32, #tpu.memory_space<vmem>>, vector<16xf32>,
      %broadcast_in_dim3A_844 = arith.constant 0 : i32
      %broadcast_in_dim3A_845 = vector.broadcast %broadcast_in_dim3A_844 : i32 to vector<16xi32>
      %scatter3A_846 = arith.constant 1 : i32
      %scatter3A_847 = arith.constant 0 : i32
      %scatter3A_848 = arith.constant 0 : i32
      %scatter3A_849 = tpu.memref_slice %arg8[%scatter3A_846, %scatter3A_847, %scatter3A_848] : memref<3x128x8xf32, #tpu.memory_space<vmem>> -> memref<1x128x8xf32, #tpu.memory_space<vmem>>
      %scatter3A_850 = tpu.memref_squeeze %scatter3A_849 : memref<1x128x8xf32, #tpu.memory_space<vmem>> -> memref<128x8xf32, #tpu.memory_space<vmem>>
      tpu.vector_store_idx %scatter3A_850[%add3A_838, %broadcast_in_dim3A_845], %get3A_843 : memref<128x8xf32, #tpu.memory_space<vmem>>[vector<16xi32>, vector<16xi32>], vector<16xf32>,
      %get3A_851 = arith.constant 1 : i32
      %get3A_852 = arith.index_cast %add3A_682 : i32 to index
      %get3A_853 = arith.index_cast %get3A_851 : i32 to index
      %get3A_854 = arith.constant 48 : index
      %get3A_855 = tpu.vector_load %arg7[%get3A_852, %get3A_853, %get3A_854] {strides = array<i32>} : memref<79x4x128xf32, #tpu.memory_space<vmem>>, vector<16xf32>,
      %broadcast_in_dim3A_856 = arith.constant 1 : i32
      %broadcast_in_dim3A_857 = vector.broadcast %broadcast_in_dim3A_856 : i32 to vector<16xi32>
      %scatter3A_858 = arith.constant 1 : i32
      %scatter3A_859 = arith.constant 0 : i32
      %scatter3A_860 = arith.constant 0 : i32
      %scatter3A_861 = tpu.memref_slice %arg8[%scatter3A_858, %scatter3A_859, %scatter3A_860] : memref<3x128x8xf32, #tpu.memory_space<vmem>> -> memref<1x128x8xf32, #tpu.memory_space<vmem>>
      %scatter3A_862 = tpu.memref_squeeze %scatter3A_861 : memref<1x128x8xf32, #tpu.memory_space<vmem>> -> memref<128x8xf32, #tpu.memory_space<vmem>>
      tpu.vector_store_idx %scatter3A_862[%add3A_838, %broadcast_in_dim3A_857], %get3A_855 : memref<128x8xf32, #tpu.memory_space<vmem>>[vector<16xi32>, vector<16xi32>], vector<16xf32>,
      %get3A_863 = arith.constant 2 : i32
      %get3A_864 = arith.index_cast %add3A_682 : i32 to index
      %get3A_865 = arith.index_cast %get3A_863 : i32 to index
      %get3A_866 = arith.constant 48 : index
      %get3A_867 = tpu.vector_load %arg7[%get3A_864, %get3A_865, %get3A_866] {strides = array<i32>} : memref<79x4x128xf32, #tpu.memory_space<vmem>>, vector<16xf32>,
      %broadcast_in_dim3A_868 = arith.constant 2 : i32
      %broadcast_in_dim3A_869 = vector.broadcast %broadcast_in_dim3A_868 : i32 to vector<16xi32>
      %scatter3A_870 = arith.constant 1 : i32
      %scatter3A_871 = arith.constant 0 : i32
      %scatter3A_872 = arith.constant 0 : i32
      %scatter3A_873 = tpu.memref_slice %arg8[%scatter3A_870, %scatter3A_871, %scatter3A_872] : memref<3x128x8xf32, #tpu.memory_space<vmem>> -> memref<1x128x8xf32, #tpu.memory_space<vmem>>
      %scatter3A_874 = tpu.memref_squeeze %scatter3A_873 : memref<1x128x8xf32, #tpu.memory_space<vmem>> -> memref<128x8xf32, #tpu.memory_space<vmem>>
      tpu.vector_store_idx %scatter3A_874[%add3A_838, %broadcast_in_dim3A_869], %get3A_867 : memref<128x8xf32, #tpu.memory_space<vmem>>[vector<16xi32>, vector<16xi32>], vector<16xf32>,
      %get3A_875 = arith.constant 3 : i32
      %get3A_876 = arith.index_cast %add3A_682 : i32 to index
      %get3A_877 = arith.index_cast %get3A_875 : i32 to index
      %get3A_878 = arith.constant 48 : index
      %get3A_879 = tpu.vector_load %arg7[%get3A_876, %get3A_877, %get3A_878] {strides = array<i32>} : memref<79x4x128xf32, #tpu.memory_space<vmem>>, vector<16xf32>,
      %broadcast_in_dim3A_880 = arith.constant 3 : i32
      %broadcast_in_dim3A_881 = vector.broadcast %broadcast_in_dim3A_880 : i32 to vector<16xi32>
      %scatter3A_882 = arith.constant 1 : i32
      %scatter3A_883 = arith.constant 0 : i32
      %scatter3A_884 = arith.constant 0 : i32
      %scatter3A_885 = tpu.memref_slice %arg8[%scatter3A_882, %scatter3A_883, %scatter3A_884] : memref<3x128x8xf32, #tpu.memory_space<vmem>> -> memref<1x128x8xf32, #tpu.memory_space<vmem>>
      %scatter3A_886 = tpu.memref_squeeze %scatter3A_885 : memref<1x128x8xf32, #tpu.memory_space<vmem>> -> memref<128x8xf32, #tpu.memory_space<vmem>>
      tpu.vector_store_idx %scatter3A_886[%add3A_838, %broadcast_in_dim3A_881], %get3A_879 : memref<128x8xf32, #tpu.memory_space<vmem>>[vector<16xi32>, vector<16xi32>], vector<16xf32>,
      %add3A_887 = arith.constant 64 : i32
      %add3A_888 = vector.broadcast %add3A_887 : i32 to vector<16xi32>
      %add3A_889 = arith.addi %iota3A, %add3A_888 : vector<16xi32>
      %get3A_890 = arith.constant 0 : i32
      %get3A_891 = arith.index_cast %add3A_682 : i32 to index
      %get3A_892 = arith.index_cast %get3A_890 : i32 to index
      %get3A_893 = arith.constant 64 : index
      %get3A_894 = tpu.vector_load %arg7[%get3A_891, %get3A_892, %get3A_893] {strides = array<i32>} : memref<79x4x128xf32, #tpu.memory_space<vmem>>, vector<16xf32>,
      %broadcast_in_dim3A_895 = arith.constant 0 : i32
      %broadcast_in_dim3A_896 = vector.broadcast %broadcast_in_dim3A_895 : i32 to vector<16xi32>
      %scatter3A_897 = arith.constant 1 : i32
      %scatter3A_898 = arith.constant 0 : i32
      %scatter3A_899 = arith.constant 0 : i32
      %scatter3A_900 = tpu.memref_slice %arg8[%scatter3A_897, %scatter3A_898, %scatter3A_899] : memref<3x128x8xf32, #tpu.memory_space<vmem>> -> memref<1x128x8xf32, #tpu.memory_space<vmem>>
      %scatter3A_901 = tpu.memref_squeeze %scatter3A_900 : memref<1x128x8xf32, #tpu.memory_space<vmem>> -> memref<128x8xf32, #tpu.memory_space<vmem>>
      tpu.vector_store_idx %scatter3A_901[%add3A_889, %broadcast_in_dim3A_896], %get3A_894 : memref<128x8xf32, #tpu.memory_space<vmem>>[vector<16xi32>, vector<16xi32>], vector<16xf32>,
      %get3A_902 = arith.constant 1 : i32
      %get3A_903 = arith.index_cast %add3A_682 : i32 to index
      %get3A_904 = arith.index_cast %get3A_902 : i32 to index
      %get3A_905 = arith.constant 64 : index
      %get3A_906 = tpu.vector_load %arg7[%get3A_903, %get3A_904, %get3A_905] {strides = array<i32>} : memref<79x4x128xf32, #tpu.memory_space<vmem>>, vector<16xf32>,
      %broadcast_in_dim3A_907 = arith.constant 1 : i32
      %broadcast_in_dim3A_908 = vector.broadcast %broadcast_in_dim3A_907 : i32 to vector<16xi32>
      %scatter3A_909 = arith.constant 1 : i32
      %scatter3A_910 = arith.constant 0 : i32
      %scatter3A_911 = arith.constant 0 : i32
      %scatter3A_912 = tpu.memref_slice %arg8[%scatter3A_909, %scatter3A_910, %scatter3A_911] : memref<3x128x8xf32, #tpu.memory_space<vmem>> -> memref<1x128x8xf32, #tpu.memory_space<vmem>>
      %scatter3A_913 = tpu.memref_squeeze %scatter3A_912 : memref<1x128x8xf32, #tpu.memory_space<vmem>> -> memref<128x8xf32, #tpu.memory_space<vmem>>
      tpu.vector_store_idx %scatter3A_913[%add3A_889, %broadcast_in_dim3A_908], %get3A_906 : memref<128x8xf32, #tpu.memory_space<vmem>>[vector<16xi32>, vector<16xi32>], vector<16xf32>,
      %get3A_914 = arith.constant 2 : i32
      %get3A_915 = arith.index_cast %add3A_682 : i32 to index
      %get3A_916 = arith.index_cast %get3A_914 : i32 to index
      %get3A_917 = arith.constant 64 : index
      %get3A_918 = tpu.vector_load %arg7[%get3A_915, %get3A_916, %get3A_917] {strides = array<i32>} : memref<79x4x128xf32, #tpu.memory_space<vmem>>, vector<16xf32>,
      %broadcast_in_dim3A_919 = arith.constant 2 : i32
      %broadcast_in_dim3A_920 = vector.broadcast %broadcast_in_dim3A_919 : i32 to vector<16xi32>
      %scatter3A_921 = arith.constant 1 : i32
      %scatter3A_922 = arith.constant 0 : i32
      %scatter3A_923 = arith.constant 0 : i32
      %scatter3A_924 = tpu.memref_slice %arg8[%scatter3A_921, %scatter3A_922, %scatter3A_923] : memref<3x128x8xf32, #tpu.memory_space<vmem>> -> memref<1x128x8xf32, #tpu.memory_space<vmem>>
      %scatter3A_925 = tpu.memref_squeeze %scatter3A_924 : memref<1x128x8xf32, #tpu.memory_space<vmem>> -> memref<128x8xf32, #tpu.memory_space<vmem>>
      tpu.vector_store_idx %scatter3A_925[%add3A_889, %broadcast_in_dim3A_920], %get3A_918 : memref<128x8xf32, #tpu.memory_space<vmem>>[vector<16xi32>, vector<16xi32>], vector<16xf32>,
      %get3A_926 = arith.constant 3 : i32
      %get3A_927 = arith.index_cast %add3A_682 : i32 to index
      %get3A_928 = arith.index_cast %get3A_926 : i32 to index
      %get3A_929 = arith.constant 64 : index
      %get3A_930 = tpu.vector_load %arg7[%get3A_927, %get3A_928, %get3A_929] {strides = array<i32>} : memref<79x4x128xf32, #tpu.memory_space<vmem>>, vector<16xf32>,
      %broadcast_in_dim3A_931 = arith.constant 3 : i32
      %broadcast_in_dim3A_932 = vector.broadcast %broadcast_in_dim3A_931 : i32 to vector<16xi32>
      %scatter3A_933 = arith.constant 1 : i32
      %scatter3A_934 = arith.constant 0 : i32
      %scatter3A_935 = arith.constant 0 : i32
      %scatter3A_936 = tpu.memref_slice %arg8[%scatter3A_933, %scatter3A_934, %scatter3A_935] : memref<3x128x8xf32, #tpu.memory_space<vmem>> -> memref<1x128x8xf32, #tpu.memory_space<vmem>>
      %scatter3A_937 = tpu.memref_squeeze %scatter3A_936 : memref<1x128x8xf32, #tpu.memory_space<vmem>> -> memref<128x8xf32, #tpu.memory_space<vmem>>
      tpu.vector_store_idx %scatter3A_937[%add3A_889, %broadcast_in_dim3A_932], %get3A_930 : memref<128x8xf32, #tpu.memory_space<vmem>>[vector<16xi32>, vector<16xi32>], vector<16xf32>,
      %add3A_938 = arith.constant 80 : i32
      %add3A_939 = vector.broadcast %add3A_938 : i32 to vector<16xi32>
      %add3A_940 = arith.addi %iota3A, %add3A_939 : vector<16xi32>
      %get3A_941 = arith.constant 0 : i32
      %get3A_942 = arith.index_cast %add3A_682 : i32 to index
      %get3A_943 = arith.index_cast %get3A_941 : i32 to index
      %get3A_944 = arith.constant 80 : index
      %get3A_945 = tpu.vector_load %arg7[%get3A_942, %get3A_943, %get3A_944] {strides = array<i32>} : memref<79x4x128xf32, #tpu.memory_space<vmem>>, vector<16xf32>,
      %broadcast_in_dim3A_946 = arith.constant 0 : i32
      %broadcast_in_dim3A_947 = vector.broadcast %broadcast_in_dim3A_946 : i32 to vector<16xi32>
      %scatter3A_948 = arith.constant 1 : i32
      %scatter3A_949 = arith.constant 0 : i32
      %scatter3A_950 = arith.constant 0 : i32
      %scatter3A_951 = tpu.memref_slice %arg8[%scatter3A_948, %scatter3A_949, %scatter3A_950] : memref<3x128x8xf32, #tpu.memory_space<vmem>> -> memref<1x128x8xf32, #tpu.memory_space<vmem>>
      %scatter3A_952 = tpu.memref_squeeze %scatter3A_951 : memref<1x128x8xf32, #tpu.memory_space<vmem>> -> memref<128x8xf32, #tpu.memory_space<vmem>>
      tpu.vector_store_idx %scatter3A_952[%add3A_940, %broadcast_in_dim3A_947], %get3A_945 : memref<128x8xf32, #tpu.memory_space<vmem>>[vector<16xi32>, vector<16xi32>], vector<16xf32>,
      %get3A_953 = arith.constant 1 : i32
      %get3A_954 = arith.index_cast %add3A_682 : i32 to index
      %get3A_955 = arith.index_cast %get3A_953 : i32 to index
      %get3A_956 = arith.constant 80 : index
      %get3A_957 = tpu.vector_load %arg7[%get3A_954, %get3A_955, %get3A_956] {strides = array<i32>} : memref<79x4x128xf32, #tpu.memory_space<vmem>>, vector<16xf32>,
      %broadcast_in_dim3A_958 = arith.constant 1 : i32
      %broadcast_in_dim3A_959 = vector.broadcast %broadcast_in_dim3A_958 : i32 to vector<16xi32>
      %scatter3A_960 = arith.constant 1 : i32
      %scatter3A_961 = arith.constant 0 : i32
      %scatter3A_962 = arith.constant 0 : i32
      %scatter3A_963 = tpu.memref_slice %arg8[%scatter3A_960, %scatter3A_961, %scatter3A_962] : memref<3x128x8xf32, #tpu.memory_space<vmem>> -> memref<1x128x8xf32, #tpu.memory_space<vmem>>
      %scatter3A_964 = tpu.memref_squeeze %scatter3A_963 : memref<1x128x8xf32, #tpu.memory_space<vmem>> -> memref<128x8xf32, #tpu.memory_space<vmem>>
      tpu.vector_store_idx %scatter3A_964[%add3A_940, %broadcast_in_dim3A_959], %get3A_957 : memref<128x8xf32, #tpu.memory_space<vmem>>[vector<16xi32>, vector<16xi32>], vector<16xf32>,
      %get3A_965 = arith.constant 2 : i32
      %get3A_966 = arith.index_cast %add3A_682 : i32 to index
      %get3A_967 = arith.index_cast %get3A_965 : i32 to index
      %get3A_968 = arith.constant 80 : index
      %get3A_969 = tpu.vector_load %arg7[%get3A_966, %get3A_967, %get3A_968] {strides = array<i32>} : memref<79x4x128xf32, #tpu.memory_space<vmem>>, vector<16xf32>,
      %broadcast_in_dim3A_970 = arith.constant 2 : i32
      %broadcast_in_dim3A_971 = vector.broadcast %broadcast_in_dim3A_970 : i32 to vector<16xi32>
      %scatter3A_972 = arith.constant 1 : i32
      %scatter3A_973 = arith.constant 0 : i32
      %scatter3A_974 = arith.constant 0 : i32
      %scatter3A_975 = tpu.memref_slice %arg8[%scatter3A_972, %scatter3A_973, %scatter3A_974] : memref<3x128x8xf32, #tpu.memory_space<vmem>> -> memref<1x128x8xf32, #tpu.memory_space<vmem>>
      %scatter3A_976 = tpu.memref_squeeze %scatter3A_975 : memref<1x128x8xf32, #tpu.memory_space<vmem>> -> memref<128x8xf32, #tpu.memory_space<vmem>>
      tpu.vector_store_idx %scatter3A_976[%add3A_940, %broadcast_in_dim3A_971], %get3A_969 : memref<128x8xf32, #tpu.memory_space<vmem>>[vector<16xi32>, vector<16xi32>], vector<16xf32>,
      %get3A_977 = arith.constant 3 : i32
      %get3A_978 = arith.index_cast %add3A_682 : i32 to index
      %get3A_979 = arith.index_cast %get3A_977 : i32 to index
      %get3A_980 = arith.constant 80 : index
      %get3A_981 = tpu.vector_load %arg7[%get3A_978, %get3A_979, %get3A_980] {strides = array<i32>} : memref<79x4x128xf32, #tpu.memory_space<vmem>>, vector<16xf32>,
      %broadcast_in_dim3A_982 = arith.constant 3 : i32
      %broadcast_in_dim3A_983 = vector.broadcast %broadcast_in_dim3A_982 : i32 to vector<16xi32>
      %scatter3A_984 = arith.constant 1 : i32
      %scatter3A_985 = arith.constant 0 : i32
      %scatter3A_986 = arith.constant 0 : i32
      %scatter3A_987 = tpu.memref_slice %arg8[%scatter3A_984, %scatter3A_985, %scatter3A_986] : memref<3x128x8xf32, #tpu.memory_space<vmem>> -> memref<1x128x8xf32, #tpu.memory_space<vmem>>
      %scatter3A_988 = tpu.memref_squeeze %scatter3A_987 : memref<1x128x8xf32, #tpu.memory_space<vmem>> -> memref<128x8xf32, #tpu.memory_space<vmem>>
      tpu.vector_store_idx %scatter3A_988[%add3A_940, %broadcast_in_dim3A_983], %get3A_981 : memref<128x8xf32, #tpu.memory_space<vmem>>[vector<16xi32>, vector<16xi32>], vector<16xf32>,
      %add3A_989 = arith.constant 96 : i32
      %add3A_990 = vector.broadcast %add3A_989 : i32 to vector<16xi32>
      %add3A_991 = arith.addi %iota3A, %add3A_990 : vector<16xi32>
      %get3A_992 = arith.constant 0 : i32
      %get3A_993 = arith.index_cast %add3A_682 : i32 to index
      %get3A_994 = arith.index_cast %get3A_992 : i32 to index
      %get3A_995 = arith.constant 96 : index
      %get3A_996 = tpu.vector_load %arg7[%get3A_993, %get3A_994, %get3A_995] {strides = array<i32>} : memref<79x4x128xf32, #tpu.memory_space<vmem>>, vector<16xf32>,
      %broadcast_in_dim3A_997 = arith.constant 0 : i32
      %broadcast_in_dim3A_998 = vector.broadcast %broadcast_in_dim3A_997 : i32 to vector<16xi32>
      %scatter3A_999 = arith.constant 1 : i32
      %scatter3A_1000 = arith.constant 0 : i32
      %scatter3A_1001 = arith.constant 0 : i32
      %scatter3A_1002 = tpu.memref_slice %arg8[%scatter3A_999, %scatter3A_1000, %scatter3A_1001] : memref<3x128x8xf32, #tpu.memory_space<vmem>> -> memref<1x128x8xf32, #tpu.memory_space<vmem>>
      %scatter3A_1003 = tpu.memref_squeeze %scatter3A_1002 : memref<1x128x8xf32, #tpu.memory_space<vmem>> -> memref<128x8xf32, #tpu.memory_space<vmem>>
      tpu.vector_store_idx %scatter3A_1003[%add3A_991, %broadcast_in_dim3A_998], %get3A_996 : memref<128x8xf32, #tpu.memory_space<vmem>>[vector<16xi32>, vector<16xi32>], vector<16xf32>,
      %get3A_1004 = arith.constant 1 : i32
      %get3A_1005 = arith.index_cast %add3A_682 : i32 to index
      %get3A_1006 = arith.index_cast %get3A_1004 : i32 to index
      %get3A_1007 = arith.constant 96 : index
      %get3A_1008 = tpu.vector_load %arg7[%get3A_1005, %get3A_1006, %get3A_1007] {strides = array<i32>} : memref<79x4x128xf32, #tpu.memory_space<vmem>>, vector<16xf32>,
      %broadcast_in_dim3A_1009 = arith.constant 1 : i32
      %broadcast_in_dim3A_1010 = vector.broadcast %broadcast_in_dim3A_1009 : i32 to vector<16xi32>
      %scatter3A_1011 = arith.constant 1 : i32
      %scatter3A_1012 = arith.constant 0 : i32
      %scatter3A_1013 = arith.constant 0 : i32
      %scatter3A_1014 = tpu.memref_slice %arg8[%scatter3A_1011, %scatter3A_1012, %scatter3A_1013] : memref<3x128x8xf32, #tpu.memory_space<vmem>> -> memref<1x128x8xf32, #tpu.memory_space<vmem>>
      %scatter3A_1015 = tpu.memref_squeeze %scatter3A_1014 : memref<1x128x8xf32, #tpu.memory_space<vmem>> -> memref<128x8xf32, #tpu.memory_space<vmem>>
      tpu.vector_store_idx %scatter3A_1015[%add3A_991, %broadcast_in_dim3A_1010], %get3A_1008 : memref<128x8xf32, #tpu.memory_space<vmem>>[vector<16xi32>, vector<16xi32>], vector<16xf32>,
      %get3A_1016 = arith.constant 2 : i32
      %get3A_1017 = arith.index_cast %add3A_682 : i32 to index
      %get3A_1018 = arith.index_cast %get3A_1016 : i32 to index
      %get3A_1019 = arith.constant 96 : index
      %get3A_1020 = tpu.vector_load %arg7[%get3A_1017, %get3A_1018, %get3A_1019] {strides = array<i32>} : memref<79x4x128xf32, #tpu.memory_space<vmem>>, vector<16xf32>,
      %broadcast_in_dim3A_1021 = arith.constant 2 : i32
      %broadcast_in_dim3A_1022 = vector.broadcast %broadcast_in_dim3A_1021 : i32 to vector<16xi32>
      %scatter3A_1023 = arith.constant 1 : i32
      %scatter3A_1024 = arith.constant 0 : i32
      %scatter3A_1025 = arith.constant 0 : i32
      %scatter3A_1026 = tpu.memref_slice %arg8[%scatter3A_1023, %scatter3A_1024, %scatter3A_1025] : memref<3x128x8xf32, #tpu.memory_space<vmem>> -> memref<1x128x8xf32, #tpu.memory_space<vmem>>
      %scatter3A_1027 = tpu.memref_squeeze %scatter3A_1026 : memref<1x128x8xf32, #tpu.memory_space<vmem>> -> memref<128x8xf32, #tpu.memory_space<vmem>>
      tpu.vector_store_idx %scatter3A_1027[%add3A_991, %broadcast_in_dim3A_1022], %get3A_1020 : memref<128x8xf32, #tpu.memory_space<vmem>>[vector<16xi32>, vector<16xi32>], vector<16xf32>,
      %get3A_1028 = arith.constant 3 : i32
      %get3A_1029 = arith.index_cast %add3A_682 : i32 to index
      %get3A_1030 = arith.index_cast %get3A_1028 : i32 to index
      %get3A_1031 = arith.constant 96 : index
      %get3A_1032 = tpu.vector_load %arg7[%get3A_1029, %get3A_1030, %get3A_1031] {strides = array<i32>} : memref<79x4x128xf32, #tpu.memory_space<vmem>>, vector<16xf32>,
      %broadcast_in_dim3A_1033 = arith.constant 3 : i32
      %broadcast_in_dim3A_1034 = vector.broadcast %broadcast_in_dim3A_1033 : i32 to vector<16xi32>
      %scatter3A_1035 = arith.constant 1 : i32
      %scatter3A_1036 = arith.constant 0 : i32
      %scatter3A_1037 = arith.constant 0 : i32
      %scatter3A_1038 = tpu.memref_slice %arg8[%scatter3A_1035, %scatter3A_1036, %scatter3A_1037] : memref<3x128x8xf32, #tpu.memory_space<vmem>> -> memref<1x128x8xf32, #tpu.memory_space<vmem>>
      %scatter3A_1039 = tpu.memref_squeeze %scatter3A_1038 : memref<1x128x8xf32, #tpu.memory_space<vmem>> -> memref<128x8xf32, #tpu.memory_space<vmem>>
      tpu.vector_store_idx %scatter3A_1039[%add3A_991, %broadcast_in_dim3A_1034], %get3A_1032 : memref<128x8xf32, #tpu.memory_space<vmem>>[vector<16xi32>, vector<16xi32>], vector<16xf32>,
      %add3A_1040 = arith.constant 112 : i32
      %add3A_1041 = vector.broadcast %add3A_1040 : i32 to vector<16xi32>
      %add3A_1042 = arith.addi %iota3A, %add3A_1041 : vector<16xi32>
      %get3A_1043 = arith.constant 0 : i32
      %get3A_1044 = arith.index_cast %add3A_682 : i32 to index
      %get3A_1045 = arith.index_cast %get3A_1043 : i32 to index
      %get3A_1046 = arith.constant 112 : index
      %get3A_1047 = tpu.vector_load %arg7[%get3A_1044, %get3A_1045, %get3A_1046] {strides = array<i32>} : memref<79x4x128xf32, #tpu.memory_space<vmem>>, vector<16xf32>,
      %broadcast_in_dim3A_1048 = arith.constant 0 : i32
      %broadcast_in_dim3A_1049 = vector.broadcast %broadcast_in_dim3A_1048 : i32 to vector<16xi32>
      %scatter3A_1050 = arith.constant 1 : i32
      %scatter3A_1051 = arith.constant 0 : i32
      %scatter3A_1052 = arith.constant 0 : i32
      %scatter3A_1053 = tpu.memref_slice %arg8[%scatter3A_1050, %scatter3A_1051, %scatter3A_1052] : memref<3x128x8xf32, #tpu.memory_space<vmem>> -> memref<1x128x8xf32, #tpu.memory_space<vmem>>
      %scatter3A_1054 = tpu.memref_squeeze %scatter3A_1053 : memref<1x128x8xf32, #tpu.memory_space<vmem>> -> memref<128x8xf32, #tpu.memory_space<vmem>>
      tpu.vector_store_idx %scatter3A_1054[%add3A_1042, %broadcast_in_dim3A_1049], %get3A_1047 : memref<128x8xf32, #tpu.memory_space<vmem>>[vector<16xi32>, vector<16xi32>], vector<16xf32>,
      %get3A_1055 = arith.constant 1 : i32
      %get3A_1056 = arith.index_cast %add3A_682 : i32 to index
      %get3A_1057 = arith.index_cast %get3A_1055 : i32 to index
      %get3A_1058 = arith.constant 112 : index
      %get3A_1059 = tpu.vector_load %arg7[%get3A_1056, %get3A_1057, %get3A_1058] {strides = array<i32>} : memref<79x4x128xf32, #tpu.memory_space<vmem>>, vector<16xf32>,
      %broadcast_in_dim3A_1060 = arith.constant 1 : i32
      %broadcast_in_dim3A_1061 = vector.broadcast %broadcast_in_dim3A_1060 : i32 to vector<16xi32>
      %scatter3A_1062 = arith.constant 1 : i32
      %scatter3A_1063 = arith.constant 0 : i32
      %scatter3A_1064 = arith.constant 0 : i32
      %scatter3A_1065 = tpu.memref_slice %arg8[%scatter3A_1062, %scatter3A_1063, %scatter3A_1064] : memref<3x128x8xf32, #tpu.memory_space<vmem>> -> memref<1x128x8xf32, #tpu.memory_space<vmem>>
      %scatter3A_1066 = tpu.memref_squeeze %scatter3A_1065 : memref<1x128x8xf32, #tpu.memory_space<vmem>> -> memref<128x8xf32, #tpu.memory_space<vmem>>
      tpu.vector_store_idx %scatter3A_1066[%add3A_1042, %broadcast_in_dim3A_1061], %get3A_1059 : memref<128x8xf32, #tpu.memory_space<vmem>>[vector<16xi32>, vector<16xi32>], vector<16xf32>,
      %get3A_1067 = arith.constant 2 : i32
      %get3A_1068 = arith.index_cast %add3A_682 : i32 to index
      %get3A_1069 = arith.index_cast %get3A_1067 : i32 to index
      %get3A_1070 = arith.constant 112 : index
      %get3A_1071 = tpu.vector_load %arg7[%get3A_1068, %get3A_1069, %get3A_1070] {strides = array<i32>} : memref<79x4x128xf32, #tpu.memory_space<vmem>>, vector<16xf32>,
      %broadcast_in_dim3A_1072 = arith.constant 2 : i32
      %broadcast_in_dim3A_1073 = vector.broadcast %broadcast_in_dim3A_1072 : i32 to vector<16xi32>
      %scatter3A_1074 = arith.constant 1 : i32
      %scatter3A_1075 = arith.constant 0 : i32
      %scatter3A_1076 = arith.constant 0 : i32
      %scatter3A_1077 = tpu.memref_slice %arg8[%scatter3A_1074, %scatter3A_1075, %scatter3A_1076] : memref<3x128x8xf32, #tpu.memory_space<vmem>> -> memref<1x128x8xf32, #tpu.memory_space<vmem>>
      %scatter3A_1078 = tpu.memref_squeeze %scatter3A_1077 : memref<1x128x8xf32, #tpu.memory_space<vmem>> -> memref<128x8xf32, #tpu.memory_space<vmem>>
      tpu.vector_store_idx %scatter3A_1078[%add3A_1042, %broadcast_in_dim3A_1073], %get3A_1071 : memref<128x8xf32, #tpu.memory_space<vmem>>[vector<16xi32>, vector<16xi32>], vector<16xf32>,
      %get3A_1079 = arith.constant 3 : i32
      %get3A_1080 = arith.index_cast %add3A_682 : i32 to index
      %get3A_1081 = arith.index_cast %get3A_1079 : i32 to index
      %get3A_1082 = arith.constant 112 : index
      %get3A_1083 = tpu.vector_load %arg7[%get3A_1080, %get3A_1081, %get3A_1082] {strides = array<i32>} : memref<79x4x128xf32, #tpu.memory_space<vmem>>, vector<16xf32>,
      %broadcast_in_dim3A_1084 = arith.constant 3 : i32
      %broadcast_in_dim3A_1085 = vector.broadcast %broadcast_in_dim3A_1084 : i32 to vector<16xi32>
      %scatter3A_1086 = arith.constant 1 : i32
      %scatter3A_1087 = arith.constant 0 : i32
      %scatter3A_1088 = arith.constant 0 : i32
      %scatter3A_1089 = tpu.memref_slice %arg8[%scatter3A_1086, %scatter3A_1087, %scatter3A_1088] : memref<3x128x8xf32, #tpu.memory_space<vmem>> -> memref<1x128x8xf32, #tpu.memory_space<vmem>>
      %scatter3A_1090 = tpu.memref_squeeze %scatter3A_1089 : memref<1x128x8xf32, #tpu.memory_space<vmem>> -> memref<128x8xf32, #tpu.memory_space<vmem>>
      tpu.vector_store_idx %scatter3A_1090[%add3A_1042, %broadcast_in_dim3A_1085], %get3A_1083 : memref<128x8xf32, #tpu.memory_space<vmem>>[vector<16xi32>, vector<16xi32>], vector<16xf32>,
      %add3A_1091 = arith.constant 1 : i32
      %add3A_1092 = arith.addi %mul3A_257, %add3A_1091 : i32
      %dma_start3A_1093 = arith.constant 1 : i32
      %dma_start3A_1094 = arith.constant 0 : i32
      %dma_start3A_1095 = arith.constant 0 : i32
      %dma_start3A_1096 = arith.constant 0 : i32
      %dma_start3A_1097 = tpu.memref_slice %arg8[%dma_start3A_1093, %dma_start3A_1095, %dma_start3A_1096] : memref<3x128x8xf32, #tpu.memory_space<vmem>> -> memref<1x128x8xf32, #tpu.memory_space<vmem>>
      %dma_start3A_1098 = tpu.memref_squeeze %dma_start3A_1097 : memref<1x128x8xf32, #tpu.memory_space<vmem>> -> memref<128x8xf32, #tpu.memory_space<vmem>>
      %dma_start3A_1099 = arith.constant 0 : i32
      %dma_start3A_1100 = tpu.memref_slice %arg6[%add3A_1092, %dma_start3A_1094, %dma_start3A_1099] : memref<79x1x128xi32, #tpu.memory_space<vmem>> -> memref<1x1x128xi32, #tpu.memory_space<vmem>>
      %dma_start3A_1101 = tpu.memref_squeeze %dma_start3A_1100 : memref<1x1x128xi32, #tpu.memory_space<vmem>> -> memref<128xi32, #tpu.memory_space<vmem>>
      %dma_start3A_1102 = arith.constant 0 : i32
      %dma_start3A_1103 = arith.constant 0 : i32
      %dma_start3A_1104 = tpu.memref_slice %arg11[%dma_start3A_1102, %dma_start3A_1103] : memref<10000x8xf32, #tpu.memory_space<vmem_shared>> -> memref<10000x8xf32, #tpu.memory_space<vmem_shared>>
      tpu.enqueue_indirect_dma source(%dma_start3A_1098 : memref<128x8xf32, #tpu.memory_space<vmem>>) target(%dma_start3A_1104 : memref<10000x8xf32, #tpu.memory_space<vmem_shared>>) offsets(%dma_start3A_1101 : memref<128xi32, #tpu.memory_space<vmem>>) semaphore(%arg12 : memref<!tpu.dma_semaphore, #tpu.memory_space<semaphore_mem>>) {add = true}
      %add3A_1105 = arith.constant 2 : i32
      %add3A_1106 = arith.addi %mul3A_257, %add3A_1105 : i32
      %add3A_1107 = arith.constant 0 : i32
      %add3A_1108 = vector.broadcast %add3A_1107 : i32 to vector<16xi32>
      %add3A_1109 = arith.addi %iota3A, %add3A_1108 : vector<16xi32>
      %get3A_1110 = arith.constant 0 : i32
      %get3A_1111 = arith.index_cast %add3A_1106 : i32 to index
      %get3A_1112 = arith.index_cast %get3A_1110 : i32 to index
      %get3A_1113 = arith.constant 0 : index
      %get3A_1114 = tpu.vector_load %arg7[%get3A_1111, %get3A_1112, %get3A_1113] {strides = array<i32>} : memref<79x4x128xf32, #tpu.memory_space<vmem>>, vector<16xf32>,
      %broadcast_in_dim3A_1115 = arith.constant 0 : i32
      %broadcast_in_dim3A_1116 = vector.broadcast %broadcast_in_dim3A_1115 : i32 to vector<16xi32>
      %scatter3A_1117 = arith.constant 2 : i32
      %scatter3A_1118 = arith.constant 0 : i32
      %scatter3A_1119 = arith.constant 0 : i32
      %scatter3A_1120 = tpu.memref_slice %arg8[%scatter3A_1117, %scatter3A_1118, %scatter3A_1119] : memref<3x128x8xf32, #tpu.memory_space<vmem>> -> memref<1x128x8xf32, #tpu.memory_space<vmem>>
      %scatter3A_1121 = tpu.memref_squeeze %scatter3A_1120 : memref<1x128x8xf32, #tpu.memory_space<vmem>> -> memref<128x8xf32, #tpu.memory_space<vmem>>
      tpu.vector_store_idx %scatter3A_1121[%add3A_1109, %broadcast_in_dim3A_1116], %get3A_1114 : memref<128x8xf32, #tpu.memory_space<vmem>>[vector<16xi32>, vector<16xi32>], vector<16xf32>,
      %get3A_1122 = arith.constant 1 : i32
      %get3A_1123 = arith.index_cast %add3A_1106 : i32 to index
      %get3A_1124 = arith.index_cast %get3A_1122 : i32 to index
      %get3A_1125 = arith.constant 0 : index
      %get3A_1126 = tpu.vector_load %arg7[%get3A_1123, %get3A_1124, %get3A_1125] {strides = array<i32>} : memref<79x4x128xf32, #tpu.memory_space<vmem>>, vector<16xf32>,
      %broadcast_in_dim3A_1127 = arith.constant 1 : i32
      %broadcast_in_dim3A_1128 = vector.broadcast %broadcast_in_dim3A_1127 : i32 to vector<16xi32>
      %scatter3A_1129 = arith.constant 2 : i32
      %scatter3A_1130 = arith.constant 0 : i32
      %scatter3A_1131 = arith.constant 0 : i32
      %scatter3A_1132 = tpu.memref_slice %arg8[%scatter3A_1129, %scatter3A_1130, %scatter3A_1131] : memref<3x128x8xf32, #tpu.memory_space<vmem>> -> memref<1x128x8xf32, #tpu.memory_space<vmem>>
      %scatter3A_1133 = tpu.memref_squeeze %scatter3A_1132 : memref<1x128x8xf32, #tpu.memory_space<vmem>> -> memref<128x8xf32, #tpu.memory_space<vmem>>
      tpu.vector_store_idx %scatter3A_1133[%add3A_1109, %broadcast_in_dim3A_1128], %get3A_1126 : memref<128x8xf32, #tpu.memory_space<vmem>>[vector<16xi32>, vector<16xi32>], vector<16xf32>,
      %get3A_1134 = arith.constant 2 : i32
      %get3A_1135 = arith.index_cast %add3A_1106 : i32 to index
      %get3A_1136 = arith.index_cast %get3A_1134 : i32 to index
      %get3A_1137 = arith.constant 0 : index
      %get3A_1138 = tpu.vector_load %arg7[%get3A_1135, %get3A_1136, %get3A_1137] {strides = array<i32>} : memref<79x4x128xf32, #tpu.memory_space<vmem>>, vector<16xf32>,
      %broadcast_in_dim3A_1139 = arith.constant 2 : i32
      %broadcast_in_dim3A_1140 = vector.broadcast %broadcast_in_dim3A_1139 : i32 to vector<16xi32>
      %scatter3A_1141 = arith.constant 2 : i32
      %scatter3A_1142 = arith.constant 0 : i32
      %scatter3A_1143 = arith.constant 0 : i32
      %scatter3A_1144 = tpu.memref_slice %arg8[%scatter3A_1141, %scatter3A_1142, %scatter3A_1143] : memref<3x128x8xf32, #tpu.memory_space<vmem>> -> memref<1x128x8xf32, #tpu.memory_space<vmem>>
      %scatter3A_1145 = tpu.memref_squeeze %scatter3A_1144 : memref<1x128x8xf32, #tpu.memory_space<vmem>> -> memref<128x8xf32, #tpu.memory_space<vmem>>
      tpu.vector_store_idx %scatter3A_1145[%add3A_1109, %broadcast_in_dim3A_1140], %get3A_1138 : memref<128x8xf32, #tpu.memory_space<vmem>>[vector<16xi32>, vector<16xi32>], vector<16xf32>,
      %get3A_1146 = arith.constant 3 : i32
      %get3A_1147 = arith.index_cast %add3A_1106 : i32 to index
      %get3A_1148 = arith.index_cast %get3A_1146 : i32 to index
      %get3A_1149 = arith.constant 0 : index
      %get3A_1150 = tpu.vector_load %arg7[%get3A_1147, %get3A_1148, %get3A_1149] {strides = array<i32>} : memref<79x4x128xf32, #tpu.memory_space<vmem>>, vector<16xf32>,
      %broadcast_in_dim3A_1151 = arith.constant 3 : i32
      %broadcast_in_dim3A_1152 = vector.broadcast %broadcast_in_dim3A_1151 : i32 to vector<16xi32>
      %scatter3A_1153 = arith.constant 2 : i32
      %scatter3A_1154 = arith.constant 0 : i32
      %scatter3A_1155 = arith.constant 0 : i32
      %scatter3A_1156 = tpu.memref_slice %arg8[%scatter3A_1153, %scatter3A_1154, %scatter3A_1155] : memref<3x128x8xf32, #tpu.memory_space<vmem>> -> memref<1x128x8xf32, #tpu.memory_space<vmem>>
      %scatter3A_1157 = tpu.memref_squeeze %scatter3A_1156 : memref<1x128x8xf32, #tpu.memory_space<vmem>> -> memref<128x8xf32, #tpu.memory_space<vmem>>
      tpu.vector_store_idx %scatter3A_1157[%add3A_1109, %broadcast_in_dim3A_1152], %get3A_1150 : memref<128x8xf32, #tpu.memory_space<vmem>>[vector<16xi32>, vector<16xi32>], vector<16xf32>,
      %add3A_1158 = arith.constant 16 : i32
      %add3A_1159 = vector.broadcast %add3A_1158 : i32 to vector<16xi32>
      %add3A_1160 = arith.addi %iota3A, %add3A_1159 : vector<16xi32>
      %get3A_1161 = arith.constant 0 : i32
      %get3A_1162 = arith.index_cast %add3A_1106 : i32 to index
      %get3A_1163 = arith.index_cast %get3A_1161 : i32 to index
      %get3A_1164 = arith.constant 16 : index
      %get3A_1165 = tpu.vector_load %arg7[%get3A_1162, %get3A_1163, %get3A_1164] {strides = array<i32>} : memref<79x4x128xf32, #tpu.memory_space<vmem>>, vector<16xf32>,
      %broadcast_in_dim3A_1166 = arith.constant 0 : i32
      %broadcast_in_dim3A_1167 = vector.broadcast %broadcast_in_dim3A_1166 : i32 to vector<16xi32>
      %scatter3A_1168 = arith.constant 2 : i32
      %scatter3A_1169 = arith.constant 0 : i32
      %scatter3A_1170 = arith.constant 0 : i32
      %scatter3A_1171 = tpu.memref_slice %arg8[%scatter3A_1168, %scatter3A_1169, %scatter3A_1170] : memref<3x128x8xf32, #tpu.memory_space<vmem>> -> memref<1x128x8xf32, #tpu.memory_space<vmem>>
      %scatter3A_1172 = tpu.memref_squeeze %scatter3A_1171 : memref<1x128x8xf32, #tpu.memory_space<vmem>> -> memref<128x8xf32, #tpu.memory_space<vmem>>
      tpu.vector_store_idx %scatter3A_1172[%add3A_1160, %broadcast_in_dim3A_1167], %get3A_1165 : memref<128x8xf32, #tpu.memory_space<vmem>>[vector<16xi32>, vector<16xi32>], vector<16xf32>,
      %get3A_1173 = arith.constant 1 : i32
      %get3A_1174 = arith.index_cast %add3A_1106 : i32 to index
      %get3A_1175 = arith.index_cast %get3A_1173 : i32 to index
      %get3A_1176 = arith.constant 16 : index
      %get3A_1177 = tpu.vector_load %arg7[%get3A_1174, %get3A_1175, %get3A_1176] {strides = array<i32>} : memref<79x4x128xf32, #tpu.memory_space<vmem>>, vector<16xf32>,
      %broadcast_in_dim3A_1178 = arith.constant 1 : i32
      %broadcast_in_dim3A_1179 = vector.broadcast %broadcast_in_dim3A_1178 : i32 to vector<16xi32>
      %scatter3A_1180 = arith.constant 2 : i32
      %scatter3A_1181 = arith.constant 0 : i32
      %scatter3A_1182 = arith.constant 0 : i32
      %scatter3A_1183 = tpu.memref_slice %arg8[%scatter3A_1180, %scatter3A_1181, %scatter3A_1182] : memref<3x128x8xf32, #tpu.memory_space<vmem>> -> memref<1x128x8xf32, #tpu.memory_space<vmem>>
      %scatter3A_1184 = tpu.memref_squeeze %scatter3A_1183 : memref<1x128x8xf32, #tpu.memory_space<vmem>> -> memref<128x8xf32, #tpu.memory_space<vmem>>
      tpu.vector_store_idx %scatter3A_1184[%add3A_1160, %broadcast_in_dim3A_1179], %get3A_1177 : memref<128x8xf32, #tpu.memory_space<vmem>>[vector<16xi32>, vector<16xi32>], vector<16xf32>,
      %get3A_1185 = arith.constant 2 : i32
      %get3A_1186 = arith.index_cast %add3A_1106 : i32 to index
      %get3A_1187 = arith.index_cast %get3A_1185 : i32 to index
      %get3A_1188 = arith.constant 16 : index
      %get3A_1189 = tpu.vector_load %arg7[%get3A_1186, %get3A_1187, %get3A_1188] {strides = array<i32>} : memref<79x4x128xf32, #tpu.memory_space<vmem>>, vector<16xf32>,
      %broadcast_in_dim3A_1190 = arith.constant 2 : i32
      %broadcast_in_dim3A_1191 = vector.broadcast %broadcast_in_dim3A_1190 : i32 to vector<16xi32>
      %scatter3A_1192 = arith.constant 2 : i32
      %scatter3A_1193 = arith.constant 0 : i32
      %scatter3A_1194 = arith.constant 0 : i32
      %scatter3A_1195 = tpu.memref_slice %arg8[%scatter3A_1192, %scatter3A_1193, %scatter3A_1194] : memref<3x128x8xf32, #tpu.memory_space<vmem>> -> memref<1x128x8xf32, #tpu.memory_space<vmem>>
      %scatter3A_1196 = tpu.memref_squeeze %scatter3A_1195 : memref<1x128x8xf32, #tpu.memory_space<vmem>> -> memref<128x8xf32, #tpu.memory_space<vmem>>
      tpu.vector_store_idx %scatter3A_1196[%add3A_1160, %broadcast_in_dim3A_1191], %get3A_1189 : memref<128x8xf32, #tpu.memory_space<vmem>>[vector<16xi32>, vector<16xi32>], vector<16xf32>,
      %get3A_1197 = arith.constant 3 : i32
      %get3A_1198 = arith.index_cast %add3A_1106 : i32 to index
      %get3A_1199 = arith.index_cast %get3A_1197 : i32 to index
      %get3A_1200 = arith.constant 16 : index
      %get3A_1201 = tpu.vector_load %arg7[%get3A_1198, %get3A_1199, %get3A_1200] {strides = array<i32>} : memref<79x4x128xf32, #tpu.memory_space<vmem>>, vector<16xf32>,
      %broadcast_in_dim3A_1202 = arith.constant 3 : i32
      %broadcast_in_dim3A_1203 = vector.broadcast %broadcast_in_dim3A_1202 : i32 to vector<16xi32>
      %scatter3A_1204 = arith.constant 2 : i32
      %scatter3A_1205 = arith.constant 0 : i32
      %scatter3A_1206 = arith.constant 0 : i32
      %scatter3A_1207 = tpu.memref_slice %arg8[%scatter3A_1204, %scatter3A_1205, %scatter3A_1206] : memref<3x128x8xf32, #tpu.memory_space<vmem>> -> memref<1x128x8xf32, #tpu.memory_space<vmem>>
      %scatter3A_1208 = tpu.memref_squeeze %scatter3A_1207 : memref<1x128x8xf32, #tpu.memory_space<vmem>> -> memref<128x8xf32, #tpu.memory_space<vmem>>
      tpu.vector_store_idx %scatter3A_1208[%add3A_1160, %broadcast_in_dim3A_1203], %get3A_1201 : memref<128x8xf32, #tpu.memory_space<vmem>>[vector<16xi32>, vector<16xi32>], vector<16xf32>,
      %add3A_1209 = arith.constant 32 : i32
      %add3A_1210 = vector.broadcast %add3A_1209 : i32 to vector<16xi32>
      %add3A_1211 = arith.addi %iota3A, %add3A_1210 : vector<16xi32>
      %get3A_1212 = arith.constant 0 : i32
      %get3A_1213 = arith.index_cast %add3A_1106 : i32 to index
      %get3A_1214 = arith.index_cast %get3A_1212 : i32 to index
      %get3A_1215 = arith.constant 32 : index
      %get3A_1216 = tpu.vector_load %arg7[%get3A_1213, %get3A_1214, %get3A_1215] {strides = array<i32>} : memref<79x4x128xf32, #tpu.memory_space<vmem>>, vector<16xf32>,
      %broadcast_in_dim3A_1217 = arith.constant 0 : i32
      %broadcast_in_dim3A_1218 = vector.broadcast %broadcast_in_dim3A_1217 : i32 to vector<16xi32>
      %scatter3A_1219 = arith.constant 2 : i32
      %scatter3A_1220 = arith.constant 0 : i32
      %scatter3A_1221 = arith.constant 0 : i32
      %scatter3A_1222 = tpu.memref_slice %arg8[%scatter3A_1219, %scatter3A_1220, %scatter3A_1221] : memref<3x128x8xf32, #tpu.memory_space<vmem>> -> memref<1x128x8xf32, #tpu.memory_space<vmem>>
      %scatter3A_1223 = tpu.memref_squeeze %scatter3A_1222 : memref<1x128x8xf32, #tpu.memory_space<vmem>> -> memref<128x8xf32, #tpu.memory_space<vmem>>
      tpu.vector_store_idx %scatter3A_1223[%add3A_1211, %broadcast_in_dim3A_1218], %get3A_1216 : memref<128x8xf32, #tpu.memory_space<vmem>>[vector<16xi32>, vector<16xi32>], vector<16xf32>,
      %get3A_1224 = arith.constant 1 : i32
      %get3A_1225 = arith.index_cast %add3A_1106 : i32 to index
      %get3A_1226 = arith.index_cast %get3A_1224 : i32 to index
      %get3A_1227 = arith.constant 32 : index
      %get3A_1228 = tpu.vector_load %arg7[%get3A_1225, %get3A_1226, %get3A_1227] {strides = array<i32>} : memref<79x4x128xf32, #tpu.memory_space<vmem>>, vector<16xf32>,
      %broadcast_in_dim3A_1229 = arith.constant 1 : i32
      %broadcast_in_dim3A_1230 = vector.broadcast %broadcast_in_dim3A_1229 : i32 to vector<16xi32>
      %scatter3A_1231 = arith.constant 2 : i32
      %scatter3A_1232 = arith.constant 0 : i32
      %scatter3A_1233 = arith.constant 0 : i32
      %scatter3A_1234 = tpu.memref_slice %arg8[%scatter3A_1231, %scatter3A_1232, %scatter3A_1233] : memref<3x128x8xf32, #tpu.memory_space<vmem>> -> memref<1x128x8xf32, #tpu.memory_space<vmem>>
      %scatter3A_1235 = tpu.memref_squeeze %scatter3A_1234 : memref<1x128x8xf32, #tpu.memory_space<vmem>> -> memref<128x8xf32, #tpu.memory_space<vmem>>
      tpu.vector_store_idx %scatter3A_1235[%add3A_1211, %broadcast_in_dim3A_1230], %get3A_1228 : memref<128x8xf32, #tpu.memory_space<vmem>>[vector<16xi32>, vector<16xi32>], vector<16xf32>,
      %get3A_1236 = arith.constant 2 : i32
      %get3A_1237 = arith.index_cast %add3A_1106 : i32 to index
      %get3A_1238 = arith.index_cast %get3A_1236 : i32 to index
      %get3A_1239 = arith.constant 32 : index
      %get3A_1240 = tpu.vector_load %arg7[%get3A_1237, %get3A_1238, %get3A_1239] {strides = array<i32>} : memref<79x4x128xf32, #tpu.memory_space<vmem>>, vector<16xf32>,
      %broadcast_in_dim3A_1241 = arith.constant 2 : i32
      %broadcast_in_dim3A_1242 = vector.broadcast %broadcast_in_dim3A_1241 : i32 to vector<16xi32>
      %scatter3A_1243 = arith.constant 2 : i32
      %scatter3A_1244 = arith.constant 0 : i32
      %scatter3A_1245 = arith.constant 0 : i32
      %scatter3A_1246 = tpu.memref_slice %arg8[%scatter3A_1243, %scatter3A_1244, %scatter3A_1245] : memref<3x128x8xf32, #tpu.memory_space<vmem>> -> memref<1x128x8xf32, #tpu.memory_space<vmem>>
      %scatter3A_1247 = tpu.memref_squeeze %scatter3A_1246 : memref<1x128x8xf32, #tpu.memory_space<vmem>> -> memref<128x8xf32, #tpu.memory_space<vmem>>
      tpu.vector_store_idx %scatter3A_1247[%add3A_1211, %broadcast_in_dim3A_1242], %get3A_1240 : memref<128x8xf32, #tpu.memory_space<vmem>>[vector<16xi32>, vector<16xi32>], vector<16xf32>,
      %get3A_1248 = arith.constant 3 : i32
      %get3A_1249 = arith.index_cast %add3A_1106 : i32 to index
      %get3A_1250 = arith.index_cast %get3A_1248 : i32 to index
      %get3A_1251 = arith.constant 32 : index
      %get3A_1252 = tpu.vector_load %arg7[%get3A_1249, %get3A_1250, %get3A_1251] {strides = array<i32>} : memref<79x4x128xf32, #tpu.memory_space<vmem>>, vector<16xf32>,
      %broadcast_in_dim3A_1253 = arith.constant 3 : i32
      %broadcast_in_dim3A_1254 = vector.broadcast %broadcast_in_dim3A_1253 : i32 to vector<16xi32>
      %scatter3A_1255 = arith.constant 2 : i32
      %scatter3A_1256 = arith.constant 0 : i32
      %scatter3A_1257 = arith.constant 0 : i32
      %scatter3A_1258 = tpu.memref_slice %arg8[%scatter3A_1255, %scatter3A_1256, %scatter3A_1257] : memref<3x128x8xf32, #tpu.memory_space<vmem>> -> memref<1x128x8xf32, #tpu.memory_space<vmem>>
      %scatter3A_1259 = tpu.memref_squeeze %scatter3A_1258 : memref<1x128x8xf32, #tpu.memory_space<vmem>> -> memref<128x8xf32, #tpu.memory_space<vmem>>
      tpu.vector_store_idx %scatter3A_1259[%add3A_1211, %broadcast_in_dim3A_1254], %get3A_1252 : memref<128x8xf32, #tpu.memory_space<vmem>>[vector<16xi32>, vector<16xi32>], vector<16xf32>,
      %add3A_1260 = arith.constant 48 : i32
      %add3A_1261 = vector.broadcast %add3A_1260 : i32 to vector<16xi32>
      %add3A_1262 = arith.addi %iota3A, %add3A_1261 : vector<16xi32>
      %get3A_1263 = arith.constant 0 : i32
      %get3A_1264 = arith.index_cast %add3A_1106 : i32 to index
      %get3A_1265 = arith.index_cast %get3A_1263 : i32 to index
      %get3A_1266 = arith.constant 48 : index
      %get3A_1267 = tpu.vector_load %arg7[%get3A_1264, %get3A_1265, %get3A_1266] {strides = array<i32>} : memref<79x4x128xf32, #tpu.memory_space<vmem>>, vector<16xf32>,
      %broadcast_in_dim3A_1268 = arith.constant 0 : i32
      %broadcast_in_dim3A_1269 = vector.broadcast %broadcast_in_dim3A_1268 : i32 to vector<16xi32>
      %scatter3A_1270 = arith.constant 2 : i32
      %scatter3A_1271 = arith.constant 0 : i32
      %scatter3A_1272 = arith.constant 0 : i32
      %scatter3A_1273 = tpu.memref_slice %arg8[%scatter3A_1270, %scatter3A_1271, %scatter3A_1272] : memref<3x128x8xf32, #tpu.memory_space<vmem>> -> memref<1x128x8xf32, #tpu.memory_space<vmem>>
      %scatter3A_1274 = tpu.memref_squeeze %scatter3A_1273 : memref<1x128x8xf32, #tpu.memory_space<vmem>> -> memref<128x8xf32, #tpu.memory_space<vmem>>
      tpu.vector_store_idx %scatter3A_1274[%add3A_1262, %broadcast_in_dim3A_1269], %get3A_1267 : memref<128x8xf32, #tpu.memory_space<vmem>>[vector<16xi32>, vector<16xi32>], vector<16xf32>,
      %get3A_1275 = arith.constant 1 : i32
      %get3A_1276 = arith.index_cast %add3A_1106 : i32 to index
      %get3A_1277 = arith.index_cast %get3A_1275 : i32 to index
      %get3A_1278 = arith.constant 48 : index
      %get3A_1279 = tpu.vector_load %arg7[%get3A_1276, %get3A_1277, %get3A_1278] {strides = array<i32>} : memref<79x4x128xf32, #tpu.memory_space<vmem>>, vector<16xf32>,
      %broadcast_in_dim3A_1280 = arith.constant 1 : i32
      %broadcast_in_dim3A_1281 = vector.broadcast %broadcast_in_dim3A_1280 : i32 to vector<16xi32>
      %scatter3A_1282 = arith.constant 2 : i32
      %scatter3A_1283 = arith.constant 0 : i32
      %scatter3A_1284 = arith.constant 0 : i32
      %scatter3A_1285 = tpu.memref_slice %arg8[%scatter3A_1282, %scatter3A_1283, %scatter3A_1284] : memref<3x128x8xf32, #tpu.memory_space<vmem>> -> memref<1x128x8xf32, #tpu.memory_space<vmem>>
      %scatter3A_1286 = tpu.memref_squeeze %scatter3A_1285 : memref<1x128x8xf32, #tpu.memory_space<vmem>> -> memref<128x8xf32, #tpu.memory_space<vmem>>
      tpu.vector_store_idx %scatter3A_1286[%add3A_1262, %broadcast_in_dim3A_1281], %get3A_1279 : memref<128x8xf32, #tpu.memory_space<vmem>>[vector<16xi32>, vector<16xi32>], vector<16xf32>,
      %get3A_1287 = arith.constant 2 : i32
      %get3A_1288 = arith.index_cast %add3A_1106 : i32 to index
      %get3A_1289 = arith.index_cast %get3A_1287 : i32 to index
      %get3A_1290 = arith.constant 48 : index
      %get3A_1291 = tpu.vector_load %arg7[%get3A_1288, %get3A_1289, %get3A_1290] {strides = array<i32>} : memref<79x4x128xf32, #tpu.memory_space<vmem>>, vector<16xf32>,
      %broadcast_in_dim3A_1292 = arith.constant 2 : i32
      %broadcast_in_dim3A_1293 = vector.broadcast %broadcast_in_dim3A_1292 : i32 to vector<16xi32>
      %scatter3A_1294 = arith.constant 2 : i32
      %scatter3A_1295 = arith.constant 0 : i32
      %scatter3A_1296 = arith.constant 0 : i32
      %scatter3A_1297 = tpu.memref_slice %arg8[%scatter3A_1294, %scatter3A_1295, %scatter3A_1296] : memref<3x128x8xf32, #tpu.memory_space<vmem>> -> memref<1x128x8xf32, #tpu.memory_space<vmem>>
      %scatter3A_1298 = tpu.memref_squeeze %scatter3A_1297 : memref<1x128x8xf32, #tpu.memory_space<vmem>> -> memref<128x8xf32, #tpu.memory_space<vmem>>
      tpu.vector_store_idx %scatter3A_1298[%add3A_1262, %broadcast_in_dim3A_1293], %get3A_1291 : memref<128x8xf32, #tpu.memory_space<vmem>>[vector<16xi32>, vector<16xi32>], vector<16xf32>,
      %get3A_1299 = arith.constant 3 : i32
      %get3A_1300 = arith.index_cast %add3A_1106 : i32 to index
      %get3A_1301 = arith.index_cast %get3A_1299 : i32 to index
      %get3A_1302 = arith.constant 48 : index
      %get3A_1303 = tpu.vector_load %arg7[%get3A_1300, %get3A_1301, %get3A_1302] {strides = array<i32>} : memref<79x4x128xf32, #tpu.memory_space<vmem>>, vector<16xf32>,
      %broadcast_in_dim3A_1304 = arith.constant 3 : i32
      %broadcast_in_dim3A_1305 = vector.broadcast %broadcast_in_dim3A_1304 : i32 to vector<16xi32>
      %scatter3A_1306 = arith.constant 2 : i32
      %scatter3A_1307 = arith.constant 0 : i32
      %scatter3A_1308 = arith.constant 0 : i32
      %scatter3A_1309 = tpu.memref_slice %arg8[%scatter3A_1306, %scatter3A_1307, %scatter3A_1308] : memref<3x128x8xf32, #tpu.memory_space<vmem>> -> memref<1x128x8xf32, #tpu.memory_space<vmem>>
      %scatter3A_1310 = tpu.memref_squeeze %scatter3A_1309 : memref<1x128x8xf32, #tpu.memory_space<vmem>> -> memref<128x8xf32, #tpu.memory_space<vmem>>
      tpu.vector_store_idx %scatter3A_1310[%add3A_1262, %broadcast_in_dim3A_1305], %get3A_1303 : memref<128x8xf32, #tpu.memory_space<vmem>>[vector<16xi32>, vector<16xi32>], vector<16xf32>,
      %add3A_1311 = arith.constant 64 : i32
      %add3A_1312 = vector.broadcast %add3A_1311 : i32 to vector<16xi32>
      %add3A_1313 = arith.addi %iota3A, %add3A_1312 : vector<16xi32>
      %get3A_1314 = arith.constant 0 : i32
      %get3A_1315 = arith.index_cast %add3A_1106 : i32 to index
      %get3A_1316 = arith.index_cast %get3A_1314 : i32 to index
      %get3A_1317 = arith.constant 64 : index
      %get3A_1318 = tpu.vector_load %arg7[%get3A_1315, %get3A_1316, %get3A_1317] {strides = array<i32>} : memref<79x4x128xf32, #tpu.memory_space<vmem>>, vector<16xf32>,
      %broadcast_in_dim3A_1319 = arith.constant 0 : i32
      %broadcast_in_dim3A_1320 = vector.broadcast %broadcast_in_dim3A_1319 : i32 to vector<16xi32>
      %scatter3A_1321 = arith.constant 2 : i32
      %scatter3A_1322 = arith.constant 0 : i32
      %scatter3A_1323 = arith.constant 0 : i32
      %scatter3A_1324 = tpu.memref_slice %arg8[%scatter3A_1321, %scatter3A_1322, %scatter3A_1323] : memref<3x128x8xf32, #tpu.memory_space<vmem>> -> memref<1x128x8xf32, #tpu.memory_space<vmem>>
      %scatter3A_1325 = tpu.memref_squeeze %scatter3A_1324 : memref<1x128x8xf32, #tpu.memory_space<vmem>> -> memref<128x8xf32, #tpu.memory_space<vmem>>
      tpu.vector_store_idx %scatter3A_1325[%add3A_1313, %broadcast_in_dim3A_1320], %get3A_1318 : memref<128x8xf32, #tpu.memory_space<vmem>>[vector<16xi32>, vector<16xi32>], vector<16xf32>,
      %get3A_1326 = arith.constant 1 : i32
      %get3A_1327 = arith.index_cast %add3A_1106 : i32 to index
      %get3A_1328 = arith.index_cast %get3A_1326 : i32 to index
      %get3A_1329 = arith.constant 64 : index
      %get3A_1330 = tpu.vector_load %arg7[%get3A_1327, %get3A_1328, %get3A_1329] {strides = array<i32>} : memref<79x4x128xf32, #tpu.memory_space<vmem>>, vector<16xf32>,
      %broadcast_in_dim3A_1331 = arith.constant 1 : i32
      %broadcast_in_dim3A_1332 = vector.broadcast %broadcast_in_dim3A_1331 : i32 to vector<16xi32>
      %scatter3A_1333 = arith.constant 2 : i32
      %scatter3A_1334 = arith.constant 0 : i32
      %scatter3A_1335 = arith.constant 0 : i32
      %scatter3A_1336 = tpu.memref_slice %arg8[%scatter3A_1333, %scatter3A_1334, %scatter3A_1335] : memref<3x128x8xf32, #tpu.memory_space<vmem>> -> memref<1x128x8xf32, #tpu.memory_space<vmem>>
      %scatter3A_1337 = tpu.memref_squeeze %scatter3A_1336 : memref<1x128x8xf32, #tpu.memory_space<vmem>> -> memref<128x8xf32, #tpu.memory_space<vmem>>
      tpu.vector_store_idx %scatter3A_1337[%add3A_1313, %broadcast_in_dim3A_1332], %get3A_1330 : memref<128x8xf32, #tpu.memory_space<vmem>>[vector<16xi32>, vector<16xi32>], vector<16xf32>,
      %get3A_1338 = arith.constant 2 : i32
      %get3A_1339 = arith.index_cast %add3A_1106 : i32 to index
      %get3A_1340 = arith.index_cast %get3A_1338 : i32 to index
      %get3A_1341 = arith.constant 64 : index
      %get3A_1342 = tpu.vector_load %arg7[%get3A_1339, %get3A_1340, %get3A_1341] {strides = array<i32>} : memref<79x4x128xf32, #tpu.memory_space<vmem>>, vector<16xf32>,
      %broadcast_in_dim3A_1343 = arith.constant 2 : i32
      %broadcast_in_dim3A_1344 = vector.broadcast %broadcast_in_dim3A_1343 : i32 to vector<16xi32>
      %scatter3A_1345 = arith.constant 2 : i32
      %scatter3A_1346 = arith.constant 0 : i32
      %scatter3A_1347 = arith.constant 0 : i32
      %scatter3A_1348 = tpu.memref_slice %arg8[%scatter3A_1345, %scatter3A_1346, %scatter3A_1347] : memref<3x128x8xf32, #tpu.memory_space<vmem>> -> memref<1x128x8xf32, #tpu.memory_space<vmem>>
      %scatter3A_1349 = tpu.memref_squeeze %scatter3A_1348 : memref<1x128x8xf32, #tpu.memory_space<vmem>> -> memref<128x8xf32, #tpu.memory_space<vmem>>
      tpu.vector_store_idx %scatter3A_1349[%add3A_1313, %broadcast_in_dim3A_1344], %get3A_1342 : memref<128x8xf32, #tpu.memory_space<vmem>>[vector<16xi32>, vector<16xi32>], vector<16xf32>,
      %get3A_1350 = arith.constant 3 : i32
      %get3A_1351 = arith.index_cast %add3A_1106 : i32 to index
      %get3A_1352 = arith.index_cast %get3A_1350 : i32 to index
      %get3A_1353 = arith.constant 64 : index
      %get3A_1354 = tpu.vector_load %arg7[%get3A_1351, %get3A_1352, %get3A_1353] {strides = array<i32>} : memref<79x4x128xf32, #tpu.memory_space<vmem>>, vector<16xf32>,
      %broadcast_in_dim3A_1355 = arith.constant 3 : i32
      %broadcast_in_dim3A_1356 = vector.broadcast %broadcast_in_dim3A_1355 : i32 to vector<16xi32>
      %scatter3A_1357 = arith.constant 2 : i32
      %scatter3A_1358 = arith.constant 0 : i32
      %scatter3A_1359 = arith.constant 0 : i32
      %scatter3A_1360 = tpu.memref_slice %arg8[%scatter3A_1357, %scatter3A_1358, %scatter3A_1359] : memref<3x128x8xf32, #tpu.memory_space<vmem>> -> memref<1x128x8xf32, #tpu.memory_space<vmem>>
      %scatter3A_1361 = tpu.memref_squeeze %scatter3A_1360 : memref<1x128x8xf32, #tpu.memory_space<vmem>> -> memref<128x8xf32, #tpu.memory_space<vmem>>
      tpu.vector_store_idx %scatter3A_1361[%add3A_1313, %broadcast_in_dim3A_1356], %get3A_1354 : memref<128x8xf32, #tpu.memory_space<vmem>>[vector<16xi32>, vector<16xi32>], vector<16xf32>,
      %add3A_1362 = arith.constant 80 : i32
      %add3A_1363 = vector.broadcast %add3A_1362 : i32 to vector<16xi32>
      %add3A_1364 = arith.addi %iota3A, %add3A_1363 : vector<16xi32>
      %get3A_1365 = arith.constant 0 : i32
      %get3A_1366 = arith.index_cast %add3A_1106 : i32 to index
      %get3A_1367 = arith.index_cast %get3A_1365 : i32 to index
      %get3A_1368 = arith.constant 80 : index
      %get3A_1369 = tpu.vector_load %arg7[%get3A_1366, %get3A_1367, %get3A_1368] {strides = array<i32>} : memref<79x4x128xf32, #tpu.memory_space<vmem>>, vector<16xf32>,
      %broadcast_in_dim3A_1370 = arith.constant 0 : i32
      %broadcast_in_dim3A_1371 = vector.broadcast %broadcast_in_dim3A_1370 : i32 to vector<16xi32>
      %scatter3A_1372 = arith.constant 2 : i32
      %scatter3A_1373 = arith.constant 0 : i32
      %scatter3A_1374 = arith.constant 0 : i32
      %scatter3A_1375 = tpu.memref_slice %arg8[%scatter3A_1372, %scatter3A_1373, %scatter3A_1374] : memref<3x128x8xf32, #tpu.memory_space<vmem>> -> memref<1x128x8xf32, #tpu.memory_space<vmem>>
      %scatter3A_1376 = tpu.memref_squeeze %scatter3A_1375 : memref<1x128x8xf32, #tpu.memory_space<vmem>> -> memref<128x8xf32, #tpu.memory_space<vmem>>
      tpu.vector_store_idx %scatter3A_1376[%add3A_1364, %broadcast_in_dim3A_1371], %get3A_1369 : memref<128x8xf32, #tpu.memory_space<vmem>>[vector<16xi32>, vector<16xi32>], vector<16xf32>,
      %get3A_1377 = arith.constant 1 : i32
      %get3A_1378 = arith.index_cast %add3A_1106 : i32 to index
      %get3A_1379 = arith.index_cast %get3A_1377 : i32 to index
      %get3A_1380 = arith.constant 80 : index
      %get3A_1381 = tpu.vector_load %arg7[%get3A_1378, %get3A_1379, %get3A_1380] {strides = array<i32>} : memref<79x4x128xf32, #tpu.memory_space<vmem>>, vector<16xf32>,
      %broadcast_in_dim3A_1382 = arith.constant 1 : i32
      %broadcast_in_dim3A_1383 = vector.broadcast %broadcast_in_dim3A_1382 : i32 to vector<16xi32>
      %scatter3A_1384 = arith.constant 2 : i32
      %scatter3A_1385 = arith.constant 0 : i32
      %scatter3A_1386 = arith.constant 0 : i32
      %scatter3A_1387 = tpu.memref_slice %arg8[%scatter3A_1384, %scatter3A_1385, %scatter3A_1386] : memref<3x128x8xf32, #tpu.memory_space<vmem>> -> memref<1x128x8xf32, #tpu.memory_space<vmem>>
      %scatter3A_1388 = tpu.memref_squeeze %scatter3A_1387 : memref<1x128x8xf32, #tpu.memory_space<vmem>> -> memref<128x8xf32, #tpu.memory_space<vmem>>
      tpu.vector_store_idx %scatter3A_1388[%add3A_1364, %broadcast_in_dim3A_1383], %get3A_1381 : memref<128x8xf32, #tpu.memory_space<vmem>>[vector<16xi32>, vector<16xi32>], vector<16xf32>,
      %get3A_1389 = arith.constant 2 : i32
      %get3A_1390 = arith.index_cast %add3A_1106 : i32 to index
      %get3A_1391 = arith.index_cast %get3A_1389 : i32 to index
      %get3A_1392 = arith.constant 80 : index
      %get3A_1393 = tpu.vector_load %arg7[%get3A_1390, %get3A_1391, %get3A_1392] {strides = array<i32>} : memref<79x4x128xf32, #tpu.memory_space<vmem>>, vector<16xf32>,
      %broadcast_in_dim3A_1394 = arith.constant 2 : i32
      %broadcast_in_dim3A_1395 = vector.broadcast %broadcast_in_dim3A_1394 : i32 to vector<16xi32>
      %scatter3A_1396 = arith.constant 2 : i32
      %scatter3A_1397 = arith.constant 0 : i32
      %scatter3A_1398 = arith.constant 0 : i32
      %scatter3A_1399 = tpu.memref_slice %arg8[%scatter3A_1396, %scatter3A_1397, %scatter3A_1398] : memref<3x128x8xf32, #tpu.memory_space<vmem>> -> memref<1x128x8xf32, #tpu.memory_space<vmem>>
      %scatter3A_1400 = tpu.memref_squeeze %scatter3A_1399 : memref<1x128x8xf32, #tpu.memory_space<vmem>> -> memref<128x8xf32, #tpu.memory_space<vmem>>
      tpu.vector_store_idx %scatter3A_1400[%add3A_1364, %broadcast_in_dim3A_1395], %get3A_1393 : memref<128x8xf32, #tpu.memory_space<vmem>>[vector<16xi32>, vector<16xi32>], vector<16xf32>,
      %get3A_1401 = arith.constant 3 : i32
      %get3A_1402 = arith.index_cast %add3A_1106 : i32 to index
      %get3A_1403 = arith.index_cast %get3A_1401 : i32 to index
      %get3A_1404 = arith.constant 80 : index
      %get3A_1405 = tpu.vector_load %arg7[%get3A_1402, %get3A_1403, %get3A_1404] {strides = array<i32>} : memref<79x4x128xf32, #tpu.memory_space<vmem>>, vector<16xf32>,
      %broadcast_in_dim3A_1406 = arith.constant 3 : i32
      %broadcast_in_dim3A_1407 = vector.broadcast %broadcast_in_dim3A_1406 : i32 to vector<16xi32>
      %scatter3A_1408 = arith.constant 2 : i32
      %scatter3A_1409 = arith.constant 0 : i32
      %scatter3A_1410 = arith.constant 0 : i32
      %scatter3A_1411 = tpu.memref_slice %arg8[%scatter3A_1408, %scatter3A_1409, %scatter3A_1410] : memref<3x128x8xf32, #tpu.memory_space<vmem>> -> memref<1x128x8xf32, #tpu.memory_space<vmem>>
      %scatter3A_1412 = tpu.memref_squeeze %scatter3A_1411 : memref<1x128x8xf32, #tpu.memory_space<vmem>> -> memref<128x8xf32, #tpu.memory_space<vmem>>
      tpu.vector_store_idx %scatter3A_1412[%add3A_1364, %broadcast_in_dim3A_1407], %get3A_1405 : memref<128x8xf32, #tpu.memory_space<vmem>>[vector<16xi32>, vector<16xi32>], vector<16xf32>,
      %add3A_1413 = arith.constant 96 : i32
      %add3A_1414 = vector.broadcast %add3A_1413 : i32 to vector<16xi32>
      %add3A_1415 = arith.addi %iota3A, %add3A_1414 : vector<16xi32>
      %get3A_1416 = arith.constant 0 : i32
      %get3A_1417 = arith.index_cast %add3A_1106 : i32 to index
      %get3A_1418 = arith.index_cast %get3A_1416 : i32 to index
      %get3A_1419 = arith.constant 96 : index
      %get3A_1420 = tpu.vector_load %arg7[%get3A_1417, %get3A_1418, %get3A_1419] {strides = array<i32>} : memref<79x4x128xf32, #tpu.memory_space<vmem>>, vector<16xf32>,
      %broadcast_in_dim3A_1421 = arith.constant 0 : i32
      %broadcast_in_dim3A_1422 = vector.broadcast %broadcast_in_dim3A_1421 : i32 to vector<16xi32>
      %scatter3A_1423 = arith.constant 2 : i32
      %scatter3A_1424 = arith.constant 0 : i32
      %scatter3A_1425 = arith.constant 0 : i32
      %scatter3A_1426 = tpu.memref_slice %arg8[%scatter3A_1423, %scatter3A_1424, %scatter3A_1425] : memref<3x128x8xf32, #tpu.memory_space<vmem>> -> memref<1x128x8xf32, #tpu.memory_space<vmem>>
      %scatter3A_1427 = tpu.memref_squeeze %scatter3A_1426 : memref<1x128x8xf32, #tpu.memory_space<vmem>> -> memref<128x8xf32, #tpu.memory_space<vmem>>
      tpu.vector_store_idx %scatter3A_1427[%add3A_1415, %broadcast_in_dim3A_1422], %get3A_1420 : memref<128x8xf32, #tpu.memory_space<vmem>>[vector<16xi32>, vector<16xi32>], vector<16xf32>,
      %get3A_1428 = arith.constant 1 : i32
      %get3A_1429 = arith.index_cast %add3A_1106 : i32 to index
      %get3A_1430 = arith.index_cast %get3A_1428 : i32 to index
      %get3A_1431 = arith.constant 96 : index
      %get3A_1432 = tpu.vector_load %arg7[%get3A_1429, %get3A_1430, %get3A_1431] {strides = array<i32>} : memref<79x4x128xf32, #tpu.memory_space<vmem>>, vector<16xf32>,
      %broadcast_in_dim3A_1433 = arith.constant 1 : i32
      %broadcast_in_dim3A_1434 = vector.broadcast %broadcast_in_dim3A_1433 : i32 to vector<16xi32>
      %scatter3A_1435 = arith.constant 2 : i32
      %scatter3A_1436 = arith.constant 0 : i32
      %scatter3A_1437 = arith.constant 0 : i32
      %scatter3A_1438 = tpu.memref_slice %arg8[%scatter3A_1435, %scatter3A_1436, %scatter3A_1437] : memref<3x128x8xf32, #tpu.memory_space<vmem>> -> memref<1x128x8xf32, #tpu.memory_space<vmem>>
      %scatter3A_1439 = tpu.memref_squeeze %scatter3A_1438 : memref<1x128x8xf32, #tpu.memory_space<vmem>> -> memref<128x8xf32, #tpu.memory_space<vmem>>
      tpu.vector_store_idx %scatter3A_1439[%add3A_1415, %broadcast_in_dim3A_1434], %get3A_1432 : memref<128x8xf32, #tpu.memory_space<vmem>>[vector<16xi32>, vector<16xi32>], vector<16xf32>,
      %get3A_1440 = arith.constant 2 : i32
      %get3A_1441 = arith.index_cast %add3A_1106 : i32 to index
      %get3A_1442 = arith.index_cast %get3A_1440 : i32 to index
      %get3A_1443 = arith.constant 96 : index
      %get3A_1444 = tpu.vector_load %arg7[%get3A_1441, %get3A_1442, %get3A_1443] {strides = array<i32>} : memref<79x4x128xf32, #tpu.memory_space<vmem>>, vector<16xf32>,
      %broadcast_in_dim3A_1445 = arith.constant 2 : i32
      %broadcast_in_dim3A_1446 = vector.broadcast %broadcast_in_dim3A_1445 : i32 to vector<16xi32>
      %scatter3A_1447 = arith.constant 2 : i32
      %scatter3A_1448 = arith.constant 0 : i32
      %scatter3A_1449 = arith.constant 0 : i32
      %scatter3A_1450 = tpu.memref_slice %arg8[%scatter3A_1447, %scatter3A_1448, %scatter3A_1449] : memref<3x128x8xf32, #tpu.memory_space<vmem>> -> memref<1x128x8xf32, #tpu.memory_space<vmem>>
      %scatter3A_1451 = tpu.memref_squeeze %scatter3A_1450 : memref<1x128x8xf32, #tpu.memory_space<vmem>> -> memref<128x8xf32, #tpu.memory_space<vmem>>
      tpu.vector_store_idx %scatter3A_1451[%add3A_1415, %broadcast_in_dim3A_1446], %get3A_1444 : memref<128x8xf32, #tpu.memory_space<vmem>>[vector<16xi32>, vector<16xi32>], vector<16xf32>,
      %get3A_1452 = arith.constant 3 : i32
      %get3A_1453 = arith.index_cast %add3A_1106 : i32 to index
      %get3A_1454 = arith.index_cast %get3A_1452 : i32 to index
      %get3A_1455 = arith.constant 96 : index
      %get3A_1456 = tpu.vector_load %arg7[%get3A_1453, %get3A_1454, %get3A_1455] {strides = array<i32>} : memref<79x4x128xf32, #tpu.memory_space<vmem>>, vector<16xf32>,
      %broadcast_in_dim3A_1457 = arith.constant 3 : i32
      %broadcast_in_dim3A_1458 = vector.broadcast %broadcast_in_dim3A_1457 : i32 to vector<16xi32>
      %scatter3A_1459 = arith.constant 2 : i32
      %scatter3A_1460 = arith.constant 0 : i32
      %scatter3A_1461 = arith.constant 0 : i32
      %scatter3A_1462 = tpu.memref_slice %arg8[%scatter3A_1459, %scatter3A_1460, %scatter3A_1461] : memref<3x128x8xf32, #tpu.memory_space<vmem>> -> memref<1x128x8xf32, #tpu.memory_space<vmem>>
      %scatter3A_1463 = tpu.memref_squeeze %scatter3A_1462 : memref<1x128x8xf32, #tpu.memory_space<vmem>> -> memref<128x8xf32, #tpu.memory_space<vmem>>
      tpu.vector_store_idx %scatter3A_1463[%add3A_1415, %broadcast_in_dim3A_1458], %get3A_1456 : memref<128x8xf32, #tpu.memory_space<vmem>>[vector<16xi32>, vector<16xi32>], vector<16xf32>,
      %add3A_1464 = arith.constant 112 : i32
      %add3A_1465 = vector.broadcast %add3A_1464 : i32 to vector<16xi32>
      %add3A_1466 = arith.addi %iota3A, %add3A_1465 : vector<16xi32>
      %get3A_1467 = arith.constant 0 : i32
      %get3A_1468 = arith.index_cast %add3A_1106 : i32 to index
      %get3A_1469 = arith.index_cast %get3A_1467 : i32 to index
      %get3A_1470 = arith.constant 112 : index
      %get3A_1471 = tpu.vector_load %arg7[%get3A_1468, %get3A_1469, %get3A_1470] {strides = array<i32>} : memref<79x4x128xf32, #tpu.memory_space<vmem>>, vector<16xf32>,
      %broadcast_in_dim3A_1472 = arith.constant 0 : i32
      %broadcast_in_dim3A_1473 = vector.broadcast %broadcast_in_dim3A_1472 : i32 to vector<16xi32>
      %scatter3A_1474 = arith.constant 2 : i32
      %scatter3A_1475 = arith.constant 0 : i32
      %scatter3A_1476 = arith.constant 0 : i32
      %scatter3A_1477 = tpu.memref_slice %arg8[%scatter3A_1474, %scatter3A_1475, %scatter3A_1476] : memref<3x128x8xf32, #tpu.memory_space<vmem>> -> memref<1x128x8xf32, #tpu.memory_space<vmem>>
      %scatter3A_1478 = tpu.memref_squeeze %scatter3A_1477 : memref<1x128x8xf32, #tpu.memory_space<vmem>> -> memref<128x8xf32, #tpu.memory_space<vmem>>
      tpu.vector_store_idx %scatter3A_1478[%add3A_1466, %broadcast_in_dim3A_1473], %get3A_1471 : memref<128x8xf32, #tpu.memory_space<vmem>>[vector<16xi32>, vector<16xi32>], vector<16xf32>,
      %get3A_1479 = arith.constant 1 : i32
      %get3A_1480 = arith.index_cast %add3A_1106 : i32 to index
      %get3A_1481 = arith.index_cast %get3A_1479 : i32 to index
      %get3A_1482 = arith.constant 112 : index
      %get3A_1483 = tpu.vector_load %arg7[%get3A_1480, %get3A_1481, %get3A_1482] {strides = array<i32>} : memref<79x4x128xf32, #tpu.memory_space<vmem>>, vector<16xf32>,
      %broadcast_in_dim3A_1484 = arith.constant 1 : i32
      %broadcast_in_dim3A_1485 = vector.broadcast %broadcast_in_dim3A_1484 : i32 to vector<16xi32>
      %scatter3A_1486 = arith.constant 2 : i32
      %scatter3A_1487 = arith.constant 0 : i32
      %scatter3A_1488 = arith.constant 0 : i32
      %scatter3A_1489 = tpu.memref_slice %arg8[%scatter3A_1486, %scatter3A_1487, %scatter3A_1488] : memref<3x128x8xf32, #tpu.memory_space<vmem>> -> memref<1x128x8xf32, #tpu.memory_space<vmem>>
      %scatter3A_1490 = tpu.memref_squeeze %scatter3A_1489 : memref<1x128x8xf32, #tpu.memory_space<vmem>> -> memref<128x8xf32, #tpu.memory_space<vmem>>
      tpu.vector_store_idx %scatter3A_1490[%add3A_1466, %broadcast_in_dim3A_1485], %get3A_1483 : memref<128x8xf32, #tpu.memory_space<vmem>>[vector<16xi32>, vector<16xi32>], vector<16xf32>,
      %get3A_1491 = arith.constant 2 : i32
      %get3A_1492 = arith.index_cast %add3A_1106 : i32 to index
      %get3A_1493 = arith.index_cast %get3A_1491 : i32 to index
      %get3A_1494 = arith.constant 112 : index
      %get3A_1495 = tpu.vector_load %arg7[%get3A_1492, %get3A_1493, %get3A_1494] {strides = array<i32>} : memref<79x4x128xf32, #tpu.memory_space<vmem>>, vector<16xf32>,
      %broadcast_in_dim3A_1496 = arith.constant 2 : i32
      %broadcast_in_dim3A_1497 = vector.broadcast %broadcast_in_dim3A_1496 : i32 to vector<16xi32>
      %scatter3A_1498 = arith.constant 2 : i32
      %scatter3A_1499 = arith.constant 0 : i32
      %scatter3A_1500 = arith.constant 0 : i32
      %scatter3A_1501 = tpu.memref_slice %arg8[%scatter3A_1498, %scatter3A_1499, %scatter3A_1500] : memref<3x128x8xf32, #tpu.memory_space<vmem>> -> memref<1x128x8xf32, #tpu.memory_space<vmem>>
      %scatter3A_1502 = tpu.memref_squeeze %scatter3A_1501 : memref<1x128x8xf32, #tpu.memory_space<vmem>> -> memref<128x8xf32, #tpu.memory_space<vmem>>
      tpu.vector_store_idx %scatter3A_1502[%add3A_1466, %broadcast_in_dim3A_1497], %get3A_1495 : memref<128x8xf32, #tpu.memory_space<vmem>>[vector<16xi32>, vector<16xi32>], vector<16xf32>,
      %get3A_1503 = arith.constant 3 : i32
      %get3A_1504 = arith.index_cast %add3A_1106 : i32 to index
      %get3A_1505 = arith.index_cast %get3A_1503 : i32 to index
      %get3A_1506 = arith.constant 112 : index
      %get3A_1507 = tpu.vector_load %arg7[%get3A_1504, %get3A_1505, %get3A_1506] {strides = array<i32>} : memref<79x4x128xf32, #tpu.memory_space<vmem>>, vector<16xf32>,
      %broadcast_in_dim3A_1508 = arith.constant 3 : i32
      %broadcast_in_dim3A_1509 = vector.broadcast %broadcast_in_dim3A_1508 : i32 to vector<16xi32>
      %scatter3A_1510 = arith.constant 2 : i32
      %scatter3A_1511 = arith.constant 0 : i32
      %scatter3A_1512 = arith.constant 0 : i32
      %scatter3A_1513 = tpu.memref_slice %arg8[%scatter3A_1510, %scatter3A_1511, %scatter3A_1512] : memref<3x128x8xf32, #tpu.memory_space<vmem>> -> memref<1x128x8xf32, #tpu.memory_space<vmem>>
      %scatter3A_1514 = tpu.memref_squeeze %scatter3A_1513 : memref<1x128x8xf32, #tpu.memory_space<vmem>> -> memref<128x8xf32, #tpu.memory_space<vmem>>
      tpu.vector_store_idx %scatter3A_1514[%add3A_1466, %broadcast_in_dim3A_1509], %get3A_1507 : memref<128x8xf32, #tpu.memory_space<vmem>>[vector<16xi32>, vector<16xi32>], vector<16xf32>,
      %add3A_1515 = arith.constant 2 : i32
      %add3A_1516 = arith.addi %mul3A_257, %add3A_1515 : i32
      %dma_start3A_1517 = arith.constant 2 : i32
      %dma_start3A_1518 = arith.constant 0 : i32
      %dma_start3A_1519 = arith.constant 0 : i32
      %dma_start3A_1520 = arith.constant 0 : i32
      %dma_start3A_1521 = tpu.memref_slice %arg8[%dma_start3A_1517, %dma_start3A_1519, %dma_start3A_1520] : memref<3x128x8xf32, #tpu.memory_space<vmem>> -> memref<1x128x8xf32, #tpu.memory_space<vmem>>
      %dma_start3A_1522 = tpu.memref_squeeze %dma_start3A_1521 : memref<1x128x8xf32, #tpu.memory_space<vmem>> -> memref<128x8xf32, #tpu.memory_space<vmem>>
      %dma_start3A_1523 = arith.constant 0 : i32
      %dma_start3A_1524 = tpu.memref_slice %arg6[%add3A_1516, %dma_start3A_1518, %dma_start3A_1523] : memref<79x1x128xi32, #tpu.memory_space<vmem>> -> memref<1x1x128xi32, #tpu.memory_space<vmem>>
      %dma_start3A_1525 = tpu.memref_squeeze %dma_start3A_1524 : memref<1x1x128xi32, #tpu.memory_space<vmem>> -> memref<128xi32, #tpu.memory_space<vmem>>
      %dma_start3A_1526 = arith.constant 0 : i32
      %dma_start3A_1527 = arith.constant 0 : i32
      %dma_start3A_1528 = tpu.memref_slice %arg11[%dma_start3A_1526, %dma_start3A_1527] : memref<10000x8xf32, #tpu.memory_space<vmem_shared>> -> memref<10000x8xf32, #tpu.memory_space<vmem_shared>>
      tpu.enqueue_indirect_dma source(%dma_start3A_1522 : memref<128x8xf32, #tpu.memory_space<vmem>>) target(%dma_start3A_1528 : memref<10000x8xf32, #tpu.memory_space<vmem_shared>>) offsets(%dma_start3A_1525 : memref<128xi32, #tpu.memory_space<vmem>>) semaphore(%arg12 : memref<!tpu.dma_semaphore, #tpu.memory_space<semaphore_mem>>) {add = true}
      %dma_wait3A_1529 = arith.constant 0 : i32
      %dma_wait3A_1530 = arith.constant 0 : i32
      %dma_wait3A_1531 = arith.constant 0 : i32
      %dma_wait3A_1532 = arith.constant 0 : i32
      %dma_wait3A_1533 = tpu.memref_slice %arg8[%dma_wait3A_1529, %dma_wait3A_1531, %dma_wait3A_1532] : memref<3x128x8xf32, #tpu.memory_space<vmem>> -> memref<1x128x8xf32, #tpu.memory_space<vmem>>
      %dma_wait3A_1534 = tpu.memref_squeeze %dma_wait3A_1533 : memref<1x128x8xf32, #tpu.memory_space<vmem>> -> memref<128x8xf32, #tpu.memory_space<vmem>>
      %dma_wait3A_1535 = arith.constant 0 : i32
      %dma_wait3A_1536 = tpu.memref_slice %arg6[%add3A_668, %dma_wait3A_1530, %dma_wait3A_1535] : memref<79x1x128xi32, #tpu.memory_space<vmem>> -> memref<1x1x128xi32, #tpu.memory_space<vmem>>
      %dma_wait3A_1537 = tpu.memref_squeeze %dma_wait3A_1536 : memref<1x1x128xi32, #tpu.memory_space<vmem>> -> memref<128xi32, #tpu.memory_space<vmem>>
      %dma_wait3A_1538 = arith.constant 0 : i32
      %dma_wait3A_1539 = arith.constant 0 : i32
      %dma_wait3A_1540 = tpu.memref_slice %arg11[%dma_wait3A_1538, %dma_wait3A_1539] : memref<10000x8xf32, #tpu.memory_space<vmem_shared>> -> memref<10000x8xf32, #tpu.memory_space<vmem_shared>>
      tpu.wait_indirect_dma semaphore(%arg12 : memref<!tpu.dma_semaphore, #tpu.memory_space<semaphore_mem>>) src(%dma_wait3A_1534 : memref<128x8xf32, #tpu.memory_space<vmem>>) dst(%dma_wait3A_1540 : memref<10000x8xf32, #tpu.memory_space<vmem_shared>>)
      %dma_wait3A_1541 = arith.constant 1 : i32
      %dma_wait3A_1542 = arith.constant 0 : i32
      %dma_wait3A_1543 = arith.constant 0 : i32
      %dma_wait3A_1544 = arith.constant 0 : i32
      %dma_wait3A_1545 = tpu.memref_slice %arg8[%dma_wait3A_1541, %dma_wait3A_1543, %dma_wait3A_1544] : memref<3x128x8xf32, #tpu.memory_space<vmem>> -> memref<1x128x8xf32, #tpu.memory_space<vmem>>
      %dma_wait3A_1546 = tpu.memref_squeeze %dma_wait3A_1545 : memref<1x128x8xf32, #tpu.memory_space<vmem>> -> memref<128x8xf32, #tpu.memory_space<vmem>>
      %dma_wait3A_1547 = arith.constant 0 : i32
      %dma_wait3A_1548 = tpu.memref_slice %arg6[%add3A_1092, %dma_wait3A_1542, %dma_wait3A_1547] : memref<79x1x128xi32, #tpu.memory_space<vmem>> -> memref<1x1x128xi32, #tpu.memory_space<vmem>>
      %dma_wait3A_1549 = tpu.memref_squeeze %dma_wait3A_1548 : memref<1x1x128xi32, #tpu.memory_space<vmem>> -> memref<128xi32, #tpu.memory_space<vmem>>
      %dma_wait3A_1550 = arith.constant 0 : i32
      %dma_wait3A_1551 = arith.constant 0 : i32
      %dma_wait3A_1552 = tpu.memref_slice %arg11[%dma_wait3A_1550, %dma_wait3A_1551] : memref<10000x8xf32, #tpu.memory_space<vmem_shared>> -> memref<10000x8xf32, #tpu.memory_space<vmem_shared>>
      tpu.wait_indirect_dma semaphore(%arg12 : memref<!tpu.dma_semaphore, #tpu.memory_space<semaphore_mem>>) src(%dma_wait3A_1546 : memref<128x8xf32, #tpu.memory_space<vmem>>) dst(%dma_wait3A_1552 : memref<10000x8xf32, #tpu.memory_space<vmem_shared>>)
      %dma_wait3A_1553 = arith.constant 2 : i32
      %dma_wait3A_1554 = arith.constant 0 : i32
      %dma_wait3A_1555 = arith.constant 0 : i32
      %dma_wait3A_1556 = arith.constant 0 : i32
      %dma_wait3A_1557 = tpu.memref_slice %arg8[%dma_wait3A_1553, %dma_wait3A_1555, %dma_wait3A_1556] : memref<3x128x8xf32, #tpu.memory_space<vmem>> -> memref<1x128x8xf32, #tpu.memory_space<vmem>>
      %dma_wait3A_1558 = tpu.memref_squeeze %dma_wait3A_1557 : memref<1x128x8xf32, #tpu.memory_space<vmem>> -> memref<128x8xf32, #tpu.memory_space<vmem>>
      %dma_wait3A_1559 = arith.constant 0 : i32
      %dma_wait3A_1560 = tpu.memref_slice %arg6[%add3A_1516, %dma_wait3A_1554, %dma_wait3A_1559] : memref<79x1x128xi32, #tpu.memory_space<vmem>> -> memref<1x1x128xi32, #tpu.memory_space<vmem>>
      %dma_wait3A_1561 = tpu.memref_squeeze %dma_wait3A_1560 : memref<1x1x128xi32, #tpu.memory_space<vmem>> -> memref<128xi32, #tpu.memory_space<vmem>>
      %dma_wait3A_1562 = arith.constant 0 : i32
      %dma_wait3A_1563 = arith.constant 0 : i32
      %dma_wait3A_1564 = tpu.memref_slice %arg11[%dma_wait3A_1562, %dma_wait3A_1563] : memref<10000x8xf32, #tpu.memory_space<vmem_shared>> -> memref<10000x8xf32, #tpu.memory_space<vmem_shared>>
      tpu.wait_indirect_dma semaphore(%arg12 : memref<!tpu.dma_semaphore, #tpu.memory_space<semaphore_mem>>) src(%dma_wait3A_1558 : memref<128x8xf32, #tpu.memory_space<vmem>>) dst(%dma_wait3A_1564 : memref<10000x8xf32, #tpu.memory_space<vmem_shared>>)
    }
    %scan3A_224 = arith.constant 13 : i32
    %dma_wait3A = arith.constant 39 : i32
    %dma_wait3A_225 = arith.constant 0 : i32
    %dma_wait3A_226 = arith.constant 0 : i32
    %dma_wait3A_227 = tpu.memref_slice %arg7[%dma_wait3A, %dma_wait3A_225, %dma_wait3A_226] : memref<79x4x128xf32, #tpu.memory_space<vmem>> -> memref<39x4x128xf32, #tpu.memory_space<vmem>>
    %dma_wait3A_228 = arith.constant 0 : i32
    %dma_wait3A_229 = arith.constant 0 : i32
    %dma_wait3A_230 = tpu.memref_slice %arg3[%add3A_206, %dma_wait3A_228, %dma_wait3A_229] : memref<2500x4x128xf32, #tpu.memory_space<hbm>> -> memref<39x4x128xf32, #tpu.memory_space<hbm>>
    %dma_wait3A_231 = arith.constant 39 : i32
    %dma_wait3A_232 = arith.constant 0 : i32
    %dma_wait3A_233 = arith.constant 0 : i32
    %dma_wait3A_234 = tpu.memref_slice %arg7[%dma_wait3A_231, %dma_wait3A_232, %dma_wait3A_233] : memref<79x4x128xf32, #tpu.memory_space<vmem>> -> memref<39x4x128xf32, #tpu.memory_space<vmem>>
    %dma_wait3A_235 = arith.constant 0 : i32
    %dma_wait3A_236 = arith.constant 0 : i32
    %dma_wait3A_237 = tpu.memref_slice %arg3[%add3A_206, %dma_wait3A_235, %dma_wait3A_236] : memref<2500x4x128xf32, #tpu.memory_space<hbm>> -> memref<39x4x128xf32, #tpu.memory_space<hbm>>
    tpu.wait_dma2 semaphore(%arg13 : memref<!tpu.dma_semaphore, #tpu.memory_space<semaphore_mem>>) src(%dma_wait3A_237 : memref<39x4x128xf32, #tpu.memory_space<hbm>>) dst(%dma_wait3A_234 : memref<39x4x128xf32, #tpu.memory_space<vmem>>)
    %scan3A_238 = arith.constant 0 : i32
    %scan3A_239 = arith.constant 13 : i32
    %scan3A_240 = arith.constant 13 : i32
    %scan3A_241 = arith.addi %scan3A_239, %scan3A_240 : i32
    %scan3A_242 = arith.constant 1 : i32
    scf.for %scan3A_255 = %scan3A_239 to %scan3A_241 step %scan3A_242  : i32 {
      %mul3A_256 = arith.constant 3 : i32
      %mul3A_257 = arith.muli %scan3A_255, %mul3A_256 : i32
      %add3A_258 = arith.constant 0 : i32
      %add3A_259 = arith.addi %mul3A_257, %add3A_258 : i32
      %add3A_260 = arith.constant 0 : i32
      %add3A_261 = vector.broadcast %add3A_260 : i32 to vector<16xi32>
      %add3A_262 = arith.addi %iota3A, %add3A_261 : vector<16xi32>
      %get3A = arith.constant 0 : i32
      %get3A_263 = arith.index_cast %add3A_259 : i32 to index
      %get3A_264 = arith.index_cast %get3A : i32 to index
      %get3A_265 = arith.constant 0 : index
      %get3A_266 = tpu.vector_load %arg7[%get3A_263, %get3A_264, %get3A_265] {strides = array<i32>} : memref<79x4x128xf32, #tpu.memory_space<vmem>>, vector<16xf32>,
      %broadcast_in_dim3A_267 = arith.constant 0 : i32
      %broadcast_in_dim3A_268 = vector.broadcast %broadcast_in_dim3A_267 : i32 to vector<16xi32>
      %scatter3A_269 = arith.constant 0 : i32
      %scatter3A_270 = arith.constant 0 : i32
      %scatter3A_271 = arith.constant 0 : i32
      %scatter3A_272 = tpu.memref_slice %arg8[%scatter3A_269, %scatter3A_270, %scatter3A_271] : memref<3x128x8xf32, #tpu.memory_space<vmem>> -> memref<1x128x8xf32, #tpu.memory_space<vmem>>
      %scatter3A_273 = tpu.memref_squeeze %scatter3A_272 : memref<1x128x8xf32, #tpu.memory_space<vmem>> -> memref<128x8xf32, #tpu.memory_space<vmem>>
      tpu.vector_store_idx %scatter3A_273[%add3A_262, %broadcast_in_dim3A_268], %get3A_266 : memref<128x8xf32, #tpu.memory_space<vmem>>[vector<16xi32>, vector<16xi32>], vector<16xf32>,
      %get3A_274 = arith.constant 1 : i32
      %get3A_275 = arith.index_cast %add3A_259 : i32 to index
      %get3A_276 = arith.index_cast %get3A_274 : i32 to index
      %get3A_277 = arith.constant 0 : index
      %get3A_278 = tpu.vector_load %arg7[%get3A_275, %get3A_276, %get3A_277] {strides = array<i32>} : memref<79x4x128xf32, #tpu.memory_space<vmem>>, vector<16xf32>,
      %broadcast_in_dim3A_279 = arith.constant 1 : i32
      %broadcast_in_dim3A_280 = vector.broadcast %broadcast_in_dim3A_279 : i32 to vector<16xi32>
      %scatter3A_281 = arith.constant 0 : i32
      %scatter3A_282 = arith.constant 0 : i32
      %scatter3A_283 = arith.constant 0 : i32
      %scatter3A_284 = tpu.memref_slice %arg8[%scatter3A_281, %scatter3A_282, %scatter3A_283] : memref<3x128x8xf32, #tpu.memory_space<vmem>> -> memref<1x128x8xf32, #tpu.memory_space<vmem>>
      %scatter3A_285 = tpu.memref_squeeze %scatter3A_284 : memref<1x128x8xf32, #tpu.memory_space<vmem>> -> memref<128x8xf32, #tpu.memory_space<vmem>>
      tpu.vector_store_idx %scatter3A_285[%add3A_262, %broadcast_in_dim3A_280], %get3A_278 : memref<128x8xf32, #tpu.memory_space<vmem>>[vector<16xi32>, vector<16xi32>], vector<16xf32>,
      %get3A_286 = arith.constant 2 : i32
      %get3A_287 = arith.index_cast %add3A_259 : i32 to index
      %get3A_288 = arith.index_cast %get3A_286 : i32 to index
      %get3A_289 = arith.constant 0 : index
      %get3A_290 = tpu.vector_load %arg7[%get3A_287, %get3A_288, %get3A_289] {strides = array<i32>} : memref<79x4x128xf32, #tpu.memory_space<vmem>>, vector<16xf32>,
      %broadcast_in_dim3A_291 = arith.constant 2 : i32
      %broadcast_in_dim3A_292 = vector.broadcast %broadcast_in_dim3A_291 : i32 to vector<16xi32>
      %scatter3A_293 = arith.constant 0 : i32
      %scatter3A_294 = arith.constant 0 : i32
      %scatter3A_295 = arith.constant 0 : i32
      %scatter3A_296 = tpu.memref_slice %arg8[%scatter3A_293, %scatter3A_294, %scatter3A_295] : memref<3x128x8xf32, #tpu.memory_space<vmem>> -> memref<1x128x8xf32, #tpu.memory_space<vmem>>
      %scatter3A_297 = tpu.memref_squeeze %scatter3A_296 : memref<1x128x8xf32, #tpu.memory_space<vmem>> -> memref<128x8xf32, #tpu.memory_space<vmem>>
      tpu.vector_store_idx %scatter3A_297[%add3A_262, %broadcast_in_dim3A_292], %get3A_290 : memref<128x8xf32, #tpu.memory_space<vmem>>[vector<16xi32>, vector<16xi32>], vector<16xf32>,
      %get3A_298 = arith.constant 3 : i32
      %get3A_299 = arith.index_cast %add3A_259 : i32 to index
      %get3A_300 = arith.index_cast %get3A_298 : i32 to index
      %get3A_301 = arith.constant 0 : index
      %get3A_302 = tpu.vector_load %arg7[%get3A_299, %get3A_300, %get3A_301] {strides = array<i32>} : memref<79x4x128xf32, #tpu.memory_space<vmem>>, vector<16xf32>,
      %broadcast_in_dim3A_303 = arith.constant 3 : i32
      %broadcast_in_dim3A_304 = vector.broadcast %broadcast_in_dim3A_303 : i32 to vector<16xi32>
      %scatter3A_305 = arith.constant 0 : i32
      %scatter3A_306 = arith.constant 0 : i32
      %scatter3A_307 = arith.constant 0 : i32
      %scatter3A_308 = tpu.memref_slice %arg8[%scatter3A_305, %scatter3A_306, %scatter3A_307] : memref<3x128x8xf32, #tpu.memory_space<vmem>> -> memref<1x128x8xf32, #tpu.memory_space<vmem>>
      %scatter3A_309 = tpu.memref_squeeze %scatter3A_308 : memref<1x128x8xf32, #tpu.memory_space<vmem>> -> memref<128x8xf32, #tpu.memory_space<vmem>>
      tpu.vector_store_idx %scatter3A_309[%add3A_262, %broadcast_in_dim3A_304], %get3A_302 : memref<128x8xf32, #tpu.memory_space<vmem>>[vector<16xi32>, vector<16xi32>], vector<16xf32>,
      %add3A_310 = arith.constant 16 : i32
      %add3A_311 = vector.broadcast %add3A_310 : i32 to vector<16xi32>
      %add3A_312 = arith.addi %iota3A, %add3A_311 : vector<16xi32>
      %get3A_313 = arith.constant 0 : i32
      %get3A_314 = arith.index_cast %add3A_259 : i32 to index
      %get3A_315 = arith.index_cast %get3A_313 : i32 to index
      %get3A_316 = arith.constant 16 : index
      %get3A_317 = tpu.vector_load %arg7[%get3A_314, %get3A_315, %get3A_316] {strides = array<i32>} : memref<79x4x128xf32, #tpu.memory_space<vmem>>, vector<16xf32>,
      %broadcast_in_dim3A_318 = arith.constant 0 : i32
      %broadcast_in_dim3A_319 = vector.broadcast %broadcast_in_dim3A_318 : i32 to vector<16xi32>
      %scatter3A_320 = arith.constant 0 : i32
      %scatter3A_321 = arith.constant 0 : i32
      %scatter3A_322 = arith.constant 0 : i32
      %scatter3A_323 = tpu.memref_slice %arg8[%scatter3A_320, %scatter3A_321, %scatter3A_322] : memref<3x128x8xf32, #tpu.memory_space<vmem>> -> memref<1x128x8xf32, #tpu.memory_space<vmem>>
      %scatter3A_324 = tpu.memref_squeeze %scatter3A_323 : memref<1x128x8xf32, #tpu.memory_space<vmem>> -> memref<128x8xf32, #tpu.memory_space<vmem>>
      tpu.vector_store_idx %scatter3A_324[%add3A_312, %broadcast_in_dim3A_319], %get3A_317 : memref<128x8xf32, #tpu.memory_space<vmem>>[vector<16xi32>, vector<16xi32>], vector<16xf32>,
      %get3A_325 = arith.constant 1 : i32
      %get3A_326 = arith.index_cast %add3A_259 : i32 to index
      %get3A_327 = arith.index_cast %get3A_325 : i32 to index
      %get3A_328 = arith.constant 16 : index
      %get3A_329 = tpu.vector_load %arg7[%get3A_326, %get3A_327, %get3A_328] {strides = array<i32>} : memref<79x4x128xf32, #tpu.memory_space<vmem>>, vector<16xf32>,
      %broadcast_in_dim3A_330 = arith.constant 1 : i32
      %broadcast_in_dim3A_331 = vector.broadcast %broadcast_in_dim3A_330 : i32 to vector<16xi32>
      %scatter3A_332 = arith.constant 0 : i32
      %scatter3A_333 = arith.constant 0 : i32
      %scatter3A_334 = arith.constant 0 : i32
      %scatter3A_335 = tpu.memref_slice %arg8[%scatter3A_332, %scatter3A_333, %scatter3A_334] : memref<3x128x8xf32, #tpu.memory_space<vmem>> -> memref<1x128x8xf32, #tpu.memory_space<vmem>>
      %scatter3A_336 = tpu.memref_squeeze %scatter3A_335 : memref<1x128x8xf32, #tpu.memory_space<vmem>> -> memref<128x8xf32, #tpu.memory_space<vmem>>
      tpu.vector_store_idx %scatter3A_336[%add3A_312, %broadcast_in_dim3A_331], %get3A_329 : memref<128x8xf32, #tpu.memory_space<vmem>>[vector<16xi32>, vector<16xi32>], vector<16xf32>,
      %get3A_337 = arith.constant 2 : i32
      %get3A_338 = arith.index_cast %add3A_259 : i32 to index
      %get3A_339 = arith.index_cast %get3A_337 : i32 to index
      %get3A_340 = arith.constant 16 : index
      %get3A_341 = tpu.vector_load %arg7[%get3A_338, %get3A_339, %get3A_340] {strides = array<i32>} : memref<79x4x128xf32, #tpu.memory_space<vmem>>, vector<16xf32>,
      %broadcast_in_dim3A_342 = arith.constant 2 : i32
      %broadcast_in_dim3A_343 = vector.broadcast %broadcast_in_dim3A_342 : i32 to vector<16xi32>
      %scatter3A_344 = arith.constant 0 : i32
      %scatter3A_345 = arith.constant 0 : i32
      %scatter3A_346 = arith.constant 0 : i32
      %scatter3A_347 = tpu.memref_slice %arg8[%scatter3A_344, %scatter3A_345, %scatter3A_346] : memref<3x128x8xf32, #tpu.memory_space<vmem>> -> memref<1x128x8xf32, #tpu.memory_space<vmem>>
      %scatter3A_348 = tpu.memref_squeeze %scatter3A_347 : memref<1x128x8xf32, #tpu.memory_space<vmem>> -> memref<128x8xf32, #tpu.memory_space<vmem>>
      tpu.vector_store_idx %scatter3A_348[%add3A_312, %broadcast_in_dim3A_343], %get3A_341 : memref<128x8xf32, #tpu.memory_space<vmem>>[vector<16xi32>, vector<16xi32>], vector<16xf32>,
      %get3A_349 = arith.constant 3 : i32
      %get3A_350 = arith.index_cast %add3A_259 : i32 to index
      %get3A_351 = arith.index_cast %get3A_349 : i32 to index
      %get3A_352 = arith.constant 16 : index
      %get3A_353 = tpu.vector_load %arg7[%get3A_350, %get3A_351, %get3A_352] {strides = array<i32>} : memref<79x4x128xf32, #tpu.memory_space<vmem>>, vector<16xf32>,
      %broadcast_in_dim3A_354 = arith.constant 3 : i32
      %broadcast_in_dim3A_355 = vector.broadcast %broadcast_in_dim3A_354 : i32 to vector<16xi32>
      %scatter3A_356 = arith.constant 0 : i32
      %scatter3A_357 = arith.constant 0 : i32
      %scatter3A_358 = arith.constant 0 : i32
      %scatter3A_359 = tpu.memref_slice %arg8[%scatter3A_356, %scatter3A_357, %scatter3A_358] : memref<3x128x8xf32, #tpu.memory_space<vmem>> -> memref<1x128x8xf32, #tpu.memory_space<vmem>>
      %scatter3A_360 = tpu.memref_squeeze %scatter3A_359 : memref<1x128x8xf32, #tpu.memory_space<vmem>> -> memref<128x8xf32, #tpu.memory_space<vmem>>
      tpu.vector_store_idx %scatter3A_360[%add3A_312, %broadcast_in_dim3A_355], %get3A_353 : memref<128x8xf32, #tpu.memory_space<vmem>>[vector<16xi32>, vector<16xi32>], vector<16xf32>,
      %add3A_361 = arith.constant 32 : i32
      %add3A_362 = vector.broadcast %add3A_361 : i32 to vector<16xi32>
      %add3A_363 = arith.addi %iota3A, %add3A_362 : vector<16xi32>
      %get3A_364 = arith.constant 0 : i32
      %get3A_365 = arith.index_cast %add3A_259 : i32 to index
      %get3A_366 = arith.index_cast %get3A_364 : i32 to index
      %get3A_367 = arith.constant 32 : index
      %get3A_368 = tpu.vector_load %arg7[%get3A_365, %get3A_366, %get3A_367] {strides = array<i32>} : memref<79x4x128xf32, #tpu.memory_space<vmem>>, vector<16xf32>,
      %broadcast_in_dim3A_369 = arith.constant 0 : i32
      %broadcast_in_dim3A_370 = vector.broadcast %broadcast_in_dim3A_369 : i32 to vector<16xi32>
      %scatter3A_371 = arith.constant 0 : i32
      %scatter3A_372 = arith.constant 0 : i32
      %scatter3A_373 = arith.constant 0 : i32
      %scatter3A_374 = tpu.memref_slice %arg8[%scatter3A_371, %scatter3A_372, %scatter3A_373] : memref<3x128x8xf32, #tpu.memory_space<vmem>> -> memref<1x128x8xf32, #tpu.memory_space<vmem>>
      %scatter3A_375 = tpu.memref_squeeze %scatter3A_374 : memref<1x128x8xf32, #tpu.memory_space<vmem>> -> memref<128x8xf32, #tpu.memory_space<vmem>>
      tpu.vector_store_idx %scatter3A_375[%add3A_363, %broadcast_in_dim3A_370], %get3A_368 : memref<128x8xf32, #tpu.memory_space<vmem>>[vector<16xi32>, vector<16xi32>], vector<16xf32>,
      %get3A_376 = arith.constant 1 : i32
      %get3A_377 = arith.index_cast %add3A_259 : i32 to index
      %get3A_378 = arith.index_cast %get3A_376 : i32 to index
      %get3A_379 = arith.constant 32 : index
      %get3A_380 = tpu.vector_load %arg7[%get3A_377, %get3A_378, %get3A_379] {strides = array<i32>} : memref<79x4x128xf32, #tpu.memory_space<vmem>>, vector<16xf32>,
      %broadcast_in_dim3A_381 = arith.constant 1 : i32
      %broadcast_in_dim3A_382 = vector.broadcast %broadcast_in_dim3A_381 : i32 to vector<16xi32>
      %scatter3A_383 = arith.constant 0 : i32
      %scatter3A_384 = arith.constant 0 : i32
      %scatter3A_385 = arith.constant 0 : i32
      %scatter3A_386 = tpu.memref_slice %arg8[%scatter3A_383, %scatter3A_384, %scatter3A_385] : memref<3x128x8xf32, #tpu.memory_space<vmem>> -> memref<1x128x8xf32, #tpu.memory_space<vmem>>
      %scatter3A_387 = tpu.memref_squeeze %scatter3A_386 : memref<1x128x8xf32, #tpu.memory_space<vmem>> -> memref<128x8xf32, #tpu.memory_space<vmem>>
      tpu.vector_store_idx %scatter3A_387[%add3A_363, %broadcast_in_dim3A_382], %get3A_380 : memref<128x8xf32, #tpu.memory_space<vmem>>[vector<16xi32>, vector<16xi32>], vector<16xf32>,
      %get3A_388 = arith.constant 2 : i32
      %get3A_389 = arith.index_cast %add3A_259 : i32 to index
      %get3A_390 = arith.index_cast %get3A_388 : i32 to index
      %get3A_391 = arith.constant 32 : index
      %get3A_392 = tpu.vector_load %arg7[%get3A_389, %get3A_390, %get3A_391] {strides = array<i32>} : memref<79x4x128xf32, #tpu.memory_space<vmem>>, vector<16xf32>,
      %broadcast_in_dim3A_393 = arith.constant 2 : i32
      %broadcast_in_dim3A_394 = vector.broadcast %broadcast_in_dim3A_393 : i32 to vector<16xi32>
      %scatter3A_395 = arith.constant 0 : i32
      %scatter3A_396 = arith.constant 0 : i32
      %scatter3A_397 = arith.constant 0 : i32
      %scatter3A_398 = tpu.memref_slice %arg8[%scatter3A_395, %scatter3A_396, %scatter3A_397] : memref<3x128x8xf32, #tpu.memory_space<vmem>> -> memref<1x128x8xf32, #tpu.memory_space<vmem>>
      %scatter3A_399 = tpu.memref_squeeze %scatter3A_398 : memref<1x128x8xf32, #tpu.memory_space<vmem>> -> memref<128x8xf32, #tpu.memory_space<vmem>>
      tpu.vector_store_idx %scatter3A_399[%add3A_363, %broadcast_in_dim3A_394], %get3A_392 : memref<128x8xf32, #tpu.memory_space<vmem>>[vector<16xi32>, vector<16xi32>], vector<16xf32>,
      %get3A_400 = arith.constant 3 : i32
      %get3A_401 = arith.index_cast %add3A_259 : i32 to index
      %get3A_402 = arith.index_cast %get3A_400 : i32 to index
      %get3A_403 = arith.constant 32 : index
      %get3A_404 = tpu.vector_load %arg7[%get3A_401, %get3A_402, %get3A_403] {strides = array<i32>} : memref<79x4x128xf32, #tpu.memory_space<vmem>>, vector<16xf32>,
      %broadcast_in_dim3A_405 = arith.constant 3 : i32
      %broadcast_in_dim3A_406 = vector.broadcast %broadcast_in_dim3A_405 : i32 to vector<16xi32>
      %scatter3A_407 = arith.constant 0 : i32
      %scatter3A_408 = arith.constant 0 : i32
      %scatter3A_409 = arith.constant 0 : i32
      %scatter3A_410 = tpu.memref_slice %arg8[%scatter3A_407, %scatter3A_408, %scatter3A_409] : memref<3x128x8xf32, #tpu.memory_space<vmem>> -> memref<1x128x8xf32, #tpu.memory_space<vmem>>
      %scatter3A_411 = tpu.memref_squeeze %scatter3A_410 : memref<1x128x8xf32, #tpu.memory_space<vmem>> -> memref<128x8xf32, #tpu.memory_space<vmem>>
      tpu.vector_store_idx %scatter3A_411[%add3A_363, %broadcast_in_dim3A_406], %get3A_404 : memref<128x8xf32, #tpu.memory_space<vmem>>[vector<16xi32>, vector<16xi32>], vector<16xf32>,
      %add3A_412 = arith.constant 48 : i32
      %add3A_413 = vector.broadcast %add3A_412 : i32 to vector<16xi32>
      %add3A_414 = arith.addi %iota3A, %add3A_413 : vector<16xi32>
      %get3A_415 = arith.constant 0 : i32
      %get3A_416 = arith.index_cast %add3A_259 : i32 to index
      %get3A_417 = arith.index_cast %get3A_415 : i32 to index
      %get3A_418 = arith.constant 48 : index
      %get3A_419 = tpu.vector_load %arg7[%get3A_416, %get3A_417, %get3A_418] {strides = array<i32>} : memref<79x4x128xf32, #tpu.memory_space<vmem>>, vector<16xf32>,
      %broadcast_in_dim3A_420 = arith.constant 0 : i32
      %broadcast_in_dim3A_421 = vector.broadcast %broadcast_in_dim3A_420 : i32 to vector<16xi32>
      %scatter3A_422 = arith.constant 0 : i32
      %scatter3A_423 = arith.constant 0 : i32
      %scatter3A_424 = arith.constant 0 : i32
      %scatter3A_425 = tpu.memref_slice %arg8[%scatter3A_422, %scatter3A_423, %scatter3A_424] : memref<3x128x8xf32, #tpu.memory_space<vmem>> -> memref<1x128x8xf32, #tpu.memory_space<vmem>>
      %scatter3A_426 = tpu.memref_squeeze %scatter3A_425 : memref<1x128x8xf32, #tpu.memory_space<vmem>> -> memref<128x8xf32, #tpu.memory_space<vmem>>
      tpu.vector_store_idx %scatter3A_426[%add3A_414, %broadcast_in_dim3A_421], %get3A_419 : memref<128x8xf32, #tpu.memory_space<vmem>>[vector<16xi32>, vector<16xi32>], vector<16xf32>,
      %get3A_427 = arith.constant 1 : i32
      %get3A_428 = arith.index_cast %add3A_259 : i32 to index
      %get3A_429 = arith.index_cast %get3A_427 : i32 to index
      %get3A_430 = arith.constant 48 : index
      %get3A_431 = tpu.vector_load %arg7[%get3A_428, %get3A_429, %get3A_430] {strides = array<i32>} : memref<79x4x128xf32, #tpu.memory_space<vmem>>, vector<16xf32>,
      %broadcast_in_dim3A_432 = arith.constant 1 : i32
      %broadcast_in_dim3A_433 = vector.broadcast %broadcast_in_dim3A_432 : i32 to vector<16xi32>
      %scatter3A_434 = arith.constant 0 : i32
      %scatter3A_435 = arith.constant 0 : i32
      %scatter3A_436 = arith.constant 0 : i32
      %scatter3A_437 = tpu.memref_slice %arg8[%scatter3A_434, %scatter3A_435, %scatter3A_436] : memref<3x128x8xf32, #tpu.memory_space<vmem>> -> memref<1x128x8xf32, #tpu.memory_space<vmem>>
      %scatter3A_438 = tpu.memref_squeeze %scatter3A_437 : memref<1x128x8xf32, #tpu.memory_space<vmem>> -> memref<128x8xf32, #tpu.memory_space<vmem>>
      tpu.vector_store_idx %scatter3A_438[%add3A_414, %broadcast_in_dim3A_433], %get3A_431 : memref<128x8xf32, #tpu.memory_space<vmem>>[vector<16xi32>, vector<16xi32>], vector<16xf32>,
      %get3A_439 = arith.constant 2 : i32
      %get3A_440 = arith.index_cast %add3A_259 : i32 to index
      %get3A_441 = arith.index_cast %get3A_439 : i32 to index
      %get3A_442 = arith.constant 48 : index
      %get3A_443 = tpu.vector_load %arg7[%get3A_440, %get3A_441, %get3A_442] {strides = array<i32>} : memref<79x4x128xf32, #tpu.memory_space<vmem>>, vector<16xf32>,
      %broadcast_in_dim3A_444 = arith.constant 2 : i32
      %broadcast_in_dim3A_445 = vector.broadcast %broadcast_in_dim3A_444 : i32 to vector<16xi32>
      %scatter3A_446 = arith.constant 0 : i32
      %scatter3A_447 = arith.constant 0 : i32
      %scatter3A_448 = arith.constant 0 : i32
      %scatter3A_449 = tpu.memref_slice %arg8[%scatter3A_446, %scatter3A_447, %scatter3A_448] : memref<3x128x8xf32, #tpu.memory_space<vmem>> -> memref<1x128x8xf32, #tpu.memory_space<vmem>>
      %scatter3A_450 = tpu.memref_squeeze %scatter3A_449 : memref<1x128x8xf32, #tpu.memory_space<vmem>> -> memref<128x8xf32, #tpu.memory_space<vmem>>
      tpu.vector_store_idx %scatter3A_450[%add3A_414, %broadcast_in_dim3A_445], %get3A_443 : memref<128x8xf32, #tpu.memory_space<vmem>>[vector<16xi32>, vector<16xi32>], vector<16xf32>,
      %get3A_451 = arith.constant 3 : i32
      %get3A_452 = arith.index_cast %add3A_259 : i32 to index
      %get3A_453 = arith.index_cast %get3A_451 : i32 to index
      %get3A_454 = arith.constant 48 : index
      %get3A_455 = tpu.vector_load %arg7[%get3A_452, %get3A_453, %get3A_454] {strides = array<i32>} : memref<79x4x128xf32, #tpu.memory_space<vmem>>, vector<16xf32>,
      %broadcast_in_dim3A_456 = arith.constant 3 : i32
      %broadcast_in_dim3A_457 = vector.broadcast %broadcast_in_dim3A_456 : i32 to vector<16xi32>
      %scatter3A_458 = arith.constant 0 : i32
      %scatter3A_459 = arith.constant 0 : i32
      %scatter3A_460 = arith.constant 0 : i32
      %scatter3A_461 = tpu.memref_slice %arg8[%scatter3A_458, %scatter3A_459, %scatter3A_460] : memref<3x128x8xf32, #tpu.memory_space<vmem>> -> memref<1x128x8xf32, #tpu.memory_space<vmem>>
      %scatter3A_462 = tpu.memref_squeeze %scatter3A_461 : memref<1x128x8xf32, #tpu.memory_space<vmem>> -> memref<128x8xf32, #tpu.memory_space<vmem>>
      tpu.vector_store_idx %scatter3A_462[%add3A_414, %broadcast_in_dim3A_457], %get3A_455 : memref<128x8xf32, #tpu.memory_space<vmem>>[vector<16xi32>, vector<16xi32>], vector<16xf32>,
      %add3A_463 = arith.constant 64 : i32
      %add3A_464 = vector.broadcast %add3A_463 : i32 to vector<16xi32>
      %add3A_465 = arith.addi %iota3A, %add3A_464 : vector<16xi32>
      %get3A_466 = arith.constant 0 : i32
      %get3A_467 = arith.index_cast %add3A_259 : i32 to index
      %get3A_468 = arith.index_cast %get3A_466 : i32 to index
      %get3A_469 = arith.constant 64 : index
      %get3A_470 = tpu.vector_load %arg7[%get3A_467, %get3A_468, %get3A_469] {strides = array<i32>} : memref<79x4x128xf32, #tpu.memory_space<vmem>>, vector<16xf32>,
      %broadcast_in_dim3A_471 = arith.constant 0 : i32
      %broadcast_in_dim3A_472 = vector.broadcast %broadcast_in_dim3A_471 : i32 to vector<16xi32>
      %scatter3A_473 = arith.constant 0 : i32
      %scatter3A_474 = arith.constant 0 : i32
      %scatter3A_475 = arith.constant 0 : i32
      %scatter3A_476 = tpu.memref_slice %arg8[%scatter3A_473, %scatter3A_474, %scatter3A_475] : memref<3x128x8xf32, #tpu.memory_space<vmem>> -> memref<1x128x8xf32, #tpu.memory_space<vmem>>
      %scatter3A_477 = tpu.memref_squeeze %scatter3A_476 : memref<1x128x8xf32, #tpu.memory_space<vmem>> -> memref<128x8xf32, #tpu.memory_space<vmem>>
      tpu.vector_store_idx %scatter3A_477[%add3A_465, %broadcast_in_dim3A_472], %get3A_470 : memref<128x8xf32, #tpu.memory_space<vmem>>[vector<16xi32>, vector<16xi32>], vector<16xf32>,
      %get3A_478 = arith.constant 1 : i32
      %get3A_479 = arith.index_cast %add3A_259 : i32 to index
      %get3A_480 = arith.index_cast %get3A_478 : i32 to index
      %get3A_481 = arith.constant 64 : index
      %get3A_482 = tpu.vector_load %arg7[%get3A_479, %get3A_480, %get3A_481] {strides = array<i32>} : memref<79x4x128xf32, #tpu.memory_space<vmem>>, vector<16xf32>,
      %broadcast_in_dim3A_483 = arith.constant 1 : i32
      %broadcast_in_dim3A_484 = vector.broadcast %broadcast_in_dim3A_483 : i32 to vector<16xi32>
      %scatter3A_485 = arith.constant 0 : i32
      %scatter3A_486 = arith.constant 0 : i32
      %scatter3A_487 = arith.constant 0 : i32
      %scatter3A_488 = tpu.memref_slice %arg8[%scatter3A_485, %scatter3A_486, %scatter3A_487] : memref<3x128x8xf32, #tpu.memory_space<vmem>> -> memref<1x128x8xf32, #tpu.memory_space<vmem>>
      %scatter3A_489 = tpu.memref_squeeze %scatter3A_488 : memref<1x128x8xf32, #tpu.memory_space<vmem>> -> memref<128x8xf32, #tpu.memory_space<vmem>>
      tpu.vector_store_idx %scatter3A_489[%add3A_465, %broadcast_in_dim3A_484], %get3A_482 : memref<128x8xf32, #tpu.memory_space<vmem>>[vector<16xi32>, vector<16xi32>], vector<16xf32>,
      %get3A_490 = arith.constant 2 : i32
      %get3A_491 = arith.index_cast %add3A_259 : i32 to index
      %get3A_492 = arith.index_cast %get3A_490 : i32 to index
      %get3A_493 = arith.constant 64 : index
      %get3A_494 = tpu.vector_load %arg7[%get3A_491, %get3A_492, %get3A_493] {strides = array<i32>} : memref<79x4x128xf32, #tpu.memory_space<vmem>>, vector<16xf32>,
      %broadcast_in_dim3A_495 = arith.constant 2 : i32
      %broadcast_in_dim3A_496 = vector.broadcast %broadcast_in_dim3A_495 : i32 to vector<16xi32>
      %scatter3A_497 = arith.constant 0 : i32
      %scatter3A_498 = arith.constant 0 : i32
      %scatter3A_499 = arith.constant 0 : i32
      %scatter3A_500 = tpu.memref_slice %arg8[%scatter3A_497, %scatter3A_498, %scatter3A_499] : memref<3x128x8xf32, #tpu.memory_space<vmem>> -> memref<1x128x8xf32, #tpu.memory_space<vmem>>
      %scatter3A_501 = tpu.memref_squeeze %scatter3A_500 : memref<1x128x8xf32, #tpu.memory_space<vmem>> -> memref<128x8xf32, #tpu.memory_space<vmem>>
      tpu.vector_store_idx %scatter3A_501[%add3A_465, %broadcast_in_dim3A_496], %get3A_494 : memref<128x8xf32, #tpu.memory_space<vmem>>[vector<16xi32>, vector<16xi32>], vector<16xf32>,
      %get3A_502 = arith.constant 3 : i32
      %get3A_503 = arith.index_cast %add3A_259 : i32 to index
      %get3A_504 = arith.index_cast %get3A_502 : i32 to index
      %get3A_505 = arith.constant 64 : index
      %get3A_506 = tpu.vector_load %arg7[%get3A_503, %get3A_504, %get3A_505] {strides = array<i32>} : memref<79x4x128xf32, #tpu.memory_space<vmem>>, vector<16xf32>,
      %broadcast_in_dim3A_507 = arith.constant 3 : i32
      %broadcast_in_dim3A_508 = vector.broadcast %broadcast_in_dim3A_507 : i32 to vector<16xi32>
      %scatter3A_509 = arith.constant 0 : i32
      %scatter3A_510 = arith.constant 0 : i32
      %scatter3A_511 = arith.constant 0 : i32
      %scatter3A_512 = tpu.memref_slice %arg8[%scatter3A_509, %scatter3A_510, %scatter3A_511] : memref<3x128x8xf32, #tpu.memory_space<vmem>> -> memref<1x128x8xf32, #tpu.memory_space<vmem>>
      %scatter3A_513 = tpu.memref_squeeze %scatter3A_512 : memref<1x128x8xf32, #tpu.memory_space<vmem>> -> memref<128x8xf32, #tpu.memory_space<vmem>>
      tpu.vector_store_idx %scatter3A_513[%add3A_465, %broadcast_in_dim3A_508], %get3A_506 : memref<128x8xf32, #tpu.memory_space<vmem>>[vector<16xi32>, vector<16xi32>], vector<16xf32>,
      %add3A_514 = arith.constant 80 : i32
      %add3A_515 = vector.broadcast %add3A_514 : i32 to vector<16xi32>
      %add3A_516 = arith.addi %iota3A, %add3A_515 : vector<16xi32>
      %get3A_517 = arith.constant 0 : i32
      %get3A_518 = arith.index_cast %add3A_259 : i32 to index
      %get3A_519 = arith.index_cast %get3A_517 : i32 to index
      %get3A_520 = arith.constant 80 : index
      %get3A_521 = tpu.vector_load %arg7[%get3A_518, %get3A_519, %get3A_520] {strides = array<i32>} : memref<79x4x128xf32, #tpu.memory_space<vmem>>, vector<16xf32>,
      %broadcast_in_dim3A_522 = arith.constant 0 : i32
      %broadcast_in_dim3A_523 = vector.broadcast %broadcast_in_dim3A_522 : i32 to vector<16xi32>
      %scatter3A_524 = arith.constant 0 : i32
      %scatter3A_525 = arith.constant 0 : i32
      %scatter3A_526 = arith.constant 0 : i32
      %scatter3A_527 = tpu.memref_slice %arg8[%scatter3A_524, %scatter3A_525, %scatter3A_526] : memref<3x128x8xf32, #tpu.memory_space<vmem>> -> memref<1x128x8xf32, #tpu.memory_space<vmem>>
      %scatter3A_528 = tpu.memref_squeeze %scatter3A_527 : memref<1x128x8xf32, #tpu.memory_space<vmem>> -> memref<128x8xf32, #tpu.memory_space<vmem>>
      tpu.vector_store_idx %scatter3A_528[%add3A_516, %broadcast_in_dim3A_523], %get3A_521 : memref<128x8xf32, #tpu.memory_space<vmem>>[vector<16xi32>, vector<16xi32>], vector<16xf32>,
      %get3A_529 = arith.constant 1 : i32
      %get3A_530 = arith.index_cast %add3A_259 : i32 to index
      %get3A_531 = arith.index_cast %get3A_529 : i32 to index
      %get3A_532 = arith.constant 80 : index
      %get3A_533 = tpu.vector_load %arg7[%get3A_530, %get3A_531, %get3A_532] {strides = array<i32>} : memref<79x4x128xf32, #tpu.memory_space<vmem>>, vector<16xf32>,
      %broadcast_in_dim3A_534 = arith.constant 1 : i32
      %broadcast_in_dim3A_535 = vector.broadcast %broadcast_in_dim3A_534 : i32 to vector<16xi32>
      %scatter3A_536 = arith.constant 0 : i32
      %scatter3A_537 = arith.constant 0 : i32
      %scatter3A_538 = arith.constant 0 : i32
      %scatter3A_539 = tpu.memref_slice %arg8[%scatter3A_536, %scatter3A_537, %scatter3A_538] : memref<3x128x8xf32, #tpu.memory_space<vmem>> -> memref<1x128x8xf32, #tpu.memory_space<vmem>>
      %scatter3A_540 = tpu.memref_squeeze %scatter3A_539 : memref<1x128x8xf32, #tpu.memory_space<vmem>> -> memref<128x8xf32, #tpu.memory_space<vmem>>
      tpu.vector_store_idx %scatter3A_540[%add3A_516, %broadcast_in_dim3A_535], %get3A_533 : memref<128x8xf32, #tpu.memory_space<vmem>>[vector<16xi32>, vector<16xi32>], vector<16xf32>,
      %get3A_541 = arith.constant 2 : i32
      %get3A_542 = arith.index_cast %add3A_259 : i32 to index
      %get3A_543 = arith.index_cast %get3A_541 : i32 to index
      %get3A_544 = arith.constant 80 : index
      %get3A_545 = tpu.vector_load %arg7[%get3A_542, %get3A_543, %get3A_544] {strides = array<i32>} : memref<79x4x128xf32, #tpu.memory_space<vmem>>, vector<16xf32>,
      %broadcast_in_dim3A_546 = arith.constant 2 : i32
      %broadcast_in_dim3A_547 = vector.broadcast %broadcast_in_dim3A_546 : i32 to vector<16xi32>
      %scatter3A_548 = arith.constant 0 : i32
      %scatter3A_549 = arith.constant 0 : i32
      %scatter3A_550 = arith.constant 0 : i32
      %scatter3A_551 = tpu.memref_slice %arg8[%scatter3A_548, %scatter3A_549, %scatter3A_550] : memref<3x128x8xf32, #tpu.memory_space<vmem>> -> memref<1x128x8xf32, #tpu.memory_space<vmem>>
      %scatter3A_552 = tpu.memref_squeeze %scatter3A_551 : memref<1x128x8xf32, #tpu.memory_space<vmem>> -> memref<128x8xf32, #tpu.memory_space<vmem>>
      tpu.vector_store_idx %scatter3A_552[%add3A_516, %broadcast_in_dim3A_547], %get3A_545 : memref<128x8xf32, #tpu.memory_space<vmem>>[vector<16xi32>, vector<16xi32>], vector<16xf32>,
      %get3A_553 = arith.constant 3 : i32
      %get3A_554 = arith.index_cast %add3A_259 : i32 to index
      %get3A_555 = arith.index_cast %get3A_553 : i32 to index
      %get3A_556 = arith.constant 80 : index
      %get3A_557 = tpu.vector_load %arg7[%get3A_554, %get3A_555, %get3A_556] {strides = array<i32>} : memref<79x4x128xf32, #tpu.memory_space<vmem>>, vector<16xf32>,
      %broadcast_in_dim3A_558 = arith.constant 3 : i32
      %broadcast_in_dim3A_559 = vector.broadcast %broadcast_in_dim3A_558 : i32 to vector<16xi32>
      %scatter3A_560 = arith.constant 0 : i32
      %scatter3A_561 = arith.constant 0 : i32
      %scatter3A_562 = arith.constant 0 : i32
      %scatter3A_563 = tpu.memref_slice %arg8[%scatter3A_560, %scatter3A_561, %scatter3A_562] : memref<3x128x8xf32, #tpu.memory_space<vmem>> -> memref<1x128x8xf32, #tpu.memory_space<vmem>>
      %scatter3A_564 = tpu.memref_squeeze %scatter3A_563 : memref<1x128x8xf32, #tpu.memory_space<vmem>> -> memref<128x8xf32, #tpu.memory_space<vmem>>
      tpu.vector_store_idx %scatter3A_564[%add3A_516, %broadcast_in_dim3A_559], %get3A_557 : memref<128x8xf32, #tpu.memory_space<vmem>>[vector<16xi32>, vector<16xi32>], vector<16xf32>,
      %add3A_565 = arith.constant 96 : i32
      %add3A_566 = vector.broadcast %add3A_565 : i32 to vector<16xi32>
      %add3A_567 = arith.addi %iota3A, %add3A_566 : vector<16xi32>
      %get3A_568 = arith.constant 0 : i32
      %get3A_569 = arith.index_cast %add3A_259 : i32 to index
      %get3A_570 = arith.index_cast %get3A_568 : i32 to index
      %get3A_571 = arith.constant 96 : index
      %get3A_572 = tpu.vector_load %arg7[%get3A_569, %get3A_570, %get3A_571] {strides = array<i32>} : memref<79x4x128xf32, #tpu.memory_space<vmem>>, vector<16xf32>,
      %broadcast_in_dim3A_573 = arith.constant 0 : i32
      %broadcast_in_dim3A_574 = vector.broadcast %broadcast_in_dim3A_573 : i32 to vector<16xi32>
      %scatter3A_575 = arith.constant 0 : i32
      %scatter3A_576 = arith.constant 0 : i32
      %scatter3A_577 = arith.constant 0 : i32
      %scatter3A_578 = tpu.memref_slice %arg8[%scatter3A_575, %scatter3A_576, %scatter3A_577] : memref<3x128x8xf32, #tpu.memory_space<vmem>> -> memref<1x128x8xf32, #tpu.memory_space<vmem>>
      %scatter3A_579 = tpu.memref_squeeze %scatter3A_578 : memref<1x128x8xf32, #tpu.memory_space<vmem>> -> memref<128x8xf32, #tpu.memory_space<vmem>>
      tpu.vector_store_idx %scatter3A_579[%add3A_567, %broadcast_in_dim3A_574], %get3A_572 : memref<128x8xf32, #tpu.memory_space<vmem>>[vector<16xi32>, vector<16xi32>], vector<16xf32>,
      %get3A_580 = arith.constant 1 : i32
      %get3A_581 = arith.index_cast %add3A_259 : i32 to index
      %get3A_582 = arith.index_cast %get3A_580 : i32 to index
      %get3A_583 = arith.constant 96 : index
      %get3A_584 = tpu.vector_load %arg7[%get3A_581, %get3A_582, %get3A_583] {strides = array<i32>} : memref<79x4x128xf32, #tpu.memory_space<vmem>>, vector<16xf32>,
      %broadcast_in_dim3A_585 = arith.constant 1 : i32
      %broadcast_in_dim3A_586 = vector.broadcast %broadcast_in_dim3A_585 : i32 to vector<16xi32>
      %scatter3A_587 = arith.constant 0 : i32
      %scatter3A_588 = arith.constant 0 : i32
      %scatter3A_589 = arith.constant 0 : i32
      %scatter3A_590 = tpu.memref_slice %arg8[%scatter3A_587, %scatter3A_588, %scatter3A_589] : memref<3x128x8xf32, #tpu.memory_space<vmem>> -> memref<1x128x8xf32, #tpu.memory_space<vmem>>
      %scatter3A_591 = tpu.memref_squeeze %scatter3A_590 : memref<1x128x8xf32, #tpu.memory_space<vmem>> -> memref<128x8xf32, #tpu.memory_space<vmem>>
      tpu.vector_store_idx %scatter3A_591[%add3A_567, %broadcast_in_dim3A_586], %get3A_584 : memref<128x8xf32, #tpu.memory_space<vmem>>[vector<16xi32>, vector<16xi32>], vector<16xf32>,
      %get3A_592 = arith.constant 2 : i32
      %get3A_593 = arith.index_cast %add3A_259 : i32 to index
      %get3A_594 = arith.index_cast %get3A_592 : i32 to index
      %get3A_595 = arith.constant 96 : index
      %get3A_596 = tpu.vector_load %arg7[%get3A_593, %get3A_594, %get3A_595] {strides = array<i32>} : memref<79x4x128xf32, #tpu.memory_space<vmem>>, vector<16xf32>,
      %broadcast_in_dim3A_597 = arith.constant 2 : i32
      %broadcast_in_dim3A_598 = vector.broadcast %broadcast_in_dim3A_597 : i32 to vector<16xi32>
      %scatter3A_599 = arith.constant 0 : i32
      %scatter3A_600 = arith.constant 0 : i32
      %scatter3A_601 = arith.constant 0 : i32
      %scatter3A_602 = tpu.memref_slice %arg8[%scatter3A_599, %scatter3A_600, %scatter3A_601] : memref<3x128x8xf32, #tpu.memory_space<vmem>> -> memref<1x128x8xf32, #tpu.memory_space<vmem>>
      %scatter3A_603 = tpu.memref_squeeze %scatter3A_602 : memref<1x128x8xf32, #tpu.memory_space<vmem>> -> memref<128x8xf32, #tpu.memory_space<vmem>>
      tpu.vector_store_idx %scatter3A_603[%add3A_567, %broadcast_in_dim3A_598], %get3A_596 : memref<128x8xf32, #tpu.memory_space<vmem>>[vector<16xi32>, vector<16xi32>], vector<16xf32>,
      %get3A_604 = arith.constant 3 : i32
      %get3A_605 = arith.index_cast %add3A_259 : i32 to index
      %get3A_606 = arith.index_cast %get3A_604 : i32 to index
      %get3A_607 = arith.constant 96 : index
      %get3A_608 = tpu.vector_load %arg7[%get3A_605, %get3A_606, %get3A_607] {strides = array<i32>} : memref<79x4x128xf32, #tpu.memory_space<vmem>>, vector<16xf32>,
      %broadcast_in_dim3A_609 = arith.constant 3 : i32
      %broadcast_in_dim3A_610 = vector.broadcast %broadcast_in_dim3A_609 : i32 to vector<16xi32>
      %scatter3A_611 = arith.constant 0 : i32
      %scatter3A_612 = arith.constant 0 : i32
      %scatter3A_613 = arith.constant 0 : i32
      %scatter3A_614 = tpu.memref_slice %arg8[%scatter3A_611, %scatter3A_612, %scatter3A_613] : memref<3x128x8xf32, #tpu.memory_space<vmem>> -> memref<1x128x8xf32, #tpu.memory_space<vmem>>
      %scatter3A_615 = tpu.memref_squeeze %scatter3A_614 : memref<1x128x8xf32, #tpu.memory_space<vmem>> -> memref<128x8xf32, #tpu.memory_space<vmem>>
      tpu.vector_store_idx %scatter3A_615[%add3A_567, %broadcast_in_dim3A_610], %get3A_608 : memref<128x8xf32, #tpu.memory_space<vmem>>[vector<16xi32>, vector<16xi32>], vector<16xf32>,
      %add3A_616 = arith.constant 112 : i32
      %add3A_617 = vector.broadcast %add3A_616 : i32 to vector<16xi32>
      %add3A_618 = arith.addi %iota3A, %add3A_617 : vector<16xi32>
      %get3A_619 = arith.constant 0 : i32
      %get3A_620 = arith.index_cast %add3A_259 : i32 to index
      %get3A_621 = arith.index_cast %get3A_619 : i32 to index
      %get3A_622 = arith.constant 112 : index
      %get3A_623 = tpu.vector_load %arg7[%get3A_620, %get3A_621, %get3A_622] {strides = array<i32>} : memref<79x4x128xf32, #tpu.memory_space<vmem>>, vector<16xf32>,
      %broadcast_in_dim3A_624 = arith.constant 0 : i32
      %broadcast_in_dim3A_625 = vector.broadcast %broadcast_in_dim3A_624 : i32 to vector<16xi32>
      %scatter3A_626 = arith.constant 0 : i32
      %scatter3A_627 = arith.constant 0 : i32
      %scatter3A_628 = arith.constant 0 : i32
      %scatter3A_629 = tpu.memref_slice %arg8[%scatter3A_626, %scatter3A_627, %scatter3A_628] : memref<3x128x8xf32, #tpu.memory_space<vmem>> -> memref<1x128x8xf32, #tpu.memory_space<vmem>>
      %scatter3A_630 = tpu.memref_squeeze %scatter3A_629 : memref<1x128x8xf32, #tpu.memory_space<vmem>> -> memref<128x8xf32, #tpu.memory_space<vmem>>
      tpu.vector_store_idx %scatter3A_630[%add3A_618, %broadcast_in_dim3A_625], %get3A_623 : memref<128x8xf32, #tpu.memory_space<vmem>>[vector<16xi32>, vector<16xi32>], vector<16xf32>,
      %get3A_631 = arith.constant 1 : i32
      %get3A_632 = arith.index_cast %add3A_259 : i32 to index
      %get3A_633 = arith.index_cast %get3A_631 : i32 to index
      %get3A_634 = arith.constant 112 : index
      %get3A_635 = tpu.vector_load %arg7[%get3A_632, %get3A_633, %get3A_634] {strides = array<i32>} : memref<79x4x128xf32, #tpu.memory_space<vmem>>, vector<16xf32>,
      %broadcast_in_dim3A_636 = arith.constant 1 : i32
      %broadcast_in_dim3A_637 = vector.broadcast %broadcast_in_dim3A_636 : i32 to vector<16xi32>
      %scatter3A_638 = arith.constant 0 : i32
      %scatter3A_639 = arith.constant 0 : i32
      %scatter3A_640 = arith.constant 0 : i32
      %scatter3A_641 = tpu.memref_slice %arg8[%scatter3A_638, %scatter3A_639, %scatter3A_640] : memref<3x128x8xf32, #tpu.memory_space<vmem>> -> memref<1x128x8xf32, #tpu.memory_space<vmem>>
      %scatter3A_642 = tpu.memref_squeeze %scatter3A_641 : memref<1x128x8xf32, #tpu.memory_space<vmem>> -> memref<128x8xf32, #tpu.memory_space<vmem>>
      tpu.vector_store_idx %scatter3A_642[%add3A_618, %broadcast_in_dim3A_637], %get3A_635 : memref<128x8xf32, #tpu.memory_space<vmem>>[vector<16xi32>, vector<16xi32>], vector<16xf32>,
      %get3A_643 = arith.constant 2 : i32
      %get3A_644 = arith.index_cast %add3A_259 : i32 to index
      %get3A_645 = arith.index_cast %get3A_643 : i32 to index
      %get3A_646 = arith.constant 112 : index
      %get3A_647 = tpu.vector_load %arg7[%get3A_644, %get3A_645, %get3A_646] {strides = array<i32>} : memref<79x4x128xf32, #tpu.memory_space<vmem>>, vector<16xf32>,
      %broadcast_in_dim3A_648 = arith.constant 2 : i32
      %broadcast_in_dim3A_649 = vector.broadcast %broadcast_in_dim3A_648 : i32 to vector<16xi32>
      %scatter3A_650 = arith.constant 0 : i32
      %scatter3A_651 = arith.constant 0 : i32
      %scatter3A_652 = arith.constant 0 : i32
      %scatter3A_653 = tpu.memref_slice %arg8[%scatter3A_650, %scatter3A_651, %scatter3A_652] : memref<3x128x8xf32, #tpu.memory_space<vmem>> -> memref<1x128x8xf32, #tpu.memory_space<vmem>>
      %scatter3A_654 = tpu.memref_squeeze %scatter3A_653 : memref<1x128x8xf32, #tpu.memory_space<vmem>> -> memref<128x8xf32, #tpu.memory_space<vmem>>
      tpu.vector_store_idx %scatter3A_654[%add3A_618, %broadcast_in_dim3A_649], %get3A_647 : memref<128x8xf32, #tpu.memory_space<vmem>>[vector<16xi32>, vector<16xi32>], vector<16xf32>,
      %get3A_655 = arith.constant 3 : i32
      %get3A_656 = arith.index_cast %add3A_259 : i32 to index
      %get3A_657 = arith.index_cast %get3A_655 : i32 to index
      %get3A_658 = arith.constant 112 : index
      %get3A_659 = tpu.vector_load %arg7[%get3A_656, %get3A_657, %get3A_658] {strides = array<i32>} : memref<79x4x128xf32, #tpu.memory_space<vmem>>, vector<16xf32>,
      %broadcast_in_dim3A_660 = arith.constant 3 : i32
      %broadcast_in_dim3A_661 = vector.broadcast %broadcast_in_dim3A_660 : i32 to vector<16xi32>
      %scatter3A_662 = arith.constant 0 : i32
      %scatter3A_663 = arith.constant 0 : i32
      %scatter3A_664 = arith.constant 0 : i32
      %scatter3A_665 = tpu.memref_slice %arg8[%scatter3A_662, %scatter3A_663, %scatter3A_664] : memref<3x128x8xf32, #tpu.memory_space<vmem>> -> memref<1x128x8xf32, #tpu.memory_space<vmem>>
      %scatter3A_666 = tpu.memref_squeeze %scatter3A_665 : memref<1x128x8xf32, #tpu.memory_space<vmem>> -> memref<128x8xf32, #tpu.memory_space<vmem>>
      tpu.vector_store_idx %scatter3A_666[%add3A_618, %broadcast_in_dim3A_661], %get3A_659 : memref<128x8xf32, #tpu.memory_space<vmem>>[vector<16xi32>, vector<16xi32>], vector<16xf32>,
      %add3A_667 = arith.constant 0 : i32
      %add3A_668 = arith.addi %mul3A_257, %add3A_667 : i32
      %dma_start3A_669 = arith.constant 0 : i32
      %dma_start3A_670 = arith.constant 0 : i32
      %dma_start3A_671 = arith.constant 0 : i32
      %dma_start3A_672 = arith.constant 0 : i32
      %dma_start3A_673 = tpu.memref_slice %arg8[%dma_start3A_669, %dma_start3A_671, %dma_start3A_672] : memref<3x128x8xf32, #tpu.memory_space<vmem>> -> memref<1x128x8xf32, #tpu.memory_space<vmem>>
      %dma_start3A_674 = tpu.memref_squeeze %dma_start3A_673 : memref<1x128x8xf32, #tpu.memory_space<vmem>> -> memref<128x8xf32, #tpu.memory_space<vmem>>
      %dma_start3A_675 = arith.constant 0 : i32
      %dma_start3A_676 = tpu.memref_slice %arg6[%add3A_668, %dma_start3A_670, %dma_start3A_675] : memref<79x1x128xi32, #tpu.memory_space<vmem>> -> memref<1x1x128xi32, #tpu.memory_space<vmem>>
      %dma_start3A_677 = tpu.memref_squeeze %dma_start3A_676 : memref<1x1x128xi32, #tpu.memory_space<vmem>> -> memref<128xi32, #tpu.memory_space<vmem>>
      %dma_start3A_678 = arith.constant 0 : i32
      %dma_start3A_679 = arith.constant 0 : i32
      %dma_start3A_680 = tpu.memref_slice %arg11[%dma_start3A_678, %dma_start3A_679] : memref<10000x8xf32, #tpu.memory_space<vmem_shared>> -> memref<10000x8xf32, #tpu.memory_space<vmem_shared>>
      tpu.enqueue_indirect_dma source(%dma_start3A_674 : memref<128x8xf32, #tpu.memory_space<vmem>>) target(%dma_start3A_680 : memref<10000x8xf32, #tpu.memory_space<vmem_shared>>) offsets(%dma_start3A_677 : memref<128xi32, #tpu.memory_space<vmem>>) semaphore(%arg12 : memref<!tpu.dma_semaphore, #tpu.memory_space<semaphore_mem>>) {add = true}
      %add3A_681 = arith.constant 1 : i32
      %add3A_682 = arith.addi %mul3A_257, %add3A_681 : i32
      %add3A_683 = arith.constant 0 : i32
      %add3A_684 = vector.broadcast %add3A_683 : i32 to vector<16xi32>
      %add3A_685 = arith.addi %iota3A, %add3A_684 : vector<16xi32>
      %get3A_686 = arith.constant 0 : i32
      %get3A_687 = arith.index_cast %add3A_682 : i32 to index
      %get3A_688 = arith.index_cast %get3A_686 : i32 to index
      %get3A_689 = arith.constant 0 : index
      %get3A_690 = tpu.vector_load %arg7[%get3A_687, %get3A_688, %get3A_689] {strides = array<i32>} : memref<79x4x128xf32, #tpu.memory_space<vmem>>, vector<16xf32>,
      %broadcast_in_dim3A_691 = arith.constant 0 : i32
      %broadcast_in_dim3A_692 = vector.broadcast %broadcast_in_dim3A_691 : i32 to vector<16xi32>
      %scatter3A_693 = arith.constant 1 : i32
      %scatter3A_694 = arith.constant 0 : i32
      %scatter3A_695 = arith.constant 0 : i32
      %scatter3A_696 = tpu.memref_slice %arg8[%scatter3A_693, %scatter3A_694, %scatter3A_695] : memref<3x128x8xf32, #tpu.memory_space<vmem>> -> memref<1x128x8xf32, #tpu.memory_space<vmem>>
      %scatter3A_697 = tpu.memref_squeeze %scatter3A_696 : memref<1x128x8xf32, #tpu.memory_space<vmem>> -> memref<128x8xf32, #tpu.memory_space<vmem>>
      tpu.vector_store_idx %scatter3A_697[%add3A_685, %broadcast_in_dim3A_692], %get3A_690 : memref<128x8xf32, #tpu.memory_space<vmem>>[vector<16xi32>, vector<16xi32>], vector<16xf32>,
      %get3A_698 = arith.constant 1 : i32
      %get3A_699 = arith.index_cast %add3A_682 : i32 to index
      %get3A_700 = arith.index_cast %get3A_698 : i32 to index
      %get3A_701 = arith.constant 0 : index
      %get3A_702 = tpu.vector_load %arg7[%get3A_699, %get3A_700, %get3A_701] {strides = array<i32>} : memref<79x4x128xf32, #tpu.memory_space<vmem>>, vector<16xf32>,
      %broadcast_in_dim3A_703 = arith.constant 1 : i32
      %broadcast_in_dim3A_704 = vector.broadcast %broadcast_in_dim3A_703 : i32 to vector<16xi32>
      %scatter3A_705 = arith.constant 1 : i32
      %scatter3A_706 = arith.constant 0 : i32
      %scatter3A_707 = arith.constant 0 : i32
      %scatter3A_708 = tpu.memref_slice %arg8[%scatter3A_705, %scatter3A_706, %scatter3A_707] : memref<3x128x8xf32, #tpu.memory_space<vmem>> -> memref<1x128x8xf32, #tpu.memory_space<vmem>>
      %scatter3A_709 = tpu.memref_squeeze %scatter3A_708 : memref<1x128x8xf32, #tpu.memory_space<vmem>> -> memref<128x8xf32, #tpu.memory_space<vmem>>
      tpu.vector_store_idx %scatter3A_709[%add3A_685, %broadcast_in_dim3A_704], %get3A_702 : memref<128x8xf32, #tpu.memory_space<vmem>>[vector<16xi32>, vector<16xi32>], vector<16xf32>,
      %get3A_710 = arith.constant 2 : i32
      %get3A_711 = arith.index_cast %add3A_682 : i32 to index
      %get3A_712 = arith.index_cast %get3A_710 : i32 to index
      %get3A_713 = arith.constant 0 : index
      %get3A_714 = tpu.vector_load %arg7[%get3A_711, %get3A_712, %get3A_713] {strides = array<i32>} : memref<79x4x128xf32, #tpu.memory_space<vmem>>, vector<16xf32>,
      %broadcast_in_dim3A_715 = arith.constant 2 : i32
      %broadcast_in_dim3A_716 = vector.broadcast %broadcast_in_dim3A_715 : i32 to vector<16xi32>
      %scatter3A_717 = arith.constant 1 : i32
      %scatter3A_718 = arith.constant 0 : i32
      %scatter3A_719 = arith.constant 0 : i32
      %scatter3A_720 = tpu.memref_slice %arg8[%scatter3A_717, %scatter3A_718, %scatter3A_719] : memref<3x128x8xf32, #tpu.memory_space<vmem>> -> memref<1x128x8xf32, #tpu.memory_space<vmem>>
      %scatter3A_721 = tpu.memref_squeeze %scatter3A_720 : memref<1x128x8xf32, #tpu.memory_space<vmem>> -> memref<128x8xf32, #tpu.memory_space<vmem>>
      tpu.vector_store_idx %scatter3A_721[%add3A_685, %broadcast_in_dim3A_716], %get3A_714 : memref<128x8xf32, #tpu.memory_space<vmem>>[vector<16xi32>, vector<16xi32>], vector<16xf32>,
      %get3A_722 = arith.constant 3 : i32
      %get3A_723 = arith.index_cast %add3A_682 : i32 to index
      %get3A_724 = arith.index_cast %get3A_722 : i32 to index
      %get3A_725 = arith.constant 0 : index
      %get3A_726 = tpu.vector_load %arg7[%get3A_723, %get3A_724, %get3A_725] {strides = array<i32>} : memref<79x4x128xf32, #tpu.memory_space<vmem>>, vector<16xf32>,
      %broadcast_in_dim3A_727 = arith.constant 3 : i32
      %broadcast_in_dim3A_728 = vector.broadcast %broadcast_in_dim3A_727 : i32 to vector<16xi32>
      %scatter3A_729 = arith.constant 1 : i32
      %scatter3A_730 = arith.constant 0 : i32
      %scatter3A_731 = arith.constant 0 : i32
      %scatter3A_732 = tpu.memref_slice %arg8[%scatter3A_729, %scatter3A_730, %scatter3A_731] : memref<3x128x8xf32, #tpu.memory_space<vmem>> -> memref<1x128x8xf32, #tpu.memory_space<vmem>>
      %scatter3A_733 = tpu.memref_squeeze %scatter3A_732 : memref<1x128x8xf32, #tpu.memory_space<vmem>> -> memref<128x8xf32, #tpu.memory_space<vmem>>
      tpu.vector_store_idx %scatter3A_733[%add3A_685, %broadcast_in_dim3A_728], %get3A_726 : memref<128x8xf32, #tpu.memory_space<vmem>>[vector<16xi32>, vector<16xi32>], vector<16xf32>,
      %add3A_734 = arith.constant 16 : i32
      %add3A_735 = vector.broadcast %add3A_734 : i32 to vector<16xi32>
      %add3A_736 = arith.addi %iota3A, %add3A_735 : vector<16xi32>
      %get3A_737 = arith.constant 0 : i32
      %get3A_738 = arith.index_cast %add3A_682 : i32 to index
      %get3A_739 = arith.index_cast %get3A_737 : i32 to index
      %get3A_740 = arith.constant 16 : index
      %get3A_741 = tpu.vector_load %arg7[%get3A_738, %get3A_739, %get3A_740] {strides = array<i32>} : memref<79x4x128xf32, #tpu.memory_space<vmem>>, vector<16xf32>,
      %broadcast_in_dim3A_742 = arith.constant 0 : i32
      %broadcast_in_dim3A_743 = vector.broadcast %broadcast_in_dim3A_742 : i32 to vector<16xi32>
      %scatter3A_744 = arith.constant 1 : i32
      %scatter3A_745 = arith.constant 0 : i32
      %scatter3A_746 = arith.constant 0 : i32
      %scatter3A_747 = tpu.memref_slice %arg8[%scatter3A_744, %scatter3A_745, %scatter3A_746] : memref<3x128x8xf32, #tpu.memory_space<vmem>> -> memref<1x128x8xf32, #tpu.memory_space<vmem>>
      %scatter3A_748 = tpu.memref_squeeze %scatter3A_747 : memref<1x128x8xf32, #tpu.memory_space<vmem>> -> memref<128x8xf32, #tpu.memory_space<vmem>>
      tpu.vector_store_idx %scatter3A_748[%add3A_736, %broadcast_in_dim3A_743], %get3A_741 : memref<128x8xf32, #tpu.memory_space<vmem>>[vector<16xi32>, vector<16xi32>], vector<16xf32>,
      %get3A_749 = arith.constant 1 : i32
      %get3A_750 = arith.index_cast %add3A_682 : i32 to index
      %get3A_751 = arith.index_cast %get3A_749 : i32 to index
      %get3A_752 = arith.constant 16 : index
      %get3A_753 = tpu.vector_load %arg7[%get3A_750, %get3A_751, %get3A_752] {strides = array<i32>} : memref<79x4x128xf32, #tpu.memory_space<vmem>>, vector<16xf32>,
      %broadcast_in_dim3A_754 = arith.constant 1 : i32
      %broadcast_in_dim3A_755 = vector.broadcast %broadcast_in_dim3A_754 : i32 to vector<16xi32>
      %scatter3A_756 = arith.constant 1 : i32
      %scatter3A_757 = arith.constant 0 : i32
      %scatter3A_758 = arith.constant 0 : i32
      %scatter3A_759 = tpu.memref_slice %arg8[%scatter3A_756, %scatter3A_757, %scatter3A_758] : memref<3x128x8xf32, #tpu.memory_space<vmem>> -> memref<1x128x8xf32, #tpu.memory_space<vmem>>
      %scatter3A_760 = tpu.memref_squeeze %scatter3A_759 : memref<1x128x8xf32, #tpu.memory_space<vmem>> -> memref<128x8xf32, #tpu.memory_space<vmem>>
      tpu.vector_store_idx %scatter3A_760[%add3A_736, %broadcast_in_dim3A_755], %get3A_753 : memref<128x8xf32, #tpu.memory_space<vmem>>[vector<16xi32>, vector<16xi32>], vector<16xf32>,
      %get3A_761 = arith.constant 2 : i32
      %get3A_762 = arith.index_cast %add3A_682 : i32 to index
      %get3A_763 = arith.index_cast %get3A_761 : i32 to index
      %get3A_764 = arith.constant 16 : index
      %get3A_765 = tpu.vector_load %arg7[%get3A_762, %get3A_763, %get3A_764] {strides = array<i32>} : memref<79x4x128xf32, #tpu.memory_space<vmem>>, vector<16xf32>,
      %broadcast_in_dim3A_766 = arith.constant 2 : i32
      %broadcast_in_dim3A_767 = vector.broadcast %broadcast_in_dim3A_766 : i32 to vector<16xi32>
      %scatter3A_768 = arith.constant 1 : i32
      %scatter3A_769 = arith.constant 0 : i32
      %scatter3A_770 = arith.constant 0 : i32
      %scatter3A_771 = tpu.memref_slice %arg8[%scatter3A_768, %scatter3A_769, %scatter3A_770] : memref<3x128x8xf32, #tpu.memory_space<vmem>> -> memref<1x128x8xf32, #tpu.memory_space<vmem>>
      %scatter3A_772 = tpu.memref_squeeze %scatter3A_771 : memref<1x128x8xf32, #tpu.memory_space<vmem>> -> memref<128x8xf32, #tpu.memory_space<vmem>>
      tpu.vector_store_idx %scatter3A_772[%add3A_736, %broadcast_in_dim3A_767], %get3A_765 : memref<128x8xf32, #tpu.memory_space<vmem>>[vector<16xi32>, vector<16xi32>], vector<16xf32>,
      %get3A_773 = arith.constant 3 : i32
      %get3A_774 = arith.index_cast %add3A_682 : i32 to index
      %get3A_775 = arith.index_cast %get3A_773 : i32 to index
      %get3A_776 = arith.constant 16 : index
      %get3A_777 = tpu.vector_load %arg7[%get3A_774, %get3A_775, %get3A_776] {strides = array<i32>} : memref<79x4x128xf32, #tpu.memory_space<vmem>>, vector<16xf32>,
      %broadcast_in_dim3A_778 = arith.constant 3 : i32
      %broadcast_in_dim3A_779 = vector.broadcast %broadcast_in_dim3A_778 : i32 to vector<16xi32>
      %scatter3A_780 = arith.constant 1 : i32
      %scatter3A_781 = arith.constant 0 : i32
      %scatter3A_782 = arith.constant 0 : i32
      %scatter3A_783 = tpu.memref_slice %arg8[%scatter3A_780, %scatter3A_781, %scatter3A_782] : memref<3x128x8xf32, #tpu.memory_space<vmem>> -> memref<1x128x8xf32, #tpu.memory_space<vmem>>
      %scatter3A_784 = tpu.memref_squeeze %scatter3A_783 : memref<1x128x8xf32, #tpu.memory_space<vmem>> -> memref<128x8xf32, #tpu.memory_space<vmem>>
      tpu.vector_store_idx %scatter3A_784[%add3A_736, %broadcast_in_dim3A_779], %get3A_777 : memref<128x8xf32, #tpu.memory_space<vmem>>[vector<16xi32>, vector<16xi32>], vector<16xf32>,
      %add3A_785 = arith.constant 32 : i32
      %add3A_786 = vector.broadcast %add3A_785 : i32 to vector<16xi32>
      %add3A_787 = arith.addi %iota3A, %add3A_786 : vector<16xi32>
      %get3A_788 = arith.constant 0 : i32
      %get3A_789 = arith.index_cast %add3A_682 : i32 to index
      %get3A_790 = arith.index_cast %get3A_788 : i32 to index
      %get3A_791 = arith.constant 32 : index
      %get3A_792 = tpu.vector_load %arg7[%get3A_789, %get3A_790, %get3A_791] {strides = array<i32>} : memref<79x4x128xf32, #tpu.memory_space<vmem>>, vector<16xf32>,
      %broadcast_in_dim3A_793 = arith.constant 0 : i32
      %broadcast_in_dim3A_794 = vector.broadcast %broadcast_in_dim3A_793 : i32 to vector<16xi32>
      %scatter3A_795 = arith.constant 1 : i32
      %scatter3A_796 = arith.constant 0 : i32
      %scatter3A_797 = arith.constant 0 : i32
      %scatter3A_798 = tpu.memref_slice %arg8[%scatter3A_795, %scatter3A_796, %scatter3A_797] : memref<3x128x8xf32, #tpu.memory_space<vmem>> -> memref<1x128x8xf32, #tpu.memory_space<vmem>>
      %scatter3A_799 = tpu.memref_squeeze %scatter3A_798 : memref<1x128x8xf32, #tpu.memory_space<vmem>> -> memref<128x8xf32, #tpu.memory_space<vmem>>
      tpu.vector_store_idx %scatter3A_799[%add3A_787, %broadcast_in_dim3A_794], %get3A_792 : memref<128x8xf32, #tpu.memory_space<vmem>>[vector<16xi32>, vector<16xi32>], vector<16xf32>,
      %get3A_800 = arith.constant 1 : i32
      %get3A_801 = arith.index_cast %add3A_682 : i32 to index
      %get3A_802 = arith.index_cast %get3A_800 : i32 to index
      %get3A_803 = arith.constant 32 : index
      %get3A_804 = tpu.vector_load %arg7[%get3A_801, %get3A_802, %get3A_803] {strides = array<i32>} : memref<79x4x128xf32, #tpu.memory_space<vmem>>, vector<16xf32>,
      %broadcast_in_dim3A_805 = arith.constant 1 : i32
      %broadcast_in_dim3A_806 = vector.broadcast %broadcast_in_dim3A_805 : i32 to vector<16xi32>
      %scatter3A_807 = arith.constant 1 : i32
      %scatter3A_808 = arith.constant 0 : i32
      %scatter3A_809 = arith.constant 0 : i32
      %scatter3A_810 = tpu.memref_slice %arg8[%scatter3A_807, %scatter3A_808, %scatter3A_809] : memref<3x128x8xf32, #tpu.memory_space<vmem>> -> memref<1x128x8xf32, #tpu.memory_space<vmem>>
      %scatter3A_811 = tpu.memref_squeeze %scatter3A_810 : memref<1x128x8xf32, #tpu.memory_space<vmem>> -> memref<128x8xf32, #tpu.memory_space<vmem>>
      tpu.vector_store_idx %scatter3A_811[%add3A_787, %broadcast_in_dim3A_806], %get3A_804 : memref<128x8xf32, #tpu.memory_space<vmem>>[vector<16xi32>, vector<16xi32>], vector<16xf32>,
      %get3A_812 = arith.constant 2 : i32
      %get3A_813 = arith.index_cast %add3A_682 : i32 to index
      %get3A_814 = arith.index_cast %get3A_812 : i32 to index
      %get3A_815 = arith.constant 32 : index
      %get3A_816 = tpu.vector_load %arg7[%get3A_813, %get3A_814, %get3A_815] {strides = array<i32>} : memref<79x4x128xf32, #tpu.memory_space<vmem>>, vector<16xf32>,
      %broadcast_in_dim3A_817 = arith.constant 2 : i32
      %broadcast_in_dim3A_818 = vector.broadcast %broadcast_in_dim3A_817 : i32 to vector<16xi32>
      %scatter3A_819 = arith.constant 1 : i32
      %scatter3A_820 = arith.constant 0 : i32
      %scatter3A_821 = arith.constant 0 : i32
      %scatter3A_822 = tpu.memref_slice %arg8[%scatter3A_819, %scatter3A_820, %scatter3A_821] : memref<3x128x8xf32, #tpu.memory_space<vmem>> -> memref<1x128x8xf32, #tpu.memory_space<vmem>>
      %scatter3A_823 = tpu.memref_squeeze %scatter3A_822 : memref<1x128x8xf32, #tpu.memory_space<vmem>> -> memref<128x8xf32, #tpu.memory_space<vmem>>
      tpu.vector_store_idx %scatter3A_823[%add3A_787, %broadcast_in_dim3A_818], %get3A_816 : memref<128x8xf32, #tpu.memory_space<vmem>>[vector<16xi32>, vector<16xi32>], vector<16xf32>,
      %get3A_824 = arith.constant 3 : i32
      %get3A_825 = arith.index_cast %add3A_682 : i32 to index
      %get3A_826 = arith.index_cast %get3A_824 : i32 to index
      %get3A_827 = arith.constant 32 : index
      %get3A_828 = tpu.vector_load %arg7[%get3A_825, %get3A_826, %get3A_827] {strides = array<i32>} : memref<79x4x128xf32, #tpu.memory_space<vmem>>, vector<16xf32>,
      %broadcast_in_dim3A_829 = arith.constant 3 : i32
      %broadcast_in_dim3A_830 = vector.broadcast %broadcast_in_dim3A_829 : i32 to vector<16xi32>
      %scatter3A_831 = arith.constant 1 : i32
      %scatter3A_832 = arith.constant 0 : i32
      %scatter3A_833 = arith.constant 0 : i32
      %scatter3A_834 = tpu.memref_slice %arg8[%scatter3A_831, %scatter3A_832, %scatter3A_833] : memref<3x128x8xf32, #tpu.memory_space<vmem>> -> memref<1x128x8xf32, #tpu.memory_space<vmem>>
      %scatter3A_835 = tpu.memref_squeeze %scatter3A_834 : memref<1x128x8xf32, #tpu.memory_space<vmem>> -> memref<128x8xf32, #tpu.memory_space<vmem>>
      tpu.vector_store_idx %scatter3A_835[%add3A_787, %broadcast_in_dim3A_830], %get3A_828 : memref<128x8xf32, #tpu.memory_space<vmem>>[vector<16xi32>, vector<16xi32>], vector<16xf32>,
      %add3A_836 = arith.constant 48 : i32
      %add3A_837 = vector.broadcast %add3A_836 : i32 to vector<16xi32>
      %add3A_838 = arith.addi %iota3A, %add3A_837 : vector<16xi32>
      %get3A_839 = arith.constant 0 : i32
      %get3A_840 = arith.index_cast %add3A_682 : i32 to index
      %get3A_841 = arith.index_cast %get3A_839 : i32 to index
      %get3A_842 = arith.constant 48 : index
      %get3A_843 = tpu.vector_load %arg7[%get3A_840, %get3A_841, %get3A_842] {strides = array<i32>} : memref<79x4x128xf32, #tpu.memory_space<vmem>>, vector<16xf32>,
      %broadcast_in_dim3A_844 = arith.constant 0 : i32
      %broadcast_in_dim3A_845 = vector.broadcast %broadcast_in_dim3A_844 : i32 to vector<16xi32>
      %scatter3A_846 = arith.constant 1 : i32
      %scatter3A_847 = arith.constant 0 : i32
      %scatter3A_848 = arith.constant 0 : i32
      %scatter3A_849 = tpu.memref_slice %arg8[%scatter3A_846, %scatter3A_847, %scatter3A_848] : memref<3x128x8xf32, #tpu.memory_space<vmem>> -> memref<1x128x8xf32, #tpu.memory_space<vmem>>
      %scatter3A_850 = tpu.memref_squeeze %scatter3A_849 : memref<1x128x8xf32, #tpu.memory_space<vmem>> -> memref<128x8xf32, #tpu.memory_space<vmem>>
      tpu.vector_store_idx %scatter3A_850[%add3A_838, %broadcast_in_dim3A_845], %get3A_843 : memref<128x8xf32, #tpu.memory_space<vmem>>[vector<16xi32>, vector<16xi32>], vector<16xf32>,
      %get3A_851 = arith.constant 1 : i32
      %get3A_852 = arith.index_cast %add3A_682 : i32 to index
      %get3A_853 = arith.index_cast %get3A_851 : i32 to index
      %get3A_854 = arith.constant 48 : index
      %get3A_855 = tpu.vector_load %arg7[%get3A_852, %get3A_853, %get3A_854] {strides = array<i32>} : memref<79x4x128xf32, #tpu.memory_space<vmem>>, vector<16xf32>,
      %broadcast_in_dim3A_856 = arith.constant 1 : i32
      %broadcast_in_dim3A_857 = vector.broadcast %broadcast_in_dim3A_856 : i32 to vector<16xi32>
      %scatter3A_858 = arith.constant 1 : i32
      %scatter3A_859 = arith.constant 0 : i32
      %scatter3A_860 = arith.constant 0 : i32
      %scatter3A_861 = tpu.memref_slice %arg8[%scatter3A_858, %scatter3A_859, %scatter3A_860] : memref<3x128x8xf32, #tpu.memory_space<vmem>> -> memref<1x128x8xf32, #tpu.memory_space<vmem>>
      %scatter3A_862 = tpu.memref_squeeze %scatter3A_861 : memref<1x128x8xf32, #tpu.memory_space<vmem>> -> memref<128x8xf32, #tpu.memory_space<vmem>>
      tpu.vector_store_idx %scatter3A_862[%add3A_838, %broadcast_in_dim3A_857], %get3A_855 : memref<128x8xf32, #tpu.memory_space<vmem>>[vector<16xi32>, vector<16xi32>], vector<16xf32>,
      %get3A_863 = arith.constant 2 : i32
      %get3A_864 = arith.index_cast %add3A_682 : i32 to index
      %get3A_865 = arith.index_cast %get3A_863 : i32 to index
      %get3A_866 = arith.constant 48 : index
      %get3A_867 = tpu.vector_load %arg7[%get3A_864, %get3A_865, %get3A_866] {strides = array<i32>} : memref<79x4x128xf32, #tpu.memory_space<vmem>>, vector<16xf32>,
      %broadcast_in_dim3A_868 = arith.constant 2 : i32
      %broadcast_in_dim3A_869 = vector.broadcast %broadcast_in_dim3A_868 : i32 to vector<16xi32>
      %scatter3A_870 = arith.constant 1 : i32
      %scatter3A_871 = arith.constant 0 : i32
      %scatter3A_872 = arith.constant 0 : i32
      %scatter3A_873 = tpu.memref_slice %arg8[%scatter3A_870, %scatter3A_871, %scatter3A_872] : memref<3x128x8xf32, #tpu.memory_space<vmem>> -> memref<1x128x8xf32, #tpu.memory_space<vmem>>
      %scatter3A_874 = tpu.memref_squeeze %scatter3A_873 : memref<1x128x8xf32, #tpu.memory_space<vmem>> -> memref<128x8xf32, #tpu.memory_space<vmem>>
      tpu.vector_store_idx %scatter3A_874[%add3A_838, %broadcast_in_dim3A_869], %get3A_867 : memref<128x8xf32, #tpu.memory_space<vmem>>[vector<16xi32>, vector<16xi32>], vector<16xf32>,
      %get3A_875 = arith.constant 3 : i32
      %get3A_876 = arith.index_cast %add3A_682 : i32 to index
      %get3A_877 = arith.index_cast %get3A_875 : i32 to index
      %get3A_878 = arith.constant 48 : index
      %get3A_879 = tpu.vector_load %arg7[%get3A_876, %get3A_877, %get3A_878] {strides = array<i32>} : memref<79x4x128xf32, #tpu.memory_space<vmem>>, vector<16xf32>,
      %broadcast_in_dim3A_880 = arith.constant 3 : i32
      %broadcast_in_dim3A_881 = vector.broadcast %broadcast_in_dim3A_880 : i32 to vector<16xi32>
      %scatter3A_882 = arith.constant 1 : i32
      %scatter3A_883 = arith.constant 0 : i32
      %scatter3A_884 = arith.constant 0 : i32
      %scatter3A_885 = tpu.memref_slice %arg8[%scatter3A_882, %scatter3A_883, %scatter3A_884] : memref<3x128x8xf32, #tpu.memory_space<vmem>> -> memref<1x128x8xf32, #tpu.memory_space<vmem>>
      %scatter3A_886 = tpu.memref_squeeze %scatter3A_885 : memref<1x128x8xf32, #tpu.memory_space<vmem>> -> memref<128x8xf32, #tpu.memory_space<vmem>>
      tpu.vector_store_idx %scatter3A_886[%add3A_838, %broadcast_in_dim3A_881], %get3A_879 : memref<128x8xf32, #tpu.memory_space<vmem>>[vector<16xi32>, vector<16xi32>], vector<16xf32>,
      %add3A_887 = arith.constant 64 : i32
      %add3A_888 = vector.broadcast %add3A_887 : i32 to vector<16xi32>
      %add3A_889 = arith.addi %iota3A, %add3A_888 : vector<16xi32>
      %get3A_890 = arith.constant 0 : i32
      %get3A_891 = arith.index_cast %add3A_682 : i32 to index
      %get3A_892 = arith.index_cast %get3A_890 : i32 to index
      %get3A_893 = arith.constant 64 : index
      %get3A_894 = tpu.vector_load %arg7[%get3A_891, %get3A_892, %get3A_893] {strides = array<i32>} : memref<79x4x128xf32, #tpu.memory_space<vmem>>, vector<16xf32>,
      %broadcast_in_dim3A_895 = arith.constant 0 : i32
      %broadcast_in_dim3A_896 = vector.broadcast %broadcast_in_dim3A_895 : i32 to vector<16xi32>
      %scatter3A_897 = arith.constant 1 : i32
      %scatter3A_898 = arith.constant 0 : i32
      %scatter3A_899 = arith.constant 0 : i32
      %scatter3A_900 = tpu.memref_slice %arg8[%scatter3A_897, %scatter3A_898, %scatter3A_899] : memref<3x128x8xf32, #tpu.memory_space<vmem>> -> memref<1x128x8xf32, #tpu.memory_space<vmem>>
      %scatter3A_901 = tpu.memref_squeeze %scatter3A_900 : memref<1x128x8xf32, #tpu.memory_space<vmem>> -> memref<128x8xf32, #tpu.memory_space<vmem>>
      tpu.vector_store_idx %scatter3A_901[%add3A_889, %broadcast_in_dim3A_896], %get3A_894 : memref<128x8xf32, #tpu.memory_space<vmem>>[vector<16xi32>, vector<16xi32>], vector<16xf32>,
      %get3A_902 = arith.constant 1 : i32
      %get3A_903 = arith.index_cast %add3A_682 : i32 to index
      %get3A_904 = arith.index_cast %get3A_902 : i32 to index
      %get3A_905 = arith.constant 64 : index
      %get3A_906 = tpu.vector_load %arg7[%get3A_903, %get3A_904, %get3A_905] {strides = array<i32>} : memref<79x4x128xf32, #tpu.memory_space<vmem>>, vector<16xf32>,
      %broadcast_in_dim3A_907 = arith.constant 1 : i32
      %broadcast_in_dim3A_908 = vector.broadcast %broadcast_in_dim3A_907 : i32 to vector<16xi32>
      %scatter3A_909 = arith.constant 1 : i32
      %scatter3A_910 = arith.constant 0 : i32
      %scatter3A_911 = arith.constant 0 : i32
      %scatter3A_912 = tpu.memref_slice %arg8[%scatter3A_909, %scatter3A_910, %scatter3A_911] : memref<3x128x8xf32, #tpu.memory_space<vmem>> -> memref<1x128x8xf32, #tpu.memory_space<vmem>>
      %scatter3A_913 = tpu.memref_squeeze %scatter3A_912 : memref<1x128x8xf32, #tpu.memory_space<vmem>> -> memref<128x8xf32, #tpu.memory_space<vmem>>
      tpu.vector_store_idx %scatter3A_913[%add3A_889, %broadcast_in_dim3A_908], %get3A_906 : memref<128x8xf32, #tpu.memory_space<vmem>>[vector<16xi32>, vector<16xi32>], vector<16xf32>,
      %get3A_914 = arith.constant 2 : i32
      %get3A_915 = arith.index_cast %add3A_682 : i32 to index
      %get3A_916 = arith.index_cast %get3A_914 : i32 to index
      %get3A_917 = arith.constant 64 : index
      %get3A_918 = tpu.vector_load %arg7[%get3A_915, %get3A_916, %get3A_917] {strides = array<i32>} : memref<79x4x128xf32, #tpu.memory_space<vmem>>, vector<16xf32>,
      %broadcast_in_dim3A_919 = arith.constant 2 : i32
      %broadcast_in_dim3A_920 = vector.broadcast %broadcast_in_dim3A_919 : i32 to vector<16xi32>
      %scatter3A_921 = arith.constant 1 : i32
      %scatter3A_922 = arith.constant 0 : i32
      %scatter3A_923 = arith.constant 0 : i32
      %scatter3A_924 = tpu.memref_slice %arg8[%scatter3A_921, %scatter3A_922, %scatter3A_923] : memref<3x128x8xf32, #tpu.memory_space<vmem>> -> memref<1x128x8xf32, #tpu.memory_space<vmem>>
      %scatter3A_925 = tpu.memref_squeeze %scatter3A_924 : memref<1x128x8xf32, #tpu.memory_space<vmem>> -> memref<128x8xf32, #tpu.memory_space<vmem>>
      tpu.vector_store_idx %scatter3A_925[%add3A_889, %broadcast_in_dim3A_920], %get3A_918 : memref<128x8xf32, #tpu.memory_space<vmem>>[vector<16xi32>, vector<16xi32>], vector<16xf32>,
      %get3A_926 = arith.constant 3 : i32
      %get3A_927 = arith.index_cast %add3A_682 : i32 to index
      %get3A_928 = arith.index_cast %get3A_926 : i32 to index
      %get3A_929 = arith.constant 64 : index
      %get3A_930 = tpu.vector_load %arg7[%get3A_927, %get3A_928, %get3A_929] {strides = array<i32>} : memref<79x4x128xf32, #tpu.memory_space<vmem>>, vector<16xf32>,
      %broadcast_in_dim3A_931 = arith.constant 3 : i32
      %broadcast_in_dim3A_932 = vector.broadcast %broadcast_in_dim3A_931 : i32 to vector<16xi32>
      %scatter3A_933 = arith.constant 1 : i32
      %scatter3A_934 = arith.constant 0 : i32
      %scatter3A_935 = arith.constant 0 : i32
      %scatter3A_936 = tpu.memref_slice %arg8[%scatter3A_933, %scatter3A_934, %scatter3A_935] : memref<3x128x8xf32, #tpu.memory_space<vmem>> -> memref<1x128x8xf32, #tpu.memory_space<vmem>>
      %scatter3A_937 = tpu.memref_squeeze %scatter3A_936 : memref<1x128x8xf32, #tpu.memory_space<vmem>> -> memref<128x8xf32, #tpu.memory_space<vmem>>
      tpu.vector_store_idx %scatter3A_937[%add3A_889, %broadcast_in_dim3A_932], %get3A_930 : memref<128x8xf32, #tpu.memory_space<vmem>>[vector<16xi32>, vector<16xi32>], vector<16xf32>,
      %add3A_938 = arith.constant 80 : i32
      %add3A_939 = vector.broadcast %add3A_938 : i32 to vector<16xi32>
      %add3A_940 = arith.addi %iota3A, %add3A_939 : vector<16xi32>
      %get3A_941 = arith.constant 0 : i32
      %get3A_942 = arith.index_cast %add3A_682 : i32 to index
      %get3A_943 = arith.index_cast %get3A_941 : i32 to index
      %get3A_944 = arith.constant 80 : index
      %get3A_945 = tpu.vector_load %arg7[%get3A_942, %get3A_943, %get3A_944] {strides = array<i32>} : memref<79x4x128xf32, #tpu.memory_space<vmem>>, vector<16xf32>,
      %broadcast_in_dim3A_946 = arith.constant 0 : i32
      %broadcast_in_dim3A_947 = vector.broadcast %broadcast_in_dim3A_946 : i32 to vector<16xi32>
      %scatter3A_948 = arith.constant 1 : i32
      %scatter3A_949 = arith.constant 0 : i32
      %scatter3A_950 = arith.constant 0 : i32
      %scatter3A_951 = tpu.memref_slice %arg8[%scatter3A_948, %scatter3A_949, %scatter3A_950] : memref<3x128x8xf32, #tpu.memory_space<vmem>> -> memref<1x128x8xf32, #tpu.memory_space<vmem>>
      %scatter3A_952 = tpu.memref_squeeze %scatter3A_951 : memref<1x128x8xf32, #tpu.memory_space<vmem>> -> memref<128x8xf32, #tpu.memory_space<vmem>>
      tpu.vector_store_idx %scatter3A_952[%add3A_940, %broadcast_in_dim3A_947], %get3A_945 : memref<128x8xf32, #tpu.memory_space<vmem>>[vector<16xi32>, vector<16xi32>], vector<16xf32>,
      %get3A_953 = arith.constant 1 : i32
      %get3A_954 = arith.index_cast %add3A_682 : i32 to index
      %get3A_955 = arith.index_cast %get3A_953 : i32 to index
      %get3A_956 = arith.constant 80 : index
      %get3A_957 = tpu.vector_load %arg7[%get3A_954, %get3A_955, %get3A_956] {strides = array<i32>} : memref<79x4x128xf32, #tpu.memory_space<vmem>>, vector<16xf32>,
      %broadcast_in_dim3A_958 = arith.constant 1 : i32
      %broadcast_in_dim3A_959 = vector.broadcast %broadcast_in_dim3A_958 : i32 to vector<16xi32>
      %scatter3A_960 = arith.constant 1 : i32
      %scatter3A_961 = arith.constant 0 : i32
      %scatter3A_962 = arith.constant 0 : i32
      %scatter3A_963 = tpu.memref_slice %arg8[%scatter3A_960, %scatter3A_961, %scatter3A_962] : memref<3x128x8xf32, #tpu.memory_space<vmem>> -> memref<1x128x8xf32, #tpu.memory_space<vmem>>
      %scatter3A_964 = tpu.memref_squeeze %scatter3A_963 : memref<1x128x8xf32, #tpu.memory_space<vmem>> -> memref<128x8xf32, #tpu.memory_space<vmem>>
      tpu.vector_store_idx %scatter3A_964[%add3A_940, %broadcast_in_dim3A_959], %get3A_957 : memref<128x8xf32, #tpu.memory_space<vmem>>[vector<16xi32>, vector<16xi32>], vector<16xf32>,
      %get3A_965 = arith.constant 2 : i32
      %get3A_966 = arith.index_cast %add3A_682 : i32 to index
      %get3A_967 = arith.index_cast %get3A_965 : i32 to index
      %get3A_968 = arith.constant 80 : index
      %get3A_969 = tpu.vector_load %arg7[%get3A_966, %get3A_967, %get3A_968] {strides = array<i32>} : memref<79x4x128xf32, #tpu.memory_space<vmem>>, vector<16xf32>,
      %broadcast_in_dim3A_970 = arith.constant 2 : i32
      %broadcast_in_dim3A_971 = vector.broadcast %broadcast_in_dim3A_970 : i32 to vector<16xi32>
      %scatter3A_972 = arith.constant 1 : i32
      %scatter3A_973 = arith.constant 0 : i32
      %scatter3A_974 = arith.constant 0 : i32
      %scatter3A_975 = tpu.memref_slice %arg8[%scatter3A_972, %scatter3A_973, %scatter3A_974] : memref<3x128x8xf32, #tpu.memory_space<vmem>> -> memref<1x128x8xf32, #tpu.memory_space<vmem>>
      %scatter3A_976 = tpu.memref_squeeze %scatter3A_975 : memref<1x128x8xf32, #tpu.memory_space<vmem>> -> memref<128x8xf32, #tpu.memory_space<vmem>>
      tpu.vector_store_idx %scatter3A_976[%add3A_940, %broadcast_in_dim3A_971], %get3A_969 : memref<128x8xf32, #tpu.memory_space<vmem>>[vector<16xi32>, vector<16xi32>], vector<16xf32>,
      %get3A_977 = arith.constant 3 : i32
      %get3A_978 = arith.index_cast %add3A_682 : i32 to index
      %get3A_979 = arith.index_cast %get3A_977 : i32 to index
      %get3A_980 = arith.constant 80 : index
      %get3A_981 = tpu.vector_load %arg7[%get3A_978, %get3A_979, %get3A_980] {strides = array<i32>} : memref<79x4x128xf32, #tpu.memory_space<vmem>>, vector<16xf32>,
      %broadcast_in_dim3A_982 = arith.constant 3 : i32
      %broadcast_in_dim3A_983 = vector.broadcast %broadcast_in_dim3A_982 : i32 to vector<16xi32>
      %scatter3A_984 = arith.constant 1 : i32
      %scatter3A_985 = arith.constant 0 : i32
      %scatter3A_986 = arith.constant 0 : i32
      %scatter3A_987 = tpu.memref_slice %arg8[%scatter3A_984, %scatter3A_985, %scatter3A_986] : memref<3x128x8xf32, #tpu.memory_space<vmem>> -> memref<1x128x8xf32, #tpu.memory_space<vmem>>
      %scatter3A_988 = tpu.memref_squeeze %scatter3A_987 : memref<1x128x8xf32, #tpu.memory_space<vmem>> -> memref<128x8xf32, #tpu.memory_space<vmem>>
      tpu.vector_store_idx %scatter3A_988[%add3A_940, %broadcast_in_dim3A_983], %get3A_981 : memref<128x8xf32, #tpu.memory_space<vmem>>[vector<16xi32>, vector<16xi32>], vector<16xf32>,
      %add3A_989 = arith.constant 96 : i32
      %add3A_990 = vector.broadcast %add3A_989 : i32 to vector<16xi32>
      %add3A_991 = arith.addi %iota3A, %add3A_990 : vector<16xi32>
      %get3A_992 = arith.constant 0 : i32
      %get3A_993 = arith.index_cast %add3A_682 : i32 to index
      %get3A_994 = arith.index_cast %get3A_992 : i32 to index
      %get3A_995 = arith.constant 96 : index
      %get3A_996 = tpu.vector_load %arg7[%get3A_993, %get3A_994, %get3A_995] {strides = array<i32>} : memref<79x4x128xf32, #tpu.memory_space<vmem>>, vector<16xf32>,
      %broadcast_in_dim3A_997 = arith.constant 0 : i32
      %broadcast_in_dim3A_998 = vector.broadcast %broadcast_in_dim3A_997 : i32 to vector<16xi32>
      %scatter3A_999 = arith.constant 1 : i32
      %scatter3A_1000 = arith.constant 0 : i32
      %scatter3A_1001 = arith.constant 0 : i32
      %scatter3A_1002 = tpu.memref_slice %arg8[%scatter3A_999, %scatter3A_1000, %scatter3A_1001] : memref<3x128x8xf32, #tpu.memory_space<vmem>> -> memref<1x128x8xf32, #tpu.memory_space<vmem>>
      %scatter3A_1003 = tpu.memref_squeeze %scatter3A_1002 : memref<1x128x8xf32, #tpu.memory_space<vmem>> -> memref<128x8xf32, #tpu.memory_space<vmem>>
      tpu.vector_store_idx %scatter3A_1003[%add3A_991, %broadcast_in_dim3A_998], %get3A_996 : memref<128x8xf32, #tpu.memory_space<vmem>>[vector<16xi32>, vector<16xi32>], vector<16xf32>,
      %get3A_1004 = arith.constant 1 : i32
      %get3A_1005 = arith.index_cast %add3A_682 : i32 to index
      %get3A_1006 = arith.index_cast %get3A_1004 : i32 to index
      %get3A_1007 = arith.constant 96 : index
      %get3A_1008 = tpu.vector_load %arg7[%get3A_1005, %get3A_1006, %get3A_1007] {strides = array<i32>} : memref<79x4x128xf32, #tpu.memory_space<vmem>>, vector<16xf32>,
      %broadcast_in_dim3A_1009 = arith.constant 1 : i32
      %broadcast_in_dim3A_1010 = vector.broadcast %broadcast_in_dim3A_1009 : i32 to vector<16xi32>
      %scatter3A_1011 = arith.constant 1 : i32
      %scatter3A_1012 = arith.constant 0 : i32
      %scatter3A_1013 = arith.constant 0 : i32
      %scatter3A_1014 = tpu.memref_slice %arg8[%scatter3A_1011, %scatter3A_1012, %scatter3A_1013] : memref<3x128x8xf32, #tpu.memory_space<vmem>> -> memref<1x128x8xf32, #tpu.memory_space<vmem>>
      %scatter3A_1015 = tpu.memref_squeeze %scatter3A_1014 : memref<1x128x8xf32, #tpu.memory_space<vmem>> -> memref<128x8xf32, #tpu.memory_space<vmem>>
      tpu.vector_store_idx %scatter3A_1015[%add3A_991, %broadcast_in_dim3A_1010], %get3A_1008 : memref<128x8xf32, #tpu.memory_space<vmem>>[vector<16xi32>, vector<16xi32>], vector<16xf32>,
      %get3A_1016 = arith.constant 2 : i32
      %get3A_1017 = arith.index_cast %add3A_682 : i32 to index
      %get3A_1018 = arith.index_cast %get3A_1016 : i32 to index
      %get3A_1019 = arith.constant 96 : index
      %get3A_1020 = tpu.vector_load %arg7[%get3A_1017, %get3A_1018, %get3A_1019] {strides = array<i32>} : memref<79x4x128xf32, #tpu.memory_space<vmem>>, vector<16xf32>,
      %broadcast_in_dim3A_1021 = arith.constant 2 : i32
      %broadcast_in_dim3A_1022 = vector.broadcast %broadcast_in_dim3A_1021 : i32 to vector<16xi32>
      %scatter3A_1023 = arith.constant 1 : i32
      %scatter3A_1024 = arith.constant 0 : i32
      %scatter3A_1025 = arith.constant 0 : i32
      %scatter3A_1026 = tpu.memref_slice %arg8[%scatter3A_1023, %scatter3A_1024, %scatter3A_1025] : memref<3x128x8xf32, #tpu.memory_space<vmem>> -> memref<1x128x8xf32, #tpu.memory_space<vmem>>
      %scatter3A_1027 = tpu.memref_squeeze %scatter3A_1026 : memref<1x128x8xf32, #tpu.memory_space<vmem>> -> memref<128x8xf32, #tpu.memory_space<vmem>>
      tpu.vector_store_idx %scatter3A_1027[%add3A_991, %broadcast_in_dim3A_1022], %get3A_1020 : memref<128x8xf32, #tpu.memory_space<vmem>>[vector<16xi32>, vector<16xi32>], vector<16xf32>,
      %get3A_1028 = arith.constant 3 : i32
      %get3A_1029 = arith.index_cast %add3A_682 : i32 to index
      %get3A_1030 = arith.index_cast %get3A_1028 : i32 to index
      %get3A_1031 = arith.constant 96 : index
      %get3A_1032 = tpu.vector_load %arg7[%get3A_1029, %get3A_1030, %get3A_1031] {strides = array<i32>} : memref<79x4x128xf32, #tpu.memory_space<vmem>>, vector<16xf32>,
      %broadcast_in_dim3A_1033 = arith.constant 3 : i32
      %broadcast_in_dim3A_1034 = vector.broadcast %broadcast_in_dim3A_1033 : i32 to vector<16xi32>
      %scatter3A_1035 = arith.constant 1 : i32
      %scatter3A_1036 = arith.constant 0 : i32
      %scatter3A_1037 = arith.constant 0 : i32
      %scatter3A_1038 = tpu.memref_slice %arg8[%scatter3A_1035, %scatter3A_1036, %scatter3A_1037] : memref<3x128x8xf32, #tpu.memory_space<vmem>> -> memref<1x128x8xf32, #tpu.memory_space<vmem>>
      %scatter3A_1039 = tpu.memref_squeeze %scatter3A_1038 : memref<1x128x8xf32, #tpu.memory_space<vmem>> -> memref<128x8xf32, #tpu.memory_space<vmem>>
      tpu.vector_store_idx %scatter3A_1039[%add3A_991, %broadcast_in_dim3A_1034], %get3A_1032 : memref<128x8xf32, #tpu.memory_space<vmem>>[vector<16xi32>, vector<16xi32>], vector<16xf32>,
      %add3A_1040 = arith.constant 112 : i32
      %add3A_1041 = vector.broadcast %add3A_1040 : i32 to vector<16xi32>
      %add3A_1042 = arith.addi %iota3A, %add3A_1041 : vector<16xi32>
      %get3A_1043 = arith.constant 0 : i32
      %get3A_1044 = arith.index_cast %add3A_682 : i32 to index
      %get3A_1045 = arith.index_cast %get3A_1043 : i32 to index
      %get3A_1046 = arith.constant 112 : index
      %get3A_1047 = tpu.vector_load %arg7[%get3A_1044, %get3A_1045, %get3A_1046] {strides = array<i32>} : memref<79x4x128xf32, #tpu.memory_space<vmem>>, vector<16xf32>,
      %broadcast_in_dim3A_1048 = arith.constant 0 : i32
      %broadcast_in_dim3A_1049 = vector.broadcast %broadcast_in_dim3A_1048 : i32 to vector<16xi32>
      %scatter3A_1050 = arith.constant 1 : i32
      %scatter3A_1051 = arith.constant 0 : i32
      %scatter3A_1052 = arith.constant 0 : i32
      %scatter3A_1053 = tpu.memref_slice %arg8[%scatter3A_1050, %scatter3A_1051, %scatter3A_1052] : memref<3x128x8xf32, #tpu.memory_space<vmem>> -> memref<1x128x8xf32, #tpu.memory_space<vmem>>
      %scatter3A_1054 = tpu.memref_squeeze %scatter3A_1053 : memref<1x128x8xf32, #tpu.memory_space<vmem>> -> memref<128x8xf32, #tpu.memory_space<vmem>>
      tpu.vector_store_idx %scatter3A_1054[%add3A_1042, %broadcast_in_dim3A_1049], %get3A_1047 : memref<128x8xf32, #tpu.memory_space<vmem>>[vector<16xi32>, vector<16xi32>], vector<16xf32>,
      %get3A_1055 = arith.constant 1 : i32
      %get3A_1056 = arith.index_cast %add3A_682 : i32 to index
      %get3A_1057 = arith.index_cast %get3A_1055 : i32 to index
      %get3A_1058 = arith.constant 112 : index
      %get3A_1059 = tpu.vector_load %arg7[%get3A_1056, %get3A_1057, %get3A_1058] {strides = array<i32>} : memref<79x4x128xf32, #tpu.memory_space<vmem>>, vector<16xf32>,
      %broadcast_in_dim3A_1060 = arith.constant 1 : i32
      %broadcast_in_dim3A_1061 = vector.broadcast %broadcast_in_dim3A_1060 : i32 to vector<16xi32>
      %scatter3A_1062 = arith.constant 1 : i32
      %scatter3A_1063 = arith.constant 0 : i32
      %scatter3A_1064 = arith.constant 0 : i32
      %scatter3A_1065 = tpu.memref_slice %arg8[%scatter3A_1062, %scatter3A_1063, %scatter3A_1064] : memref<3x128x8xf32, #tpu.memory_space<vmem>> -> memref<1x128x8xf32, #tpu.memory_space<vmem>>
      %scatter3A_1066 = tpu.memref_squeeze %scatter3A_1065 : memref<1x128x8xf32, #tpu.memory_space<vmem>> -> memref<128x8xf32, #tpu.memory_space<vmem>>
      tpu.vector_store_idx %scatter3A_1066[%add3A_1042, %broadcast_in_dim3A_1061], %get3A_1059 : memref<128x8xf32, #tpu.memory_space<vmem>>[vector<16xi32>, vector<16xi32>], vector<16xf32>,
      %get3A_1067 = arith.constant 2 : i32
      %get3A_1068 = arith.index_cast %add3A_682 : i32 to index
      %get3A_1069 = arith.index_cast %get3A_1067 : i32 to index
      %get3A_1070 = arith.constant 112 : index
      %get3A_1071 = tpu.vector_load %arg7[%get3A_1068, %get3A_1069, %get3A_1070] {strides = array<i32>} : memref<79x4x128xf32, #tpu.memory_space<vmem>>, vector<16xf32>,
      %broadcast_in_dim3A_1072 = arith.constant 2 : i32
      %broadcast_in_dim3A_1073 = vector.broadcast %broadcast_in_dim3A_1072 : i32 to vector<16xi32>
      %scatter3A_1074 = arith.constant 1 : i32
      %scatter3A_1075 = arith.constant 0 : i32
      %scatter3A_1076 = arith.constant 0 : i32
      %scatter3A_1077 = tpu.memref_slice %arg8[%scatter3A_1074, %scatter3A_1075, %scatter3A_1076] : memref<3x128x8xf32, #tpu.memory_space<vmem>> -> memref<1x128x8xf32, #tpu.memory_space<vmem>>
      %scatter3A_1078 = tpu.memref_squeeze %scatter3A_1077 : memref<1x128x8xf32, #tpu.memory_space<vmem>> -> memref<128x8xf32, #tpu.memory_space<vmem>>
      tpu.vector_store_idx %scatter3A_1078[%add3A_1042, %broadcast_in_dim3A_1073], %get3A_1071 : memref<128x8xf32, #tpu.memory_space<vmem>>[vector<16xi32>, vector<16xi32>], vector<16xf32>,
      %get3A_1079 = arith.constant 3 : i32
      %get3A_1080 = arith.index_cast %add3A_682 : i32 to index
      %get3A_1081 = arith.index_cast %get3A_1079 : i32 to index
      %get3A_1082 = arith.constant 112 : index
      %get3A_1083 = tpu.vector_load %arg7[%get3A_1080, %get3A_1081, %get3A_1082] {strides = array<i32>} : memref<79x4x128xf32, #tpu.memory_space<vmem>>, vector<16xf32>,
      %broadcast_in_dim3A_1084 = arith.constant 3 : i32
      %broadcast_in_dim3A_1085 = vector.broadcast %broadcast_in_dim3A_1084 : i32 to vector<16xi32>
      %scatter3A_1086 = arith.constant 1 : i32
      %scatter3A_1087 = arith.constant 0 : i32
      %scatter3A_1088 = arith.constant 0 : i32
      %scatter3A_1089 = tpu.memref_slice %arg8[%scatter3A_1086, %scatter3A_1087, %scatter3A_1088] : memref<3x128x8xf32, #tpu.memory_space<vmem>> -> memref<1x128x8xf32, #tpu.memory_space<vmem>>
      %scatter3A_1090 = tpu.memref_squeeze %scatter3A_1089 : memref<1x128x8xf32, #tpu.memory_space<vmem>> -> memref<128x8xf32, #tpu.memory_space<vmem>>
      tpu.vector_store_idx %scatter3A_1090[%add3A_1042, %broadcast_in_dim3A_1085], %get3A_1083 : memref<128x8xf32, #tpu.memory_space<vmem>>[vector<16xi32>, vector<16xi32>], vector<16xf32>,
      %add3A_1091 = arith.constant 1 : i32
      %add3A_1092 = arith.addi %mul3A_257, %add3A_1091 : i32
      %dma_start3A_1093 = arith.constant 1 : i32
      %dma_start3A_1094 = arith.constant 0 : i32
      %dma_start3A_1095 = arith.constant 0 : i32
      %dma_start3A_1096 = arith.constant 0 : i32
      %dma_start3A_1097 = tpu.memref_slice %arg8[%dma_start3A_1093, %dma_start3A_1095, %dma_start3A_1096] : memref<3x128x8xf32, #tpu.memory_space<vmem>> -> memref<1x128x8xf32, #tpu.memory_space<vmem>>
      %dma_start3A_1098 = tpu.memref_squeeze %dma_start3A_1097 : memref<1x128x8xf32, #tpu.memory_space<vmem>> -> memref<128x8xf32, #tpu.memory_space<vmem>>
      %dma_start3A_1099 = arith.constant 0 : i32
      %dma_start3A_1100 = tpu.memref_slice %arg6[%add3A_1092, %dma_start3A_1094, %dma_start3A_1099] : memref<79x1x128xi32, #tpu.memory_space<vmem>> -> memref<1x1x128xi32, #tpu.memory_space<vmem>>
      %dma_start3A_1101 = tpu.memref_squeeze %dma_start3A_1100 : memref<1x1x128xi32, #tpu.memory_space<vmem>> -> memref<128xi32, #tpu.memory_space<vmem>>
      %dma_start3A_1102 = arith.constant 0 : i32
      %dma_start3A_1103 = arith.constant 0 : i32
      %dma_start3A_1104 = tpu.memref_slice %arg11[%dma_start3A_1102, %dma_start3A_1103] : memref<10000x8xf32, #tpu.memory_space<vmem_shared>> -> memref<10000x8xf32, #tpu.memory_space<vmem_shared>>
      tpu.enqueue_indirect_dma source(%dma_start3A_1098 : memref<128x8xf32, #tpu.memory_space<vmem>>) target(%dma_start3A_1104 : memref<10000x8xf32, #tpu.memory_space<vmem_shared>>) offsets(%dma_start3A_1101 : memref<128xi32, #tpu.memory_space<vmem>>) semaphore(%arg12 : memref<!tpu.dma_semaphore, #tpu.memory_space<semaphore_mem>>) {add = true}
      %add3A_1105 = arith.constant 2 : i32
      %add3A_1106 = arith.addi %mul3A_257, %add3A_1105 : i32
      %add3A_1107 = arith.constant 0 : i32
      %add3A_1108 = vector.broadcast %add3A_1107 : i32 to vector<16xi32>
      %add3A_1109 = arith.addi %iota3A, %add3A_1108 : vector<16xi32>
      %get3A_1110 = arith.constant 0 : i32
      %get3A_1111 = arith.index_cast %add3A_1106 : i32 to index
      %get3A_1112 = arith.index_cast %get3A_1110 : i32 to index
      %get3A_1113 = arith.constant 0 : index
      %get3A_1114 = tpu.vector_load %arg7[%get3A_1111, %get3A_1112, %get3A_1113] {strides = array<i32>} : memref<79x4x128xf32, #tpu.memory_space<vmem>>, vector<16xf32>,
      %broadcast_in_dim3A_1115 = arith.constant 0 : i32
      %broadcast_in_dim3A_1116 = vector.broadcast %broadcast_in_dim3A_1115 : i32 to vector<16xi32>
      %scatter3A_1117 = arith.constant 2 : i32
      %scatter3A_1118 = arith.constant 0 : i32
      %scatter3A_1119 = arith.constant 0 : i32
      %scatter3A_1120 = tpu.memref_slice %arg8[%scatter3A_1117, %scatter3A_1118, %scatter3A_1119] : memref<3x128x8xf32, #tpu.memory_space<vmem>> -> memref<1x128x8xf32, #tpu.memory_space<vmem>>
      %scatter3A_1121 = tpu.memref_squeeze %scatter3A_1120 : memref<1x128x8xf32, #tpu.memory_space<vmem>> -> memref<128x8xf32, #tpu.memory_space<vmem>>
      tpu.vector_store_idx %scatter3A_1121[%add3A_1109, %broadcast_in_dim3A_1116], %get3A_1114 : memref<128x8xf32, #tpu.memory_space<vmem>>[vector<16xi32>, vector<16xi32>], vector<16xf32>,
      %get3A_1122 = arith.constant 1 : i32
      %get3A_1123 = arith.index_cast %add3A_1106 : i32 to index
      %get3A_1124 = arith.index_cast %get3A_1122 : i32 to index
      %get3A_1125 = arith.constant 0 : index
      %get3A_1126 = tpu.vector_load %arg7[%get3A_1123, %get3A_1124, %get3A_1125] {strides = array<i32>} : memref<79x4x128xf32, #tpu.memory_space<vmem>>, vector<16xf32>,
      %broadcast_in_dim3A_1127 = arith.constant 1 : i32
      %broadcast_in_dim3A_1128 = vector.broadcast %broadcast_in_dim3A_1127 : i32 to vector<16xi32>
      %scatter3A_1129 = arith.constant 2 : i32
      %scatter3A_1130 = arith.constant 0 : i32
      %scatter3A_1131 = arith.constant 0 : i32
      %scatter3A_1132 = tpu.memref_slice %arg8[%scatter3A_1129, %scatter3A_1130, %scatter3A_1131] : memref<3x128x8xf32, #tpu.memory_space<vmem>> -> memref<1x128x8xf32, #tpu.memory_space<vmem>>
      %scatter3A_1133 = tpu.memref_squeeze %scatter3A_1132 : memref<1x128x8xf32, #tpu.memory_space<vmem>> -> memref<128x8xf32, #tpu.memory_space<vmem>>
      tpu.vector_store_idx %scatter3A_1133[%add3A_1109, %broadcast_in_dim3A_1128], %get3A_1126 : memref<128x8xf32, #tpu.memory_space<vmem>>[vector<16xi32>, vector<16xi32>], vector<16xf32>,
      %get3A_1134 = arith.constant 2 : i32
      %get3A_1135 = arith.index_cast %add3A_1106 : i32 to index
      %get3A_1136 = arith.index_cast %get3A_1134 : i32 to index
      %get3A_1137 = arith.constant 0 : index
      %get3A_1138 = tpu.vector_load %arg7[%get3A_1135, %get3A_1136, %get3A_1137] {strides = array<i32>} : memref<79x4x128xf32, #tpu.memory_space<vmem>>, vector<16xf32>,
      %broadcast_in_dim3A_1139 = arith.constant 2 : i32
      %broadcast_in_dim3A_1140 = vector.broadcast %broadcast_in_dim3A_1139 : i32 to vector<16xi32>
      %scatter3A_1141 = arith.constant 2 : i32
      %scatter3A_1142 = arith.constant 0 : i32
      %scatter3A_1143 = arith.constant 0 : i32
      %scatter3A_1144 = tpu.memref_slice %arg8[%scatter3A_1141, %scatter3A_1142, %scatter3A_1143] : memref<3x128x8xf32, #tpu.memory_space<vmem>> -> memref<1x128x8xf32, #tpu.memory_space<vmem>>
      %scatter3A_1145 = tpu.memref_squeeze %scatter3A_1144 : memref<1x128x8xf32, #tpu.memory_space<vmem>> -> memref<128x8xf32, #tpu.memory_space<vmem>>
      tpu.vector_store_idx %scatter3A_1145[%add3A_1109, %broadcast_in_dim3A_1140], %get3A_1138 : memref<128x8xf32, #tpu.memory_space<vmem>>[vector<16xi32>, vector<16xi32>], vector<16xf32>,
      %get3A_1146 = arith.constant 3 : i32
      %get3A_1147 = arith.index_cast %add3A_1106 : i32 to index
      %get3A_1148 = arith.index_cast %get3A_1146 : i32 to index
      %get3A_1149 = arith.constant 0 : index
      %get3A_1150 = tpu.vector_load %arg7[%get3A_1147, %get3A_1148, %get3A_1149] {strides = array<i32>} : memref<79x4x128xf32, #tpu.memory_space<vmem>>, vector<16xf32>,
      %broadcast_in_dim3A_1151 = arith.constant 3 : i32
      %broadcast_in_dim3A_1152 = vector.broadcast %broadcast_in_dim3A_1151 : i32 to vector<16xi32>
      %scatter3A_1153 = arith.constant 2 : i32
      %scatter3A_1154 = arith.constant 0 : i32
      %scatter3A_1155 = arith.constant 0 : i32
      %scatter3A_1156 = tpu.memref_slice %arg8[%scatter3A_1153, %scatter3A_1154, %scatter3A_1155] : memref<3x128x8xf32, #tpu.memory_space<vmem>> -> memref<1x128x8xf32, #tpu.memory_space<vmem>>
      %scatter3A_1157 = tpu.memref_squeeze %scatter3A_1156 : memref<1x128x8xf32, #tpu.memory_space<vmem>> -> memref<128x8xf32, #tpu.memory_space<vmem>>
      tpu.vector_store_idx %scatter3A_1157[%add3A_1109, %broadcast_in_dim3A_1152], %get3A_1150 : memref<128x8xf32, #tpu.memory_space<vmem>>[vector<16xi32>, vector<16xi32>], vector<16xf32>,
      %add3A_1158 = arith.constant 16 : i32
      %add3A_1159 = vector.broadcast %add3A_1158 : i32 to vector<16xi32>
      %add3A_1160 = arith.addi %iota3A, %add3A_1159 : vector<16xi32>
      %get3A_1161 = arith.constant 0 : i32
      %get3A_1162 = arith.index_cast %add3A_1106 : i32 to index
      %get3A_1163 = arith.index_cast %get3A_1161 : i32 to index
      %get3A_1164 = arith.constant 16 : index
      %get3A_1165 = tpu.vector_load %arg7[%get3A_1162, %get3A_1163, %get3A_1164] {strides = array<i32>} : memref<79x4x128xf32, #tpu.memory_space<vmem>>, vector<16xf32>,
      %broadcast_in_dim3A_1166 = arith.constant 0 : i32
      %broadcast_in_dim3A_1167 = vector.broadcast %broadcast_in_dim3A_1166 : i32 to vector<16xi32>
      %scatter3A_1168 = arith.constant 2 : i32
      %scatter3A_1169 = arith.constant 0 : i32
      %scatter3A_1170 = arith.constant 0 : i32
      %scatter3A_1171 = tpu.memref_slice %arg8[%scatter3A_1168, %scatter3A_1169, %scatter3A_1170] : memref<3x128x8xf32, #tpu.memory_space<vmem>> -> memref<1x128x8xf32, #tpu.memory_space<vmem>>
      %scatter3A_1172 = tpu.memref_squeeze %scatter3A_1171 : memref<1x128x8xf32, #tpu.memory_space<vmem>> -> memref<128x8xf32, #tpu.memory_space<vmem>>
      tpu.vector_store_idx %scatter3A_1172[%add3A_1160, %broadcast_in_dim3A_1167], %get3A_1165 : memref<128x8xf32, #tpu.memory_space<vmem>>[vector<16xi32>, vector<16xi32>], vector<16xf32>,
      %get3A_1173 = arith.constant 1 : i32
      %get3A_1174 = arith.index_cast %add3A_1106 : i32 to index
      %get3A_1175 = arith.index_cast %get3A_1173 : i32 to index
      %get3A_1176 = arith.constant 16 : index
      %get3A_1177 = tpu.vector_load %arg7[%get3A_1174, %get3A_1175, %get3A_1176] {strides = array<i32>} : memref<79x4x128xf32, #tpu.memory_space<vmem>>, vector<16xf32>,
      %broadcast_in_dim3A_1178 = arith.constant 1 : i32
      %broadcast_in_dim3A_1179 = vector.broadcast %broadcast_in_dim3A_1178 : i32 to vector<16xi32>
      %scatter3A_1180 = arith.constant 2 : i32
      %scatter3A_1181 = arith.constant 0 : i32
      %scatter3A_1182 = arith.constant 0 : i32
      %scatter3A_1183 = tpu.memref_slice %arg8[%scatter3A_1180, %scatter3A_1181, %scatter3A_1182] : memref<3x128x8xf32, #tpu.memory_space<vmem>> -> memref<1x128x8xf32, #tpu.memory_space<vmem>>
      %scatter3A_1184 = tpu.memref_squeeze %scatter3A_1183 : memref<1x128x8xf32, #tpu.memory_space<vmem>> -> memref<128x8xf32, #tpu.memory_space<vmem>>
      tpu.vector_store_idx %scatter3A_1184[%add3A_1160, %broadcast_in_dim3A_1179], %get3A_1177 : memref<128x8xf32, #tpu.memory_space<vmem>>[vector<16xi32>, vector<16xi32>], vector<16xf32>,
      %get3A_1185 = arith.constant 2 : i32
      %get3A_1186 = arith.index_cast %add3A_1106 : i32 to index
      %get3A_1187 = arith.index_cast %get3A_1185 : i32 to index
      %get3A_1188 = arith.constant 16 : index
      %get3A_1189 = tpu.vector_load %arg7[%get3A_1186, %get3A_1187, %get3A_1188] {strides = array<i32>} : memref<79x4x128xf32, #tpu.memory_space<vmem>>, vector<16xf32>,
      %broadcast_in_dim3A_1190 = arith.constant 2 : i32
      %broadcast_in_dim3A_1191 = vector.broadcast %broadcast_in_dim3A_1190 : i32 to vector<16xi32>
      %scatter3A_1192 = arith.constant 2 : i32
      %scatter3A_1193 = arith.constant 0 : i32
      %scatter3A_1194 = arith.constant 0 : i32
      %scatter3A_1195 = tpu.memref_slice %arg8[%scatter3A_1192, %scatter3A_1193, %scatter3A_1194] : memref<3x128x8xf32, #tpu.memory_space<vmem>> -> memref<1x128x8xf32, #tpu.memory_space<vmem>>
      %scatter3A_1196 = tpu.memref_squeeze %scatter3A_1195 : memref<1x128x8xf32, #tpu.memory_space<vmem>> -> memref<128x8xf32, #tpu.memory_space<vmem>>
      tpu.vector_store_idx %scatter3A_1196[%add3A_1160, %broadcast_in_dim3A_1191], %get3A_1189 : memref<128x8xf32, #tpu.memory_space<vmem>>[vector<16xi32>, vector<16xi32>], vector<16xf32>,
      %get3A_1197 = arith.constant 3 : i32
      %get3A_1198 = arith.index_cast %add3A_1106 : i32 to index
      %get3A_1199 = arith.index_cast %get3A_1197 : i32 to index
      %get3A_1200 = arith.constant 16 : index
      %get3A_1201 = tpu.vector_load %arg7[%get3A_1198, %get3A_1199, %get3A_1200] {strides = array<i32>} : memref<79x4x128xf32, #tpu.memory_space<vmem>>, vector<16xf32>,
      %broadcast_in_dim3A_1202 = arith.constant 3 : i32
      %broadcast_in_dim3A_1203 = vector.broadcast %broadcast_in_dim3A_1202 : i32 to vector<16xi32>
      %scatter3A_1204 = arith.constant 2 : i32
      %scatter3A_1205 = arith.constant 0 : i32
      %scatter3A_1206 = arith.constant 0 : i32
      %scatter3A_1207 = tpu.memref_slice %arg8[%scatter3A_1204, %scatter3A_1205, %scatter3A_1206] : memref<3x128x8xf32, #tpu.memory_space<vmem>> -> memref<1x128x8xf32, #tpu.memory_space<vmem>>
      %scatter3A_1208 = tpu.memref_squeeze %scatter3A_1207 : memref<1x128x8xf32, #tpu.memory_space<vmem>> -> memref<128x8xf32, #tpu.memory_space<vmem>>
      tpu.vector_store_idx %scatter3A_1208[%add3A_1160, %broadcast_in_dim3A_1203], %get3A_1201 : memref<128x8xf32, #tpu.memory_space<vmem>>[vector<16xi32>, vector<16xi32>], vector<16xf32>,
      %add3A_1209 = arith.constant 32 : i32
      %add3A_1210 = vector.broadcast %add3A_1209 : i32 to vector<16xi32>
      %add3A_1211 = arith.addi %iota3A, %add3A_1210 : vector<16xi32>
      %get3A_1212 = arith.constant 0 : i32
      %get3A_1213 = arith.index_cast %add3A_1106 : i32 to index
      %get3A_1214 = arith.index_cast %get3A_1212 : i32 to index
      %get3A_1215 = arith.constant 32 : index
      %get3A_1216 = tpu.vector_load %arg7[%get3A_1213, %get3A_1214, %get3A_1215] {strides = array<i32>} : memref<79x4x128xf32, #tpu.memory_space<vmem>>, vector<16xf32>,
      %broadcast_in_dim3A_1217 = arith.constant 0 : i32
      %broadcast_in_dim3A_1218 = vector.broadcast %broadcast_in_dim3A_1217 : i32 to vector<16xi32>
      %scatter3A_1219 = arith.constant 2 : i32
      %scatter3A_1220 = arith.constant 0 : i32
      %scatter3A_1221 = arith.constant 0 : i32
      %scatter3A_1222 = tpu.memref_slice %arg8[%scatter3A_1219, %scatter3A_1220, %scatter3A_1221] : memref<3x128x8xf32, #tpu.memory_space<vmem>> -> memref<1x128x8xf32, #tpu.memory_space<vmem>>
      %scatter3A_1223 = tpu.memref_squeeze %scatter3A_1222 : memref<1x128x8xf32, #tpu.memory_space<vmem>> -> memref<128x8xf32, #tpu.memory_space<vmem>>
      tpu.vector_store_idx %scatter3A_1223[%add3A_1211, %broadcast_in_dim3A_1218], %get3A_1216 : memref<128x8xf32, #tpu.memory_space<vmem>>[vector<16xi32>, vector<16xi32>], vector<16xf32>,
      %get3A_1224 = arith.constant 1 : i32
      %get3A_1225 = arith.index_cast %add3A_1106 : i32 to index
      %get3A_1226 = arith.index_cast %get3A_1224 : i32 to index
      %get3A_1227 = arith.constant 32 : index
      %get3A_1228 = tpu.vector_load %arg7[%get3A_1225, %get3A_1226, %get3A_1227] {strides = array<i32>} : memref<79x4x128xf32, #tpu.memory_space<vmem>>, vector<16xf32>,
      %broadcast_in_dim3A_1229 = arith.constant 1 : i32
      %broadcast_in_dim3A_1230 = vector.broadcast %broadcast_in_dim3A_1229 : i32 to vector<16xi32>
      %scatter3A_1231 = arith.constant 2 : i32
      %scatter3A_1232 = arith.constant 0 : i32
      %scatter3A_1233 = arith.constant 0 : i32
      %scatter3A_1234 = tpu.memref_slice %arg8[%scatter3A_1231, %scatter3A_1232, %scatter3A_1233] : memref<3x128x8xf32, #tpu.memory_space<vmem>> -> memref<1x128x8xf32, #tpu.memory_space<vmem>>
      %scatter3A_1235 = tpu.memref_squeeze %scatter3A_1234 : memref<1x128x8xf32, #tpu.memory_space<vmem>> -> memref<128x8xf32, #tpu.memory_space<vmem>>
      tpu.vector_store_idx %scatter3A_1235[%add3A_1211, %broadcast_in_dim3A_1230], %get3A_1228 : memref<128x8xf32, #tpu.memory_space<vmem>>[vector<16xi32>, vector<16xi32>], vector<16xf32>,
      %get3A_1236 = arith.constant 2 : i32
      %get3A_1237 = arith.index_cast %add3A_1106 : i32 to index
      %get3A_1238 = arith.index_cast %get3A_1236 : i32 to index
      %get3A_1239 = arith.constant 32 : index
      %get3A_1240 = tpu.vector_load %arg7[%get3A_1237, %get3A_1238, %get3A_1239] {strides = array<i32>} : memref<79x4x128xf32, #tpu.memory_space<vmem>>, vector<16xf32>,
      %broadcast_in_dim3A_1241 = arith.constant 2 : i32
      %broadcast_in_dim3A_1242 = vector.broadcast %broadcast_in_dim3A_1241 : i32 to vector<16xi32>
      %scatter3A_1243 = arith.constant 2 : i32
      %scatter3A_1244 = arith.constant 0 : i32
      %scatter3A_1245 = arith.constant 0 : i32
      %scatter3A_1246 = tpu.memref_slice %arg8[%scatter3A_1243, %scatter3A_1244, %scatter3A_1245] : memref<3x128x8xf32, #tpu.memory_space<vmem>> -> memref<1x128x8xf32, #tpu.memory_space<vmem>>
      %scatter3A_1247 = tpu.memref_squeeze %scatter3A_1246 : memref<1x128x8xf32, #tpu.memory_space<vmem>> -> memref<128x8xf32, #tpu.memory_space<vmem>>
      tpu.vector_store_idx %scatter3A_1247[%add3A_1211, %broadcast_in_dim3A_1242], %get3A_1240 : memref<128x8xf32, #tpu.memory_space<vmem>>[vector<16xi32>, vector<16xi32>], vector<16xf32>,
      %get3A_1248 = arith.constant 3 : i32
      %get3A_1249 = arith.index_cast %add3A_1106 : i32 to index
      %get3A_1250 = arith.index_cast %get3A_1248 : i32 to index
      %get3A_1251 = arith.constant 32 : index
      %get3A_1252 = tpu.vector_load %arg7[%get3A_1249, %get3A_1250, %get3A_1251] {strides = array<i32>} : memref<79x4x128xf32, #tpu.memory_space<vmem>>, vector<16xf32>,
      %broadcast_in_dim3A_1253 = arith.constant 3 : i32
      %broadcast_in_dim3A_1254 = vector.broadcast %broadcast_in_dim3A_1253 : i32 to vector<16xi32>
      %scatter3A_1255 = arith.constant 2 : i32
      %scatter3A_1256 = arith.constant 0 : i32
      %scatter3A_1257 = arith.constant 0 : i32
      %scatter3A_1258 = tpu.memref_slice %arg8[%scatter3A_1255, %scatter3A_1256, %scatter3A_1257] : memref<3x128x8xf32, #tpu.memory_space<vmem>> -> memref<1x128x8xf32, #tpu.memory_space<vmem>>
      %scatter3A_1259 = tpu.memref_squeeze %scatter3A_1258 : memref<1x128x8xf32, #tpu.memory_space<vmem>> -> memref<128x8xf32, #tpu.memory_space<vmem>>
      tpu.vector_store_idx %scatter3A_1259[%add3A_1211, %broadcast_in_dim3A_1254], %get3A_1252 : memref<128x8xf32, #tpu.memory_space<vmem>>[vector<16xi32>, vector<16xi32>], vector<16xf32>,
      %add3A_1260 = arith.constant 48 : i32
      %add3A_1261 = vector.broadcast %add3A_1260 : i32 to vector<16xi32>
      %add3A_1262 = arith.addi %iota3A, %add3A_1261 : vector<16xi32>
      %get3A_1263 = arith.constant 0 : i32
      %get3A_1264 = arith.index_cast %add3A_1106 : i32 to index
      %get3A_1265 = arith.index_cast %get3A_1263 : i32 to index
      %get3A_1266 = arith.constant 48 : index
      %get3A_1267 = tpu.vector_load %arg7[%get3A_1264, %get3A_1265, %get3A_1266] {strides = array<i32>} : memref<79x4x128xf32, #tpu.memory_space<vmem>>, vector<16xf32>,
      %broadcast_in_dim3A_1268 = arith.constant 0 : i32
      %broadcast_in_dim3A_1269 = vector.broadcast %broadcast_in_dim3A_1268 : i32 to vector<16xi32>
      %scatter3A_1270 = arith.constant 2 : i32
      %scatter3A_1271 = arith.constant 0 : i32
      %scatter3A_1272 = arith.constant 0 : i32
      %scatter3A_1273 = tpu.memref_slice %arg8[%scatter3A_1270, %scatter3A_1271, %scatter3A_1272] : memref<3x128x8xf32, #tpu.memory_space<vmem>> -> memref<1x128x8xf32, #tpu.memory_space<vmem>>
      %scatter3A_1274 = tpu.memref_squeeze %scatter3A_1273 : memref<1x128x8xf32, #tpu.memory_space<vmem>> -> memref<128x8xf32, #tpu.memory_space<vmem>>
      tpu.vector_store_idx %scatter3A_1274[%add3A_1262, %broadcast_in_dim3A_1269], %get3A_1267 : memref<128x8xf32, #tpu.memory_space<vmem>>[vector<16xi32>, vector<16xi32>], vector<16xf32>,
      %get3A_1275 = arith.constant 1 : i32
      %get3A_1276 = arith.index_cast %add3A_1106 : i32 to index
      %get3A_1277 = arith.index_cast %get3A_1275 : i32 to index
      %get3A_1278 = arith.constant 48 : index
      %get3A_1279 = tpu.vector_load %arg7[%get3A_1276, %get3A_1277, %get3A_1278] {strides = array<i32>} : memref<79x4x128xf32, #tpu.memory_space<vmem>>, vector<16xf32>,
      %broadcast_in_dim3A_1280 = arith.constant 1 : i32
      %broadcast_in_dim3A_1281 = vector.broadcast %broadcast_in_dim3A_1280 : i32 to vector<16xi32>
      %scatter3A_1282 = arith.constant 2 : i32
      %scatter3A_1283 = arith.constant 0 : i32
      %scatter3A_1284 = arith.constant 0 : i32
      %scatter3A_1285 = tpu.memref_slice %arg8[%scatter3A_1282, %scatter3A_1283, %scatter3A_1284] : memref<3x128x8xf32, #tpu.memory_space<vmem>> -> memref<1x128x8xf32, #tpu.memory_space<vmem>>
      %scatter3A_1286 = tpu.memref_squeeze %scatter3A_1285 : memref<1x128x8xf32, #tpu.memory_space<vmem>> -> memref<128x8xf32, #tpu.memory_space<vmem>>
      tpu.vector_store_idx %scatter3A_1286[%add3A_1262, %broadcast_in_dim3A_1281], %get3A_1279 : memref<128x8xf32, #tpu.memory_space<vmem>>[vector<16xi32>, vector<16xi32>], vector<16xf32>,
      %get3A_1287 = arith.constant 2 : i32
      %get3A_1288 = arith.index_cast %add3A_1106 : i32 to index
      %get3A_1289 = arith.index_cast %get3A_1287 : i32 to index
      %get3A_1290 = arith.constant 48 : index
      %get3A_1291 = tpu.vector_load %arg7[%get3A_1288, %get3A_1289, %get3A_1290] {strides = array<i32>} : memref<79x4x128xf32, #tpu.memory_space<vmem>>, vector<16xf32>,
      %broadcast_in_dim3A_1292 = arith.constant 2 : i32
      %broadcast_in_dim3A_1293 = vector.broadcast %broadcast_in_dim3A_1292 : i32 to vector<16xi32>
      %scatter3A_1294 = arith.constant 2 : i32
      %scatter3A_1295 = arith.constant 0 : i32
      %scatter3A_1296 = arith.constant 0 : i32
      %scatter3A_1297 = tpu.memref_slice %arg8[%scatter3A_1294, %scatter3A_1295, %scatter3A_1296] : memref<3x128x8xf32, #tpu.memory_space<vmem>> -> memref<1x128x8xf32, #tpu.memory_space<vmem>>
      %scatter3A_1298 = tpu.memref_squeeze %scatter3A_1297 : memref<1x128x8xf32, #tpu.memory_space<vmem>> -> memref<128x8xf32, #tpu.memory_space<vmem>>
      tpu.vector_store_idx %scatter3A_1298[%add3A_1262, %broadcast_in_dim3A_1293], %get3A_1291 : memref<128x8xf32, #tpu.memory_space<vmem>>[vector<16xi32>, vector<16xi32>], vector<16xf32>,
      %get3A_1299 = arith.constant 3 : i32
      %get3A_1300 = arith.index_cast %add3A_1106 : i32 to index
      %get3A_1301 = arith.index_cast %get3A_1299 : i32 to index
      %get3A_1302 = arith.constant 48 : index
      %get3A_1303 = tpu.vector_load %arg7[%get3A_1300, %get3A_1301, %get3A_1302] {strides = array<i32>} : memref<79x4x128xf32, #tpu.memory_space<vmem>>, vector<16xf32>,
      %broadcast_in_dim3A_1304 = arith.constant 3 : i32
      %broadcast_in_dim3A_1305 = vector.broadcast %broadcast_in_dim3A_1304 : i32 to vector<16xi32>
      %scatter3A_1306 = arith.constant 2 : i32
      %scatter3A_1307 = arith.constant 0 : i32
      %scatter3A_1308 = arith.constant 0 : i32
      %scatter3A_1309 = tpu.memref_slice %arg8[%scatter3A_1306, %scatter3A_1307, %scatter3A_1308] : memref<3x128x8xf32, #tpu.memory_space<vmem>> -> memref<1x128x8xf32, #tpu.memory_space<vmem>>
      %scatter3A_1310 = tpu.memref_squeeze %scatter3A_1309 : memref<1x128x8xf32, #tpu.memory_space<vmem>> -> memref<128x8xf32, #tpu.memory_space<vmem>>
      tpu.vector_store_idx %scatter3A_1310[%add3A_1262, %broadcast_in_dim3A_1305], %get3A_1303 : memref<128x8xf32, #tpu.memory_space<vmem>>[vector<16xi32>, vector<16xi32>], vector<16xf32>,
      %add3A_1311 = arith.constant 64 : i32
      %add3A_1312 = vector.broadcast %add3A_1311 : i32 to vector<16xi32>
      %add3A_1313 = arith.addi %iota3A, %add3A_1312 : vector<16xi32>
      %get3A_1314 = arith.constant 0 : i32
      %get3A_1315 = arith.index_cast %add3A_1106 : i32 to index
      %get3A_1316 = arith.index_cast %get3A_1314 : i32 to index
      %get3A_1317 = arith.constant 64 : index
      %get3A_1318 = tpu.vector_load %arg7[%get3A_1315, %get3A_1316, %get3A_1317] {strides = array<i32>} : memref<79x4x128xf32, #tpu.memory_space<vmem>>, vector<16xf32>,
      %broadcast_in_dim3A_1319 = arith.constant 0 : i32
      %broadcast_in_dim3A_1320 = vector.broadcast %broadcast_in_dim3A_1319 : i32 to vector<16xi32>
      %scatter3A_1321 = arith.constant 2 : i32
      %scatter3A_1322 = arith.constant 0 : i32
      %scatter3A_1323 = arith.constant 0 : i32
      %scatter3A_1324 = tpu.memref_slice %arg8[%scatter3A_1321, %scatter3A_1322, %scatter3A_1323] : memref<3x128x8xf32, #tpu.memory_space<vmem>> -> memref<1x128x8xf32, #tpu.memory_space<vmem>>
      %scatter3A_1325 = tpu.memref_squeeze %scatter3A_1324 : memref<1x128x8xf32, #tpu.memory_space<vmem>> -> memref<128x8xf32, #tpu.memory_space<vmem>>
      tpu.vector_store_idx %scatter3A_1325[%add3A_1313, %broadcast_in_dim3A_1320], %get3A_1318 : memref<128x8xf32, #tpu.memory_space<vmem>>[vector<16xi32>, vector<16xi32>], vector<16xf32>,
      %get3A_1326 = arith.constant 1 : i32
      %get3A_1327 = arith.index_cast %add3A_1106 : i32 to index
      %get3A_1328 = arith.index_cast %get3A_1326 : i32 to index
      %get3A_1329 = arith.constant 64 : index
      %get3A_1330 = tpu.vector_load %arg7[%get3A_1327, %get3A_1328, %get3A_1329] {strides = array<i32>} : memref<79x4x128xf32, #tpu.memory_space<vmem>>, vector<16xf32>,
      %broadcast_in_dim3A_1331 = arith.constant 1 : i32
      %broadcast_in_dim3A_1332 = vector.broadcast %broadcast_in_dim3A_1331 : i32 to vector<16xi32>
      %scatter3A_1333 = arith.constant 2 : i32
      %scatter3A_1334 = arith.constant 0 : i32
      %scatter3A_1335 = arith.constant 0 : i32
      %scatter3A_1336 = tpu.memref_slice %arg8[%scatter3A_1333, %scatter3A_1334, %scatter3A_1335] : memref<3x128x8xf32, #tpu.memory_space<vmem>> -> memref<1x128x8xf32, #tpu.memory_space<vmem>>
      %scatter3A_1337 = tpu.memref_squeeze %scatter3A_1336 : memref<1x128x8xf32, #tpu.memory_space<vmem>> -> memref<128x8xf32, #tpu.memory_space<vmem>>
      tpu.vector_store_idx %scatter3A_1337[%add3A_1313, %broadcast_in_dim3A_1332], %get3A_1330 : memref<128x8xf32, #tpu.memory_space<vmem>>[vector<16xi32>, vector<16xi32>], vector<16xf32>,
      %get3A_1338 = arith.constant 2 : i32
      %get3A_1339 = arith.index_cast %add3A_1106 : i32 to index
      %get3A_1340 = arith.index_cast %get3A_1338 : i32 to index
      %get3A_1341 = arith.constant 64 : index
      %get3A_1342 = tpu.vector_load %arg7[%get3A_1339, %get3A_1340, %get3A_1341] {strides = array<i32>} : memref<79x4x128xf32, #tpu.memory_space<vmem>>, vector<16xf32>,
      %broadcast_in_dim3A_1343 = arith.constant 2 : i32
      %broadcast_in_dim3A_1344 = vector.broadcast %broadcast_in_dim3A_1343 : i32 to vector<16xi32>
      %scatter3A_1345 = arith.constant 2 : i32
      %scatter3A_1346 = arith.constant 0 : i32
      %scatter3A_1347 = arith.constant 0 : i32
      %scatter3A_1348 = tpu.memref_slice %arg8[%scatter3A_1345, %scatter3A_1346, %scatter3A_1347] : memref<3x128x8xf32, #tpu.memory_space<vmem>> -> memref<1x128x8xf32, #tpu.memory_space<vmem>>
      %scatter3A_1349 = tpu.memref_squeeze %scatter3A_1348 : memref<1x128x8xf32, #tpu.memory_space<vmem>> -> memref<128x8xf32, #tpu.memory_space<vmem>>
      tpu.vector_store_idx %scatter3A_1349[%add3A_1313, %broadcast_in_dim3A_1344], %get3A_1342 : memref<128x8xf32, #tpu.memory_space<vmem>>[vector<16xi32>, vector<16xi32>], vector<16xf32>,
      %get3A_1350 = arith.constant 3 : i32
      %get3A_1351 = arith.index_cast %add3A_1106 : i32 to index
      %get3A_1352 = arith.index_cast %get3A_1350 : i32 to index
      %get3A_1353 = arith.constant 64 : index
      %get3A_1354 = tpu.vector_load %arg7[%get3A_1351, %get3A_1352, %get3A_1353] {strides = array<i32>} : memref<79x4x128xf32, #tpu.memory_space<vmem>>, vector<16xf32>,
      %broadcast_in_dim3A_1355 = arith.constant 3 : i32
      %broadcast_in_dim3A_1356 = vector.broadcast %broadcast_in_dim3A_1355 : i32 to vector<16xi32>
      %scatter3A_1357 = arith.constant 2 : i32
      %scatter3A_1358 = arith.constant 0 : i32
      %scatter3A_1359 = arith.constant 0 : i32
      %scatter3A_1360 = tpu.memref_slice %arg8[%scatter3A_1357, %scatter3A_1358, %scatter3A_1359] : memref<3x128x8xf32, #tpu.memory_space<vmem>> -> memref<1x128x8xf32, #tpu.memory_space<vmem>>
      %scatter3A_1361 = tpu.memref_squeeze %scatter3A_1360 : memref<1x128x8xf32, #tpu.memory_space<vmem>> -> memref<128x8xf32, #tpu.memory_space<vmem>>
      tpu.vector_store_idx %scatter3A_1361[%add3A_1313, %broadcast_in_dim3A_1356], %get3A_1354 : memref<128x8xf32, #tpu.memory_space<vmem>>[vector<16xi32>, vector<16xi32>], vector<16xf32>,
      %add3A_1362 = arith.constant 80 : i32
      %add3A_1363 = vector.broadcast %add3A_1362 : i32 to vector<16xi32>
      %add3A_1364 = arith.addi %iota3A, %add3A_1363 : vector<16xi32>
      %get3A_1365 = arith.constant 0 : i32
      %get3A_1366 = arith.index_cast %add3A_1106 : i32 to index
      %get3A_1367 = arith.index_cast %get3A_1365 : i32 to index
      %get3A_1368 = arith.constant 80 : index
      %get3A_1369 = tpu.vector_load %arg7[%get3A_1366, %get3A_1367, %get3A_1368] {strides = array<i32>} : memref<79x4x128xf32, #tpu.memory_space<vmem>>, vector<16xf32>,
      %broadcast_in_dim3A_1370 = arith.constant 0 : i32
      %broadcast_in_dim3A_1371 = vector.broadcast %broadcast_in_dim3A_1370 : i32 to vector<16xi32>
      %scatter3A_1372 = arith.constant 2 : i32
      %scatter3A_1373 = arith.constant 0 : i32
      %scatter3A_1374 = arith.constant 0 : i32
      %scatter3A_1375 = tpu.memref_slice %arg8[%scatter3A_1372, %scatter3A_1373, %scatter3A_1374] : memref<3x128x8xf32, #tpu.memory_space<vmem>> -> memref<1x128x8xf32, #tpu.memory_space<vmem>>
      %scatter3A_1376 = tpu.memref_squeeze %scatter3A_1375 : memref<1x128x8xf32, #tpu.memory_space<vmem>> -> memref<128x8xf32, #tpu.memory_space<vmem>>
      tpu.vector_store_idx %scatter3A_1376[%add3A_1364, %broadcast_in_dim3A_1371], %get3A_1369 : memref<128x8xf32, #tpu.memory_space<vmem>>[vector<16xi32>, vector<16xi32>], vector<16xf32>,
      %get3A_1377 = arith.constant 1 : i32
      %get3A_1378 = arith.index_cast %add3A_1106 : i32 to index
      %get3A_1379 = arith.index_cast %get3A_1377 : i32 to index
      %get3A_1380 = arith.constant 80 : index
      %get3A_1381 = tpu.vector_load %arg7[%get3A_1378, %get3A_1379, %get3A_1380] {strides = array<i32>} : memref<79x4x128xf32, #tpu.memory_space<vmem>>, vector<16xf32>,
      %broadcast_in_dim3A_1382 = arith.constant 1 : i32
      %broadcast_in_dim3A_1383 = vector.broadcast %broadcast_in_dim3A_1382 : i32 to vector<16xi32>
      %scatter3A_1384 = arith.constant 2 : i32
      %scatter3A_1385 = arith.constant 0 : i32
      %scatter3A_1386 = arith.constant 0 : i32
      %scatter3A_1387 = tpu.memref_slice %arg8[%scatter3A_1384, %scatter3A_1385, %scatter3A_1386] : memref<3x128x8xf32, #tpu.memory_space<vmem>> -> memref<1x128x8xf32, #tpu.memory_space<vmem>>
      %scatter3A_1388 = tpu.memref_squeeze %scatter3A_1387 : memref<1x128x8xf32, #tpu.memory_space<vmem>> -> memref<128x8xf32, #tpu.memory_space<vmem>>
      tpu.vector_store_idx %scatter3A_1388[%add3A_1364, %broadcast_in_dim3A_1383], %get3A_1381 : memref<128x8xf32, #tpu.memory_space<vmem>>[vector<16xi32>, vector<16xi32>], vector<16xf32>,
      %get3A_1389 = arith.constant 2 : i32
      %get3A_1390 = arith.index_cast %add3A_1106 : i32 to index
      %get3A_1391 = arith.index_cast %get3A_1389 : i32 to index
      %get3A_1392 = arith.constant 80 : index
      %get3A_1393 = tpu.vector_load %arg7[%get3A_1390, %get3A_1391, %get3A_1392] {strides = array<i32>} : memref<79x4x128xf32, #tpu.memory_space<vmem>>, vector<16xf32>,
      %broadcast_in_dim3A_1394 = arith.constant 2 : i32
      %broadcast_in_dim3A_1395 = vector.broadcast %broadcast_in_dim3A_1394 : i32 to vector<16xi32>
      %scatter3A_1396 = arith.constant 2 : i32
      %scatter3A_1397 = arith.constant 0 : i32
      %scatter3A_1398 = arith.constant 0 : i32
      %scatter3A_1399 = tpu.memref_slice %arg8[%scatter3A_1396, %scatter3A_1397, %scatter3A_1398] : memref<3x128x8xf32, #tpu.memory_space<vmem>> -> memref<1x128x8xf32, #tpu.memory_space<vmem>>
      %scatter3A_1400 = tpu.memref_squeeze %scatter3A_1399 : memref<1x128x8xf32, #tpu.memory_space<vmem>> -> memref<128x8xf32, #tpu.memory_space<vmem>>
      tpu.vector_store_idx %scatter3A_1400[%add3A_1364, %broadcast_in_dim3A_1395], %get3A_1393 : memref<128x8xf32, #tpu.memory_space<vmem>>[vector<16xi32>, vector<16xi32>], vector<16xf32>,
      %get3A_1401 = arith.constant 3 : i32
      %get3A_1402 = arith.index_cast %add3A_1106 : i32 to index
      %get3A_1403 = arith.index_cast %get3A_1401 : i32 to index
      %get3A_1404 = arith.constant 80 : index
      %get3A_1405 = tpu.vector_load %arg7[%get3A_1402, %get3A_1403, %get3A_1404] {strides = array<i32>} : memref<79x4x128xf32, #tpu.memory_space<vmem>>, vector<16xf32>,
      %broadcast_in_dim3A_1406 = arith.constant 3 : i32
      %broadcast_in_dim3A_1407 = vector.broadcast %broadcast_in_dim3A_1406 : i32 to vector<16xi32>
      %scatter3A_1408 = arith.constant 2 : i32
      %scatter3A_1409 = arith.constant 0 : i32
      %scatter3A_1410 = arith.constant 0 : i32
      %scatter3A_1411 = tpu.memref_slice %arg8[%scatter3A_1408, %scatter3A_1409, %scatter3A_1410] : memref<3x128x8xf32, #tpu.memory_space<vmem>> -> memref<1x128x8xf32, #tpu.memory_space<vmem>>
      %scatter3A_1412 = tpu.memref_squeeze %scatter3A_1411 : memref<1x128x8xf32, #tpu.memory_space<vmem>> -> memref<128x8xf32, #tpu.memory_space<vmem>>
      tpu.vector_store_idx %scatter3A_1412[%add3A_1364, %broadcast_in_dim3A_1407], %get3A_1405 : memref<128x8xf32, #tpu.memory_space<vmem>>[vector<16xi32>, vector<16xi32>], vector<16xf32>,
      %add3A_1413 = arith.constant 96 : i32
      %add3A_1414 = vector.broadcast %add3A_1413 : i32 to vector<16xi32>
      %add3A_1415 = arith.addi %iota3A, %add3A_1414 : vector<16xi32>
      %get3A_1416 = arith.constant 0 : i32
      %get3A_1417 = arith.index_cast %add3A_1106 : i32 to index
      %get3A_1418 = arith.index_cast %get3A_1416 : i32 to index
      %get3A_1419 = arith.constant 96 : index
      %get3A_1420 = tpu.vector_load %arg7[%get3A_1417, %get3A_1418, %get3A_1419] {strides = array<i32>} : memref<79x4x128xf32, #tpu.memory_space<vmem>>, vector<16xf32>,
      %broadcast_in_dim3A_1421 = arith.constant 0 : i32
      %broadcast_in_dim3A_1422 = vector.broadcast %broadcast_in_dim3A_1421 : i32 to vector<16xi32>
      %scatter3A_1423 = arith.constant 2 : i32
      %scatter3A_1424 = arith.constant 0 : i32
      %scatter3A_1425 = arith.constant 0 : i32
      %scatter3A_1426 = tpu.memref_slice %arg8[%scatter3A_1423, %scatter3A_1424, %scatter3A_1425] : memref<3x128x8xf32, #tpu.memory_space<vmem>> -> memref<1x128x8xf32, #tpu.memory_space<vmem>>
      %scatter3A_1427 = tpu.memref_squeeze %scatter3A_1426 : memref<1x128x8xf32, #tpu.memory_space<vmem>> -> memref<128x8xf32, #tpu.memory_space<vmem>>
      tpu.vector_store_idx %scatter3A_1427[%add3A_1415, %broadcast_in_dim3A_1422], %get3A_1420 : memref<128x8xf32, #tpu.memory_space<vmem>>[vector<16xi32>, vector<16xi32>], vector<16xf32>,
      %get3A_1428 = arith.constant 1 : i32
      %get3A_1429 = arith.index_cast %add3A_1106 : i32 to index
      %get3A_1430 = arith.index_cast %get3A_1428 : i32 to index
      %get3A_1431 = arith.constant 96 : index
      %get3A_1432 = tpu.vector_load %arg7[%get3A_1429, %get3A_1430, %get3A_1431] {strides = array<i32>} : memref<79x4x128xf32, #tpu.memory_space<vmem>>, vector<16xf32>,
      %broadcast_in_dim3A_1433 = arith.constant 1 : i32
      %broadcast_in_dim3A_1434 = vector.broadcast %broadcast_in_dim3A_1433 : i32 to vector<16xi32>
      %scatter3A_1435 = arith.constant 2 : i32
      %scatter3A_1436 = arith.constant 0 : i32
      %scatter3A_1437 = arith.constant 0 : i32
      %scatter3A_1438 = tpu.memref_slice %arg8[%scatter3A_1435, %scatter3A_1436, %scatter3A_1437] : memref<3x128x8xf32, #tpu.memory_space<vmem>> -> memref<1x128x8xf32, #tpu.memory_space<vmem>>
      %scatter3A_1439 = tpu.memref_squeeze %scatter3A_1438 : memref<1x128x8xf32, #tpu.memory_space<vmem>> -> memref<128x8xf32, #tpu.memory_space<vmem>>
      tpu.vector_store_idx %scatter3A_1439[%add3A_1415, %broadcast_in_dim3A_1434], %get3A_1432 : memref<128x8xf32, #tpu.memory_space<vmem>>[vector<16xi32>, vector<16xi32>], vector<16xf32>,
      %get3A_1440 = arith.constant 2 : i32
      %get3A_1441 = arith.index_cast %add3A_1106 : i32 to index
      %get3A_1442 = arith.index_cast %get3A_1440 : i32 to index
      %get3A_1443 = arith.constant 96 : index
      %get3A_1444 = tpu.vector_load %arg7[%get3A_1441, %get3A_1442, %get3A_1443] {strides = array<i32>} : memref<79x4x128xf32, #tpu.memory_space<vmem>>, vector<16xf32>,
      %broadcast_in_dim3A_1445 = arith.constant 2 : i32
      %broadcast_in_dim3A_1446 = vector.broadcast %broadcast_in_dim3A_1445 : i32 to vector<16xi32>
      %scatter3A_1447 = arith.constant 2 : i32
      %scatter3A_1448 = arith.constant 0 : i32
      %scatter3A_1449 = arith.constant 0 : i32
      %scatter3A_1450 = tpu.memref_slice %arg8[%scatter3A_1447, %scatter3A_1448, %scatter3A_1449] : memref<3x128x8xf32, #tpu.memory_space<vmem>> -> memref<1x128x8xf32, #tpu.memory_space<vmem>>
      %scatter3A_1451 = tpu.memref_squeeze %scatter3A_1450 : memref<1x128x8xf32, #tpu.memory_space<vmem>> -> memref<128x8xf32, #tpu.memory_space<vmem>>
      tpu.vector_store_idx %scatter3A_1451[%add3A_1415, %broadcast_in_dim3A_1446], %get3A_1444 : memref<128x8xf32, #tpu.memory_space<vmem>>[vector<16xi32>, vector<16xi32>], vector<16xf32>,
      %get3A_1452 = arith.constant 3 : i32
      %get3A_1453 = arith.index_cast %add3A_1106 : i32 to index
      %get3A_1454 = arith.index_cast %get3A_1452 : i32 to index
      %get3A_1455 = arith.constant 96 : index
      %get3A_1456 = tpu.vector_load %arg7[%get3A_1453, %get3A_1454, %get3A_1455] {strides = array<i32>} : memref<79x4x128xf32, #tpu.memory_space<vmem>>, vector<16xf32>,
      %broadcast_in_dim3A_1457 = arith.constant 3 : i32
      %broadcast_in_dim3A_1458 = vector.broadcast %broadcast_in_dim3A_1457 : i32 to vector<16xi32>
      %scatter3A_1459 = arith.constant 2 : i32
      %scatter3A_1460 = arith.constant 0 : i32
      %scatter3A_1461 = arith.constant 0 : i32
      %scatter3A_1462 = tpu.memref_slice %arg8[%scatter3A_1459, %scatter3A_1460, %scatter3A_1461] : memref<3x128x8xf32, #tpu.memory_space<vmem>> -> memref<1x128x8xf32, #tpu.memory_space<vmem>>
      %scatter3A_1463 = tpu.memref_squeeze %scatter3A_1462 : memref<1x128x8xf32, #tpu.memory_space<vmem>> -> memref<128x8xf32, #tpu.memory_space<vmem>>
      tpu.vector_store_idx %scatter3A_1463[%add3A_1415, %broadcast_in_dim3A_1458], %get3A_1456 : memref<128x8xf32, #tpu.memory_space<vmem>>[vector<16xi32>, vector<16xi32>], vector<16xf32>,
      %add3A_1464 = arith.constant 112 : i32
      %add3A_1465 = vector.broadcast %add3A_1464 : i32 to vector<16xi32>
      %add3A_1466 = arith.addi %iota3A, %add3A_1465 : vector<16xi32>
      %get3A_1467 = arith.constant 0 : i32
      %get3A_1468 = arith.index_cast %add3A_1106 : i32 to index
      %get3A_1469 = arith.index_cast %get3A_1467 : i32 to index
      %get3A_1470 = arith.constant 112 : index
      %get3A_1471 = tpu.vector_load %arg7[%get3A_1468, %get3A_1469, %get3A_1470] {strides = array<i32>} : memref<79x4x128xf32, #tpu.memory_space<vmem>>, vector<16xf32>,
      %broadcast_in_dim3A_1472 = arith.constant 0 : i32
      %broadcast_in_dim3A_1473 = vector.broadcast %broadcast_in_dim3A_1472 : i32 to vector<16xi32>
      %scatter3A_1474 = arith.constant 2 : i32
      %scatter3A_1475 = arith.constant 0 : i32
      %scatter3A_1476 = arith.constant 0 : i32
      %scatter3A_1477 = tpu.memref_slice %arg8[%scatter3A_1474, %scatter3A_1475, %scatter3A_1476] : memref<3x128x8xf32, #tpu.memory_space<vmem>> -> memref<1x128x8xf32, #tpu.memory_space<vmem>>
      %scatter3A_1478 = tpu.memref_squeeze %scatter3A_1477 : memref<1x128x8xf32, #tpu.memory_space<vmem>> -> memref<128x8xf32, #tpu.memory_space<vmem>>
      tpu.vector_store_idx %scatter3A_1478[%add3A_1466, %broadcast_in_dim3A_1473], %get3A_1471 : memref<128x8xf32, #tpu.memory_space<vmem>>[vector<16xi32>, vector<16xi32>], vector<16xf32>,
      %get3A_1479 = arith.constant 1 : i32
      %get3A_1480 = arith.index_cast %add3A_1106 : i32 to index
      %get3A_1481 = arith.index_cast %get3A_1479 : i32 to index
      %get3A_1482 = arith.constant 112 : index
      %get3A_1483 = tpu.vector_load %arg7[%get3A_1480, %get3A_1481, %get3A_1482] {strides = array<i32>} : memref<79x4x128xf32, #tpu.memory_space<vmem>>, vector<16xf32>,
      %broadcast_in_dim3A_1484 = arith.constant 1 : i32
      %broadcast_in_dim3A_1485 = vector.broadcast %broadcast_in_dim3A_1484 : i32 to vector<16xi32>
      %scatter3A_1486 = arith.constant 2 : i32
      %scatter3A_1487 = arith.constant 0 : i32
      %scatter3A_1488 = arith.constant 0 : i32
      %scatter3A_1489 = tpu.memref_slice %arg8[%scatter3A_1486, %scatter3A_1487, %scatter3A_1488] : memref<3x128x8xf32, #tpu.memory_space<vmem>> -> memref<1x128x8xf32, #tpu.memory_space<vmem>>
      %scatter3A_1490 = tpu.memref_squeeze %scatter3A_1489 : memref<1x128x8xf32, #tpu.memory_space<vmem>> -> memref<128x8xf32, #tpu.memory_space<vmem>>
      tpu.vector_store_idx %scatter3A_1490[%add3A_1466, %broadcast_in_dim3A_1485], %get3A_1483 : memref<128x8xf32, #tpu.memory_space<vmem>>[vector<16xi32>, vector<16xi32>], vector<16xf32>,
      %get3A_1491 = arith.constant 2 : i32
      %get3A_1492 = arith.index_cast %add3A_1106 : i32 to index
      %get3A_1493 = arith.index_cast %get3A_1491 : i32 to index
      %get3A_1494 = arith.constant 112 : index
      %get3A_1495 = tpu.vector_load %arg7[%get3A_1492, %get3A_1493, %get3A_1494] {strides = array<i32>} : memref<79x4x128xf32, #tpu.memory_space<vmem>>, vector<16xf32>,
      %broadcast_in_dim3A_1496 = arith.constant 2 : i32
      %broadcast_in_dim3A_1497 = vector.broadcast %broadcast_in_dim3A_1496 : i32 to vector<16xi32>
      %scatter3A_1498 = arith.constant 2 : i32
      %scatter3A_1499 = arith.constant 0 : i32
      %scatter3A_1500 = arith.constant 0 : i32
      %scatter3A_1501 = tpu.memref_slice %arg8[%scatter3A_1498, %scatter3A_1499, %scatter3A_1500] : memref<3x128x8xf32, #tpu.memory_space<vmem>> -> memref<1x128x8xf32, #tpu.memory_space<vmem>>
      %scatter3A_1502 = tpu.memref_squeeze %scatter3A_1501 : memref<1x128x8xf32, #tpu.memory_space<vmem>> -> memref<128x8xf32, #tpu.memory_space<vmem>>
      tpu.vector_store_idx %scatter3A_1502[%add3A_1466, %broadcast_in_dim3A_1497], %get3A_1495 : memref<128x8xf32, #tpu.memory_space<vmem>>[vector<16xi32>, vector<16xi32>], vector<16xf32>,
      %get3A_1503 = arith.constant 3 : i32
      %get3A_1504 = arith.index_cast %add3A_1106 : i32 to index
      %get3A_1505 = arith.index_cast %get3A_1503 : i32 to index
      %get3A_1506 = arith.constant 112 : index
      %get3A_1507 = tpu.vector_load %arg7[%get3A_1504, %get3A_1505, %get3A_1506] {strides = array<i32>} : memref<79x4x128xf32, #tpu.memory_space<vmem>>, vector<16xf32>,
      %broadcast_in_dim3A_1508 = arith.constant 3 : i32
      %broadcast_in_dim3A_1509 = vector.broadcast %broadcast_in_dim3A_1508 : i32 to vector<16xi32>
      %scatter3A_1510 = arith.constant 2 : i32
      %scatter3A_1511 = arith.constant 0 : i32
      %scatter3A_1512 = arith.constant 0 : i32
      %scatter3A_1513 = tpu.memref_slice %arg8[%scatter3A_1510, %scatter3A_1511, %scatter3A_1512] : memref<3x128x8xf32, #tpu.memory_space<vmem>> -> memref<1x128x8xf32, #tpu.memory_space<vmem>>
      %scatter3A_1514 = tpu.memref_squeeze %scatter3A_1513 : memref<1x128x8xf32, #tpu.memory_space<vmem>> -> memref<128x8xf32, #tpu.memory_space<vmem>>
      tpu.vector_store_idx %scatter3A_1514[%add3A_1466, %broadcast_in_dim3A_1509], %get3A_1507 : memref<128x8xf32, #tpu.memory_space<vmem>>[vector<16xi32>, vector<16xi32>], vector<16xf32>,
      %add3A_1515 = arith.constant 2 : i32
      %add3A_1516 = arith.addi %mul3A_257, %add3A_1515 : i32
      %dma_start3A_1517 = arith.constant 2 : i32
      %dma_start3A_1518 = arith.constant 0 : i32
      %dma_start3A_1519 = arith.constant 0 : i32
      %dma_start3A_1520 = arith.constant 0 : i32
      %dma_start3A_1521 = tpu.memref_slice %arg8[%dma_start3A_1517, %dma_start3A_1519, %dma_start3A_1520] : memref<3x128x8xf32, #tpu.memory_space<vmem>> -> memref<1x128x8xf32, #tpu.memory_space<vmem>>
      %dma_start3A_1522 = tpu.memref_squeeze %dma_start3A_1521 : memref<1x128x8xf32, #tpu.memory_space<vmem>> -> memref<128x8xf32, #tpu.memory_space<vmem>>
      %dma_start3A_1523 = arith.constant 0 : i32
      %dma_start3A_1524 = tpu.memref_slice %arg6[%add3A_1516, %dma_start3A_1518, %dma_start3A_1523] : memref<79x1x128xi32, #tpu.memory_space<vmem>> -> memref<1x1x128xi32, #tpu.memory_space<vmem>>
      %dma_start3A_1525 = tpu.memref_squeeze %dma_start3A_1524 : memref<1x1x128xi32, #tpu.memory_space<vmem>> -> memref<128xi32, #tpu.memory_space<vmem>>
      %dma_start3A_1526 = arith.constant 0 : i32
      %dma_start3A_1527 = arith.constant 0 : i32
      %dma_start3A_1528 = tpu.memref_slice %arg11[%dma_start3A_1526, %dma_start3A_1527] : memref<10000x8xf32, #tpu.memory_space<vmem_shared>> -> memref<10000x8xf32, #tpu.memory_space<vmem_shared>>
      tpu.enqueue_indirect_dma source(%dma_start3A_1522 : memref<128x8xf32, #tpu.memory_space<vmem>>) target(%dma_start3A_1528 : memref<10000x8xf32, #tpu.memory_space<vmem_shared>>) offsets(%dma_start3A_1525 : memref<128xi32, #tpu.memory_space<vmem>>) semaphore(%arg12 : memref<!tpu.dma_semaphore, #tpu.memory_space<semaphore_mem>>) {add = true}
      %dma_wait3A_1529 = arith.constant 0 : i32
      %dma_wait3A_1530 = arith.constant 0 : i32
      %dma_wait3A_1531 = arith.constant 0 : i32
      %dma_wait3A_1532 = arith.constant 0 : i32
      %dma_wait3A_1533 = tpu.memref_slice %arg8[%dma_wait3A_1529, %dma_wait3A_1531, %dma_wait3A_1532] : memref<3x128x8xf32, #tpu.memory_space<vmem>> -> memref<1x128x8xf32, #tpu.memory_space<vmem>>
      %dma_wait3A_1534 = tpu.memref_squeeze %dma_wait3A_1533 : memref<1x128x8xf32, #tpu.memory_space<vmem>> -> memref<128x8xf32, #tpu.memory_space<vmem>>
      %dma_wait3A_1535 = arith.constant 0 : i32
      %dma_wait3A_1536 = tpu.memref_slice %arg6[%add3A_668, %dma_wait3A_1530, %dma_wait3A_1535] : memref<79x1x128xi32, #tpu.memory_space<vmem>> -> memref<1x1x128xi32, #tpu.memory_space<vmem>>
      %dma_wait3A_1537 = tpu.memref_squeeze %dma_wait3A_1536 : memref<1x1x128xi32, #tpu.memory_space<vmem>> -> memref<128xi32, #tpu.memory_space<vmem>>
      %dma_wait3A_1538 = arith.constant 0 : i32
      %dma_wait3A_1539 = arith.constant 0 : i32
      %dma_wait3A_1540 = tpu.memref_slice %arg11[%dma_wait3A_1538, %dma_wait3A_1539] : memref<10000x8xf32, #tpu.memory_space<vmem_shared>> -> memref<10000x8xf32, #tpu.memory_space<vmem_shared>>
      tpu.wait_indirect_dma semaphore(%arg12 : memref<!tpu.dma_semaphore, #tpu.memory_space<semaphore_mem>>) src(%dma_wait3A_1534 : memref<128x8xf32, #tpu.memory_space<vmem>>) dst(%dma_wait3A_1540 : memref<10000x8xf32, #tpu.memory_space<vmem_shared>>)
      %dma_wait3A_1541 = arith.constant 1 : i32
      %dma_wait3A_1542 = arith.constant 0 : i32
      %dma_wait3A_1543 = arith.constant 0 : i32
      %dma_wait3A_1544 = arith.constant 0 : i32
      %dma_wait3A_1545 = tpu.memref_slice %arg8[%dma_wait3A_1541, %dma_wait3A_1543, %dma_wait3A_1544] : memref<3x128x8xf32, #tpu.memory_space<vmem>> -> memref<1x128x8xf32, #tpu.memory_space<vmem>>
      %dma_wait3A_1546 = tpu.memref_squeeze %dma_wait3A_1545 : memref<1x128x8xf32, #tpu.memory_space<vmem>> -> memref<128x8xf32, #tpu.memory_space<vmem>>
      %dma_wait3A_1547 = arith.constant 0 : i32
      %dma_wait3A_1548 = tpu.memref_slice %arg6[%add3A_1092, %dma_wait3A_1542, %dma_wait3A_1547] : memref<79x1x128xi32, #tpu.memory_space<vmem>> -> memref<1x1x128xi32, #tpu.memory_space<vmem>>
      %dma_wait3A_1549 = tpu.memref_squeeze %dma_wait3A_1548 : memref<1x1x128xi32, #tpu.memory_space<vmem>> -> memref<128xi32, #tpu.memory_space<vmem>>
      %dma_wait3A_1550 = arith.constant 0 : i32
      %dma_wait3A_1551 = arith.constant 0 : i32
      %dma_wait3A_1552 = tpu.memref_slice %arg11[%dma_wait3A_1550, %dma_wait3A_1551] : memref<10000x8xf32, #tpu.memory_space<vmem_shared>> -> memref<10000x8xf32, #tpu.memory_space<vmem_shared>>
      tpu.wait_indirect_dma semaphore(%arg12 : memref<!tpu.dma_semaphore, #tpu.memory_space<semaphore_mem>>) src(%dma_wait3A_1546 : memref<128x8xf32, #tpu.memory_space<vmem>>) dst(%dma_wait3A_1552 : memref<10000x8xf32, #tpu.memory_space<vmem_shared>>)
      %dma_wait3A_1553 = arith.constant 2 : i32
      %dma_wait3A_1554 = arith.constant 0 : i32
      %dma_wait3A_1555 = arith.constant 0 : i32
      %dma_wait3A_1556 = arith.constant 0 : i32
      %dma_wait3A_1557 = tpu.memref_slice %arg8[%dma_wait3A_1553, %dma_wait3A_1555, %dma_wait3A_1556] : memref<3x128x8xf32, #tpu.memory_space<vmem>> -> memref<1x128x8xf32, #tpu.memory_space<vmem>>
      %dma_wait3A_1558 = tpu.memref_squeeze %dma_wait3A_1557 : memref<1x128x8xf32, #tpu.memory_space<vmem>> -> memref<128x8xf32, #tpu.memory_space<vmem>>
      %dma_wait3A_1559 = arith.constant 0 : i32
      %dma_wait3A_1560 = tpu.memref_slice %arg6[%add3A_1516, %dma_wait3A_1554, %dma_wait3A_1559] : memref<79x1x128xi32, #tpu.memory_space<vmem>> -> memref<1x1x128xi32, #tpu.memory_space<vmem>>
      %dma_wait3A_1561 = tpu.memref_squeeze %dma_wait3A_1560 : memref<1x1x128xi32, #tpu.memory_space<vmem>> -> memref<128xi32, #tpu.memory_space<vmem>>
      %dma_wait3A_1562 = arith.constant 0 : i32
      %dma_wait3A_1563 = arith.constant 0 : i32
      %dma_wait3A_1564 = tpu.memref_slice %arg11[%dma_wait3A_1562, %dma_wait3A_1563] : memref<10000x8xf32, #tpu.memory_space<vmem_shared>> -> memref<10000x8xf32, #tpu.memory_space<vmem_shared>>
      tpu.wait_indirect_dma semaphore(%arg12 : memref<!tpu.dma_semaphore, #tpu.memory_space<semaphore_mem>>) src(%dma_wait3A_1558 : memref<128x8xf32, #tpu.memory_space<vmem>>) dst(%dma_wait3A_1564 : memref<10000x8xf32, #tpu.memory_space<vmem_shared>>)
    }
    %scan3A_243 = arith.constant 13 : i32
    %lt3A_244 = arith.constant 4 : i32
    %lt3A_245 = arith.cmpi slt, %add3A, %lt3A_244 : i32
    %convert_element_type3A_246 = arith.extui %lt3A_245 : i1 to i32
    %cond3A_247 = arith.constant 0 : i32
    %cond3A_248 = arith.cmpi ne, %convert_element_type3A_246, %cond3A_247 : i32
    scf.if %cond3A_248 {
      %add3A_255 = arith.constant 2496 : i32
      %add3A_256 = arith.addi %add3A_255, %add3A : i32
      "tpu.region"() ({
        %run_scoped3A_701 = tpu.sem_alloc : memref<!tpu.dma_semaphore, #tpu.memory_space<semaphore_mem>>
        %dma_start3A_702 = arith.constant 0 : i32
        %dma_start3A_703 = arith.constant 0 : i32
        %dma_start3A_704 = arith.constant 0 : i32
        %dma_start3A_705 = tpu.memref_slice %arg6[%dma_start3A_702, %dma_start3A_703, %dma_start3A_704] : memref<79x1x128xi32, #tpu.memory_space<vmem>> -> memref<1x1x128xi32, #tpu.memory_space<vmem>>
        %dma_start3A_706 = arith.constant 0 : i32
        %dma_start3A_707 = arith.constant 0 : i32
        %dma_start3A_708 = tpu.memref_slice %arg2[%add3A_256, %dma_start3A_706, %dma_start3A_707] : memref<2500x2x128xi32, #tpu.memory_space<hbm>> -> memref<1x1x128xi32, #tpu.memory_space<hbm>>
        %dma_start3A_709 = arith.constant 0 : i32
        %dma_start3A_710 = arith.constant 0 : i32
        %dma_start3A_711 = arith.constant 0 : i32
        %dma_start3A_712 = tpu.memref_slice %arg6[%dma_start3A_709, %dma_start3A_710, %dma_start3A_711] : memref<79x1x128xi32, #tpu.memory_space<vmem>> -> memref<1x1x128xi32, #tpu.memory_space<vmem>>
        %dma_start3A_713 = arith.constant 0 : i32
        %dma_start3A_714 = arith.constant 0 : i32
        %dma_start3A_715 = tpu.memref_slice %arg2[%add3A_256, %dma_start3A_713, %dma_start3A_714] : memref<2500x2x128xi32, #tpu.memory_space<hbm>> -> memref<1x1x128xi32, #tpu.memory_space<hbm>>
        tpu.enqueue_dma source(%dma_start3A_715 : memref<1x1x128xi32, #tpu.memory_space<hbm>>) target(%dma_start3A_712 : memref<1x1x128xi32, #tpu.memory_space<vmem>>) target_semaphore(%run_scoped3A_701 : memref<!tpu.dma_semaphore, #tpu.memory_space<semaphore_mem>>)
        %dma_wait3A_716 = arith.constant 0 : i32
        %dma_wait3A_717 = arith.constant 0 : i32
        %dma_wait3A_718 = arith.constant 0 : i32
        %dma_wait3A_719 = tpu.memref_slice %arg6[%dma_wait3A_716, %dma_wait3A_717, %dma_wait3A_718] : memref<79x1x128xi32, #tpu.memory_space<vmem>> -> memref<1x1x128xi32, #tpu.memory_space<vmem>>
        %dma_wait3A_720 = arith.constant 0 : i32
        %dma_wait3A_721 = arith.constant 0 : i32
        %dma_wait3A_722 = tpu.memref_slice %arg2[%add3A_256, %dma_wait3A_720, %dma_wait3A_721] : memref<2500x2x128xi32, #tpu.memory_space<hbm>> -> memref<1x1x128xi32, #tpu.memory_space<hbm>>
        %dma_wait3A_723 = arith.constant 0 : i32
        %dma_wait3A_724 = arith.constant 0 : i32
        %dma_wait3A_725 = arith.constant 0 : i32
        %dma_wait3A_726 = tpu.memref_slice %arg6[%dma_wait3A_723, %dma_wait3A_724, %dma_wait3A_725] : memref<79x1x128xi32, #tpu.memory_space<vmem>> -> memref<1x1x128xi32, #tpu.memory_space<vmem>>
        %dma_wait3A_727 = arith.constant 0 : i32
        %dma_wait3A_728 = arith.constant 0 : i32
        %dma_wait3A_729 = tpu.memref_slice %arg2[%add3A_256, %dma_wait3A_727, %dma_wait3A_728] : memref<2500x2x128xi32, #tpu.memory_space<hbm>> -> memref<1x1x128xi32, #tpu.memory_space<hbm>>
        tpu.wait_dma2 semaphore(%run_scoped3A_701 : memref<!tpu.dma_semaphore, #tpu.memory_space<semaphore_mem>>) src(%dma_wait3A_729 : memref<1x1x128xi32, #tpu.memory_space<hbm>>) dst(%dma_wait3A_726 : memref<1x1x128xi32, #tpu.memory_space<vmem>>)
        tpu.yield
      }) : () -> ()
      %add3A_257 = arith.constant 2496 : i32
      %add3A_258 = arith.addi %add3A_257, %add3A : i32
      "tpu.region"() ({
        %run_scoped3A_701 = tpu.sem_alloc : memref<!tpu.dma_semaphore, #tpu.memory_space<semaphore_mem>>
        %dma_start3A_702 = arith.constant 0 : i32
        %dma_start3A_703 = arith.constant 0 : i32
        %dma_start3A_704 = arith.constant 0 : i32
        %dma_start3A_705 = tpu.memref_slice %arg7[%dma_start3A_702, %dma_start3A_703, %dma_start3A_704] : memref<79x4x128xf32, #tpu.memory_space<vmem>> -> memref<1x4x128xf32, #tpu.memory_space<vmem>>
        %dma_start3A_706 = arith.constant 0 : i32
        %dma_start3A_707 = arith.constant 0 : i32
        %dma_start3A_708 = tpu.memref_slice %arg3[%add3A_258, %dma_start3A_706, %dma_start3A_707] : memref<2500x4x128xf32, #tpu.memory_space<hbm>> -> memref<1x4x128xf32, #tpu.memory_space<hbm>>
        %dma_start3A_709 = arith.constant 0 : i32
        %dma_start3A_710 = arith.constant 0 : i32
        %dma_start3A_711 = arith.constant 0 : i32
        %dma_start3A_712 = tpu.memref_slice %arg7[%dma_start3A_709, %dma_start3A_710, %dma_start3A_711] : memref<79x4x128xf32, #tpu.memory_space<vmem>> -> memref<1x4x128xf32, #tpu.memory_space<vmem>>
        %dma_start3A_713 = arith.constant 0 : i32
        %dma_start3A_714 = arith.constant 0 : i32
        %dma_start3A_715 = tpu.memref_slice %arg3[%add3A_258, %dma_start3A_713, %dma_start3A_714] : memref<2500x4x128xf32, #tpu.memory_space<hbm>> -> memref<1x4x128xf32, #tpu.memory_space<hbm>>
        tpu.enqueue_dma source(%dma_start3A_715 : memref<1x4x128xf32, #tpu.memory_space<hbm>>) target(%dma_start3A_712 : memref<1x4x128xf32, #tpu.memory_space<vmem>>) target_semaphore(%run_scoped3A_701 : memref<!tpu.dma_semaphore, #tpu.memory_space<semaphore_mem>>)
        %dma_wait3A_716 = arith.constant 0 : i32
        %dma_wait3A_717 = arith.constant 0 : i32
        %dma_wait3A_718 = arith.constant 0 : i32
        %dma_wait3A_719 = tpu.memref_slice %arg7[%dma_wait3A_716, %dma_wait3A_717, %dma_wait3A_718] : memref<79x4x128xf32, #tpu.memory_space<vmem>> -> memref<1x4x128xf32, #tpu.memory_space<vmem>>
        %dma_wait3A_720 = arith.constant 0 : i32
        %dma_wait3A_721 = arith.constant 0 : i32
        %dma_wait3A_722 = tpu.memref_slice %arg3[%add3A_258, %dma_wait3A_720, %dma_wait3A_721] : memref<2500x4x128xf32, #tpu.memory_space<hbm>> -> memref<1x4x128xf32, #tpu.memory_space<hbm>>
        %dma_wait3A_723 = arith.constant 0 : i32
        %dma_wait3A_724 = arith.constant 0 : i32
        %dma_wait3A_725 = arith.constant 0 : i32
        %dma_wait3A_726 = tpu.memref_slice %arg7[%dma_wait3A_723, %dma_wait3A_724, %dma_wait3A_725] : memref<79x4x128xf32, #tpu.memory_space<vmem>> -> memref<1x4x128xf32, #tpu.memory_space<vmem>>
        %dma_wait3A_727 = arith.constant 0 : i32
        %dma_wait3A_728 = arith.constant 0 : i32
        %dma_wait3A_729 = tpu.memref_slice %arg3[%add3A_258, %dma_wait3A_727, %dma_wait3A_728] : memref<2500x4x128xf32, #tpu.memory_space<hbm>> -> memref<1x4x128xf32, #tpu.memory_space<hbm>>
        tpu.wait_dma2 semaphore(%run_scoped3A_701 : memref<!tpu.dma_semaphore, #tpu.memory_space<semaphore_mem>>) src(%dma_wait3A_729 : memref<1x4x128xf32, #tpu.memory_space<hbm>>) dst(%dma_wait3A_726 : memref<1x4x128xf32, #tpu.memory_space<vmem>>)
        tpu.yield
      }) : () -> ()
      %add3A_259 = arith.constant 0 : i32
      %add3A_260 = vector.broadcast %add3A_259 : i32 to vector<16xi32>
      %add3A_261 = arith.addi %iota3A, %add3A_260 : vector<16xi32>
      %get3A = arith.constant 0 : i32
      %get3A_262 = arith.constant 0 : i32
      %get3A_263 = arith.index_cast %get3A : i32 to index
      %get3A_264 = arith.index_cast %get3A_262 : i32 to index
      %get3A_265 = arith.constant 0 : index
      %get3A_266 = tpu.vector_load %arg7[%get3A_263, %get3A_264, %get3A_265] {strides = array<i32>} : memref<79x4x128xf32, #tpu.memory_space<vmem>>, vector<16xf32>,
      %broadcast_in_dim3A_267 = arith.constant 0 : i32
      %broadcast_in_dim3A_268 = vector.broadcast %broadcast_in_dim3A_267 : i32 to vector<16xi32>
      %scatter3A_269 = arith.constant 0 : i32
      %scatter3A_270 = arith.constant 0 : i32
      %scatter3A_271 = arith.constant 0 : i32
      %scatter3A_272 = tpu.memref_slice %arg8[%scatter3A_269, %scatter3A_270, %scatter3A_271] : memref<3x128x8xf32, #tpu.memory_space<vmem>> -> memref<1x128x8xf32, #tpu.memory_space<vmem>>
      %scatter3A_273 = tpu.memref_squeeze %scatter3A_272 : memref<1x128x8xf32, #tpu.memory_space<vmem>> -> memref<128x8xf32, #tpu.memory_space<vmem>>
      tpu.vector_store_idx %scatter3A_273[%add3A_261, %broadcast_in_dim3A_268], %get3A_266 : memref<128x8xf32, #tpu.memory_space<vmem>>[vector<16xi32>, vector<16xi32>], vector<16xf32>,
      %get3A_274 = arith.constant 0 : i32
      %get3A_275 = arith.constant 1 : i32
      %get3A_276 = arith.index_cast %get3A_274 : i32 to index
      %get3A_277 = arith.index_cast %get3A_275 : i32 to index
      %get3A_278 = arith.constant 0 : index
      %get3A_279 = tpu.vector_load %arg7[%get3A_276, %get3A_277, %get3A_278] {strides = array<i32>} : memref<79x4x128xf32, #tpu.memory_space<vmem>>, vector<16xf32>,
      %broadcast_in_dim3A_280 = arith.constant 1 : i32
      %broadcast_in_dim3A_281 = vector.broadcast %broadcast_in_dim3A_280 : i32 to vector<16xi32>
      %scatter3A_282 = arith.constant 0 : i32
      %scatter3A_283 = arith.constant 0 : i32
      %scatter3A_284 = arith.constant 0 : i32
      %scatter3A_285 = tpu.memref_slice %arg8[%scatter3A_282, %scatter3A_283, %scatter3A_284] : memref<3x128x8xf32, #tpu.memory_space<vmem>> -> memref<1x128x8xf32, #tpu.memory_space<vmem>>
      %scatter3A_286 = tpu.memref_squeeze %scatter3A_285 : memref<1x128x8xf32, #tpu.memory_space<vmem>> -> memref<128x8xf32, #tpu.memory_space<vmem>>
      tpu.vector_store_idx %scatter3A_286[%add3A_261, %broadcast_in_dim3A_281], %get3A_279 : memref<128x8xf32, #tpu.memory_space<vmem>>[vector<16xi32>, vector<16xi32>], vector<16xf32>,
      %get3A_287 = arith.constant 0 : i32
      %get3A_288 = arith.constant 2 : i32
      %get3A_289 = arith.index_cast %get3A_287 : i32 to index
      %get3A_290 = arith.index_cast %get3A_288 : i32 to index
      %get3A_291 = arith.constant 0 : index
      %get3A_292 = tpu.vector_load %arg7[%get3A_289, %get3A_290, %get3A_291] {strides = array<i32>} : memref<79x4x128xf32, #tpu.memory_space<vmem>>, vector<16xf32>,
      %broadcast_in_dim3A_293 = arith.constant 2 : i32
      %broadcast_in_dim3A_294 = vector.broadcast %broadcast_in_dim3A_293 : i32 to vector<16xi32>
      %scatter3A_295 = arith.constant 0 : i32
      %scatter3A_296 = arith.constant 0 : i32
      %scatter3A_297 = arith.constant 0 : i32
      %scatter3A_298 = tpu.memref_slice %arg8[%scatter3A_295, %scatter3A_296, %scatter3A_297] : memref<3x128x8xf32, #tpu.memory_space<vmem>> -> memref<1x128x8xf32, #tpu.memory_space<vmem>>
      %scatter3A_299 = tpu.memref_squeeze %scatter3A_298 : memref<1x128x8xf32, #tpu.memory_space<vmem>> -> memref<128x8xf32, #tpu.memory_space<vmem>>
      tpu.vector_store_idx %scatter3A_299[%add3A_261, %broadcast_in_dim3A_294], %get3A_292 : memref<128x8xf32, #tpu.memory_space<vmem>>[vector<16xi32>, vector<16xi32>], vector<16xf32>,
      %get3A_300 = arith.constant 0 : i32
      %get3A_301 = arith.constant 3 : i32
      %get3A_302 = arith.index_cast %get3A_300 : i32 to index
      %get3A_303 = arith.index_cast %get3A_301 : i32 to index
      %get3A_304 = arith.constant 0 : index
      %get3A_305 = tpu.vector_load %arg7[%get3A_302, %get3A_303, %get3A_304] {strides = array<i32>} : memref<79x4x128xf32, #tpu.memory_space<vmem>>, vector<16xf32>,
      %broadcast_in_dim3A_306 = arith.constant 3 : i32
      %broadcast_in_dim3A_307 = vector.broadcast %broadcast_in_dim3A_306 : i32 to vector<16xi32>
      %scatter3A_308 = arith.constant 0 : i32
      %scatter3A_309 = arith.constant 0 : i32
      %scatter3A_310 = arith.constant 0 : i32
      %scatter3A_311 = tpu.memref_slice %arg8[%scatter3A_308, %scatter3A_309, %scatter3A_310] : memref<3x128x8xf32, #tpu.memory_space<vmem>> -> memref<1x128x8xf32, #tpu.memory_space<vmem>>
      %scatter3A_312 = tpu.memref_squeeze %scatter3A_311 : memref<1x128x8xf32, #tpu.memory_space<vmem>> -> memref<128x8xf32, #tpu.memory_space<vmem>>
      tpu.vector_store_idx %scatter3A_312[%add3A_261, %broadcast_in_dim3A_307], %get3A_305 : memref<128x8xf32, #tpu.memory_space<vmem>>[vector<16xi32>, vector<16xi32>], vector<16xf32>,
      %add3A_313 = arith.constant 16 : i32
      %add3A_314 = vector.broadcast %add3A_313 : i32 to vector<16xi32>
      %add3A_315 = arith.addi %iota3A, %add3A_314 : vector<16xi32>
      %get3A_316 = arith.constant 0 : i32
      %get3A_317 = arith.constant 0 : i32
      %get3A_318 = arith.index_cast %get3A_316 : i32 to index
      %get3A_319 = arith.index_cast %get3A_317 : i32 to index
      %get3A_320 = arith.constant 16 : index
      %get3A_321 = tpu.vector_load %arg7[%get3A_318, %get3A_319, %get3A_320] {strides = array<i32>} : memref<79x4x128xf32, #tpu.memory_space<vmem>>, vector<16xf32>,
      %broadcast_in_dim3A_322 = arith.constant 0 : i32
      %broadcast_in_dim3A_323 = vector.broadcast %broadcast_in_dim3A_322 : i32 to vector<16xi32>
      %scatter3A_324 = arith.constant 0 : i32
      %scatter3A_325 = arith.constant 0 : i32
      %scatter3A_326 = arith.constant 0 : i32
      %scatter3A_327 = tpu.memref_slice %arg8[%scatter3A_324, %scatter3A_325, %scatter3A_326] : memref<3x128x8xf32, #tpu.memory_space<vmem>> -> memref<1x128x8xf32, #tpu.memory_space<vmem>>
      %scatter3A_328 = tpu.memref_squeeze %scatter3A_327 : memref<1x128x8xf32, #tpu.memory_space<vmem>> -> memref<128x8xf32, #tpu.memory_space<vmem>>
      tpu.vector_store_idx %scatter3A_328[%add3A_315, %broadcast_in_dim3A_323], %get3A_321 : memref<128x8xf32, #tpu.memory_space<vmem>>[vector<16xi32>, vector<16xi32>], vector<16xf32>,
      %get3A_329 = arith.constant 0 : i32
      %get3A_330 = arith.constant 1 : i32
      %get3A_331 = arith.index_cast %get3A_329 : i32 to index
      %get3A_332 = arith.index_cast %get3A_330 : i32 to index
      %get3A_333 = arith.constant 16 : index
      %get3A_334 = tpu.vector_load %arg7[%get3A_331, %get3A_332, %get3A_333] {strides = array<i32>} : memref<79x4x128xf32, #tpu.memory_space<vmem>>, vector<16xf32>,
      %broadcast_in_dim3A_335 = arith.constant 1 : i32
      %broadcast_in_dim3A_336 = vector.broadcast %broadcast_in_dim3A_335 : i32 to vector<16xi32>
      %scatter3A_337 = arith.constant 0 : i32
      %scatter3A_338 = arith.constant 0 : i32
      %scatter3A_339 = arith.constant 0 : i32
      %scatter3A_340 = tpu.memref_slice %arg8[%scatter3A_337, %scatter3A_338, %scatter3A_339] : memref<3x128x8xf32, #tpu.memory_space<vmem>> -> memref<1x128x8xf32, #tpu.memory_space<vmem>>
      %scatter3A_341 = tpu.memref_squeeze %scatter3A_340 : memref<1x128x8xf32, #tpu.memory_space<vmem>> -> memref<128x8xf32, #tpu.memory_space<vmem>>
      tpu.vector_store_idx %scatter3A_341[%add3A_315, %broadcast_in_dim3A_336], %get3A_334 : memref<128x8xf32, #tpu.memory_space<vmem>>[vector<16xi32>, vector<16xi32>], vector<16xf32>,
      %get3A_342 = arith.constant 0 : i32
      %get3A_343 = arith.constant 2 : i32
      %get3A_344 = arith.index_cast %get3A_342 : i32 to index
      %get3A_345 = arith.index_cast %get3A_343 : i32 to index
      %get3A_346 = arith.constant 16 : index
      %get3A_347 = tpu.vector_load %arg7[%get3A_344, %get3A_345, %get3A_346] {strides = array<i32>} : memref<79x4x128xf32, #tpu.memory_space<vmem>>, vector<16xf32>,
      %broadcast_in_dim3A_348 = arith.constant 2 : i32
      %broadcast_in_dim3A_349 = vector.broadcast %broadcast_in_dim3A_348 : i32 to vector<16xi32>
      %scatter3A_350 = arith.constant 0 : i32
      %scatter3A_351 = arith.constant 0 : i32
      %scatter3A_352 = arith.constant 0 : i32
      %scatter3A_353 = tpu.memref_slice %arg8[%scatter3A_350, %scatter3A_351, %scatter3A_352] : memref<3x128x8xf32, #tpu.memory_space<vmem>> -> memref<1x128x8xf32, #tpu.memory_space<vmem>>
      %scatter3A_354 = tpu.memref_squeeze %scatter3A_353 : memref<1x128x8xf32, #tpu.memory_space<vmem>> -> memref<128x8xf32, #tpu.memory_space<vmem>>
      tpu.vector_store_idx %scatter3A_354[%add3A_315, %broadcast_in_dim3A_349], %get3A_347 : memref<128x8xf32, #tpu.memory_space<vmem>>[vector<16xi32>, vector<16xi32>], vector<16xf32>,
      %get3A_355 = arith.constant 0 : i32
      %get3A_356 = arith.constant 3 : i32
      %get3A_357 = arith.index_cast %get3A_355 : i32 to index
      %get3A_358 = arith.index_cast %get3A_356 : i32 to index
      %get3A_359 = arith.constant 16 : index
      %get3A_360 = tpu.vector_load %arg7[%get3A_357, %get3A_358, %get3A_359] {strides = array<i32>} : memref<79x4x128xf32, #tpu.memory_space<vmem>>, vector<16xf32>,
      %broadcast_in_dim3A_361 = arith.constant 3 : i32
      %broadcast_in_dim3A_362 = vector.broadcast %broadcast_in_dim3A_361 : i32 to vector<16xi32>
      %scatter3A_363 = arith.constant 0 : i32
      %scatter3A_364 = arith.constant 0 : i32
      %scatter3A_365 = arith.constant 0 : i32
      %scatter3A_366 = tpu.memref_slice %arg8[%scatter3A_363, %scatter3A_364, %scatter3A_365] : memref<3x128x8xf32, #tpu.memory_space<vmem>> -> memref<1x128x8xf32, #tpu.memory_space<vmem>>
      %scatter3A_367 = tpu.memref_squeeze %scatter3A_366 : memref<1x128x8xf32, #tpu.memory_space<vmem>> -> memref<128x8xf32, #tpu.memory_space<vmem>>
      tpu.vector_store_idx %scatter3A_367[%add3A_315, %broadcast_in_dim3A_362], %get3A_360 : memref<128x8xf32, #tpu.memory_space<vmem>>[vector<16xi32>, vector<16xi32>], vector<16xf32>,
      %add3A_368 = arith.constant 32 : i32
      %add3A_369 = vector.broadcast %add3A_368 : i32 to vector<16xi32>
      %add3A_370 = arith.addi %iota3A, %add3A_369 : vector<16xi32>
      %get3A_371 = arith.constant 0 : i32
      %get3A_372 = arith.constant 0 : i32
      %get3A_373 = arith.index_cast %get3A_371 : i32 to index
      %get3A_374 = arith.index_cast %get3A_372 : i32 to index
      %get3A_375 = arith.constant 32 : index
      %get3A_376 = tpu.vector_load %arg7[%get3A_373, %get3A_374, %get3A_375] {strides = array<i32>} : memref<79x4x128xf32, #tpu.memory_space<vmem>>, vector<16xf32>,
      %broadcast_in_dim3A_377 = arith.constant 0 : i32
      %broadcast_in_dim3A_378 = vector.broadcast %broadcast_in_dim3A_377 : i32 to vector<16xi32>
      %scatter3A_379 = arith.constant 0 : i32
      %scatter3A_380 = arith.constant 0 : i32
      %scatter3A_381 = arith.constant 0 : i32
      %scatter3A_382 = tpu.memref_slice %arg8[%scatter3A_379, %scatter3A_380, %scatter3A_381] : memref<3x128x8xf32, #tpu.memory_space<vmem>> -> memref<1x128x8xf32, #tpu.memory_space<vmem>>
      %scatter3A_383 = tpu.memref_squeeze %scatter3A_382 : memref<1x128x8xf32, #tpu.memory_space<vmem>> -> memref<128x8xf32, #tpu.memory_space<vmem>>
      tpu.vector_store_idx %scatter3A_383[%add3A_370, %broadcast_in_dim3A_378], %get3A_376 : memref<128x8xf32, #tpu.memory_space<vmem>>[vector<16xi32>, vector<16xi32>], vector<16xf32>,
      %get3A_384 = arith.constant 0 : i32
      %get3A_385 = arith.constant 1 : i32
      %get3A_386 = arith.index_cast %get3A_384 : i32 to index
      %get3A_387 = arith.index_cast %get3A_385 : i32 to index
      %get3A_388 = arith.constant 32 : index
      %get3A_389 = tpu.vector_load %arg7[%get3A_386, %get3A_387, %get3A_388] {strides = array<i32>} : memref<79x4x128xf32, #tpu.memory_space<vmem>>, vector<16xf32>,
      %broadcast_in_dim3A_390 = arith.constant 1 : i32
      %broadcast_in_dim3A_391 = vector.broadcast %broadcast_in_dim3A_390 : i32 to vector<16xi32>
      %scatter3A_392 = arith.constant 0 : i32
      %scatter3A_393 = arith.constant 0 : i32
      %scatter3A_394 = arith.constant 0 : i32
      %scatter3A_395 = tpu.memref_slice %arg8[%scatter3A_392, %scatter3A_393, %scatter3A_394] : memref<3x128x8xf32, #tpu.memory_space<vmem>> -> memref<1x128x8xf32, #tpu.memory_space<vmem>>
      %scatter3A_396 = tpu.memref_squeeze %scatter3A_395 : memref<1x128x8xf32, #tpu.memory_space<vmem>> -> memref<128x8xf32, #tpu.memory_space<vmem>>
      tpu.vector_store_idx %scatter3A_396[%add3A_370, %broadcast_in_dim3A_391], %get3A_389 : memref<128x8xf32, #tpu.memory_space<vmem>>[vector<16xi32>, vector<16xi32>], vector<16xf32>,
      %get3A_397 = arith.constant 0 : i32
      %get3A_398 = arith.constant 2 : i32
      %get3A_399 = arith.index_cast %get3A_397 : i32 to index
      %get3A_400 = arith.index_cast %get3A_398 : i32 to index
      %get3A_401 = arith.constant 32 : index
      %get3A_402 = tpu.vector_load %arg7[%get3A_399, %get3A_400, %get3A_401] {strides = array<i32>} : memref<79x4x128xf32, #tpu.memory_space<vmem>>, vector<16xf32>,
      %broadcast_in_dim3A_403 = arith.constant 2 : i32
      %broadcast_in_dim3A_404 = vector.broadcast %broadcast_in_dim3A_403 : i32 to vector<16xi32>
      %scatter3A_405 = arith.constant 0 : i32
      %scatter3A_406 = arith.constant 0 : i32
      %scatter3A_407 = arith.constant 0 : i32
      %scatter3A_408 = tpu.memref_slice %arg8[%scatter3A_405, %scatter3A_406, %scatter3A_407] : memref<3x128x8xf32, #tpu.memory_space<vmem>> -> memref<1x128x8xf32, #tpu.memory_space<vmem>>
      %scatter3A_409 = tpu.memref_squeeze %scatter3A_408 : memref<1x128x8xf32, #tpu.memory_space<vmem>> -> memref<128x8xf32, #tpu.memory_space<vmem>>
      tpu.vector_store_idx %scatter3A_409[%add3A_370, %broadcast_in_dim3A_404], %get3A_402 : memref<128x8xf32, #tpu.memory_space<vmem>>[vector<16xi32>, vector<16xi32>], vector<16xf32>,
      %get3A_410 = arith.constant 0 : i32
      %get3A_411 = arith.constant 3 : i32
      %get3A_412 = arith.index_cast %get3A_410 : i32 to index
      %get3A_413 = arith.index_cast %get3A_411 : i32 to index
      %get3A_414 = arith.constant 32 : index
      %get3A_415 = tpu.vector_load %arg7[%get3A_412, %get3A_413, %get3A_414] {strides = array<i32>} : memref<79x4x128xf32, #tpu.memory_space<vmem>>, vector<16xf32>,
      %broadcast_in_dim3A_416 = arith.constant 3 : i32
      %broadcast_in_dim3A_417 = vector.broadcast %broadcast_in_dim3A_416 : i32 to vector<16xi32>
      %scatter3A_418 = arith.constant 0 : i32
      %scatter3A_419 = arith.constant 0 : i32
      %scatter3A_420 = arith.constant 0 : i32
      %scatter3A_421 = tpu.memref_slice %arg8[%scatter3A_418, %scatter3A_419, %scatter3A_420] : memref<3x128x8xf32, #tpu.memory_space<vmem>> -> memref<1x128x8xf32, #tpu.memory_space<vmem>>
      %scatter3A_422 = tpu.memref_squeeze %scatter3A_421 : memref<1x128x8xf32, #tpu.memory_space<vmem>> -> memref<128x8xf32, #tpu.memory_space<vmem>>
      tpu.vector_store_idx %scatter3A_422[%add3A_370, %broadcast_in_dim3A_417], %get3A_415 : memref<128x8xf32, #tpu.memory_space<vmem>>[vector<16xi32>, vector<16xi32>], vector<16xf32>,
      %add3A_423 = arith.constant 48 : i32
      %add3A_424 = vector.broadcast %add3A_423 : i32 to vector<16xi32>
      %add3A_425 = arith.addi %iota3A, %add3A_424 : vector<16xi32>
      %get3A_426 = arith.constant 0 : i32
      %get3A_427 = arith.constant 0 : i32
      %get3A_428 = arith.index_cast %get3A_426 : i32 to index
      %get3A_429 = arith.index_cast %get3A_427 : i32 to index
      %get3A_430 = arith.constant 48 : index
      %get3A_431 = tpu.vector_load %arg7[%get3A_428, %get3A_429, %get3A_430] {strides = array<i32>} : memref<79x4x128xf32, #tpu.memory_space<vmem>>, vector<16xf32>,
      %broadcast_in_dim3A_432 = arith.constant 0 : i32
      %broadcast_in_dim3A_433 = vector.broadcast %broadcast_in_dim3A_432 : i32 to vector<16xi32>
      %scatter3A_434 = arith.constant 0 : i32
      %scatter3A_435 = arith.constant 0 : i32
      %scatter3A_436 = arith.constant 0 : i32
      %scatter3A_437 = tpu.memref_slice %arg8[%scatter3A_434, %scatter3A_435, %scatter3A_436] : memref<3x128x8xf32, #tpu.memory_space<vmem>> -> memref<1x128x8xf32, #tpu.memory_space<vmem>>
      %scatter3A_438 = tpu.memref_squeeze %scatter3A_437 : memref<1x128x8xf32, #tpu.memory_space<vmem>> -> memref<128x8xf32, #tpu.memory_space<vmem>>
      tpu.vector_store_idx %scatter3A_438[%add3A_425, %broadcast_in_dim3A_433], %get3A_431 : memref<128x8xf32, #tpu.memory_space<vmem>>[vector<16xi32>, vector<16xi32>], vector<16xf32>,
      %get3A_439 = arith.constant 0 : i32
      %get3A_440 = arith.constant 1 : i32
      %get3A_441 = arith.index_cast %get3A_439 : i32 to index
      %get3A_442 = arith.index_cast %get3A_440 : i32 to index
      %get3A_443 = arith.constant 48 : index
      %get3A_444 = tpu.vector_load %arg7[%get3A_441, %get3A_442, %get3A_443] {strides = array<i32>} : memref<79x4x128xf32, #tpu.memory_space<vmem>>, vector<16xf32>,
      %broadcast_in_dim3A_445 = arith.constant 1 : i32
      %broadcast_in_dim3A_446 = vector.broadcast %broadcast_in_dim3A_445 : i32 to vector<16xi32>
      %scatter3A_447 = arith.constant 0 : i32
      %scatter3A_448 = arith.constant 0 : i32
      %scatter3A_449 = arith.constant 0 : i32
      %scatter3A_450 = tpu.memref_slice %arg8[%scatter3A_447, %scatter3A_448, %scatter3A_449] : memref<3x128x8xf32, #tpu.memory_space<vmem>> -> memref<1x128x8xf32, #tpu.memory_space<vmem>>
      %scatter3A_451 = tpu.memref_squeeze %scatter3A_450 : memref<1x128x8xf32, #tpu.memory_space<vmem>> -> memref<128x8xf32, #tpu.memory_space<vmem>>
      tpu.vector_store_idx %scatter3A_451[%add3A_425, %broadcast_in_dim3A_446], %get3A_444 : memref<128x8xf32, #tpu.memory_space<vmem>>[vector<16xi32>, vector<16xi32>], vector<16xf32>,
      %get3A_452 = arith.constant 0 : i32
      %get3A_453 = arith.constant 2 : i32
      %get3A_454 = arith.index_cast %get3A_452 : i32 to index
      %get3A_455 = arith.index_cast %get3A_453 : i32 to index
      %get3A_456 = arith.constant 48 : index
      %get3A_457 = tpu.vector_load %arg7[%get3A_454, %get3A_455, %get3A_456] {strides = array<i32>} : memref<79x4x128xf32, #tpu.memory_space<vmem>>, vector<16xf32>,
      %broadcast_in_dim3A_458 = arith.constant 2 : i32
      %broadcast_in_dim3A_459 = vector.broadcast %broadcast_in_dim3A_458 : i32 to vector<16xi32>
      %scatter3A_460 = arith.constant 0 : i32
      %scatter3A_461 = arith.constant 0 : i32
      %scatter3A_462 = arith.constant 0 : i32
      %scatter3A_463 = tpu.memref_slice %arg8[%scatter3A_460, %scatter3A_461, %scatter3A_462] : memref<3x128x8xf32, #tpu.memory_space<vmem>> -> memref<1x128x8xf32, #tpu.memory_space<vmem>>
      %scatter3A_464 = tpu.memref_squeeze %scatter3A_463 : memref<1x128x8xf32, #tpu.memory_space<vmem>> -> memref<128x8xf32, #tpu.memory_space<vmem>>
      tpu.vector_store_idx %scatter3A_464[%add3A_425, %broadcast_in_dim3A_459], %get3A_457 : memref<128x8xf32, #tpu.memory_space<vmem>>[vector<16xi32>, vector<16xi32>], vector<16xf32>,
      %get3A_465 = arith.constant 0 : i32
      %get3A_466 = arith.constant 3 : i32
      %get3A_467 = arith.index_cast %get3A_465 : i32 to index
      %get3A_468 = arith.index_cast %get3A_466 : i32 to index
      %get3A_469 = arith.constant 48 : index
      %get3A_470 = tpu.vector_load %arg7[%get3A_467, %get3A_468, %get3A_469] {strides = array<i32>} : memref<79x4x128xf32, #tpu.memory_space<vmem>>, vector<16xf32>,
      %broadcast_in_dim3A_471 = arith.constant 3 : i32
      %broadcast_in_dim3A_472 = vector.broadcast %broadcast_in_dim3A_471 : i32 to vector<16xi32>
      %scatter3A_473 = arith.constant 0 : i32
      %scatter3A_474 = arith.constant 0 : i32
      %scatter3A_475 = arith.constant 0 : i32
      %scatter3A_476 = tpu.memref_slice %arg8[%scatter3A_473, %scatter3A_474, %scatter3A_475] : memref<3x128x8xf32, #tpu.memory_space<vmem>> -> memref<1x128x8xf32, #tpu.memory_space<vmem>>
      %scatter3A_477 = tpu.memref_squeeze %scatter3A_476 : memref<1x128x8xf32, #tpu.memory_space<vmem>> -> memref<128x8xf32, #tpu.memory_space<vmem>>
      tpu.vector_store_idx %scatter3A_477[%add3A_425, %broadcast_in_dim3A_472], %get3A_470 : memref<128x8xf32, #tpu.memory_space<vmem>>[vector<16xi32>, vector<16xi32>], vector<16xf32>,
      %add3A_478 = arith.constant 64 : i32
      %add3A_479 = vector.broadcast %add3A_478 : i32 to vector<16xi32>
      %add3A_480 = arith.addi %iota3A, %add3A_479 : vector<16xi32>
      %get3A_481 = arith.constant 0 : i32
      %get3A_482 = arith.constant 0 : i32
      %get3A_483 = arith.index_cast %get3A_481 : i32 to index
      %get3A_484 = arith.index_cast %get3A_482 : i32 to index
      %get3A_485 = arith.constant 64 : index
      %get3A_486 = tpu.vector_load %arg7[%get3A_483, %get3A_484, %get3A_485] {strides = array<i32>} : memref<79x4x128xf32, #tpu.memory_space<vmem>>, vector<16xf32>,
      %broadcast_in_dim3A_487 = arith.constant 0 : i32
      %broadcast_in_dim3A_488 = vector.broadcast %broadcast_in_dim3A_487 : i32 to vector<16xi32>
      %scatter3A_489 = arith.constant 0 : i32
      %scatter3A_490 = arith.constant 0 : i32
      %scatter3A_491 = arith.constant 0 : i32
      %scatter3A_492 = tpu.memref_slice %arg8[%scatter3A_489, %scatter3A_490, %scatter3A_491] : memref<3x128x8xf32, #tpu.memory_space<vmem>> -> memref<1x128x8xf32, #tpu.memory_space<vmem>>
      %scatter3A_493 = tpu.memref_squeeze %scatter3A_492 : memref<1x128x8xf32, #tpu.memory_space<vmem>> -> memref<128x8xf32, #tpu.memory_space<vmem>>
      tpu.vector_store_idx %scatter3A_493[%add3A_480, %broadcast_in_dim3A_488], %get3A_486 : memref<128x8xf32, #tpu.memory_space<vmem>>[vector<16xi32>, vector<16xi32>], vector<16xf32>,
      %get3A_494 = arith.constant 0 : i32
      %get3A_495 = arith.constant 1 : i32
      %get3A_496 = arith.index_cast %get3A_494 : i32 to index
      %get3A_497 = arith.index_cast %get3A_495 : i32 to index
      %get3A_498 = arith.constant 64 : index
      %get3A_499 = tpu.vector_load %arg7[%get3A_496, %get3A_497, %get3A_498] {strides = array<i32>} : memref<79x4x128xf32, #tpu.memory_space<vmem>>, vector<16xf32>,
      %broadcast_in_dim3A_500 = arith.constant 1 : i32
      %broadcast_in_dim3A_501 = vector.broadcast %broadcast_in_dim3A_500 : i32 to vector<16xi32>
      %scatter3A_502 = arith.constant 0 : i32
      %scatter3A_503 = arith.constant 0 : i32
      %scatter3A_504 = arith.constant 0 : i32
      %scatter3A_505 = tpu.memref_slice %arg8[%scatter3A_502, %scatter3A_503, %scatter3A_504] : memref<3x128x8xf32, #tpu.memory_space<vmem>> -> memref<1x128x8xf32, #tpu.memory_space<vmem>>
      %scatter3A_506 = tpu.memref_squeeze %scatter3A_505 : memref<1x128x8xf32, #tpu.memory_space<vmem>> -> memref<128x8xf32, #tpu.memory_space<vmem>>
      tpu.vector_store_idx %scatter3A_506[%add3A_480, %broadcast_in_dim3A_501], %get3A_499 : memref<128x8xf32, #tpu.memory_space<vmem>>[vector<16xi32>, vector<16xi32>], vector<16xf32>,
      %get3A_507 = arith.constant 0 : i32
      %get3A_508 = arith.constant 2 : i32
      %get3A_509 = arith.index_cast %get3A_507 : i32 to index
      %get3A_510 = arith.index_cast %get3A_508 : i32 to index
      %get3A_511 = arith.constant 64 : index
      %get3A_512 = tpu.vector_load %arg7[%get3A_509, %get3A_510, %get3A_511] {strides = array<i32>} : memref<79x4x128xf32, #tpu.memory_space<vmem>>, vector<16xf32>,
      %broadcast_in_dim3A_513 = arith.constant 2 : i32
      %broadcast_in_dim3A_514 = vector.broadcast %broadcast_in_dim3A_513 : i32 to vector<16xi32>
      %scatter3A_515 = arith.constant 0 : i32
      %scatter3A_516 = arith.constant 0 : i32
      %scatter3A_517 = arith.constant 0 : i32
      %scatter3A_518 = tpu.memref_slice %arg8[%scatter3A_515, %scatter3A_516, %scatter3A_517] : memref<3x128x8xf32, #tpu.memory_space<vmem>> -> memref<1x128x8xf32, #tpu.memory_space<vmem>>
      %scatter3A_519 = tpu.memref_squeeze %scatter3A_518 : memref<1x128x8xf32, #tpu.memory_space<vmem>> -> memref<128x8xf32, #tpu.memory_space<vmem>>
      tpu.vector_store_idx %scatter3A_519[%add3A_480, %broadcast_in_dim3A_514], %get3A_512 : memref<128x8xf32, #tpu.memory_space<vmem>>[vector<16xi32>, vector<16xi32>], vector<16xf32>,
      %get3A_520 = arith.constant 0 : i32
      %get3A_521 = arith.constant 3 : i32
      %get3A_522 = arith.index_cast %get3A_520 : i32 to index
      %get3A_523 = arith.index_cast %get3A_521 : i32 to index
      %get3A_524 = arith.constant 64 : index
      %get3A_525 = tpu.vector_load %arg7[%get3A_522, %get3A_523, %get3A_524] {strides = array<i32>} : memref<79x4x128xf32, #tpu.memory_space<vmem>>, vector<16xf32>,
      %broadcast_in_dim3A_526 = arith.constant 3 : i32
      %broadcast_in_dim3A_527 = vector.broadcast %broadcast_in_dim3A_526 : i32 to vector<16xi32>
      %scatter3A_528 = arith.constant 0 : i32
      %scatter3A_529 = arith.constant 0 : i32
      %scatter3A_530 = arith.constant 0 : i32
      %scatter3A_531 = tpu.memref_slice %arg8[%scatter3A_528, %scatter3A_529, %scatter3A_530] : memref<3x128x8xf32, #tpu.memory_space<vmem>> -> memref<1x128x8xf32, #tpu.memory_space<vmem>>
      %scatter3A_532 = tpu.memref_squeeze %scatter3A_531 : memref<1x128x8xf32, #tpu.memory_space<vmem>> -> memref<128x8xf32, #tpu.memory_space<vmem>>
      tpu.vector_store_idx %scatter3A_532[%add3A_480, %broadcast_in_dim3A_527], %get3A_525 : memref<128x8xf32, #tpu.memory_space<vmem>>[vector<16xi32>, vector<16xi32>], vector<16xf32>,
      %add3A_533 = arith.constant 80 : i32
      %add3A_534 = vector.broadcast %add3A_533 : i32 to vector<16xi32>
      %add3A_535 = arith.addi %iota3A, %add3A_534 : vector<16xi32>
      %get3A_536 = arith.constant 0 : i32
      %get3A_537 = arith.constant 0 : i32
      %get3A_538 = arith.index_cast %get3A_536 : i32 to index
      %get3A_539 = arith.index_cast %get3A_537 : i32 to index
      %get3A_540 = arith.constant 80 : index
      %get3A_541 = tpu.vector_load %arg7[%get3A_538, %get3A_539, %get3A_540] {strides = array<i32>} : memref<79x4x128xf32, #tpu.memory_space<vmem>>, vector<16xf32>,
      %broadcast_in_dim3A_542 = arith.constant 0 : i32
      %broadcast_in_dim3A_543 = vector.broadcast %broadcast_in_dim3A_542 : i32 to vector<16xi32>
      %scatter3A_544 = arith.constant 0 : i32
      %scatter3A_545 = arith.constant 0 : i32
      %scatter3A_546 = arith.constant 0 : i32
      %scatter3A_547 = tpu.memref_slice %arg8[%scatter3A_544, %scatter3A_545, %scatter3A_546] : memref<3x128x8xf32, #tpu.memory_space<vmem>> -> memref<1x128x8xf32, #tpu.memory_space<vmem>>
      %scatter3A_548 = tpu.memref_squeeze %scatter3A_547 : memref<1x128x8xf32, #tpu.memory_space<vmem>> -> memref<128x8xf32, #tpu.memory_space<vmem>>
      tpu.vector_store_idx %scatter3A_548[%add3A_535, %broadcast_in_dim3A_543], %get3A_541 : memref<128x8xf32, #tpu.memory_space<vmem>>[vector<16xi32>, vector<16xi32>], vector<16xf32>,
      %get3A_549 = arith.constant 0 : i32
      %get3A_550 = arith.constant 1 : i32
      %get3A_551 = arith.index_cast %get3A_549 : i32 to index
      %get3A_552 = arith.index_cast %get3A_550 : i32 to index
      %get3A_553 = arith.constant 80 : index
      %get3A_554 = tpu.vector_load %arg7[%get3A_551, %get3A_552, %get3A_553] {strides = array<i32>} : memref<79x4x128xf32, #tpu.memory_space<vmem>>, vector<16xf32>,
      %broadcast_in_dim3A_555 = arith.constant 1 : i32
      %broadcast_in_dim3A_556 = vector.broadcast %broadcast_in_dim3A_555 : i32 to vector<16xi32>
      %scatter3A_557 = arith.constant 0 : i32
      %scatter3A_558 = arith.constant 0 : i32
      %scatter3A_559 = arith.constant 0 : i32
      %scatter3A_560 = tpu.memref_slice %arg8[%scatter3A_557, %scatter3A_558, %scatter3A_559] : memref<3x128x8xf32, #tpu.memory_space<vmem>> -> memref<1x128x8xf32, #tpu.memory_space<vmem>>
      %scatter3A_561 = tpu.memref_squeeze %scatter3A_560 : memref<1x128x8xf32, #tpu.memory_space<vmem>> -> memref<128x8xf32, #tpu.memory_space<vmem>>
      tpu.vector_store_idx %scatter3A_561[%add3A_535, %broadcast_in_dim3A_556], %get3A_554 : memref<128x8xf32, #tpu.memory_space<vmem>>[vector<16xi32>, vector<16xi32>], vector<16xf32>,
      %get3A_562 = arith.constant 0 : i32
      %get3A_563 = arith.constant 2 : i32
      %get3A_564 = arith.index_cast %get3A_562 : i32 to index
      %get3A_565 = arith.index_cast %get3A_563 : i32 to index
      %get3A_566 = arith.constant 80 : index
      %get3A_567 = tpu.vector_load %arg7[%get3A_564, %get3A_565, %get3A_566] {strides = array<i32>} : memref<79x4x128xf32, #tpu.memory_space<vmem>>, vector<16xf32>,
      %broadcast_in_dim3A_568 = arith.constant 2 : i32
      %broadcast_in_dim3A_569 = vector.broadcast %broadcast_in_dim3A_568 : i32 to vector<16xi32>
      %scatter3A_570 = arith.constant 0 : i32
      %scatter3A_571 = arith.constant 0 : i32
      %scatter3A_572 = arith.constant 0 : i32
      %scatter3A_573 = tpu.memref_slice %arg8[%scatter3A_570, %scatter3A_571, %scatter3A_572] : memref<3x128x8xf32, #tpu.memory_space<vmem>> -> memref<1x128x8xf32, #tpu.memory_space<vmem>>
      %scatter3A_574 = tpu.memref_squeeze %scatter3A_573 : memref<1x128x8xf32, #tpu.memory_space<vmem>> -> memref<128x8xf32, #tpu.memory_space<vmem>>
      tpu.vector_store_idx %scatter3A_574[%add3A_535, %broadcast_in_dim3A_569], %get3A_567 : memref<128x8xf32, #tpu.memory_space<vmem>>[vector<16xi32>, vector<16xi32>], vector<16xf32>,
      %get3A_575 = arith.constant 0 : i32
      %get3A_576 = arith.constant 3 : i32
      %get3A_577 = arith.index_cast %get3A_575 : i32 to index
      %get3A_578 = arith.index_cast %get3A_576 : i32 to index
      %get3A_579 = arith.constant 80 : index
      %get3A_580 = tpu.vector_load %arg7[%get3A_577, %get3A_578, %get3A_579] {strides = array<i32>} : memref<79x4x128xf32, #tpu.memory_space<vmem>>, vector<16xf32>,
      %broadcast_in_dim3A_581 = arith.constant 3 : i32
      %broadcast_in_dim3A_582 = vector.broadcast %broadcast_in_dim3A_581 : i32 to vector<16xi32>
      %scatter3A_583 = arith.constant 0 : i32
      %scatter3A_584 = arith.constant 0 : i32
      %scatter3A_585 = arith.constant 0 : i32
      %scatter3A_586 = tpu.memref_slice %arg8[%scatter3A_583, %scatter3A_584, %scatter3A_585] : memref<3x128x8xf32, #tpu.memory_space<vmem>> -> memref<1x128x8xf32, #tpu.memory_space<vmem>>
      %scatter3A_587 = tpu.memref_squeeze %scatter3A_586 : memref<1x128x8xf32, #tpu.memory_space<vmem>> -> memref<128x8xf32, #tpu.memory_space<vmem>>
      tpu.vector_store_idx %scatter3A_587[%add3A_535, %broadcast_in_dim3A_582], %get3A_580 : memref<128x8xf32, #tpu.memory_space<vmem>>[vector<16xi32>, vector<16xi32>], vector<16xf32>,
      %add3A_588 = arith.constant 96 : i32
      %add3A_589 = vector.broadcast %add3A_588 : i32 to vector<16xi32>
      %add3A_590 = arith.addi %iota3A, %add3A_589 : vector<16xi32>
      %get3A_591 = arith.constant 0 : i32
      %get3A_592 = arith.constant 0 : i32
      %get3A_593 = arith.index_cast %get3A_591 : i32 to index
      %get3A_594 = arith.index_cast %get3A_592 : i32 to index
      %get3A_595 = arith.constant 96 : index
      %get3A_596 = tpu.vector_load %arg7[%get3A_593, %get3A_594, %get3A_595] {strides = array<i32>} : memref<79x4x128xf32, #tpu.memory_space<vmem>>, vector<16xf32>,
      %broadcast_in_dim3A_597 = arith.constant 0 : i32
      %broadcast_in_dim3A_598 = vector.broadcast %broadcast_in_dim3A_597 : i32 to vector<16xi32>
      %scatter3A_599 = arith.constant 0 : i32
      %scatter3A_600 = arith.constant 0 : i32
      %scatter3A_601 = arith.constant 0 : i32
      %scatter3A_602 = tpu.memref_slice %arg8[%scatter3A_599, %scatter3A_600, %scatter3A_601] : memref<3x128x8xf32, #tpu.memory_space<vmem>> -> memref<1x128x8xf32, #tpu.memory_space<vmem>>
      %scatter3A_603 = tpu.memref_squeeze %scatter3A_602 : memref<1x128x8xf32, #tpu.memory_space<vmem>> -> memref<128x8xf32, #tpu.memory_space<vmem>>
      tpu.vector_store_idx %scatter3A_603[%add3A_590, %broadcast_in_dim3A_598], %get3A_596 : memref<128x8xf32, #tpu.memory_space<vmem>>[vector<16xi32>, vector<16xi32>], vector<16xf32>,
      %get3A_604 = arith.constant 0 : i32
      %get3A_605 = arith.constant 1 : i32
      %get3A_606 = arith.index_cast %get3A_604 : i32 to index
      %get3A_607 = arith.index_cast %get3A_605 : i32 to index
      %get3A_608 = arith.constant 96 : index
      %get3A_609 = tpu.vector_load %arg7[%get3A_606, %get3A_607, %get3A_608] {strides = array<i32>} : memref<79x4x128xf32, #tpu.memory_space<vmem>>, vector<16xf32>,
      %broadcast_in_dim3A_610 = arith.constant 1 : i32
      %broadcast_in_dim3A_611 = vector.broadcast %broadcast_in_dim3A_610 : i32 to vector<16xi32>
      %scatter3A_612 = arith.constant 0 : i32
      %scatter3A_613 = arith.constant 0 : i32
      %scatter3A_614 = arith.constant 0 : i32
      %scatter3A_615 = tpu.memref_slice %arg8[%scatter3A_612, %scatter3A_613, %scatter3A_614] : memref<3x128x8xf32, #tpu.memory_space<vmem>> -> memref<1x128x8xf32, #tpu.memory_space<vmem>>
      %scatter3A_616 = tpu.memref_squeeze %scatter3A_615 : memref<1x128x8xf32, #tpu.memory_space<vmem>> -> memref<128x8xf32, #tpu.memory_space<vmem>>
      tpu.vector_store_idx %scatter3A_616[%add3A_590, %broadcast_in_dim3A_611], %get3A_609 : memref<128x8xf32, #tpu.memory_space<vmem>>[vector<16xi32>, vector<16xi32>], vector<16xf32>,
      %get3A_617 = arith.constant 0 : i32
      %get3A_618 = arith.constant 2 : i32
      %get3A_619 = arith.index_cast %get3A_617 : i32 to index
      %get3A_620 = arith.index_cast %get3A_618 : i32 to index
      %get3A_621 = arith.constant 96 : index
      %get3A_622 = tpu.vector_load %arg7[%get3A_619, %get3A_620, %get3A_621] {strides = array<i32>} : memref<79x4x128xf32, #tpu.memory_space<vmem>>, vector<16xf32>,
      %broadcast_in_dim3A_623 = arith.constant 2 : i32
      %broadcast_in_dim3A_624 = vector.broadcast %broadcast_in_dim3A_623 : i32 to vector<16xi32>
      %scatter3A_625 = arith.constant 0 : i32
      %scatter3A_626 = arith.constant 0 : i32
      %scatter3A_627 = arith.constant 0 : i32
      %scatter3A_628 = tpu.memref_slice %arg8[%scatter3A_625, %scatter3A_626, %scatter3A_627] : memref<3x128x8xf32, #tpu.memory_space<vmem>> -> memref<1x128x8xf32, #tpu.memory_space<vmem>>
      %scatter3A_629 = tpu.memref_squeeze %scatter3A_628 : memref<1x128x8xf32, #tpu.memory_space<vmem>> -> memref<128x8xf32, #tpu.memory_space<vmem>>
      tpu.vector_store_idx %scatter3A_629[%add3A_590, %broadcast_in_dim3A_624], %get3A_622 : memref<128x8xf32, #tpu.memory_space<vmem>>[vector<16xi32>, vector<16xi32>], vector<16xf32>,
      %get3A_630 = arith.constant 0 : i32
      %get3A_631 = arith.constant 3 : i32
      %get3A_632 = arith.index_cast %get3A_630 : i32 to index
      %get3A_633 = arith.index_cast %get3A_631 : i32 to index
      %get3A_634 = arith.constant 96 : index
      %get3A_635 = tpu.vector_load %arg7[%get3A_632, %get3A_633, %get3A_634] {strides = array<i32>} : memref<79x4x128xf32, #tpu.memory_space<vmem>>, vector<16xf32>,
      %broadcast_in_dim3A_636 = arith.constant 3 : i32
      %broadcast_in_dim3A_637 = vector.broadcast %broadcast_in_dim3A_636 : i32 to vector<16xi32>
      %scatter3A_638 = arith.constant 0 : i32
      %scatter3A_639 = arith.constant 0 : i32
      %scatter3A_640 = arith.constant 0 : i32
      %scatter3A_641 = tpu.memref_slice %arg8[%scatter3A_638, %scatter3A_639, %scatter3A_640] : memref<3x128x8xf32, #tpu.memory_space<vmem>> -> memref<1x128x8xf32, #tpu.memory_space<vmem>>
      %scatter3A_642 = tpu.memref_squeeze %scatter3A_641 : memref<1x128x8xf32, #tpu.memory_space<vmem>> -> memref<128x8xf32, #tpu.memory_space<vmem>>
      tpu.vector_store_idx %scatter3A_642[%add3A_590, %broadcast_in_dim3A_637], %get3A_635 : memref<128x8xf32, #tpu.memory_space<vmem>>[vector<16xi32>, vector<16xi32>], vector<16xf32>,
      %add3A_643 = arith.constant 112 : i32
      %add3A_644 = vector.broadcast %add3A_643 : i32 to vector<16xi32>
      %add3A_645 = arith.addi %iota3A, %add3A_644 : vector<16xi32>
      %get3A_646 = arith.constant 0 : i32
      %get3A_647 = arith.constant 0 : i32
      %get3A_648 = arith.index_cast %get3A_646 : i32 to index
      %get3A_649 = arith.index_cast %get3A_647 : i32 to index
      %get3A_650 = arith.constant 112 : index
      %get3A_651 = tpu.vector_load %arg7[%get3A_648, %get3A_649, %get3A_650] {strides = array<i32>} : memref<79x4x128xf32, #tpu.memory_space<vmem>>, vector<16xf32>,
      %broadcast_in_dim3A_652 = arith.constant 0 : i32
      %broadcast_in_dim3A_653 = vector.broadcast %broadcast_in_dim3A_652 : i32 to vector<16xi32>
      %scatter3A_654 = arith.constant 0 : i32
      %scatter3A_655 = arith.constant 0 : i32
      %scatter3A_656 = arith.constant 0 : i32
      %scatter3A_657 = tpu.memref_slice %arg8[%scatter3A_654, %scatter3A_655, %scatter3A_656] : memref<3x128x8xf32, #tpu.memory_space<vmem>> -> memref<1x128x8xf32, #tpu.memory_space<vmem>>
      %scatter3A_658 = tpu.memref_squeeze %scatter3A_657 : memref<1x128x8xf32, #tpu.memory_space<vmem>> -> memref<128x8xf32, #tpu.memory_space<vmem>>
      tpu.vector_store_idx %scatter3A_658[%add3A_645, %broadcast_in_dim3A_653], %get3A_651 : memref<128x8xf32, #tpu.memory_space<vmem>>[vector<16xi32>, vector<16xi32>], vector<16xf32>,
      %get3A_659 = arith.constant 0 : i32
      %get3A_660 = arith.constant 1 : i32
      %get3A_661 = arith.index_cast %get3A_659 : i32 to index
      %get3A_662 = arith.index_cast %get3A_660 : i32 to index
      %get3A_663 = arith.constant 112 : index
      %get3A_664 = tpu.vector_load %arg7[%get3A_661, %get3A_662, %get3A_663] {strides = array<i32>} : memref<79x4x128xf32, #tpu.memory_space<vmem>>, vector<16xf32>,
      %broadcast_in_dim3A_665 = arith.constant 1 : i32
      %broadcast_in_dim3A_666 = vector.broadcast %broadcast_in_dim3A_665 : i32 to vector<16xi32>
      %scatter3A_667 = arith.constant 0 : i32
      %scatter3A_668 = arith.constant 0 : i32
      %scatter3A_669 = arith.constant 0 : i32
      %scatter3A_670 = tpu.memref_slice %arg8[%scatter3A_667, %scatter3A_668, %scatter3A_669] : memref<3x128x8xf32, #tpu.memory_space<vmem>> -> memref<1x128x8xf32, #tpu.memory_space<vmem>>
      %scatter3A_671 = tpu.memref_squeeze %scatter3A_670 : memref<1x128x8xf32, #tpu.memory_space<vmem>> -> memref<128x8xf32, #tpu.memory_space<vmem>>
      tpu.vector_store_idx %scatter3A_671[%add3A_645, %broadcast_in_dim3A_666], %get3A_664 : memref<128x8xf32, #tpu.memory_space<vmem>>[vector<16xi32>, vector<16xi32>], vector<16xf32>,
      %get3A_672 = arith.constant 0 : i32
      %get3A_673 = arith.constant 2 : i32
      %get3A_674 = arith.index_cast %get3A_672 : i32 to index
      %get3A_675 = arith.index_cast %get3A_673 : i32 to index
      %get3A_676 = arith.constant 112 : index
      %get3A_677 = tpu.vector_load %arg7[%get3A_674, %get3A_675, %get3A_676] {strides = array<i32>} : memref<79x4x128xf32, #tpu.memory_space<vmem>>, vector<16xf32>,
      %broadcast_in_dim3A_678 = arith.constant 2 : i32
      %broadcast_in_dim3A_679 = vector.broadcast %broadcast_in_dim3A_678 : i32 to vector<16xi32>
      %scatter3A_680 = arith.constant 0 : i32
      %scatter3A_681 = arith.constant 0 : i32
      %scatter3A_682 = arith.constant 0 : i32
      %scatter3A_683 = tpu.memref_slice %arg8[%scatter3A_680, %scatter3A_681, %scatter3A_682] : memref<3x128x8xf32, #tpu.memory_space<vmem>> -> memref<1x128x8xf32, #tpu.memory_space<vmem>>
      %scatter3A_684 = tpu.memref_squeeze %scatter3A_683 : memref<1x128x8xf32, #tpu.memory_space<vmem>> -> memref<128x8xf32, #tpu.memory_space<vmem>>
      tpu.vector_store_idx %scatter3A_684[%add3A_645, %broadcast_in_dim3A_679], %get3A_677 : memref<128x8xf32, #tpu.memory_space<vmem>>[vector<16xi32>, vector<16xi32>], vector<16xf32>,
      %get3A_685 = arith.constant 0 : i32
      %get3A_686 = arith.constant 3 : i32
      %get3A_687 = arith.index_cast %get3A_685 : i32 to index
      %get3A_688 = arith.index_cast %get3A_686 : i32 to index
      %get3A_689 = arith.constant 112 : index
      %get3A_690 = tpu.vector_load %arg7[%get3A_687, %get3A_688, %get3A_689] {strides = array<i32>} : memref<79x4x128xf32, #tpu.memory_space<vmem>>, vector<16xf32>,
      %broadcast_in_dim3A_691 = arith.constant 3 : i32
      %broadcast_in_dim3A_692 = vector.broadcast %broadcast_in_dim3A_691 : i32 to vector<16xi32>
      %scatter3A_693 = arith.constant 0 : i32
      %scatter3A_694 = arith.constant 0 : i32
      %scatter3A_695 = arith.constant 0 : i32
      %scatter3A_696 = tpu.memref_slice %arg8[%scatter3A_693, %scatter3A_694, %scatter3A_695] : memref<3x128x8xf32, #tpu.memory_space<vmem>> -> memref<1x128x8xf32, #tpu.memory_space<vmem>>
      %scatter3A_697 = tpu.memref_squeeze %scatter3A_696 : memref<1x128x8xf32, #tpu.memory_space<vmem>> -> memref<128x8xf32, #tpu.memory_space<vmem>>
      tpu.vector_store_idx %scatter3A_697[%add3A_645, %broadcast_in_dim3A_692], %get3A_690 : memref<128x8xf32, #tpu.memory_space<vmem>>[vector<16xi32>, vector<16xi32>], vector<16xf32>,
      %run_scoped3A_698 = arith.constant 0 : i32
      %run_scoped3A_699 = arith.constant 0 : i32
      %run_scoped3A_700 = arith.constant 0 : i32
      "tpu.region"() ({
        %run_scoped3A_701 = tpu.sem_alloc : memref<!tpu.dma_semaphore, #tpu.memory_space<semaphore_mem>>
        %dma_start3A_702 = arith.constant 0 : i32
        %dma_start3A_703 = arith.constant 0 : i32
        %dma_start3A_704 = tpu.memref_slice %arg8[%run_scoped3A_698, %dma_start3A_702, %dma_start3A_703] : memref<3x128x8xf32, #tpu.memory_space<vmem>> -> memref<1x128x8xf32, #tpu.memory_space<vmem>>
        %dma_start3A_705 = tpu.memref_squeeze %dma_start3A_704 : memref<1x128x8xf32, #tpu.memory_space<vmem>> -> memref<128x8xf32, #tpu.memory_space<vmem>>
        %dma_start3A_706 = arith.constant 0 : i32
        %dma_start3A_707 = tpu.memref_slice %arg6[%run_scoped3A_699, %run_scoped3A_700, %dma_start3A_706] : memref<79x1x128xi32, #tpu.memory_space<vmem>> -> memref<1x1x128xi32, #tpu.memory_space<vmem>>
        %dma_start3A_708 = tpu.memref_squeeze %dma_start3A_707 : memref<1x1x128xi32, #tpu.memory_space<vmem>> -> memref<128xi32, #tpu.memory_space<vmem>>
        %dma_start3A_709 = arith.constant 0 : i32
        %dma_start3A_710 = arith.constant 0 : i32
        %dma_start3A_711 = tpu.memref_slice %arg11[%dma_start3A_709, %dma_start3A_710] : memref<10000x8xf32, #tpu.memory_space<vmem_shared>> -> memref<10000x8xf32, #tpu.memory_space<vmem_shared>>
        tpu.enqueue_indirect_dma source(%dma_start3A_705 : memref<128x8xf32, #tpu.memory_space<vmem>>) target(%dma_start3A_711 : memref<10000x8xf32, #tpu.memory_space<vmem_shared>>) offsets(%dma_start3A_708 : memref<128xi32, #tpu.memory_space<vmem>>) semaphore(%run_scoped3A_701 : memref<!tpu.dma_semaphore, #tpu.memory_space<semaphore_mem>>) {add = true}
        %dma_wait3A_712 = arith.constant 0 : i32
        %dma_wait3A_713 = arith.constant 0 : i32
        %dma_wait3A_714 = tpu.memref_slice %arg8[%run_scoped3A_698, %dma_wait3A_712, %dma_wait3A_713] : memref<3x128x8xf32, #tpu.memory_space<vmem>> -> memref<1x128x8xf32, #tpu.memory_space<vmem>>
        %dma_wait3A_715 = tpu.memref_squeeze %dma_wait3A_714 : memref<1x128x8xf32, #tpu.memory_space<vmem>> -> memref<128x8xf32, #tpu.memory_space<vmem>>
        %dma_wait3A_716 = arith.constant 0 : i32
        %dma_wait3A_717 = tpu.memref_slice %arg6[%run_scoped3A_699, %run_scoped3A_700, %dma_wait3A_716] : memref<79x1x128xi32, #tpu.memory_space<vmem>> -> memref<1x1x128xi32, #tpu.memory_space<vmem>>
        %dma_wait3A_718 = tpu.memref_squeeze %dma_wait3A_717 : memref<1x1x128xi32, #tpu.memory_space<vmem>> -> memref<128xi32, #tpu.memory_space<vmem>>
        %dma_wait3A_719 = arith.constant 0 : i32
        %dma_wait3A_720 = arith.constant 0 : i32
        %dma_wait3A_721 = tpu.memref_slice %arg11[%dma_wait3A_719, %dma_wait3A_720] : memref<10000x8xf32, #tpu.memory_space<vmem_shared>> -> memref<10000x8xf32, #tpu.memory_space<vmem_shared>>
        tpu.wait_indirect_dma semaphore(%run_scoped3A_701 : memref<!tpu.dma_semaphore, #tpu.memory_space<semaphore_mem>>) src(%dma_wait3A_715 : memref<128x8xf32, #tpu.memory_space<vmem>>) dst(%dma_wait3A_721 : memref<10000x8xf32, #tpu.memory_space<vmem_shared>>)
        tpu.yield
      }) : () -> ()
    } else {
    }
    %barrier3A_249 = arith.constant 0 : index
    tpu.barrier barrier_id(%barrier3A_249)
    %lt3A_250 = arith.constant 5 : i32
    %lt3A_251 = arith.cmpi slt, %arg1, %lt3A_250 : i32
    %convert_element_type3A_252 = arith.extui %lt3A_251 : i1 to i32
    %cond3A_253 = arith.constant 0 : i32
    %cond3A_254 = arith.cmpi ne, %convert_element_type3A_252, %cond3A_253 : i32
    scf.if %cond3A_254 {
      %mul3A_255 = arith.constant 2000 : i32
      %mul3A_256 = arith.muli %arg1, %mul3A_255 : i32
      "tpu.region"() ({
        %run_scoped3A_265 = tpu.sem_alloc : memref<!tpu.dma_semaphore, #tpu.memory_space<semaphore_mem>>
        %dma_start3A_266 = arith.constant 0 : i32
        %dma_start3A_267 = tpu.memref_slice %arg11[%mul3A_256, %dma_start3A_266] : memref<10000x8xf32, #tpu.memory_space<vmem_shared>> -> memref<2000x8xf32, #tpu.memory_space<vmem_shared>>
        %dma_start3A_268 = arith.constant 0 : i32
        %dma_start3A_269 = tpu.memref_slice %arg11[%mul3A_256, %dma_start3A_268] : memref<10000x8xf32, #tpu.memory_space<vmem_shared>> -> memref<2000x8xf32, #tpu.memory_space<vmem_shared>>
        tpu.enqueue_dma source(%dma_start3A_269 : memref<2000x8xf32, #tpu.memory_space<vmem_shared>>) target(%arg9 : memref<2000x8xf32, #tpu.memory_space<vmem>>) target_semaphore(%run_scoped3A_265 : memref<!tpu.dma_semaphore, #tpu.memory_space<semaphore_mem>>)
        %dma_wait3A_270 = arith.constant 0 : i32
        %dma_wait3A_271 = tpu.memref_slice %arg11[%mul3A_256, %dma_wait3A_270] : memref<10000x8xf32, #tpu.memory_space<vmem_shared>> -> memref<2000x8xf32, #tpu.memory_space<vmem_shared>>
        %dma_wait3A_272 = arith.constant 0 : i32
        %dma_wait3A_273 = tpu.memref_slice %arg11[%mul3A_256, %dma_wait3A_272] : memref<10000x8xf32, #tpu.memory_space<vmem_shared>> -> memref<2000x8xf32, #tpu.memory_space<vmem_shared>>
        tpu.wait_dma2 semaphore(%run_scoped3A_265 : memref<!tpu.dma_semaphore, #tpu.memory_space<semaphore_mem>>) src(%dma_wait3A_273 : memref<2000x8xf32, #tpu.memory_space<vmem_shared>>) dst(%arg9 : memref<2000x8xf32, #tpu.memory_space<vmem>>)
        tpu.yield
      }) : () -> ()
      %scan3A_257 = arith.constant 0 : i32
      %scan3A_258 = arith.constant 0 : i32
      %scan3A_259 = arith.constant 125 : i32
      %scan3A_260 = arith.addi %scan3A_258, %scan3A_259 : i32
      %scan3A_261 = arith.constant 1 : i32
      scf.for %scan3A_265 = %scan3A_258 to %scan3A_260 step %scan3A_261  : i32 {
        %mul3A_266 = arith.constant 16 : i32
        %mul3A_267 = arith.muli %scan3A_265, %mul3A_266 : i32
        %add3A_268 = vector.broadcast %mul3A_267 : i32 to vector<16xi32>
        %add3A_269 = arith.addi %iota3A, %add3A_268 : vector<16xi32>
        %broadcast_in_dim3A_270 = arith.constant 0 : i32
        %broadcast_in_dim3A_271 = vector.broadcast %broadcast_in_dim3A_270 : i32 to vector<16xi32>
        %gather3A = tpu.vector_load_idx %arg9[%add3A_269, %broadcast_in_dim3A_271] : memref<2000x8xf32, #tpu.memory_space<vmem>>[vector<16xi32>, vector<16xi32>], vector<16xf32>,
        %mul3A_272 = arith.constant 16 : i32
        %mul3A_273 = arith.muli %scan3A_265, %mul3A_272 : i32
        %swap3A = arith.constant 0 : i32
        %swap3A_274 = arith.index_cast %swap3A : i32 to index
        %swap3A_275 = arith.index_cast %mul3A_273 : i32 to index
        %swap3A_276 = tpu.vector_load %arg10[%swap3A_274, %swap3A_275] {strides = array<i32>} : memref<8x2000xf32, #tpu.memory_space<vmem>>, vector<16xf32>,
        tpu.vector_store %arg10[%swap3A_274, %swap3A_275], %gather3A {strides = array<i32>} : memref<8x2000xf32, #tpu.memory_space<vmem>>, vector<16xf32>,
        %broadcast_in_dim3A_277 = arith.constant 1 : i32
        %broadcast_in_dim3A_278 = vector.broadcast %broadcast_in_dim3A_277 : i32 to vector<16xi32>
        %gather3A_279 = tpu.vector_load_idx %arg9[%add3A_269, %broadcast_in_dim3A_278] : memref<2000x8xf32, #tpu.memory_space<vmem>>[vector<16xi32>, vector<16xi32>], vector<16xf32>,
        %mul3A_280 = arith.constant 16 : i32
        %mul3A_281 = arith.muli %scan3A_265, %mul3A_280 : i32
        %swap3A_282 = arith.constant 1 : i32
        %swap3A_283 = arith.index_cast %swap3A_282 : i32 to index
        %swap3A_284 = arith.index_cast %mul3A_281 : i32 to index
        %swap3A_285 = tpu.vector_load %arg10[%swap3A_283, %swap3A_284] {strides = array<i32>} : memref<8x2000xf32, #tpu.memory_space<vmem>>, vector<16xf32>,
        tpu.vector_store %arg10[%swap3A_283, %swap3A_284], %gather3A_279 {strides = array<i32>} : memref<8x2000xf32, #tpu.memory_space<vmem>>, vector<16xf32>,
        %broadcast_in_dim3A_286 = arith.constant 2 : i32
        %broadcast_in_dim3A_287 = vector.broadcast %broadcast_in_dim3A_286 : i32 to vector<16xi32>
        %gather3A_288 = tpu.vector_load_idx %arg9[%add3A_269, %broadcast_in_dim3A_287] : memref<2000x8xf32, #tpu.memory_space<vmem>>[vector<16xi32>, vector<16xi32>], vector<16xf32>,
        %mul3A_289 = arith.constant 16 : i32
        %mul3A_290 = arith.muli %scan3A_265, %mul3A_289 : i32
        %swap3A_291 = arith.constant 2 : i32
        %swap3A_292 = arith.index_cast %swap3A_291 : i32 to index
        %swap3A_293 = arith.index_cast %mul3A_290 : i32 to index
        %swap3A_294 = tpu.vector_load %arg10[%swap3A_292, %swap3A_293] {strides = array<i32>} : memref<8x2000xf32, #tpu.memory_space<vmem>>, vector<16xf32>,
        tpu.vector_store %arg10[%swap3A_292, %swap3A_293], %gather3A_288 {strides = array<i32>} : memref<8x2000xf32, #tpu.memory_space<vmem>>, vector<16xf32>,
        %broadcast_in_dim3A_295 = arith.constant 3 : i32
        %broadcast_in_dim3A_296 = vector.broadcast %broadcast_in_dim3A_295 : i32 to vector<16xi32>
        %gather3A_297 = tpu.vector_load_idx %arg9[%add3A_269, %broadcast_in_dim3A_296] : memref<2000x8xf32, #tpu.memory_space<vmem>>[vector<16xi32>, vector<16xi32>], vector<16xf32>,
        %mul3A_298 = arith.constant 16 : i32
        %mul3A_299 = arith.muli %scan3A_265, %mul3A_298 : i32
        %swap3A_300 = arith.constant 3 : i32
        %swap3A_301 = arith.index_cast %swap3A_300 : i32 to index
        %swap3A_302 = arith.index_cast %mul3A_299 : i32 to index
        %swap3A_303 = tpu.vector_load %arg10[%swap3A_301, %swap3A_302] {strides = array<i32>} : memref<8x2000xf32, #tpu.memory_space<vmem>>, vector<16xf32>,
        tpu.vector_store %arg10[%swap3A_301, %swap3A_302], %gather3A_297 {strides = array<i32>} : memref<8x2000xf32, #tpu.memory_space<vmem>>, vector<16xf32>,
        %broadcast_in_dim3A_304 = arith.constant 4 : i32
        %broadcast_in_dim3A_305 = vector.broadcast %broadcast_in_dim3A_304 : i32 to vector<16xi32>
        %gather3A_306 = tpu.vector_load_idx %arg9[%add3A_269, %broadcast_in_dim3A_305] : memref<2000x8xf32, #tpu.memory_space<vmem>>[vector<16xi32>, vector<16xi32>], vector<16xf32>,
        %mul3A_307 = arith.constant 16 : i32
        %mul3A_308 = arith.muli %scan3A_265, %mul3A_307 : i32
        %swap3A_309 = arith.constant 4 : i32
        %swap3A_310 = arith.index_cast %swap3A_309 : i32 to index
        %swap3A_311 = arith.index_cast %mul3A_308 : i32 to index
        %swap3A_312 = tpu.vector_load %arg10[%swap3A_310, %swap3A_311] {strides = array<i32>} : memref<8x2000xf32, #tpu.memory_space<vmem>>, vector<16xf32>,
        tpu.vector_store %arg10[%swap3A_310, %swap3A_311], %gather3A_306 {strides = array<i32>} : memref<8x2000xf32, #tpu.memory_space<vmem>>, vector<16xf32>,
        %broadcast_in_dim3A_313 = arith.constant 5 : i32
        %broadcast_in_dim3A_314 = vector.broadcast %broadcast_in_dim3A_313 : i32 to vector<16xi32>
        %gather3A_315 = tpu.vector_load_idx %arg9[%add3A_269, %broadcast_in_dim3A_314] : memref<2000x8xf32, #tpu.memory_space<vmem>>[vector<16xi32>, vector<16xi32>], vector<16xf32>,
        %mul3A_316 = arith.constant 16 : i32
        %mul3A_317 = arith.muli %scan3A_265, %mul3A_316 : i32
        %swap3A_318 = arith.constant 5 : i32
        %swap3A_319 = arith.index_cast %swap3A_318 : i32 to index
        %swap3A_320 = arith.index_cast %mul3A_317 : i32 to index
        %swap3A_321 = tpu.vector_load %arg10[%swap3A_319, %swap3A_320] {strides = array<i32>} : memref<8x2000xf32, #tpu.memory_space<vmem>>, vector<16xf32>,
        tpu.vector_store %arg10[%swap3A_319, %swap3A_320], %gather3A_315 {strides = array<i32>} : memref<8x2000xf32, #tpu.memory_space<vmem>>, vector<16xf32>,
        %broadcast_in_dim3A_322 = arith.constant 6 : i32
        %broadcast_in_dim3A_323 = vector.broadcast %broadcast_in_dim3A_322 : i32 to vector<16xi32>
        %gather3A_324 = tpu.vector_load_idx %arg9[%add3A_269, %broadcast_in_dim3A_323] : memref<2000x8xf32, #tpu.memory_space<vmem>>[vector<16xi32>, vector<16xi32>], vector<16xf32>,
        %mul3A_325 = arith.constant 16 : i32
        %mul3A_326 = arith.muli %scan3A_265, %mul3A_325 : i32
        %swap3A_327 = arith.constant 6 : i32
        %swap3A_328 = arith.index_cast %swap3A_327 : i32 to index
        %swap3A_329 = arith.index_cast %mul3A_326 : i32 to index
        %swap3A_330 = tpu.vector_load %arg10[%swap3A_328, %swap3A_329] {strides = array<i32>} : memref<8x2000xf32, #tpu.memory_space<vmem>>, vector<16xf32>,
        tpu.vector_store %arg10[%swap3A_328, %swap3A_329], %gather3A_324 {strides = array<i32>} : memref<8x2000xf32, #tpu.memory_space<vmem>>, vector<16xf32>,
        %broadcast_in_dim3A_331 = arith.constant 7 : i32
        %broadcast_in_dim3A_332 = vector.broadcast %broadcast_in_dim3A_331 : i32 to vector<16xi32>
        %gather3A_333 = tpu.vector_load_idx %arg9[%add3A_269, %broadcast_in_dim3A_332] : memref<2000x8xf32, #tpu.memory_space<vmem>>[vector<16xi32>, vector<16xi32>], vector<16xf32>,
        %mul3A_334 = arith.constant 16 : i32
        %mul3A_335 = arith.muli %scan3A_265, %mul3A_334 : i32
        %swap3A_336 = arith.constant 7 : i32
        %swap3A_337 = arith.index_cast %swap3A_336 : i32 to index
        %swap3A_338 = arith.index_cast %mul3A_335 : i32 to index
        %swap3A_339 = tpu.vector_load %arg10[%swap3A_337, %swap3A_338] {strides = array<i32>} : memref<8x2000xf32, #tpu.memory_space<vmem>>, vector<16xf32>,
        tpu.vector_store %arg10[%swap3A_337, %swap3A_338], %gather3A_333 {strides = array<i32>} : memref<8x2000xf32, #tpu.memory_space<vmem>>, vector<16xf32>,
      }
      %scan3A_262 = arith.constant 125 : i32
      %mul3A_263 = arith.constant 2000 : i32
      %mul3A_264 = arith.muli %arg1, %mul3A_263 : i32
      "tpu.region"() ({
        %run_scoped3A_265 = tpu.sem_alloc : memref<!tpu.dma_semaphore, #tpu.memory_space<semaphore_mem>>
        %dma_start3A_266 = arith.constant 0 : i32
        %dma_start3A_267 = tpu.memref_slice %arg5[%arg0, %dma_start3A_266, %mul3A_264] : memref<2x8x10000xf32, #tpu.memory_space<hbm>> -> memref<1x8x2000xf32, #tpu.memory_space<hbm>>
        %dma_start3A_268 = tpu.memref_squeeze %dma_start3A_267 : memref<1x8x2000xf32, #tpu.memory_space<hbm>> -> memref<8x2000xf32, #tpu.memory_space<hbm>>
        %dma_start3A_269 = arith.constant 0 : i32
        %dma_start3A_270 = tpu.memref_slice %arg5[%arg0, %dma_start3A_269, %mul3A_264] : memref<2x8x10000xf32, #tpu.memory_space<hbm>> -> memref<1x8x2000xf32, #tpu.memory_space<hbm>>
        %dma_start3A_271 = tpu.memref_squeeze %dma_start3A_270 : memref<1x8x2000xf32, #tpu.memory_space<hbm>> -> memref<8x2000xf32, #tpu.memory_space<hbm>>
        tpu.enqueue_dma source(%arg10 : memref<8x2000xf32, #tpu.memory_space<vmem>>) target(%dma_start3A_271 : memref<8x2000xf32, #tpu.memory_space<hbm>>) target_semaphore(%run_scoped3A_265 : memref<!tpu.dma_semaphore, #tpu.memory_space<semaphore_mem>>)
        %dma_wait3A_272 = arith.constant 0 : i32
        %dma_wait3A_273 = tpu.memref_slice %arg5[%arg0, %dma_wait3A_272, %mul3A_264] : memref<2x8x10000xf32, #tpu.memory_space<hbm>> -> memref<1x8x2000xf32, #tpu.memory_space<hbm>>
        %dma_wait3A_274 = tpu.memref_squeeze %dma_wait3A_273 : memref<1x8x2000xf32, #tpu.memory_space<hbm>> -> memref<8x2000xf32, #tpu.memory_space<hbm>>
        %dma_wait3A_275 = arith.constant 0 : i32
        %dma_wait3A_276 = tpu.memref_slice %arg5[%arg0, %dma_wait3A_275, %mul3A_264] : memref<2x8x10000xf32, #tpu.memory_space<hbm>> -> memref<1x8x2000xf32, #tpu.memory_space<hbm>>
        %dma_wait3A_277 = tpu.memref_squeeze %dma_wait3A_276 : memref<1x8x2000xf32, #tpu.memory_space<hbm>> -> memref<8x2000xf32, #tpu.memory_space<hbm>>
        tpu.wait_dma2 semaphore(%run_scoped3A_265 : memref<!tpu.dma_semaphore, #tpu.memory_space<semaphore_mem>>) src(%arg10 : memref<8x2000xf32, #tpu.memory_space<vmem>>) dst(%dma_wait3A_277 : memref<8x2000xf32, #tpu.memory_space<hbm>>)
        tpu.yield
      }) : () -> ()
    } else {
    }
    return
  }
}

module attributes {stable_mosaic.version = 14 : i64} {
  func.func @_tc_body(%arg0: memref<2x8x10000xf32, #tpu.memory_space<vmem>>, %arg1: memref<10000x128xf32, #tpu.memory_space<vmem>>, %arg2: memref<1024x32xf32, #tpu.memory_space<vmem>>, %arg3: memref<8x32xf32, #tpu.memory_space<vmem>>, %arg4: memref<32x128xf32, #tpu.memory_space<vmem>>, %arg5: memref<8x128xf32, #tpu.memory_space<vmem>>, %arg6: memref<8x128xf32, #tpu.memory_space<vmem>>) attributes {dimension_semantics = [], scalar_prefetch = 0 : i64, scratch_operands = 0 : i64, tpu.core_type = #tpu.core_type<tc>} {
    %get3A = arith.constant 0 : index
    %get3A_0 = arith.constant 0 : index
    %get3A_1 = arith.constant 0 : index
    %get3A_2 = vector.load %arg0[%get3A, %get3A_0, %get3A_1] : memref<2x8x10000xf32, #tpu.memory_space<vmem>>, vector<1x8x10000xf32>
    %get3A_3 = vector.shape_cast %get3A_2 : vector<1x8x10000xf32> to vector<8x10000xf32>
    %get3A_4 = arith.constant 1 : index
    %get3A_5 = arith.constant 0 : index
    %get3A_6 = arith.constant 0 : index
    %get3A_7 = vector.load %arg0[%get3A_4, %get3A_5, %get3A_6] : memref<2x8x10000xf32, #tpu.memory_space<vmem>>, vector<1x8x10000xf32>
    %get3A_8 = vector.shape_cast %get3A_7 : vector<1x8x10000xf32> to vector<8x10000xf32>
    %add3A = arith.addf %get3A_3, %get3A_8 : vector<8x10000xf32>
    %iota3A = tpu.iota {dimensions = array<i32: 0>} : vector<8x10000xi32>
    %eq3A = arith.constant 5 : i32
    %eq3A_9 = vector.broadcast %eq3A : i32 to vector<8x10000xi32>
    %eq3A_10 = arith.cmpi eq, %iota3A, %eq3A_9 : vector<8x10000xi32>
    %jit3A = arith.constant 1.000000e+00 : f32
    %broadcast_in_dim3A = vector.broadcast %jit3A : f32 to vector<8x10000xf32>
    %select_n3A = arith.select %eq3A_10, %broadcast_in_dim3A, %add3A : vector<8x10000xi1>, vector<8x10000xf32>
    %get3A_11 = arith.constant 0 : index
    %get3A_12 = arith.constant 0 : index
    %get3A_13 = vector.load %arg1[%get3A_11, %get3A_12] : memref<10000x128xf32, #tpu.memory_space<vmem>>, vector<10000x128xf32>
    %dot_general3A = arith.constant dense<0.000000e+00> : vector<8x128xf32>
    %dot_general3A_14 = tpu.matmul %select_n3A, %get3A_13, %dot_general3A {dimension_numbers = #tpu.dot_dimension_numbers<[1], [0], [0], [1], [0, 0, 1, 1], [], []>, transpose_lhs_hint = false} : vector<8x10000xf32>, vector<10000x128xf32>, vector<8x128xf32> -> vector<8x128xf32>
    %get3A_15 = arith.constant 0 : index
    %get3A_16 = arith.constant 0 : index
    %get3A_17 = vector.load %arg3[%get3A_15, %get3A_16] : memref<8x32xf32, #tpu.memory_space<vmem>>, vector<1x32xf32>
    %mul3A = arith.constant 1.000000e+04 : f32
    %mul3A_18 = vector.broadcast %mul3A : f32 to vector<1x32xf32>
    %mul3A_19 = arith.mulf %mul3A_18, %get3A_17 : vector<1x32xf32>
    %slice3A = vector.extract_strided_slice %dot_general3A_14 {offsets = [0, 0], sizes = [1, 128], strides = [1, 1]} : vector<8x128xf32> to vector<1x128xf32>
    %get3A_20 = arith.constant 0 : index
    %get3A_21 = arith.constant 0 : index
    %get3A_22 = vector.load %arg2[%get3A_20, %get3A_21] : memref<1024x32xf32, #tpu.memory_space<vmem>>, vector<128x32xf32>
    %dot_general3A_23 = arith.constant dense<0.000000e+00> : vector<1x32xf32>
    %dot_general3A_24 = tpu.matmul %slice3A, %get3A_22, %dot_general3A_23 {dimension_numbers = #tpu.dot_dimension_numbers<[1], [0], [0], [1], [0, 0, 1, 1], [], []>, transpose_lhs_hint = false} : vector<1x128xf32>, vector<128x32xf32>, vector<1x32xf32> -> vector<1x32xf32>
    %add3A_25 = arith.addf %mul3A_19, %dot_general3A_24 : vector<1x32xf32>
    %slice3A_26 = vector.extract_strided_slice %dot_general3A_14 {offsets = [1, 0], sizes = [1, 128], strides = [1, 1]} : vector<8x128xf32> to vector<1x128xf32>
    %get3A_27 = arith.constant 128 : index
    %get3A_28 = arith.constant 0 : index
    %get3A_29 = vector.load %arg2[%get3A_27, %get3A_28] : memref<1024x32xf32, #tpu.memory_space<vmem>>, vector<128x32xf32>
    %dot_general3A_30 = arith.constant dense<0.000000e+00> : vector<1x32xf32>
    %dot_general3A_31 = tpu.matmul %slice3A_26, %get3A_29, %dot_general3A_30 {dimension_numbers = #tpu.dot_dimension_numbers<[1], [0], [0], [1], [0, 0, 1, 1], [], []>, transpose_lhs_hint = false} : vector<1x128xf32>, vector<128x32xf32>, vector<1x32xf32> -> vector<1x32xf32>
    %add3A_32 = arith.addf %add3A_25, %dot_general3A_31 : vector<1x32xf32>
    %slice3A_33 = vector.extract_strided_slice %dot_general3A_14 {offsets = [2, 0], sizes = [1, 128], strides = [1, 1]} : vector<8x128xf32> to vector<1x128xf32>
    %get3A_34 = arith.constant 256 : index
    %get3A_35 = arith.constant 0 : index
    %get3A_36 = vector.load %arg2[%get3A_34, %get3A_35] : memref<1024x32xf32, #tpu.memory_space<vmem>>, vector<128x32xf32>
    %dot_general3A_37 = arith.constant dense<0.000000e+00> : vector<1x32xf32>
    %dot_general3A_38 = tpu.matmul %slice3A_33, %get3A_36, %dot_general3A_37 {dimension_numbers = #tpu.dot_dimension_numbers<[1], [0], [0], [1], [0, 0, 1, 1], [], []>, transpose_lhs_hint = false} : vector<1x128xf32>, vector<128x32xf32>, vector<1x32xf32> -> vector<1x32xf32>
    %add3A_39 = arith.addf %add3A_32, %dot_general3A_38 : vector<1x32xf32>
    %slice3A_40 = vector.extract_strided_slice %dot_general3A_14 {offsets = [3, 0], sizes = [1, 128], strides = [1, 1]} : vector<8x128xf32> to vector<1x128xf32>
    %get3A_41 = arith.constant 384 : index
    %get3A_42 = arith.constant 0 : index
    %get3A_43 = vector.load %arg2[%get3A_41, %get3A_42] : memref<1024x32xf32, #tpu.memory_space<vmem>>, vector<128x32xf32>
    %dot_general3A_44 = arith.constant dense<0.000000e+00> : vector<1x32xf32>
    %dot_general3A_45 = tpu.matmul %slice3A_40, %get3A_43, %dot_general3A_44 {dimension_numbers = #tpu.dot_dimension_numbers<[1], [0], [0], [1], [0, 0, 1, 1], [], []>, transpose_lhs_hint = false} : vector<1x128xf32>, vector<128x32xf32>, vector<1x32xf32> -> vector<1x32xf32>
    %add3A_46 = arith.addf %add3A_39, %dot_general3A_45 : vector<1x32xf32>
    %slice3A_47 = vector.extract_strided_slice %dot_general3A_14 {offsets = [4, 0], sizes = [1, 128], strides = [1, 1]} : vector<8x128xf32> to vector<1x128xf32>
    %get3A_48 = arith.constant 512 : index
    %get3A_49 = arith.constant 0 : index
    %get3A_50 = vector.load %arg2[%get3A_48, %get3A_49] : memref<1024x32xf32, #tpu.memory_space<vmem>>, vector<128x32xf32>
    %dot_general3A_51 = arith.constant dense<0.000000e+00> : vector<1x32xf32>
    %dot_general3A_52 = tpu.matmul %slice3A_47, %get3A_50, %dot_general3A_51 {dimension_numbers = #tpu.dot_dimension_numbers<[1], [0], [0], [1], [0, 0, 1, 1], [], []>, transpose_lhs_hint = false} : vector<1x128xf32>, vector<128x32xf32>, vector<1x32xf32> -> vector<1x32xf32>
    %add3A_53 = arith.addf %add3A_46, %dot_general3A_52 : vector<1x32xf32>
    %slice3A_54 = vector.extract_strided_slice %dot_general3A_14 {offsets = [5, 0], sizes = [1, 128], strides = [1, 1]} : vector<8x128xf32> to vector<1x128xf32>
    %get3A_55 = arith.constant 640 : index
    %get3A_56 = arith.constant 0 : index
    %get3A_57 = vector.load %arg2[%get3A_55, %get3A_56] : memref<1024x32xf32, #tpu.memory_space<vmem>>, vector<128x32xf32>
    %dot_general3A_58 = arith.constant dense<0.000000e+00> : vector<1x32xf32>
    %dot_general3A_59 = tpu.matmul %slice3A_54, %get3A_57, %dot_general3A_58 {dimension_numbers = #tpu.dot_dimension_numbers<[1], [0], [0], [1], [0, 0, 1, 1], [], []>, transpose_lhs_hint = false} : vector<1x128xf32>, vector<128x32xf32>, vector<1x32xf32> -> vector<1x32xf32>
    %add3A_60 = arith.addf %add3A_53, %dot_general3A_59 : vector<1x32xf32>
    %get3A_61 = arith.constant 0 : index
    %get3A_62 = arith.constant 0 : index
    %get3A_63 = vector.load %arg4[%get3A_61, %get3A_62] : memref<32x128xf32, #tpu.memory_space<vmem>>, vector<32x128xf32>
    %dot_general3A_64 = arith.constant dense<0.000000e+00> : vector<1x128xf32>
    %dot_general3A_65 = tpu.matmul %add3A_60, %get3A_63, %dot_general3A_64 {dimension_numbers = #tpu.dot_dimension_numbers<[1], [0], [0], [1], [0, 0, 1, 1], [], []>, transpose_lhs_hint = false} : vector<1x32xf32>, vector<32x128xf32>, vector<1x128xf32> -> vector<1x128xf32>
    %get3A_66 = arith.constant 0 : index
    %get3A_67 = arith.constant 0 : index
    %get3A_68 = vector.load %arg5[%get3A_66, %get3A_67] : memref<8x128xf32, #tpu.memory_space<vmem>>, vector<1x128xf32>
    %add3A_69 = arith.addf %dot_general3A_65, %get3A_68 : vector<1x128xf32>
    %broadcast_in_dim3A_70 = vector.shape_cast %add3A_69 : vector<1x128xf32> to vector<1x128xf32>
    %broadcast_in_dim3A_71 = vector.broadcast %broadcast_in_dim3A_70 : vector<1x128xf32> to vector<8x128xf32>
    %swap3A = arith.constant 0 : index
    %swap3A_72 = arith.constant 0 : index
    %swap3A_73 = vector.load %arg6[%swap3A, %swap3A_72] : memref<8x128xf32, #tpu.memory_space<vmem>>, vector<8x128xf32>
    tpu.vector_store %arg6[%swap3A, %swap3A_72], %broadcast_in_dim3A_71 {strides = array<i32>} : memref<8x128xf32, #tpu.memory_space<vmem>>, vector<8x128xf32>,
    return
  }
}

</mosaic_0001>

<sc_bundles>
// kernel: kernel.4.cloned.1.call-start
scs
__scs_entry_jumppad:
0x0: {  	(pc) =	sbr.rel $0x88, $3  }
0x1: {  	(tag) =	ssettag $0x0;
	lr =	simm.s32 $0x1  }
0x2: {  	[smem:$0x3F98] =	sst lr;
	_ =	strace $0xD0000000  }
0x3: {  	_ = 	snop  }
0x4: {  	_ = 	snop  }
0x5: {  	_ = 	snop  }
0x6: {  	_ = 	snop  }
0x7: {  	_ = 	snop  }
__scs_overlays_trampoline_lowered:
0x8: {  	[smem:$0x3FA7] =	sst s0  }
0x9: {  	[smem:$0x3FA8] =	sst s1  }
0xa: {  	[smem:$0x3FA9] =	sst s2  }
0xb: {  	[smem:$0x3FAA] =	sst s3  }
0xc: {  	[smem:$0x3FAB] =	sst s4  }
0xd: {  	[smem:$0x3FAC] =	sst s5  }
0xe: {  	[smem:$0x3FAD] =	sst s6  }
0xf: {  	[smem:$0x3FAE] =	sst s7  }
0x10: {  	[smem:$0x3FAF] =	sst s8  }
0x11: {  	[smem:$0x3FB0] =	sst s9;
	s0 =	simm.s32 @!p0 $0x0  }
0x12: {  	s1 =	sld [smem:$0x3F96];
	s0 =	simm.s32 @p0 $0x1  }
0x13: {  	[smem:$0x3FB1] =	sst s0;
	s0 =	simm.s32 @!p1 $0x0  }
0x14: {  	s2 =	sld [smem:$0x3F95];
	s0 =	simm.s32 @p1 $0x1  }
0x15: {  	[smem:$0x3FB2] =	sst s0;
	s0 =	simm.s32 @!p2 $0x0  }
0x16: {  	s3 =	sld [smem:$0x3FDB];
	s0 =	simm.s32 @p2 $0x1  }
0x17: {  	s4 =	simm.s32 $0x1BF5;
	[smem:$0x3FB4] =	sst s0  }
0x18: {  	s0 =	sld [smem:$0x3F97];
	_ =	swait.ge [sflag:s4], $0x0  }
0x19: {  	s7 =	sld [smem:$0x3F98]  }
0x1a: {  	s8 =	sadd.s32 $0xFFFFE003, lr  }
0x1b: {  	s9 =	sadd.s32 $0xFFFFFEF7, lr;
	s5 =	simm.s32 $0xFFFFFFFF;
	p2 =	slt.u32 s8, $0xFFFFF086  }
0x1c: {  	p1 =	slt.u32 s9, $0xF7A;
	s5 =	simm.s32 @!p2 $0x0  }
0x1d: {  	s5 =	simm.s32 @p1 $0x1;
	p0 =	seq.s32 s7, s2  }
0x1e: {  	s7 =	smul.u32 @!p0 $0xF7A, s2;
	p2 =	seq.s32 @!p0 s5, $0x0  }
0x1f: {  	s9 =	smul.u32 $0xF7A, s1;
	s8 =	simm.s32 @!p0 $0x1BF5;
	p2 =	por !p2, p0  }
0x20: {  	[sflag:s8] =	ssyncset.s32 @!p0 $0xFFFFF086;
	s6 =	sadd.s32 @!p0 s3, s7;
	s7 =	simm.s32 @!p0 $0x108  }
0x21: {  	s3 =	sadd.s32 s3, s9;
	s6 =	sadd.s32 @!p0 $0x88, s6;
	s7 =	simm.s32 @p2 $0x1082  }
0x22: {  	[simem:s7], [sflag:s8] =	dma.local @!p0 [hbm:s6], $0xF7A  }
0x23: {  	s9 =	sor.u32 $0xD0000000, s2;
	s6 =	simm.s32 $0x108;
	_ =	swait.ge @!p0 [sflag:s8], $0x0  }
0x24: {  	s3 =	sadd.s32 $0x88, s3;
	s6 =	simm.s32 @!p1 $0x1082;
	[sflag:s4] =	ssyncset.s32 $0xFFFFF086  }
0x25: {  	[simem:s6], [sflag:s4] =	dma.local [hbm:s3], $0xF7A  }
0x26: {  	[smem:$0x3F98] =	sst s1;
	(tag) =	ssettag s2;
	_ =	strace s9  }
0x27: {  	s1 =	sld [smem:$0x3FA8]  }
0x28: {  	s2 =	sld [smem:$0x3FA9]  }
0x29: {  	s4 =	sld [smem:$0x3FAB]  }
0x2a: {  	p0 =	seq.s32 s5, $0x0;
	s5 =	sld [smem:$0x3FAC]  }
0x2b: {  	s6 =	sld [smem:$0x3FAD]  }
0x2c: {  	s7 =	sld [smem:$0x3FAE]  }
0x2d: {  	s3 =	simm.s32 $0x108;
	s8 =	sld [smem:$0x3FAF]  }
0x2e: {  	s3 =	simm.s32 @!p0 $0x1082;
	s9 =	sld [smem:$0x3FB0]  }
0x2f: {  	lr =	sadd.s32 s0, s3;
	s0 =	sld [smem:$0x3FA7]  }
0x30: {  	s3 =	sld [smem:$0x3FAA]  }
0x31: {  	[smem:$0x3FB3] =	sst s10  }
0x32: {  	s10 =	sld [smem:$0x3FB1];
	_ =	sdelay $0x3  }
0x33: {  	p0 =	seq.s32 s10, $0x1;
	s10 =	sld [smem:$0x3FB3];
	_ =	sdelay $0x3  }
0x34: {  	[smem:$0x3FB3] =	sst s10  }
0x35: {  	s10 =	sld [smem:$0x3FB2];
	_ =	sdelay $0x3  }
0x36: {  	p1 =	seq.s32 s10, $0x1;
	s10 =	sld [smem:$0x3FB3];
	_ =	sdelay $0x3  }
0x37: {  	[smem:$0x3FB3] =	sst s10  }
0x38: {  	s10 =	sld [smem:$0x3FB4]  }
0x39: {  	_ = 	snop;
	(pc) =	sbr.ind lr, $3  }
0x3a: {  	_ = 	snop  }
0x3b: {  	_ = 	snop  }
0x3c: {  	p2 =	seq.s32 s10, $0x1;
	s10 =	sld [smem:$0x3FB3]  }
0x3d: {  	_ =	shalt  }
0x3e: {  	_ =	shalt  }
0x3f: {  	_ =	shalt  }
0x40: {  	_ =	shalt  }
0x41: {  	_ =	shalt  }
0x42: {  	_ =	shalt  }
0x43: {  	_ =	shalt  }
0x44: {  	_ =	shalt  }
0x45: {  	_ =	shalt  }
0x46: {  	_ =	shalt  }
0x47: {  	_ =	shalt  }
0x48: {  	_ =	shalt  }
0x49: {  	_ =	shalt  }
0x4a: {  	_ =	shalt  }
0x4b: {  	_ =	shalt  }
0x4c: {  	_ =	shalt  }
0x4d: {  	_ =	shalt  }
0x4e: {  	_ =	shalt  }
0x4f: {  	_ =	shalt  }
0x50: {  	_ =	shalt  }
0x51: {  	_ =	shalt  }
0x52: {  	_ =	shalt  }
0x53: {  	_ =	shalt  }
0x54: {  	_ =	shalt  }
0x55: {  	_ =	shalt  }
0x56: {  	_ =	shalt  }
0x57: {  	_ =	shalt  }
0x58: {  	_ =	shalt  }
0x59: {  	_ =	shalt  }
0x5a: {  	_ =	shalt  }
0x5b: {  	_ =	shalt  }
0x5c: {  	_ =	shalt  }
0x5d: {  	_ =	shalt  }
0x5e: {  	_ =	shalt  }
0x5f: {  	_ =	shalt  }
0x60: {  	_ =	shalt  }
0x61: {  	_ =	shalt  }
0x62: {  	_ =	shalt  }
0x63: {  	_ =	shalt  }
0x64: {  	_ =	shalt  }
0x65: {  	_ =	shalt  }
0x66: {  	_ =	shalt  }
0x67: {  	_ =	shalt  }
0x68: {  	_ =	shalt  }
0x69: {  	_ =	shalt  }
0x6a: {  	_ =	shalt  }
0x6b: {  	_ =	shalt  }
0x6c: {  	_ =	shalt  }
0x6d: {  	_ =	shalt  }
0x6e: {  	_ =	shalt  }
0x6f: {  	_ =	shalt  }
0x70: {  	_ =	shalt  }
0x71: {  	_ =	shalt  }
0x72: {  	_ =	shalt  }
0x73: {  	_ =	shalt  }
0x74: {  	_ =	shalt  }
0x75: {  	_ =	shalt  }
0x76: {  	_ =	shalt  }
0x77: {  	_ =	shalt  }
0x78: {  	_ =	shalt  }
0x79: {  	_ =	shalt  }
0x7a: {  	_ =	shalt  }
0x7b: {  	_ =	shalt  }
0x7c: {  	_ =	shalt  }
0x7d: {  	_ =	shalt  }
0x7e: {  	_ =	shalt  }
0x7f: {  	_ =	shalt  }
0x80: {  	_ =	shalt  }
0x81: {  	_ =	shalt  }
0x82: {  	_ =	shalt  }
0x83: {  	_ =	shalt  }
0x84: {  	_ =	shalt  }
0x85: {  	_ =	shalt  }
0x86: {  	_ =	shalt  }
0x87: {  	_ =	shalt  }
.Lfunc_end0:
.L_simem_size_0:
called_computation_lowered:
.L_overlay_start_0:
0x88: {  	s2 =	sld [smem:$0x3FD9]  }
0x89: {  	s3 =	sld [smem:$0x3FFE];
	_ =	sdelay $0x1  }
0x8a: {  	s1 =	srdreg.scid  }
0x8b: {  	s0 =	sand.u32 $0x1, s1  }
0x8c: {  	s17 =	sshll.u32 s0, $0xA;
	s2 =	sadd.s32 s3, s2  }
0x8d: {  	s2 =	sadd.s32 s2, s17  }
0x8e: {  	[smem:$0x3FBF] =	sst s2  }
0x8f: {  	_ = 	snop  }
0x90: {  	s2 =	sld [smem:$0x3FC8]  }
0x91: {  	s18 =	sld [smem:$0x3FC7];
	(tm) =	ssettm $0x1  }
0x92: {  	s4 =	sld [smem:$0x3FFB];
	_ =	sdelay $0x3  }
0x93: {  	_ =	strace s4  }
0x94: {  	s4 =	sld [smem:$0x3FFC];
	_ =	sdelay $0x3  }
0x95: {  	_ =	strace s4  }
0x96: {  	s4 =	sld [smem:$0x3FFD];
	_ =	sdelay $0x3  }
0x97: {  	_ =	strace s4  }
0x98: {  	_ =	strace $0x8FFFFFFF  }
0x99: {  	s19 =	sld [smem:$0x3FDB];
	_ =	sdelay $0x1  }
0x9a: {  	s5 =	simm.s32 $_scs_section_size  }
0x9b: {  	s6 =	simm.s32 $_size__tile_overlayer_lowered;
	s7 =	simm.s32 $_tile_overlayer_lowered  }
0x9c: {  	s22 =	simm.s32 $0x1BFF;
	s21 =	sshll.u32 s7, $0x1;
	s4 =	sadd.s32 s5, s19  }
0x9d: {  	s8 =	simm.s32 $0x0;
	s20 =	sshll.u32 s6, $0x1;
	s6 =	sadd.s32 s21, s4  }
0x9e: {  	[timem:s8], [sflag:s22] =	dma.local [hbm:s6], s20  }
0x9f: {  	_ =	swait.ge [sflag:s22], s20  }
0xa0: {  	s5 =	ssub.s32 $0x0, s20;
	[sflag:s22] =	ssyncset.done $0x0  }
0xa1: {  	[sflag:s22] =	ssyncadd.s32 s5;
	_ =	sdelay $0x1  }
0xa2: {  	s23 =	simm.s32 $0x1B8B  }
0xa3: {  	_ =	swait.ge [sflag:s23], $0x1  }
0xa4: {  	[sflag:s23] =	ssyncset.done $0x0  }
0xa5: {  	s25 =	simm.s32 $0x1B8E;
	s24 =	sld [smem:$0x3FFE];
	[sflag:s23] =	ssyncadd.s32 $0xFFFFFFFF  }
0xa6: {  	s26 =	simm.s32 $execute0_lowered;
	[smem:$0x3FD2] =	sst s25  }
0xa7: {  	s6 =	sshll.u32 s26, $0x1;
	_ =	strace $0x80000046;
	[dreg:$0x1] =	wrdreg $0xFFFFFFFF  }
0xa8: {  	s28 =	simm.s32 $_size_execute0_lowered;
	s4 =	sadd.s32 s4, s6;
	[dreg:$0x0] =	wrdreg $0x0  }
0xa9: {  	s6 =	sshll.u32 s28, $0x1;
	[dreg:$0x2] =	wrdreg s4  }
0xaa: {  	[dreg:$0x3] =	wrdreg s6  }
0xab: {  	[dreg:$0x4] =	wrdreg $0xC0  }
0xac: {  	_ =	task [dreg:s8], $0x5FFFF  }
0xad: {  	[dreg:$0x1] =	wrdreg $0xFFFFFFFF  }
0xae: {  	[dreg:$0x0] =	wrdreg $0x60  }
0xaf: {  	[dreg:$0x2] =	wrdreg s2  }
0xb0: {  	[dreg:$0x3] =	wrdreg s18  }
0xb1: {  	[dreg:$0x4] =	wrdreg s24  }
0xb2: {  	[dreg:$0x5] =	wrdreg $0x14E800  }
0xb3: {  	[dreg:$0x6] =	wrdreg $0x9  }
0xb4: {  	_ =	task.clear_ibuf [dreg:s8], $0x7FFFF;
	_ =	strace $0x90000046  }
0xb5: {  	s29 =	simm.s32 $0x9;
	_ =	strace $0x80000048  }
0xb6: {  	_ =	swait.ge [sflag:s29], $0x1  }
0xb7: {  	[sflag:s29] =	ssyncadd.s32 $0xFFFFFFFF  }
0xb8: {  	_ =	strace $0x90000048  }
0xb9: {  	_ =	sfence  }
0xba: {  	s30 =	sld [smem:$0x0];
	_ =	sdelay $0x2  }
0xbb: {  	s31 =	sshll.u32 s1, $0xD;
	s1 =	sshrl.u32 s1, $0x2  }
0xbc: {  	s3 =	sand.u32 $0x4000, s31;
	s1 =	sadd.s32 s1, s30  }
0xbd: {  	s0 =	sor.u32 s3, s0;
	s1 =	sshll.u32 s1, $0x11  }
0xbe: {  	s0 =	sor.u32 s1, s0  }
0xbf: {  	s0 =	sadd.s32 $0x8F2B, s0  }
0xc0: {  	[sflag:s0] =	ssyncadd.remote.s32 $0x1  }
0xc1: {  	_ =	sfence.sel $0xFFFF  }
0xc2: {  	[dreg:$0x0] =	wrdreg $0xFFFFFFFF;
	(pc) =	sbr.abs _section_cstart, $3  }
0xc3: {  	[dreg:$0x1] =	wrdreg $0xFFFFFFFF  }
0xc4: {  	_ =	task.clear_ibuf [dreg:s8], $0x2FFFF;
	_ =	strace $0x9FFFFFFF  }
0xc5: {  	(tm) =	ssettm $0x7FFFFFFF  }
tec
execute0_lowered:
.L_overlay_start_1:
0x0: {  	(tag) =	ssettag $0x1  }
0x1: {  	s0 =	rddreg [dreg:$0x0]  }
0x2: {  	s1 =	rddreg [dreg:$0x1]  }
0x3: {  	s5 =	rddreg [dreg:$0x2];
	s3 =	srdreg.scid  }
0x4: {  	s26 =	stileid.u32;
	s2 =	rddreg [dreg:$0x3]  }
0x5: {  	s16 =	simm.s32 $0xC580;
	s17 =	simm.s32 $0x3;
	s18 =	simm.s32 $0xC980  }
0x6: {  	s30 =	simm.s32 $0x11000;
	s31 =	simm.s32 $0x0;
	s4 =	smul.u32 $0x7D0, s26  }
0x7: {  	s6 =	sand.u32 $0x1, s3;
	s3 =	simm.s32 $0x0;
	s19 =	smul.u32 $0x1F40, s26  }
0x8: {  	v0 =	vlaneseq.u32;
	s8 =	sshll.u32 s26, $0x1;
	s11 =	smul.u32 $0xFA00, s26;
	p0 =	sgt.u32 s26, $0x9  }
0x9: {  	v0 =	vmul.u32 $0x8, v0;
	p1 =	sgt.u32 s26, $0x1;
	p2 =	sgt.u32 s26, $0x4;
	s7 =	smul.u32 $0x13880, s6  }
0xa: {  	v2 =	vimm.f32 $1.000000000e+00;
	[smem:$0x7FF] =	sst s3;
	s9 =	ssub.s32 $0x2, s6;
	s8 =	sor.u32 s6, s8  }
0xb: {  	_ =	strace $0x80000047;
	s20 =	sshrl.u32 s9, $0x1;
	s21 =	smul.u32 $0x9C0, s8;
	v1 =	vor.u32 $0x4, v0;
	v3 =	vor.u32 $0x84, v0;
	v4 =	vor.u32 $0x104, v0  }
0xc: {  	s22 =	sshrl.u32 s19, $0x3;
	s23 =	smul.u32 $0x9C00, s8;
	s15 =	sadd.s32 s19, s2;
	v5 =	vor.u32 $0x184, v0;
	v6 =	vor.u32 $0x204, v0;
	v7 =	vor.u32 $0x284, v0  }
0xd: {  	s24 =	smul.u32 $0x1380, s8;
	s10 =	sor.u32 $0x9C0, s8;
	v8 =	vor.u32 $0x304, v0;
	v9 =	vor.u32 $0x384, v0;
	v10 =	vor.u32 $0x1, v0;
	s11 =	sshrl.u32 s11, $0x2  }
0xe: {  	v11 =	vor.u32 $0x2, v0;
	v12 =	vor.u32 $0x3, v0;
	v13 =	vor.u32 $0x80, v0;
	s19 =	simm.s32 $0xCD80;
	s7 =	sadd.s32 s4, s7;
	s4 =	sadd.s32 $0x1400, s5  }
0xf: {  	v14 =	vor.u32 $0x81, v0;
	v15 =	vor.u32 $0x82, v0;
	v16 =	vor.u32 $0x83, v0;
	s13 =	ssub.s32 s9, s20;
	s28 =	sshll.u32 s10, $0x5;
	s29 =	sshll.u32 s10, $0x6  }
0x10: {  	v17 =	vor.u32 $0x100, v0;
	v18 =	vor.u32 $0x101, v0;
	v19 =	vor.u32 $0x102, v0;
	s11 =	sadd.s32 s11, s2;
	s15 =	sshrl.u32 @!p0 s15, $0x3;
	s20 =	simm.s32 $0x80  }
0x11: {  	v20 =	vor.u32 $0x103, v0;
	v21 =	vor.u32 $0x180, v0;
	v22 =	vor.u32 $0x181, v0;
	s7 =	sshrl.u32 s7, $0x3;
	s6 =	sadd.s32 s0, s21;
	s9 =	sshrl.u32 s23, $0x3  }
0x12: {  	v23 =	vor.u32 $0x182, v0;
	v24 =	vor.u32 $0x183, v0;
	v25 =	vor.u32 $0x200, v0;
	s10 =	sadd.s32 s1, s29;
	s13 =	smax.u32 s13, $0x1;
	s21 =	simm.s32 $0x100  }
.Ltmp0:
0x13: {  	v26 =	vor.u32 $0x201, v0;
	v27 =	vor.u32 $0x202, v0;
	v28 =	vor.u32 $0x203, v0;
	s23 =	simm.s32 $0x7580;
	s12 =	sadd.s32 s7, s5;
	(pc) =	sbr.rel .LBB2_1-.Ltmp0, $4  }
0x14: {  	v29 =	vor.u32 $0x280, v0;
	v30 =	vor.u32 $0x281, v0;
	v31 =	vor.u32 $0x282, v0;
	s5 =	sadd.s32 s4, s22;
	s25 =	sadd.s32 s1, s9;
	s7 =	sadd.s32 s1, s24  }
0x15: {  	v32 =	vor.u32 $0x283, v0;
	v33 =	vor.u32 $0x300, v0;
	v34 =	vor.u32 $0x301, v0;
	s9 =	sadd.s32 s0, s28;
	s0 =	sshll.u32 @!p0 s26, $0x6;
	s22 =	simm.s32 $0x2780  }
0x16: {  	v35 =	vor.u32 $0x302, v0;
	v36 =	vor.u32 $0x303, v0;
	v37 =	vor.u32 $0x380, v0;
	s24 =	simm.s32 $0x1;
	s26 =	simm.s32 $0xD180;
	s8 =	sadd.s32 $0x9C0, s25  }
0x17: {  	v38 =	vor.u32 $0x381, v0;
	v39 =	vor.u32 $0x382, v0;
	v40 =	vor.u32 $0x383, v0;
	s12 =	sadd.s32 $0x3C00, s12;
	s14 =	sor.u32 @!p0 $0x1C03, s0;
	s25 =	simm.s32 $0x2  }
.LBB2_11:
0x18: {  	s31 =	sadd.s32 $0x1, s31  }
0x19: {  	p3 =	sne.s32 s31, s13  }
.Ltmp1:
0x1a: {  	_ = 	snop;
	(pc) =	sbr.rel @!p3 .LBB2_12-.Ltmp1, $1  }
0x1b: {  	_ =	sdelay $0x3  }
.LBB2_1:
0x1c: {  	[spmem:s15], [sflag:s14] =	dma.local @!p0 [hbm:s5], $0x3E8  }
0x1d: {  	s0 =	simm.s32 @!p0 $0x3  }
0x1e: {  	_ =	swait.ge @!p0 [sflag:s0], $0x3E8  }
0x1f: {  	[sflag:s0] =	ssyncset.done @!p0 $0x0  }
0x20: {  	[sflag:s0] =	ssyncadd.s32 @!p0 $0xFFFFFC18  }
0x21: {  	[tilespmem:s16], [sflag:$0x3] =	stream.linear.gather [hbm4b:s4+s3], $0x400, $0x38;
	[tilespmem:$0x16208] =	vst v63  }
0x22: {  	_ =	swait.ge [sflag:s17], $0x400  }
0x23: {  	[sflag:s17] =	ssyncset.done $0x0  }
0x24: {  	[sflag:s17] =	ssyncadd.s32 $0xFFFFFC00  }
0x25: {  	[tilespmem:v1+s16+$0x0] =	vst.idx.msk $0xffff, v2  }
0x26: {  	[tilespmem:v3+s16+$0x0] =	vst.idx.msk $0xffff, v2  }
0x27: {  	[tilespmem:v4+s16+$0x0] =	vst.idx.msk $0xffff, v2  }
0x28: {  	[tilespmem:v5+s16+$0x0] =	vst.idx.msk $0xffff, v2  }
0x29: {  	[tilespmem:v6+s16+$0x0] =	vst.idx.msk $0xffff, v2  }
0x2a: {  	[tilespmem:v7+s16+$0x0] =	vst.idx.msk $0xffff, v2  }
0x2b: {  	[tilespmem:v8+s16+$0x0] =	vst.idx.msk $0xffff, v2  }
0x2c: {  	[tilespmem:v9+s16+$0x0] =	vst.idx.msk $0xffff, v2  }
0x2d: {  	[tilespmem:s18], [sflag:$0x3] =	stream.linear.gather [hbm4b:s4+s3], $0x400, $0x38;
	[tilespmem:$0x16208] =	vst v63  }
0x2e: {  	_ =	swait.ge [sflag:s17], $0x400  }
0x2f: {  	[sflag:s17] =	ssyncset.done $0x0  }
0x30: {  	[sflag:s17] =	ssyncadd.s32 $0xFFFFFC00  }
0x31: {  	[tilespmem:v1+s18+$0x0] =	vst.idx.msk $0xffff, v2  }
0x32: {  	[tilespmem:v3+s18+$0x0] =	vst.idx.msk $0xffff, v2  }
0x33: {  	[tilespmem:v4+s18+$0x0] =	vst.idx.msk $0xffff, v2  }
0x34: {  	[tilespmem:v5+s18+$0x0] =	vst.idx.msk $0xffff, v2  }
0x35: {  	[tilespmem:v6+s18+$0x0] =	vst.idx.msk $0xffff, v2  }
0x36: {  	[tilespmem:v7+s18+$0x0] =	vst.idx.msk $0xffff, v2  }
0x37: {  	[tilespmem:v8+s18+$0x0] =	vst.idx.msk $0xffff, v2  }
0x38: {  	[tilespmem:v9+s18+$0x0] =	vst.idx.msk $0xffff, v2  }
0x39: {  	[tilespmem:s19], [sflag:$0x3] =	stream.linear.gather [hbm4b:s4+s3], $0x400, $0x38;
	[tilespmem:$0x16208] =	vst v63  }
0x3a: {  	_ =	swait.ge [sflag:s17], $0x400  }
0x3b: {  	[sflag:s17] =	ssyncset.done $0x0  }
0x3c: {  	[sflag:s17] =	ssyncadd.s32 $0xFFFFFC00  }
0x3d: {  	[tilespmem:v1+s19+$0x0] =	vst.idx.msk $0xffff, v2  }
0x3e: {  	[tilespmem:v3+s19+$0x0] =	vst.idx.msk $0xffff, v2  }
0x3f: {  	[tilespmem:v4+s19+$0x0] =	vst.idx.msk $0xffff, v2  }
0x40: {  	[tilespmem:v5+s19+$0x0] =	vst.idx.msk $0xffff, v2  }
0x41: {  	[tilespmem:v6+s19+$0x0] =	vst.idx.msk $0xffff, v2  }
0x42: {  	[tilespmem:v7+s19+$0x0] =	vst.idx.msk $0xffff, v2  }
0x43: {  	[tilespmem:v8+s19+$0x0] =	vst.idx.msk $0xffff, v2  }
0x44: {  	[tilespmem:v9+s19+$0x0] =	vst.idx.msk $0xffff, v2  }
0x45: {  	[bflag:$0x0] =	sbarrier.arrive $0xFFFF  }
0x46: {  	[tilespmem:s3], [sflag:$0x3] =	stream.strided.gather [hbm4b:s6+s20], $0x2700, s21, s20, $0x38;
	[tilespmem:$0x16208] =	vst v63  }
0x47: {  	_ =	swait.ge [sflag:s17], $0x2700  }
0x48: {  	[sflag:s17] =	ssyncset.done $0x0  }
0x49: {  	[sflag:s17] =	ssyncadd.s32 $0xFFFFD900  }
0x4a: {  	[tilespmem:s22], [sflag:$0x3] =	stream.linear.gather [hbm4b:s7+s3], $0x4E00, $0x38;
	[tilespmem:$0x16208] =	vst v63  }
0x4b: {  	_ =	swait.ge [sflag:s17], $0x4E00  }
0x4c: {  	[sflag:s17] =	ssyncset.done $0x0  }
0x4d: {  	s1 =	simm.s32 $0x2A80;
	s0 =	simm.s32 $0x0;
	[sflag:s17] =	ssyncadd.s32 $0xFFFFB200  }
0x4e: {  	[tilespmem:s23], [sflag:$0x2] =	stream.linear.gather [hbm4b:s8+s3], $0x4E00, $0x38;
	[tilespmem:$0x16208] =	vst v63  }
.LBB2_2:
0x4f: {  	v41 =	vld [tilespmem:s1+$0xFFFFFD00];
	_ =	sdelay $0x4  }
0x50: {  	[tilespmem:v0+s16+$0x0] =	vst.idx.msk $0xffff, v41  }
0x51: {  	v41 =	vld [tilespmem:s1+$0xFFFFFD80];
	_ =	sdelay $0x4  }
0x52: {  	[tilespmem:v10+s16+$0x0] =	vst.idx.msk $0xffff, v41  }
0x53: {  	v41 =	vld [tilespmem:s1+$0xFFFFFE00];
	_ =	sdelay $0x4  }
0x54: {  	[tilespmem:v11+s16+$0x0] =	vst.idx.msk $0xffff, v41  }
0x55: {  	v41 =	vld [tilespmem:s1+$0xFFFFFE80];
	_ =	sdelay $0x4  }
0x56: {  	[tilespmem:v12+s16+$0x0] =	vst.idx.msk $0xffff, v41  }
0x57: {  	v41 =	vld [tilespmem:s1+$0xFFFFFD10];
	_ =	sdelay $0x4  }
0x58: {  	[tilespmem:v13+s16+$0x0] =	vst.idx.msk $0xffff, v41  }
0x59: {  	v41 =	vld [tilespmem:s1+$0xFFFFFD90];
	_ =	sdelay $0x4  }
0x5a: {  	[tilespmem:v14+s16+$0x0] =	vst.idx.msk $0xffff, v41  }
0x5b: {  	v41 =	vld [tilespmem:s1+$0xFFFFFE10];
	_ =	sdelay $0x4  }
0x5c: {  	[tilespmem:v15+s16+$0x0] =	vst.idx.msk $0xffff, v41  }
0x5d: {  	v41 =	vld [tilespmem:s1+$0xFFFFFE90];
	_ =	sdelay $0x4  }
0x5e: {  	[tilespmem:v16+s16+$0x0] =	vst.idx.msk $0xffff, v41  }
0x5f: {  	v41 =	vld [tilespmem:s1+$0xFFFFFD20];
	_ =	sdelay $0x4  }
0x60: {  	[tilespmem:v17+s16+$0x0] =	vst.idx.msk $0xffff, v41  }
0x61: {  	v41 =	vld [tilespmem:s1+$0xFFFFFDA0];
	_ =	sdelay $0x4  }
0x62: {  	[tilespmem:v18+s16+$0x0] =	vst.idx.msk $0xffff, v41  }
0x63: {  	v41 =	vld [tilespmem:s1+$0xFFFFFE20];
	_ =	sdelay $0x4  }
0x64: {  	[tilespmem:v19+s16+$0x0] =	vst.idx.msk $0xffff, v41  }
0x65: {  	v41 =	vld [tilespmem:s1+$0xFFFFFEA0];
	_ =	sdelay $0x4  }
0x66: {  	[tilespmem:v20+s16+$0x0] =	vst.idx.msk $0xffff, v41  }
0x67: {  	v41 =	vld [tilespmem:s1+$0xFFFFFD30];
	_ =	sdelay $0x4  }
0x68: {  	[tilespmem:v21+s16+$0x0] =	vst.idx.msk $0xffff, v41  }
0x69: {  	v41 =	vld [tilespmem:s1+$0xFFFFFDB0];
	_ =	sdelay $0x4  }
0x6a: {  	[tilespmem:v22+s16+$0x0] =	vst.idx.msk $0xffff, v41  }
0x6b: {  	v41 =	vld [tilespmem:s1+$0xFFFFFE30];
	_ =	sdelay $0x4  }
0x6c: {  	[tilespmem:v23+s16+$0x0] =	vst.idx.msk $0xffff, v41  }
0x6d: {  	v41 =	vld [tilespmem:s1+$0xFFFFFEB0];
	_ =	sdelay $0x4  }
0x6e: {  	[tilespmem:v24+s16+$0x0] =	vst.idx.msk $0xffff, v41  }
0x6f: {  	v41 =	vld [tilespmem:s1+$0xFFFFFD40];
	_ =	sdelay $0x4  }
0x70: {  	[tilespmem:v25+s16+$0x0] =	vst.idx.msk $0xffff, v41  }
0x71: {  	v41 =	vld [tilespmem:s1+$0xFFFFFDC0];
	_ =	sdelay $0x4  }
0x72: {  	[tilespmem:v26+s16+$0x0] =	vst.idx.msk $0xffff, v41  }
0x73: {  	v41 =	vld [tilespmem:s1+$0xFFFFFE40];
	_ =	sdelay $0x4  }
0x74: {  	[tilespmem:v27+s16+$0x0] =	vst.idx.msk $0xffff, v41  }
0x75: {  	v41 =	vld [tilespmem:s1+$0xFFFFFEC0];
	_ =	sdelay $0x4  }
0x76: {  	[tilespmem:v28+s16+$0x0] =	vst.idx.msk $0xffff, v41  }
0x77: {  	v41 =	vld [tilespmem:s1+$0xFFFFFD50];
	_ =	sdelay $0x4  }
0x78: {  	[tilespmem:v29+s16+$0x0] =	vst.idx.msk $0xffff, v41  }
0x79: {  	v41 =	vld [tilespmem:s1+$0xFFFFFDD0];
	_ =	sdelay $0x4  }
0x7a: {  	[tilespmem:v30+s16+$0x0] =	vst.idx.msk $0xffff, v41  }
0x7b: {  	v41 =	vld [tilespmem:s1+$0xFFFFFE50];
	_ =	sdelay $0x4  }
0x7c: {  	[tilespmem:v31+s16+$0x0] =	vst.idx.msk $0xffff, v41  }
0x7d: {  	v41 =	vld [tilespmem:s1+$0xFFFFFED0];
	_ =	sdelay $0x4  }
0x7e: {  	[tilespmem:v32+s16+$0x0] =	vst.idx.msk $0xffff, v41  }
0x7f: {  	v41 =	vld [tilespmem:s1+$0xFFFFFD60];
	_ =	sdelay $0x4  }
0x80: {  	[tilespmem:v33+s16+$0x0] =	vst.idx.msk $0xffff, v41  }
0x81: {  	v41 =	vld [tilespmem:s1+$0xFFFFFDE0];
	_ =	sdelay $0x4  }
0x82: {  	[tilespmem:v34+s16+$0x0] =	vst.idx.msk $0xffff, v41  }
0x83: {  	v41 =	vld [tilespmem:s1+$0xFFFFFE60];
	_ =	sdelay $0x4  }
0x84: {  	[tilespmem:v35+s16+$0x0] =	vst.idx.msk $0xffff, v41  }
0x85: {  	v41 =	vld [tilespmem:s1+$0xFFFFFEE0];
	_ =	sdelay $0x4  }
0x86: {  	[tilespmem:v36+s16+$0x0] =	vst.idx.msk $0xffff, v41  }
0x87: {  	v41 =	vld [tilespmem:s1+$0xFFFFFD70];
	_ =	sdelay $0x4  }
0x88: {  	[tilespmem:v37+s16+$0x0] =	vst.idx.msk $0xffff, v41  }
0x89: {  	v41 =	vld [tilespmem:s1+$0xFFFFFDF0];
	_ =	sdelay $0x4  }
0x8a: {  	[tilespmem:v38+s16+$0x0] =	vst.idx.msk $0xffff, v41  }
0x8b: {  	v41 =	vld [tilespmem:s1+$0xFFFFFE70];
	_ =	sdelay $0x4  }
0x8c: {  	[tilespmem:v39+s16+$0x0] =	vst.idx.msk $0xffff, v41  }
0x8d: {  	v41 =	vld [tilespmem:s1+$0xFFFFFEF0];
	_ =	sdelay $0x4  }
0x8e: {  	s28 =	sshra.s32 s0, $0x2;
	[tilespmem:v40+s16+$0x0] =	vst.idx.msk $0xffff, v41  }
0x8f: {  	[spmem:s2] =	stream.indirect.scatter.add.f32 [tilespmem:s16], [sflag:$0x1], $0x8, s28, s20, $0xb8;
	[tilespmem:$0x16208] =	vst v63  }
0x90: {  	v41 =	vld [tilespmem:s1+$0xFFFFFF00];
	_ =	sdelay $0x4  }
0x91: {  	[tilespmem:v0+s18+$0x0] =	vst.idx.msk $0xffff, v41  }
0x92: {  	v41 =	vld [tilespmem:s1+$0xFFFFFF80];
	_ =	sdelay $0x4  }
0x93: {  	[tilespmem:v10+s18+$0x0] =	vst.idx.msk $0xffff, v41  }
0x94: {  	v41 =	vld [tilespmem:s1+$0x0];
	_ =	sdelay $0x4  }
0x95: {  	[tilespmem:v11+s18+$0x0] =	vst.idx.msk $0xffff, v41  }
0x96: {  	v41 =	vld [tilespmem:s1+$0x80];
	_ =	sdelay $0x4  }
0x97: {  	[tilespmem:v12+s18+$0x0] =	vst.idx.msk $0xffff, v41  }
0x98: {  	v41 =	vld [tilespmem:s1+$0xFFFFFF10];
	_ =	sdelay $0x4  }
0x99: {  	[tilespmem:v13+s18+$0x0] =	vst.idx.msk $0xffff, v41  }
0x9a: {  	v41 =	vld [tilespmem:s1+$0xFFFFFF90];
	_ =	sdelay $0x4  }
0x9b: {  	[tilespmem:v14+s18+$0x0] =	vst.idx.msk $0xffff, v41  }
0x9c: {  	v41 =	vld [tilespmem:s1+$0x10];
	_ =	sdelay $0x4  }
0x9d: {  	[tilespmem:v15+s18+$0x0] =	vst.idx.msk $0xffff, v41  }
0x9e: {  	v41 =	vld [tilespmem:s1+$0x90];
	_ =	sdelay $0x4  }
0x9f: {  	[tilespmem:v16+s18+$0x0] =	vst.idx.msk $0xffff, v41  }
0xa0: {  	v41 =	vld [tilespmem:s1+$0xFFFFFF20];
	_ =	sdelay $0x4  }
0xa1: {  	[tilespmem:v17+s18+$0x0] =	vst.idx.msk $0xffff, v41  }
0xa2: {  	v41 =	vld [tilespmem:s1+$0xFFFFFFA0];
	_ =	sdelay $0x4  }
0xa3: {  	[tilespmem:v18+s18+$0x0] =	vst.idx.msk $0xffff, v41  }
0xa4: {  	v41 =	vld [tilespmem:s1+$0x20];
	_ =	sdelay $0x4  }
0xa5: {  	[tilespmem:v19+s18+$0x0] =	vst.idx.msk $0xffff, v41  }
0xa6: {  	v41 =	vld [tilespmem:s1+$0xA0];
	_ =	sdelay $0x4  }
0xa7: {  	[tilespmem:v20+s18+$0x0] =	vst.idx.msk $0xffff, v41  }
0xa8: {  	v41 =	vld [tilespmem:s1+$0xFFFFFF30];
	_ =	sdelay $0x4  }
0xa9: {  	[tilespmem:v21+s18+$0x0] =	vst.idx.msk $0xffff, v41  }
0xaa: {  	v41 =	vld [tilespmem:s1+$0xFFFFFFB0];
	_ =	sdelay $0x4  }
0xab: {  	[tilespmem:v22+s18+$0x0] =	vst.idx.msk $0xffff, v41  }
0xac: {  	v41 =	vld [tilespmem:s1+$0x30];
	_ =	sdelay $0x4  }
0xad: {  	[tilespmem:v23+s18+$0x0] =	vst.idx.msk $0xffff, v41  }
0xae: {  	v41 =	vld [tilespmem:s1+$0xB0];
	_ =	sdelay $0x4  }
0xaf: {  	[tilespmem:v24+s18+$0x0] =	vst.idx.msk $0xffff, v41  }
0xb0: {  	v41 =	vld [tilespmem:s1+$0xFFFFFF40];
	_ =	sdelay $0x4  }
0xb1: {  	[tilespmem:v25+s18+$0x0] =	vst.idx.msk $0xffff, v41  }
0xb2: {  	v41 =	vld [tilespmem:s1+$0xFFFFFFC0];
	_ =	sdelay $0x4  }
0xb3: {  	[tilespmem:v26+s18+$0x0] =	vst.idx.msk $0xffff, v41  }
0xb4: {  	v41 =	vld [tilespmem:s1+$0x40];
	_ =	sdelay $0x4  }
0xb5: {  	[tilespmem:v27+s18+$0x0] =	vst.idx.msk $0xffff, v41  }
0xb6: {  	v41 =	vld [tilespmem:s1+$0xC0];
	_ =	sdelay $0x4  }
0xb7: {  	[tilespmem:v28+s18+$0x0] =	vst.idx.msk $0xffff, v41  }
0xb8: {  	v41 =	vld [tilespmem:s1+$0xFFFFFF50];
	_ =	sdelay $0x4  }
0xb9: {  	[tilespmem:v29+s18+$0x0] =	vst.idx.msk $0xffff, v41  }
0xba: {  	v41 =	vld [tilespmem:s1+$0xFFFFFFD0];
	_ =	sdelay $0x4  }
0xbb: {  	[tilespmem:v30+s18+$0x0] =	vst.idx.msk $0xffff, v41  }
0xbc: {  	v41 =	vld [tilespmem:s1+$0x50];
	_ =	sdelay $0x4  }
0xbd: {  	[tilespmem:v31+s18+$0x0] =	vst.idx.msk $0xffff, v41  }
0xbe: {  	v41 =	vld [tilespmem:s1+$0xD0];
	_ =	sdelay $0x4  }
0xbf: {  	[tilespmem:v32+s18+$0x0] =	vst.idx.msk $0xffff, v41  }
0xc0: {  	v41 =	vld [tilespmem:s1+$0xFFFFFF60];
	_ =	sdelay $0x4  }
0xc1: {  	[tilespmem:v33+s18+$0x0] =	vst.idx.msk $0xffff, v41  }
0xc2: {  	v41 =	vld [tilespmem:s1+$0xFFFFFFE0];
	_ =	sdelay $0x4  }
0xc3: {  	[tilespmem:v34+s18+$0x0] =	vst.idx.msk $0xffff, v41  }
0xc4: {  	v41 =	vld [tilespmem:s1+$0x60];
	_ =	sdelay $0x4  }
0xc5: {  	[tilespmem:v35+s18+$0x0] =	vst.idx.msk $0xffff, v41  }
0xc6: {  	v41 =	vld [tilespmem:s1+$0xE0];
	_ =	sdelay $0x4  }
0xc7: {  	[tilespmem:v36+s18+$0x0] =	vst.idx.msk $0xffff, v41  }
0xc8: {  	v41 =	vld [tilespmem:s1+$0xFFFFFF70];
	_ =	sdelay $0x4  }
0xc9: {  	[tilespmem:v37+s18+$0x0] =	vst.idx.msk $0xffff, v41  }
0xca: {  	v41 =	vld [tilespmem:s1+$0xFFFFFFF0];
	_ =	sdelay $0x4  }
0xcb: {  	[tilespmem:v38+s18+$0x0] =	vst.idx.msk $0xffff, v41  }
0xcc: {  	v41 =	vld [tilespmem:s1+$0x70];
	_ =	sdelay $0x4  }
0xcd: {  	[tilespmem:v39+s18+$0x0] =	vst.idx.msk $0xffff, v41  }
0xce: {  	v41 =	vld [tilespmem:s1+$0xF0];
	_ =	sdelay $0x4  }
0xcf: {  	s29 =	sadd.s32 $0x80, s28;
	[tilespmem:v40+s18+$0x0] =	vst.idx.msk $0xffff, v41  }
0xd0: {  	[spmem:s2] =	stream.indirect.scatter.add.f32 [tilespmem:s18], [sflag:$0x1], $0x8, s29, s20, $0xb8;
	[tilespmem:$0x16208] =	vst v63  }
0xd1: {  	v41 =	vld [tilespmem:s1+$0x100];
	_ =	sdelay $0x4  }
0xd2: {  	[tilespmem:v0+s19+$0x0] =	vst.idx.msk $0xffff, v41  }
0xd3: {  	v41 =	vld [tilespmem:s1+$0x180];
	_ =	sdelay $0x4  }
0xd4: {  	[tilespmem:v10+s19+$0x0] =	vst.idx.msk $0xffff, v41  }
0xd5: {  	v41 =	vld [tilespmem:s1+$0x200];
	_ =	sdelay $0x4  }
0xd6: {  	[tilespmem:v11+s19+$0x0] =	vst.idx.msk $0xffff, v41  }
0xd7: {  	v41 =	vld [tilespmem:s1+$0x280];
	_ =	sdelay $0x4  }
0xd8: {  	[tilespmem:v12+s19+$0x0] =	vst.idx.msk $0xffff, v41  }
0xd9: {  	v41 =	vld [tilespmem:s1+$0x110];
	_ =	sdelay $0x4  }
0xda: {  	[tilespmem:v13+s19+$0x0] =	vst.idx.msk $0xffff, v41  }
0xdb: {  	v41 =	vld [tilespmem:s1+$0x190];
	_ =	sdelay $0x4  }
0xdc: {  	[tilespmem:v14+s19+$0x0] =	vst.idx.msk $0xffff, v41  }
0xdd: {  	v41 =	vld [tilespmem:s1+$0x210];
	_ =	sdelay $0x4  }
0xde: {  	[tilespmem:v15+s19+$0x0] =	vst.idx.msk $0xffff, v41  }
0xdf: {  	v41 =	vld [tilespmem:s1+$0x290];
	_ =	sdelay $0x4  }
0xe0: {  	[tilespmem:v16+s19+$0x0] =	vst.idx.msk $0xffff, v41  }
0xe1: {  	v41 =	vld [tilespmem:s1+$0x120];
	_ =	sdelay $0x4  }
0xe2: {  	[tilespmem:v17+s19+$0x0] =	vst.idx.msk $0xffff, v41  }
0xe3: {  	v41 =	vld [tilespmem:s1+$0x1A0];
	_ =	sdelay $0x4  }
0xe4: {  	[tilespmem:v18+s19+$0x0] =	vst.idx.msk $0xffff, v41  }
0xe5: {  	v41 =	vld [tilespmem:s1+$0x220];
	_ =	sdelay $0x4  }
0xe6: {  	[tilespmem:v19+s19+$0x0] =	vst.idx.msk $0xffff, v41  }
0xe7: {  	v41 =	vld [tilespmem:s1+$0x2A0];
	_ =	sdelay $0x4  }
0xe8: {  	[tilespmem:v20+s19+$0x0] =	vst.idx.msk $0xffff, v41  }
0xe9: {  	v41 =	vld [tilespmem:s1+$0x130];
	_ =	sdelay $0x4  }
0xea: {  	[tilespmem:v21+s19+$0x0] =	vst.idx.msk $0xffff, v41  }
0xeb: {  	v41 =	vld [tilespmem:s1+$0x1B0];
	_ =	sdelay $0x4  }
0xec: {  	[tilespmem:v22+s19+$0x0] =	vst.idx.msk $0xffff, v41  }
0xed: {  	v41 =	vld [tilespmem:s1+$0x230];
	_ =	sdelay $0x4  }
0xee: {  	[tilespmem:v23+s19+$0x0] =	vst.idx.msk $0xffff, v41  }
0xef: {  	v41 =	vld [tilespmem:s1+$0x2B0];
	_ =	sdelay $0x4  }
0xf0: {  	[tilespmem:v24+s19+$0x0] =	vst.idx.msk $0xffff, v41  }
0xf1: {  	v41 =	vld [tilespmem:s1+$0x140];
	_ =	sdelay $0x4  }
0xf2: {  	[tilespmem:v25+s19+$0x0] =	vst.idx.msk $0xffff, v41  }
0xf3: {  	v41 =	vld [tilespmem:s1+$0x1C0];
	_ =	sdelay $0x4  }
0xf4: {  	[tilespmem:v26+s19+$0x0] =	vst.idx.msk $0xffff, v41  }
0xf5: {  	v41 =	vld [tilespmem:s1+$0x240];
	_ =	sdelay $0x4  }
0xf6: {  	[tilespmem:v27+s19+$0x0] =	vst.idx.msk $0xffff, v41  }
0xf7: {  	v41 =	vld [tilespmem:s1+$0x2C0];
	_ =	sdelay $0x4  }
0xf8: {  	[tilespmem:v28+s19+$0x0] =	vst.idx.msk $0xffff, v41  }
0xf9: {  	v41 =	vld [tilespmem:s1+$0x150];
	_ =	sdelay $0x4  }
0xfa: {  	[tilespmem:v29+s19+$0x0] =	vst.idx.msk $0xffff, v41  }
0xfb: {  	v41 =	vld [tilespmem:s1+$0x1D0];
	_ =	sdelay $0x4  }
0xfc: {  	[tilespmem:v30+s19+$0x0] =	vst.idx.msk $0xffff, v41  }
0xfd: {  	v41 =	vld [tilespmem:s1+$0x250];
	_ =	sdelay $0x4  }
0xfe: {  	[tilespmem:v31+s19+$0x0] =	vst.idx.msk $0xffff, v41  }
0xff: {  	v41 =	vld [tilespmem:s1+$0x2D0];
	_ =	sdelay $0x4  }
0x100: {  	[tilespmem:v32+s19+$0x0] =	vst.idx.msk $0xffff, v41  }
0x101: {  	v41 =	vld [tilespmem:s1+$0x160];
	_ =	sdelay $0x4  }
0x102: {  	[tilespmem:v33+s19+$0x0] =	vst.idx.msk $0xffff, v41  }
0x103: {  	v41 =	vld [tilespmem:s1+$0x1E0];
	_ =	sdelay $0x4  }
0x104: {  	[tilespmem:v34+s19+$0x0] =	vst.idx.msk $0xffff, v41  }
0x105: {  	v41 =	vld [tilespmem:s1+$0x260];
	_ =	sdelay $0x4  }
0x106: {  	[tilespmem:v35+s19+$0x0] =	vst.idx.msk $0xffff, v41  }
0x107: {  	v41 =	vld [tilespmem:s1+$0x2E0];
	_ =	sdelay $0x4  }
0x108: {  	[tilespmem:v36+s19+$0x0] =	vst.idx.msk $0xffff, v41  }
0x109: {  	v41 =	vld [tilespmem:s1+$0x170];
	_ =	sdelay $0x4  }
0x10a: {  	[tilespmem:v37+s19+$0x0] =	vst.idx.msk $0xffff, v41  }
0x10b: {  	v41 =	vld [tilespmem:s1+$0x1F0];
	_ =	sdelay $0x4  }
0x10c: {  	[tilespmem:v38+s19+$0x0] =	vst.idx.msk $0xffff, v41  }
0x10d: {  	v41 =	vld [tilespmem:s1+$0x270];
	_ =	sdelay $0x4  }
0x10e: {  	[tilespmem:v39+s19+$0x0] =	vst.idx.msk $0xffff, v41  }
0x10f: {  	v41 =	vld [tilespmem:s1+$0x2F0];
	_ =	sdelay $0x4  }
0x110: {  	s28 =	sadd.s32 $0x100, s28;
	[tilespmem:v40+s19+$0x0] =	vst.idx.msk $0xffff, v41  }
0x111: {  	[spmem:s2] =	stream.indirect.scatter.add.f32 [tilespmem:s19], [sflag:$0x1], $0x8, s28, s20, $0xb8;
	[tilespmem:$0x16208] =	vst v63  }
0x112: {  	_ =	swait.ge [sflag:s24], $0x400  }
0x113: {  	[sflag:s24] =	ssyncset.done $0x0  }
0x114: {  	[sflag:s24] =	ssyncadd.s32 $0xFFFFFC00  }
0x115: {  	p3 =	sne.s32 s0, $0x4800;
	_ =	swait.ge [sflag:s24], $0x400  }
.Ltmp2:
0x116: {  	[sflag:s24] =	ssyncset.done $0x0;
	(pc) =	sbr.rel @p3 .LBB2_2-.Ltmp2, $4  }
0x117: {  	[sflag:s24] =	ssyncadd.s32 $0xFFFFFC00  }
0x118: {  	_ =	swait.ge [sflag:s24], $0x400  }
0x119: {  	[sflag:s24] =	ssyncset.done $0x0  }
0x11a: {  	s0 =	sadd.s32 $0x600, s0;
	s1 =	sadd.s32 $0x600, s1;
	[sflag:s24] =	ssyncadd.s32 $0xFFFFFC00  }
0x11b: {  	_ =	swait.ge [sflag:s25], $0x4E00  }
0x11c: {  	[sflag:s25] =	ssyncset.done $0x0  }
0x11d: {  	s1 =	simm.s32 $0x0;
	s0 =	simm.s32 $0x1480;
	[sflag:s25] =	ssyncadd.s32 $0xFFFFB200  }
.LBB2_4:
0x11e: {  	s28 =	sshra.s32 s1, $0x2  }
0x11f: {  	v41 =	vld [tilespmem:s28+$0x7580];
	_ =	sdelay $0x4  }
0x120: {  	[tilespmem:v0+s16+$0x0] =	vst.idx.msk $0xffff, v41  }
0x121: {  	v41 =	vld [tilespmem:s28+$0x7600];
	_ =	sdelay $0x4  }
0x122: {  	[tilespmem:v10+s16+$0x0] =	vst.idx.msk $0xffff, v41  }
0x123: {  	v41 =	vld [tilespmem:s28+$0x7680];
	_ =	sdelay $0x4  }
0x124: {  	[tilespmem:v11+s16+$0x0] =	vst.idx.msk $0xffff, v41  }
0x125: {  	v41 =	vld [tilespmem:s28+$0x7700];
	_ =	sdelay $0x4  }
0x126: {  	[tilespmem:v12+s16+$0x0] =	vst.idx.msk $0xffff, v41  }
0x127: {  	v41 =	vld [tilespmem:s28+$0x7590];
	_ =	sdelay $0x4  }
0x128: {  	[tilespmem:v13+s16+$0x0] =	vst.idx.msk $0xffff, v41  }
0x129: {  	v41 =	vld [tilespmem:s28+$0x7610];
	_ =	sdelay $0x4  }
0x12a: {  	[tilespmem:v14+s16+$0x0] =	vst.idx.msk $0xffff, v41  }
0x12b: {  	v41 =	vld [tilespmem:s28+$0x7690];
	_ =	sdelay $0x4  }
0x12c: {  	[tilespmem:v15+s16+$0x0] =	vst.idx.msk $0xffff, v41  }
0x12d: {  	v41 =	vld [tilespmem:s28+$0x7710];
	_ =	sdelay $0x4  }
0x12e: {  	[tilespmem:v16+s16+$0x0] =	vst.idx.msk $0xffff, v41  }
0x12f: {  	v41 =	vld [tilespmem:s28+$0x75A0];
	_ =	sdelay $0x4  }
0x130: {  	[tilespmem:v17+s16+$0x0] =	vst.idx.msk $0xffff, v41  }
0x131: {  	v41 =	vld [tilespmem:s28+$0x7620];
	_ =	sdelay $0x4  }
0x132: {  	[tilespmem:v18+s16+$0x0] =	vst.idx.msk $0xffff, v41  }
0x133: {  	v41 =	vld [tilespmem:s28+$0x76A0];
	_ =	sdelay $0x4  }
0x134: {  	[tilespmem:v19+s16+$0x0] =	vst.idx.msk $0xffff, v41  }
0x135: {  	v41 =	vld [tilespmem:s28+$0x7720];
	_ =	sdelay $0x4  }
0x136: {  	[tilespmem:v20+s16+$0x0] =	vst.idx.msk $0xffff, v41  }
0x137: {  	v41 =	vld [tilespmem:s28+$0x75B0];
	_ =	sdelay $0x4  }
0x138: {  	[tilespmem:v21+s16+$0x0] =	vst.idx.msk $0xffff, v41  }
0x139: {  	v41 =	vld [tilespmem:s28+$0x7630];
	_ =	sdelay $0x4  }
0x13a: {  	[tilespmem:v22+s16+$0x0] =	vst.idx.msk $0xffff, v41  }
0x13b: {  	v41 =	vld [tilespmem:s28+$0x76B0];
	_ =	sdelay $0x4  }
0x13c: {  	[tilespmem:v23+s16+$0x0] =	vst.idx.msk $0xffff, v41  }
0x13d: {  	v41 =	vld [tilespmem:s28+$0x7730];
	_ =	sdelay $0x4  }
0x13e: {  	[tilespmem:v24+s16+$0x0] =	vst.idx.msk $0xffff, v41  }
0x13f: {  	v41 =	vld [tilespmem:s28+$0x75C0];
	_ =	sdelay $0x4  }
0x140: {  	[tilespmem:v25+s16+$0x0] =	vst.idx.msk $0xffff, v41  }
0x141: {  	v41 =	vld [tilespmem:s28+$0x7640];
	_ =	sdelay $0x4  }
0x142: {  	[tilespmem:v26+s16+$0x0] =	vst.idx.msk $0xffff, v41  }
0x143: {  	v41 =	vld [tilespmem:s28+$0x76C0];
	_ =	sdelay $0x4  }
0x144: {  	[tilespmem:v27+s16+$0x0] =	vst.idx.msk $0xffff, v41  }
0x145: {  	v41 =	vld [tilespmem:s28+$0x7740];
	_ =	sdelay $0x4  }
0x146: {  	[tilespmem:v28+s16+$0x0] =	vst.idx.msk $0xffff, v41  }
0x147: {  	v41 =	vld [tilespmem:s28+$0x75D0];
	_ =	sdelay $0x4  }
0x148: {  	[tilespmem:v29+s16+$0x0] =	vst.idx.msk $0xffff, v41  }
0x149: {  	v41 =	vld [tilespmem:s28+$0x7650];
	_ =	sdelay $0x4  }
0x14a: {  	[tilespmem:v30+s16+$0x0] =	vst.idx.msk $0xffff, v41  }
0x14b: {  	v41 =	vld [tilespmem:s28+$0x76D0];
	_ =	sdelay $0x4  }
0x14c: {  	[tilespmem:v31+s16+$0x0] =	vst.idx.msk $0xffff, v41  }
0x14d: {  	v41 =	vld [tilespmem:s28+$0x7750];
	_ =	sdelay $0x4  }
0x14e: {  	[tilespmem:v32+s16+$0x0] =	vst.idx.msk $0xffff, v41  }
0x14f: {  	v41 =	vld [tilespmem:s28+$0x75E0];
	_ =	sdelay $0x4  }
0x150: {  	[tilespmem:v33+s16+$0x0] =	vst.idx.msk $0xffff, v41  }
0x151: {  	v41 =	vld [tilespmem:s28+$0x7660];
	_ =	sdelay $0x4  }
0x152: {  	[tilespmem:v34+s16+$0x0] =	vst.idx.msk $0xffff, v41  }
0x153: {  	v41 =	vld [tilespmem:s28+$0x76E0];
	_ =	sdelay $0x4  }
0x154: {  	[tilespmem:v35+s16+$0x0] =	vst.idx.msk $0xffff, v41  }
0x155: {  	v41 =	vld [tilespmem:s28+$0x7760];
	_ =	sdelay $0x4  }
0x156: {  	[tilespmem:v36+s16+$0x0] =	vst.idx.msk $0xffff, v41  }
0x157: {  	v41 =	vld [tilespmem:s28+$0x75F0];
	_ =	sdelay $0x4  }
0x158: {  	[tilespmem:v37+s16+$0x0] =	vst.idx.msk $0xffff, v41  }
0x159: {  	v41 =	vld [tilespmem:s28+$0x7670];
	_ =	sdelay $0x4  }
0x15a: {  	[tilespmem:v38+s16+$0x0] =	vst.idx.msk $0xffff, v41  }
0x15b: {  	v41 =	vld [tilespmem:s28+$0x76F0];
	_ =	sdelay $0x4  }
0x15c: {  	[tilespmem:v39+s16+$0x0] =	vst.idx.msk $0xffff, v41  }
0x15d: {  	v41 =	vld [tilespmem:s28+$0x7770];
	_ =	sdelay $0x4  }
0x15e: {  	s29 =	sadd.s32 $0xFFFFFF00, s0;
	[tilespmem:v40+s16+$0x0] =	vst.idx.msk $0xffff, v41  }
0x15f: {  	[spmem:s2] =	stream.indirect.scatter.add.f32 [tilespmem:s16], [sflag:$0x1], $0x8, s29, s20, $0xb8;
	[tilespmem:$0x16208] =	vst v63  }
0x160: {  	v41 =	vld [tilespmem:s28+$0x7780];
	_ =	sdelay $0x4  }
0x161: {  	[tilespmem:v0+s18+$0x0] =	vst.idx.msk $0xffff, v41  }
0x162: {  	v41 =	vld [tilespmem:s28+$0x7800];
	_ =	sdelay $0x4  }
0x163: {  	[tilespmem:v10+s18+$0x0] =	vst.idx.msk $0xffff, v41  }
0x164: {  	v41 =	vld [tilespmem:s28+$0x7880];
	_ =	sdelay $0x4  }
0x165: {  	[tilespmem:v11+s18+$0x0] =	vst.idx.msk $0xffff, v41  }
0x166: {  	v41 =	vld [tilespmem:s28+$0x7900];
	_ =	sdelay $0x4  }
0x167: {  	[tilespmem:v12+s18+$0x0] =	vst.idx.msk $0xffff, v41  }
0x168: {  	v41 =	vld [tilespmem:s28+$0x7790];
	_ =	sdelay $0x4  }
0x169: {  	[tilespmem:v13+s18+$0x0] =	vst.idx.msk $0xffff, v41  }
0x16a: {  	v41 =	vld [tilespmem:s28+$0x7810];
	_ =	sdelay $0x4  }
0x16b: {  	[tilespmem:v14+s18+$0x0] =	vst.idx.msk $0xffff, v41  }
0x16c: {  	v41 =	vld [tilespmem:s28+$0x7890];
	_ =	sdelay $0x4  }
0x16d: {  	[tilespmem:v15+s18+$0x0] =	vst.idx.msk $0xffff, v41  }
0x16e: {  	v41 =	vld [tilespmem:s28+$0x7910];
	_ =	sdelay $0x4  }
0x16f: {  	[tilespmem:v16+s18+$0x0] =	vst.idx.msk $0xffff, v41  }
0x170: {  	v41 =	vld [tilespmem:s28+$0x77A0];
	_ =	sdelay $0x4  }
0x171: {  	[tilespmem:v17+s18+$0x0] =	vst.idx.msk $0xffff, v41  }
0x172: {  	v41 =	vld [tilespmem:s28+$0x7820];
	_ =	sdelay $0x4  }
0x173: {  	[tilespmem:v18+s18+$0x0] =	vst.idx.msk $0xffff, v41  }
0x174: {  	v41 =	vld [tilespmem:s28+$0x78A0];
	_ =	sdelay $0x4  }
0x175: {  	[tilespmem:v19+s18+$0x0] =	vst.idx.msk $0xffff, v41  }
0x176: {  	v41 =	vld [tilespmem:s28+$0x7920];
	_ =	sdelay $0x4  }
0x177: {  	[tilespmem:v20+s18+$0x0] =	vst.idx.msk $0xffff, v41  }
0x178: {  	v41 =	vld [tilespmem:s28+$0x77B0];
	_ =	sdelay $0x4  }
0x179: {  	[tilespmem:v21+s18+$0x0] =	vst.idx.msk $0xffff, v41  }
0x17a: {  	v41 =	vld [tilespmem:s28+$0x7830];
	_ =	sdelay $0x4  }
0x17b: {  	[tilespmem:v22+s18+$0x0] =	vst.idx.msk $0xffff, v41  }
0x17c: {  	v41 =	vld [tilespmem:s28+$0x78B0];
	_ =	sdelay $0x4  }
0x17d: {  	[tilespmem:v23+s18+$0x0] =	vst.idx.msk $0xffff, v41  }
0x17e: {  	v41 =	vld [tilespmem:s28+$0x7930];
	_ =	sdelay $0x4  }
0x17f: {  	[tilespmem:v24+s18+$0x0] =	vst.idx.msk $0xffff, v41  }
0x180: {  	v41 =	vld [tilespmem:s28+$0x77C0];
	_ =	sdelay $0x4  }
0x181: {  	[tilespmem:v25+s18+$0x0] =	vst.idx.msk $0xffff, v41  }
0x182: {  	v41 =	vld [tilespmem:s28+$0x7840];
	_ =	sdelay $0x4  }
0x183: {  	[tilespmem:v26+s18+$0x0] =	vst.idx.msk $0xffff, v41  }
0x184: {  	v41 =	vld [tilespmem:s28+$0x78C0];
	_ =	sdelay $0x4  }
0x185: {  	[tilespmem:v27+s18+$0x0] =	vst.idx.msk $0xffff, v41  }
0x186: {  	v41 =	vld [tilespmem:s28+$0x7940];
	_ =	sdelay $0x4  }
0x187: {  	[tilespmem:v28+s18+$0x0] =	vst.idx.msk $0xffff, v41  }
0x188: {  	v41 =	vld [tilespmem:s28+$0x77D0];
	_ =	sdelay $0x4  }
0x189: {  	[tilespmem:v29+s18+$0x0] =	vst.idx.msk $0xffff, v41  }
0x18a: {  	v41 =	vld [tilespmem:s28+$0x7850];
	_ =	sdelay $0x4  }
0x18b: {  	[tilespmem:v30+s18+$0x0] =	vst.idx.msk $0xffff, v41  }
0x18c: {  	v41 =	vld [tilespmem:s28+$0x78D0];
	_ =	sdelay $0x4  }
0x18d: {  	[tilespmem:v31+s18+$0x0] =	vst.idx.msk $0xffff, v41  }
0x18e: {  	v41 =	vld [tilespmem:s28+$0x7950];
	_ =	sdelay $0x4  }
0x18f: {  	[tilespmem:v32+s18+$0x0] =	vst.idx.msk $0xffff, v41  }
0x190: {  	v41 =	vld [tilespmem:s28+$0x77E0];
	_ =	sdelay $0x4  }
0x191: {  	[tilespmem:v33+s18+$0x0] =	vst.idx.msk $0xffff, v41  }
0x192: {  	v41 =	vld [tilespmem:s28+$0x7860];
	_ =	sdelay $0x4  }
0x193: {  	[tilespmem:v34+s18+$0x0] =	vst.idx.msk $0xffff, v41  }
0x194: {  	v41 =	vld [tilespmem:s28+$0x78E0];
	_ =	sdelay $0x4  }
0x195: {  	[tilespmem:v35+s18+$0x0] =	vst.idx.msk $0xffff, v41  }
0x196: {  	v41 =	vld [tilespmem:s28+$0x7960];
	_ =	sdelay $0x4  }
0x197: {  	[tilespmem:v36+s18+$0x0] =	vst.idx.msk $0xffff, v41  }
0x198: {  	v41 =	vld [tilespmem:s28+$0x77F0];
	_ =	sdelay $0x4  }
0x199: {  	[tilespmem:v37+s18+$0x0] =	vst.idx.msk $0xffff, v41  }
0x19a: {  	v41 =	vld [tilespmem:s28+$0x7870];
	_ =	sdelay $0x4  }
0x19b: {  	[tilespmem:v38+s18+$0x0] =	vst.idx.msk $0xffff, v41  }
0x19c: {  	v41 =	vld [tilespmem:s28+$0x78F0];
	_ =	sdelay $0x4  }
0x19d: {  	[tilespmem:v39+s18+$0x0] =	vst.idx.msk $0xffff, v41  }
0x19e: {  	v41 =	vld [tilespmem:s28+$0x7970];
	_ =	sdelay $0x4  }
0x19f: {  	s29 =	sadd.s32 $0xFFFFFF80, s0;
	[tilespmem:v40+s18+$0x0] =	vst.idx.msk $0xffff, v41  }
0x1a0: {  	[spmem:s2] =	stream.indirect.scatter.add.f32 [tilespmem:s18], [sflag:$0x1], $0x8, s29, s20, $0xb8;
	[tilespmem:$0x16208] =	vst v63  }
0x1a1: {  	v41 =	vld [tilespmem:s28+$0x7980];
	_ =	sdelay $0x4  }
0x1a2: {  	[tilespmem:v0+s19+$0x0] =	vst.idx.msk $0xffff, v41  }
0x1a3: {  	v41 =	vld [tilespmem:s28+$0x7A00];
	_ =	sdelay $0x4  }
0x1a4: {  	[tilespmem:v10+s19+$0x0] =	vst.idx.msk $0xffff, v41  }
0x1a5: {  	v41 =	vld [tilespmem:s28+$0x7A80];
	_ =	sdelay $0x4  }
0x1a6: {  	[tilespmem:v11+s19+$0x0] =	vst.idx.msk $0xffff, v41  }
0x1a7: {  	v41 =	vld [tilespmem:s28+$0x7B00];
	_ =	sdelay $0x4  }
0x1a8: {  	[tilespmem:v12+s19+$0x0] =	vst.idx.msk $0xffff, v41  }
0x1a9: {  	v41 =	vld [tilespmem:s28+$0x7990];
	_ =	sdelay $0x4  }
0x1aa: {  	[tilespmem:v13+s19+$0x0] =	vst.idx.msk $0xffff, v41  }
0x1ab: {  	v41 =	vld [tilespmem:s28+$0x7A10];
	_ =	sdelay $0x4  }
0x1ac: {  	[tilespmem:v14+s19+$0x0] =	vst.idx.msk $0xffff, v41  }
0x1ad: {  	v41 =	vld [tilespmem:s28+$0x7A90];
	_ =	sdelay $0x4  }
0x1ae: {  	[tilespmem:v15+s19+$0x0] =	vst.idx.msk $0xffff, v41  }
0x1af: {  	v41 =	vld [tilespmem:s28+$0x7B10];
	_ =	sdelay $0x4  }
0x1b0: {  	[tilespmem:v16+s19+$0x0] =	vst.idx.msk $0xffff, v41  }
0x1b1: {  	v41 =	vld [tilespmem:s28+$0x79A0];
	_ =	sdelay $0x4  }
0x1b2: {  	[tilespmem:v17+s19+$0x0] =	vst.idx.msk $0xffff, v41  }
0x1b3: {  	v41 =	vld [tilespmem:s28+$0x7A20];
	_ =	sdelay $0x4  }
0x1b4: {  	[tilespmem:v18+s19+$0x0] =	vst.idx.msk $0xffff, v41  }
0x1b5: {  	v41 =	vld [tilespmem:s28+$0x7AA0];
	_ =	sdelay $0x4  }
0x1b6: {  	[tilespmem:v19+s19+$0x0] =	vst.idx.msk $0xffff, v41  }
0x1b7: {  	v41 =	vld [tilespmem:s28+$0x7B20];
	_ =	sdelay $0x4  }
0x1b8: {  	[tilespmem:v20+s19+$0x0] =	vst.idx.msk $0xffff, v41  }
0x1b9: {  	v41 =	vld [tilespmem:s28+$0x79B0];
	_ =	sdelay $0x4  }
0x1ba: {  	[tilespmem:v21+s19+$0x0] =	vst.idx.msk $0xffff, v41  }
0x1bb: {  	v41 =	vld [tilespmem:s28+$0x7A30];
	_ =	sdelay $0x4  }
0x1bc: {  	[tilespmem:v22+s19+$0x0] =	vst.idx.msk $0xffff, v41  }
0x1bd: {  	v41 =	vld [tilespmem:s28+$0x7AB0];
	_ =	sdelay $0x4  }
0x1be: {  	[tilespmem:v23+s19+$0x0] =	vst.idx.msk $0xffff, v41  }
0x1bf: {  	v41 =	vld [tilespmem:s28+$0x7B30];
	_ =	sdelay $0x4  }
0x1c0: {  	[tilespmem:v24+s19+$0x0] =	vst.idx.msk $0xffff, v41  }
0x1c1: {  	v41 =	vld [tilespmem:s28+$0x79C0];
	_ =	sdelay $0x4  }
0x1c2: {  	[tilespmem:v25+s19+$0x0] =	vst.idx.msk $0xffff, v41  }
0x1c3: {  	v41 =	vld [tilespmem:s28+$0x7A40];
	_ =	sdelay $0x4  }
0x1c4: {  	[tilespmem:v26+s19+$0x0] =	vst.idx.msk $0xffff, v41  }
0x1c5: {  	v41 =	vld [tilespmem:s28+$0x7AC0];
	_ =	sdelay $0x4  }
0x1c6: {  	[tilespmem:v27+s19+$0x0] =	vst.idx.msk $0xffff, v41  }
0x1c7: {  	v41 =	vld [tilespmem:s28+$0x7B40];
	_ =	sdelay $0x4  }
0x1c8: {  	[tilespmem:v28+s19+$0x0] =	vst.idx.msk $0xffff, v41  }
0x1c9: {  	v41 =	vld [tilespmem:s28+$0x79D0];
	_ =	sdelay $0x4  }
0x1ca: {  	[tilespmem:v29+s19+$0x0] =	vst.idx.msk $0xffff, v41  }
0x1cb: {  	v41 =	vld [tilespmem:s28+$0x7A50];
	_ =	sdelay $0x4  }
0x1cc: {  	[tilespmem:v30+s19+$0x0] =	vst.idx.msk $0xffff, v41  }
0x1cd: {  	v41 =	vld [tilespmem:s28+$0x7AD0];
	_ =	sdelay $0x4  }
0x1ce: {  	[tilespmem:v31+s19+$0x0] =	vst.idx.msk $0xffff, v41  }
0x1cf: {  	v41 =	vld [tilespmem:s28+$0x7B50];
	_ =	sdelay $0x4  }
0x1d0: {  	[tilespmem:v32+s19+$0x0] =	vst.idx.msk $0xffff, v41  }
0x1d1: {  	v41 =	vld [tilespmem:s28+$0x79E0];
	_ =	sdelay $0x4  }
0x1d2: {  	[tilespmem:v33+s19+$0x0] =	vst.idx.msk $0xffff, v41  }
0x1d3: {  	v41 =	vld [tilespmem:s28+$0x7A60];
	_ =	sdelay $0x4  }
0x1d4: {  	[tilespmem:v34+s19+$0x0] =	vst.idx.msk $0xffff, v41  }
0x1d5: {  	v41 =	vld [tilespmem:s28+$0x7AE0];
	_ =	sdelay $0x4  }
0x1d6: {  	[tilespmem:v35+s19+$0x0] =	vst.idx.msk $0xffff, v41  }
0x1d7: {  	v41 =	vld [tilespmem:s28+$0x7B60];
	_ =	sdelay $0x4  }
0x1d8: {  	[tilespmem:v36+s19+$0x0] =	vst.idx.msk $0xffff, v41  }
0x1d9: {  	v41 =	vld [tilespmem:s28+$0x79F0];
	_ =	sdelay $0x4  }
0x1da: {  	[tilespmem:v37+s19+$0x0] =	vst.idx.msk $0xffff, v41  }
0x1db: {  	v41 =	vld [tilespmem:s28+$0x7A70];
	_ =	sdelay $0x4  }
0x1dc: {  	[tilespmem:v38+s19+$0x0] =	vst.idx.msk $0xffff, v41  }
0x1dd: {  	v41 =	vld [tilespmem:s28+$0x7AF0];
	_ =	sdelay $0x4  }
0x1de: {  	[tilespmem:v39+s19+$0x0] =	vst.idx.msk $0xffff, v41  }
0x1df: {  	v41 =	vld [tilespmem:s28+$0x7B70];
	_ =	sdelay $0x4  }
0x1e0: {  	[tilespmem:v40+s19+$0x0] =	vst.idx.msk $0xffff, v41  }
0x1e1: {  	[spmem:s2] =	stream.indirect.scatter.add.f32 [tilespmem:s19], [sflag:$0x1], $0x8, s0, s20, $0xb8;
	[tilespmem:$0x16208] =	vst v63  }
0x1e2: {  	_ =	swait.ge [sflag:s24], $0x400  }
0x1e3: {  	[sflag:s24] =	ssyncset.done $0x0  }
0x1e4: {  	[sflag:s24] =	ssyncadd.s32 $0xFFFFFC00  }
0x1e5: {  	p3 =	sne.s32 s1, $0x12000;
	_ =	swait.ge [sflag:s24], $0x400  }
.Ltmp3:
0x1e6: {  	[sflag:s24] =	ssyncset.done $0x0;
	(pc) =	sbr.rel @p3 .LBB2_4-.Ltmp3, $4  }
0x1e7: {  	[sflag:s24] =	ssyncadd.s32 $0xFFFFFC00  }
0x1e8: {  	_ =	swait.ge [sflag:s24], $0x400  }
0x1e9: {  	[sflag:s24] =	ssyncset.done $0x0  }
0x1ea: {  	s1 =	sadd.s32 $0x1800, s1;
	s0 =	sadd.s32 $0x180, s0;
	[sflag:s24] =	ssyncadd.s32 $0xFFFFFC00  }
.Ltmp4:
0x1eb: {  	(pc) =	sbr.rel @p1 .LBB2_7-.Ltmp4, $1  }
0x1ec: {  	_ =	sdelay $0x3  }
0x1ed: {  	[tilespmem:s3], [sflag:$0x3] =	stream.linear.gather [hbm4b:s9+s3], $0x80, $0x38;
	[tilespmem:$0x16208] =	vst v63  }
0x1ee: {  	_ =	swait.ge [sflag:s17], $0x80  }
0x1ef: {  	[sflag:s17] =	ssyncset.done $0x0  }
0x1f0: {  	[sflag:s17] =	ssyncadd.s32 $0xFFFFFF80  }
0x1f1: {  	[tilespmem:s22], [sflag:$0x3] =	stream.linear.gather [hbm4b:s10+s3], $0x200, $0x38;
	[tilespmem:$0x16208] =	vst v63  }
0x1f2: {  	_ =	swait.ge [sflag:s17], $0x200  }
0x1f3: {  	[sflag:s17] =	ssyncset.done $0x0  }
0x1f4: {  	[sflag:s17] =	ssyncadd.s32 $0xFFFFFE00  }
0x1f5: {  	v41 =	vld [tilespmem:$0x2780];
	_ =	sdelay $0x4  }
0x1f6: {  	[tilespmem:v0+s16+$0x0] =	vst.idx.msk $0xffff, v41  }
0x1f7: {  	v41 =	vld [tilespmem:$0x2800];
	_ =	sdelay $0x4  }
0x1f8: {  	[tilespmem:v10+s16+$0x0] =	vst.idx.msk $0xffff, v41  }
0x1f9: {  	v41 =	vld [tilespmem:$0x2880];
	_ =	sdelay $0x4  }
0x1fa: {  	[tilespmem:v11+s16+$0x0] =	vst.idx.msk $0xffff, v41  }
0x1fb: {  	v41 =	vld [tilespmem:$0x2900];
	_ =	sdelay $0x4  }
0x1fc: {  	[tilespmem:v12+s16+$0x0] =	vst.idx.msk $0xffff, v41  }
0x1fd: {  	v41 =	vld [tilespmem:$0x2790];
	_ =	sdelay $0x4  }
0x1fe: {  	[tilespmem:v13+s16+$0x0] =	vst.idx.msk $0xffff, v41  }
0x1ff: {  	v41 =	vld [tilespmem:$0x2810];
	_ =	sdelay $0x4  }
0x200: {  	[tilespmem:v14+s16+$0x0] =	vst.idx.msk $0xffff, v41  }
0x201: {  	v41 =	vld [tilespmem:$0x2890];
	_ =	sdelay $0x4  }
0x202: {  	[tilespmem:v15+s16+$0x0] =	vst.idx.msk $0xffff, v41  }
0x203: {  	v41 =	vld [tilespmem:$0x2910];
	_ =	sdelay $0x4  }
0x204: {  	[tilespmem:v16+s16+$0x0] =	vst.idx.msk $0xffff, v41  }
0x205: {  	v41 =	vld [tilespmem:$0x27A0];
	_ =	sdelay $0x4  }
0x206: {  	[tilespmem:v17+s16+$0x0] =	vst.idx.msk $0xffff, v41  }
0x207: {  	v41 =	vld [tilespmem:$0x2820];
	_ =	sdelay $0x4  }
0x208: {  	[tilespmem:v18+s16+$0x0] =	vst.idx.msk $0xffff, v41  }
0x209: {  	v41 =	vld [tilespmem:$0x28A0];
	_ =	sdelay $0x4  }
0x20a: {  	[tilespmem:v19+s16+$0x0] =	vst.idx.msk $0xffff, v41  }
0x20b: {  	v41 =	vld [tilespmem:$0x2920];
	_ =	sdelay $0x4  }
0x20c: {  	[tilespmem:v20+s16+$0x0] =	vst.idx.msk $0xffff, v41  }
0x20d: {  	v41 =	vld [tilespmem:$0x27B0];
	_ =	sdelay $0x4  }
0x20e: {  	[tilespmem:v21+s16+$0x0] =	vst.idx.msk $0xffff, v41  }
0x20f: {  	v41 =	vld [tilespmem:$0x2830];
	_ =	sdelay $0x4  }
0x210: {  	[tilespmem:v22+s16+$0x0] =	vst.idx.msk $0xffff, v41  }
0x211: {  	v41 =	vld [tilespmem:$0x28B0];
	_ =	sdelay $0x4  }
0x212: {  	[tilespmem:v23+s16+$0x0] =	vst.idx.msk $0xffff, v41  }
0x213: {  	v41 =	vld [tilespmem:$0x2930];
	_ =	sdelay $0x4  }
0x214: {  	[tilespmem:v24+s16+$0x0] =	vst.idx.msk $0xffff, v41  }
0x215: {  	v41 =	vld [tilespmem:$0x27C0];
	_ =	sdelay $0x4  }
0x216: {  	[tilespmem:v25+s16+$0x0] =	vst.idx.msk $0xffff, v41  }
0x217: {  	v41 =	vld [tilespmem:$0x2840];
	_ =	sdelay $0x4  }
0x218: {  	[tilespmem:v26+s16+$0x0] =	vst.idx.msk $0xffff, v41  }
0x219: {  	v41 =	vld [tilespmem:$0x28C0];
	_ =	sdelay $0x4  }
0x21a: {  	[tilespmem:v27+s16+$0x0] =	vst.idx.msk $0xffff, v41  }
0x21b: {  	v41 =	vld [tilespmem:$0x2940];
	_ =	sdelay $0x4  }
0x21c: {  	[tilespmem:v28+s16+$0x0] =	vst.idx.msk $0xffff, v41  }
0x21d: {  	v41 =	vld [tilespmem:$0x27D0];
	_ =	sdelay $0x4  }
0x21e: {  	[tilespmem:v29+s16+$0x0] =	vst.idx.msk $0xffff, v41  }
0x21f: {  	v41 =	vld [tilespmem:$0x2850];
	_ =	sdelay $0x4  }
0x220: {  	[tilespmem:v30+s16+$0x0] =	vst.idx.msk $0xffff, v41  }
0x221: {  	v41 =	vld [tilespmem:$0x28D0];
	_ =	sdelay $0x4  }
0x222: {  	[tilespmem:v31+s16+$0x0] =	vst.idx.msk $0xffff, v41  }
0x223: {  	v41 =	vld [tilespmem:$0x2950];
	_ =	sdelay $0x4  }
0x224: {  	[tilespmem:v32+s16+$0x0] =	vst.idx.msk $0xffff, v41  }
0x225: {  	v41 =	vld [tilespmem:$0x27E0];
	_ =	sdelay $0x4  }
0x226: {  	[tilespmem:v33+s16+$0x0] =	vst.idx.msk $0xffff, v41  }
0x227: {  	v41 =	vld [tilespmem:$0x2860];
	_ =	sdelay $0x4  }
0x228: {  	[tilespmem:v34+s16+$0x0] =	vst.idx.msk $0xffff, v41  }
0x229: {  	v41 =	vld [tilespmem:$0x28E0];
	_ =	sdelay $0x4  }
0x22a: {  	[tilespmem:v35+s16+$0x0] =	vst.idx.msk $0xffff, v41  }
0x22b: {  	v41 =	vld [tilespmem:$0x2960];
	_ =	sdelay $0x4  }
0x22c: {  	[tilespmem:v36+s16+$0x0] =	vst.idx.msk $0xffff, v41  }
0x22d: {  	v41 =	vld [tilespmem:$0x27F0];
	_ =	sdelay $0x4  }
0x22e: {  	[tilespmem:v37+s16+$0x0] =	vst.idx.msk $0xffff, v41  }
0x22f: {  	v41 =	vld [tilespmem:$0x2870];
	_ =	sdelay $0x4  }
0x230: {  	[tilespmem:v38+s16+$0x0] =	vst.idx.msk $0xffff, v41  }
0x231: {  	v41 =	vld [tilespmem:$0x28F0];
	_ =	sdelay $0x4  }
0x232: {  	[tilespmem:v39+s16+$0x0] =	vst.idx.msk $0xffff, v41  }
0x233: {  	v41 =	vld [tilespmem:$0x2970];
	_ =	sdelay $0x4  }
0x234: {  	[tilespmem:v40+s16+$0x0] =	vst.idx.msk $0xffff, v41  }
0x235: {  	[spmem:s2] =	stream.indirect.scatter.add.f32 [tilespmem:s16], [sflag:$0x3], $0x8, s3, s20, $0xb8;
	[tilespmem:$0x16208] =	vst v63  }
.Ltmp5:
0x236: {  	_ =	swait.ge [sflag:s17], $0x400;
	(pc) =	sbr.rel .LBB2_8-.Ltmp5, $3  }
0x237: {  	[sflag:s17] =	ssyncset.done $0x0  }
0x238: {  	[sflag:s17] =	ssyncadd.s32 $0xFFFFFC00  }
0x239: {  	[bflag:$0x0] =	sbarrier.arrive $0xFFFF;
	_ =	sdelay $0x1  }
.LBB2_7:
.Ltmp6:
0x23a: {  	(pc) =	sbr.rel @p2 .LBB2_11-.Ltmp6, $2  }
0x23b: {  	_ =	sdelay $0x1  }
0x23c: {  	[bflag:$0x0] =	sbarrier.arrive $0xFFFF;
	_ =	sdelay $0x1  }
.LBB2_8:
0x23d: {  	s0 =	simm.s32 $0x0  }
0x23e: {  	v41 =	vmov s0  }
0x23f: {  	v41 =	vshll.u32 v41, $0x3  }
0x240: {  	v41 =	vor.u32 v0, v41  }
0x241: {  	[tilespmem:s26], [sflag:$0x3] =	stream.linear.gather [spmem:s11], $0x3E80, $0x38;
	[tilespmem:$0x16208] =	vst v63  }
0x242: {  	_ =	swait.ge [sflag:s17], $0x3E80  }
0x243: {  	[sflag:s17] =	ssyncset.done $0x0  }
0x244: {  	[sflag:s17] =	ssyncadd.s32 $0xFFFFC180  }
0x245: {  	v42 =	vld.idx.msk [tilespmem:v41+s26+$0x0], $0xffff  }
0x246: {  	v43 =	vor.u32 $0x1, v41;
	_ =	sdelay $0x2  }
0x247: {  	s0 =	simm.s32 $0x12F40  }
0x248: {  	[tilespmem:s0+$0xFFFFE0C0] =	vst v42  }
0x249: {  	v42 =	vld.idx.msk [tilespmem:v43+s26+$0x0], $0xffff  }
0x24a: {  	v59 =	vor.u32 $0x2, v41;
	_ =	sdelay $0x3  }
0x24b: {  	[tilespmem:s0+$0xFFFFE890] =	vst v42  }
0x24c: {  	v42 =	vld.idx.msk [tilespmem:v59+s26+$0x0], $0xffff  }
0x24d: {  	v60 =	vor.u32 $0x3, v41;
	_ =	sdelay $0x3  }
0x24e: {  	[tilespmem:s0+$0xFFFFF060] =	vst v42  }
0x24f: {  	v42 =	vld.idx.msk [tilespmem:v60+s26+$0x0], $0xffff  }
0x250: {  	v61 =	vor.u32 $0x4, v41;
	_ =	sdelay $0x3  }
0x251: {  	[tilespmem:s0+$0xFFFFF830] =	vst v42  }
0x252: {  	v42 =	vld.idx.msk [tilespmem:v61+s26+$0x0], $0xffff  }
0x253: {  	v62 =	vor.u32 $0x5, v41;
	_ =	sdelay $0x3  }
0x254: {  	[tilespmem:s0+$0x0] =	vst v42  }
0x255: {  	v42 =	vld.idx.msk [tilespmem:v62+s26+$0x0], $0xffff  }
0x256: {  	v63 =	vor.u32 $0x6, v41;
	_ =	sdelay $0x3  }
0x257: {  	[tilespmem:s0+$0x7D0] =	vst v42  }
0x258: {  	v42 =	vld.idx.msk [tilespmem:v63+s26+$0x0], $0xffff  }
0x259: {  	v41 =	vor.u32 $0x7, v41;
	_ =	sdelay $0x3  }
0x25a: {  	s1 =	simm.s32 $0x10;
	[tilespmem:s0+$0xFA0] =	vst v42  }
0x25b: {  	v42 =	vmov s1;
	s1 =	simm.s32 $0x20;
	v41 =	vld.idx.msk [tilespmem:v41+s26+$0x0], $0xffff  }
.LBB2_9:
0x25c: {  	p3 =	sne.s32 s1, $0x7C0;
	v42 =	vshll.u32 v42, $0x3  }
0x25d: {  	v42 =	vor.u32 v0, v42;
	_ =	sdelay $0x3  }
0x25e: {  	[tilespmem:s0+$0x1770] =	vst v41  }
0x25f: {  	v41 =	vld.idx.msk [tilespmem:v42+s26+$0x0], $0xffff;
	_ =	sdelay $0x1  }
0x260: {  	v43 =	vor.u32 $0x1, v42;
	_ =	sdelay $0x2  }
0x261: {  	s0 =	sadd.s32 $0x10, s0  }
0x262: {  	[tilespmem:s0+$0xFFFFE0C0] =	vst v41  }
0x263: {  	v41 =	vld.idx.msk [tilespmem:v43+s26+$0x0], $0xffff;
	_ =	sdelay $0x1  }
0x264: {  	v43 =	vor.u32 $0x2, v42;
	_ =	sdelay $0x3  }
0x265: {  	[tilespmem:s0+$0xFFFFE890] =	vst v41  }
0x266: {  	v41 =	vld.idx.msk [tilespmem:v43+s26+$0x0], $0xffff;
	_ =	sdelay $0x1  }
0x267: {  	v43 =	vor.u32 $0x3, v42;
	_ =	sdelay $0x3  }
0x268: {  	[tilespmem:s0+$0xFFFFF060] =	vst v41  }
0x269: {  	v41 =	vld.idx.msk [tilespmem:v43+s26+$0x0], $0xffff;
	_ =	sdelay $0x1  }
0x26a: {  	v43 =	vor.u32 $0x4, v42;
	_ =	sdelay $0x3  }
0x26b: {  	[tilespmem:s0+$0xFFFFF830] =	vst v41  }
0x26c: {  	v41 =	vld.idx.msk [tilespmem:v43+s26+$0x0], $0xffff;
	_ =	sdelay $0x1  }
0x26d: {  	v43 =	vor.u32 $0x5, v42;
	_ =	sdelay $0x3  }
0x26e: {  	[tilespmem:s0+$0x0] =	vst v41  }
0x26f: {  	v41 =	vld.idx.msk [tilespmem:v43+s26+$0x0], $0xffff;
	_ =	sdelay $0x1  }
0x270: {  	v43 =	vor.u32 $0x6, v42;
	_ =	sdelay $0x3  }
0x271: {  	[tilespmem:s0+$0x7D0] =	vst v41  }
0x272: {  	v41 =	vld.idx.msk [tilespmem:v43+s26+$0x0], $0xffff;
	_ =	sdelay $0x1  }
0x273: {  	v43 =	vor.u32 $0x7, v42  }
.Ltmp7:
0x274: {  	(pc) =	sbr.rel @p3 .LBB2_9-.Ltmp7, $3  }
0x275: {  	_ =	sdelay $0x1  }
0x276: {  	[tilespmem:s0+$0xFA0] =	vst v41  }
0x277: {  	v42 =	vmov s1;
	s1 =	sadd.s32 $0x10, s1;
	v41 =	vld.idx.msk [tilespmem:v43+s26+$0x0], $0xffff  }
0x278: {  	v42 =	vshll.u32 v42, $0x3  }
0x279: {  	v42 =	vor.u32 v0, v42;
	_ =	sdelay $0x3  }
0x27a: {  	[tilespmem:s0+$0x1770] =	vst v41  }
0x27b: {  	v41 =	vld.idx.msk [tilespmem:v42+s26+$0x0], $0xffff  }
0x27c: {  	v43 =	vor.u32 $0x1, v42;
	_ =	sdelay $0x2  }
0x27d: {  	s28 =	sadd.s32 $0x10, s0  }
0x27e: {  	[tilespmem:s28+$0xFFFFE0C0] =	vst v41  }
0x27f: {  	v41 =	vld.idx.msk [tilespmem:v43+s26+$0x0], $0xffff  }
0x280: {  	v59 =	vor.u32 $0x2, v42;
	_ =	sdelay $0x3  }
0x281: {  	[tilespmem:s28+$0xFFFFE890] =	vst v41  }
0x282: {  	v41 =	vld.idx.msk [tilespmem:v59+s26+$0x0], $0xffff  }
0x283: {  	v60 =	vor.u32 $0x3, v42;
	_ =	sdelay $0x3  }
0x284: {  	[tilespmem:s28+$0xFFFFF060] =	vst v41  }
0x285: {  	v41 =	vld.idx.msk [tilespmem:v60+s26+$0x0], $0xffff  }
0x286: {  	v61 =	vor.u32 $0x4, v42;
	_ =	sdelay $0x3  }
0x287: {  	[tilespmem:s28+$0xFFFFF830] =	vst v41  }
0x288: {  	v41 =	vld.idx.msk [tilespmem:v61+s26+$0x0], $0xffff  }
0x289: {  	v62 =	vor.u32 $0x5, v42;
	_ =	sdelay $0x3  }
0x28a: {  	[tilespmem:s28+$0x0] =	vst v41  }
0x28b: {  	v41 =	vld.idx.msk [tilespmem:v62+s26+$0x0], $0xffff  }
0x28c: {  	v63 =	vor.u32 $0x6, v42;
	_ =	sdelay $0x3  }
0x28d: {  	[tilespmem:s28+$0x7D0] =	vst v41  }
0x28e: {  	v41 =	vld.idx.msk [tilespmem:v63+s26+$0x0], $0xffff  }
0x28f: {  	v42 =	vor.u32 $0x7, v42;
	_ =	sdelay $0x3  }
0x290: {  	[tilespmem:s28+$0xFA0] =	vst v41  }
0x291: {  	v41 =	vld.idx.msk [tilespmem:v42+s26+$0x0], $0xffff;
	_ =	sdelay $0x4  }
.Ltmp8:
0x292: {  	s29 =	simm.s32 $0x7D0;
	s1 =	simm.s32 $0x2710;
	[tilespmem:s28+$0x1770] =	vst v41;
	(pc) =	sbr.rel .LBB2_11-.Ltmp8, $4  }
0x293: {  	[hbm4b:s12+s29] =	stream.strided.scatter [tilespmem:s30], [sflag:$0x3], $0x3E80, s1, s29, $0x38;
	[tilespmem:$0x16208] =	vst v63  }
0x294: {  	_ =	swait.ge [sflag:s17], $0x3E80  }
0x295: {  	[sflag:s17] =	ssyncset.done $0x0  }
0x296: {  	[sflag:s17] =	ssyncadd.s32 $0xFFFFC180  }
.LBB2_12:
0x297: {  	_ =	sfence.sel $0x180000  }
0x298: {  	[bflag:$0x0] =	sbarrier.arrive $0xFFFF  }
0x299: {  	_ =	strace $0x90000047  }
0x29a: {  	s0 =	stileid.u32;
	[bflag:$0x2] =	sbarrier.arrive $0xFFFF  }
0x29b: {  	p0 =	sne.s32 s0, $0x0;
	s0 =	rddreg [dreg:$0x4]  }
0x29c: {  	s0 =	sadd.s32 @!p0 $0x100000, s0  }
0x29d: {  	[sflag:s0] =	ssyncadd.tile.s32 @!p0 $0x1;
	_ =	shalt  }
.Lfunc_end2:
_tile_overlayer_lowered:
.L_overlay_start_2:
0x29e: {  	(tag) =	ssettag $0x2  }
0x29f: {  	s0 =	rddreg [dreg:$0x0];
	s2 =	stileid.u32  }
0x2a0: {  	s1 =	rddreg [dreg:$0x1];
	p0 =	sne.s32 s2, $0x0  }
0x2a1: {  	s3 =	rddreg [dreg:$0x2];
	[bflag:$0x3] =	sbarrier.arrive $0xFFFF;
	s2 =	simm.s32 @!p0 $0x1C03  }
0x2a2: {  	[timem:s3], [sflag:s2] =	dma.local @!p0 [hbm:s0], s1  }
0x2a3: {  	s0 =	simm.s32 @!p0 $0x3  }
0x2a4: {  	_ =	swait.ge @!p0 [sflag:s0], s1  }
0x2a5: {  	s1 =	ssub.s32 @!p0 $0x0, s1;
	[sflag:s0] =	ssyncset.done @!p0 $0x0  }
0x2a6: {  	[sflag:s0] =	ssyncadd.s32 @!p0 s1  }
0x2a7: {  	[bflag:$0x3] =	sbarrier.arrive $0xFFFF  }
0x2a8: {  	_ =	shalt  }

</sc_bundles>
